<compile_context>
chip_gen: v7x
topology: tpu7x:2x2x1
jax: 0.10.2.dev20260603
libtpu: 0.0.44.dev20260713+nightly
codegen_flags: <defaults>
</compile_context>

<pallas_src>
import functools

import jax
import jax.numpy as jnp
from jax import lax
from jax.experimental import pallas as pl
from jax.experimental.pallas import tpu as pltpu
from jax.experimental.pallas import tpu_sc as plsc

D = 64
B = 16384
NW = 32
W = 256
STRIPE = 31232
NBLK = STRIPE // W
TAIL0 = 999936
CCAP = 1536
RING = 64
BPW = B // NW

_mesh = plsc.VectorSubcoreMesh(core_axis_name="c", subcore_axis_name="s")


@functools.partial(
    pl.kernel,
    mesh=_mesh,
    compiler_params=pltpu.CompilerParams(needs_layout_passes=False),
    out_type=(
        jax.ShapeDtypeStruct((B * D,), jnp.float32),
        jax.ShapeDtypeStruct((B * D,), jnp.float32),
    ),
    scratch_types=[
        pltpu.VMEM((B,), jnp.int32),
        pltpu.VMEM((B,), jnp.int32),
        pltpu.VMEM((2, D, W), jnp.float32),
        pltpu.VMEM((2, D, W), jnp.float32),
        pltpu.VMEM((CCAP,), jnp.int32),
        pltpu.VMEM((CCAP,), jnp.int32),
        pltpu.VMEM((CCAP,), jnp.int32),
        pltpu.VMEM((CCAP,), jnp.int32),
        pltpu.VMEM((2048,), jnp.int32),
        pltpu.VMEM((2048,), jnp.int32),
        pltpu.VMEM((2048,), jnp.int32),
        pltpu.VMEM((2048,), jnp.int32),
        pltpu.VMEM((32,), jnp.int32),
        pltpu.VMEM((32,), jnp.int32),
        pltpu.VMEM((32,), jnp.int32),
        pltpu.VMEM((32,), jnp.int32),
        pltpu.VMEM((RING, D), jnp.float32),
        pltpu.VMEM((4096,), jnp.float32),
        pltpu.VMEM((4096,), jnp.float32),
        pltpu.SemaphoreType.DMA,
        pltpu.SemaphoreType.DMA,
        pltpu.SemaphoreType.DMA,
    ],
)
def _stream_compact(users_hbm, items_hbm, ut_hbm, it_hbm,
                    utail_hbm, itail_hbm, uout_hbm, iout_hbm,
                    uidx_v, iidx_v, ublk_v, iblk_v,
                    ucidx_v, ucpos_v, icidx_v, icpos_v,
                    usidx_v, uspos_v, isidx_v, ispos_v,
                    ucntv_v, icntv_v, hidx_v, hpos_v, ring_v,
                    utail_v, itail_v, usem, isem, osem):
    wid = lax.axis_index("s") * 2 + lax.axis_index("c")
    lo = wid * STRIPE
    is_last = (wid == NW - 1).astype(jnp.int32)
    hi = lo + STRIPE + is_last * (2 * W)
    nblk = NBLK + is_last * 2

    def fire(j, buf):
        off = lo + j * W
        pltpu.async_copy(ut_hbm.at[:, pl.ds(off, W)], ublk_v.at[buf], usem)
        pltpu.async_copy(it_hbm.at[:, pl.ds(off, W)], iblk_v.at[buf], isem)

    fire(0, 0)
    fire(1, 1)

    pltpu.sync_copy(users_hbm, uidx_v)
    pltpu.sync_copy(items_hbm, iidx_v)
    pltpu.sync_copy(utail_hbm, utail_v)
    pltpu.sync_copy(itail_hbm, itail_v)

    lane = lax.iota(jnp.int32, 16)

    def popcnt(m):
        return plsc.all_reduce_population_count(m)[0]

    def l1(idx_ref, cidx_ref, cpos_ref):
        def body(v4, off):
            for u in range(4):
                v = v4 * 4 + u
                idx = idx_ref[pl.ds(v * 16, 16)]
                m = (idx >= lo) & (idx < hi)
                cnt = popcnt(m)
                o = jnp.minimum(off, CCAP - 16)
                plsc.store_compressed(cidx_ref.at[pl.ds(o, 16)], idx, mask=m)
                plsc.store_compressed(cpos_ref.at[pl.ds(o, 16)],
                                      v * 16 + lane, mask=m)
                off = off + cnt
            return off
        return lax.fori_loop(0, B // 64, body, jnp.int32(0))

    ucnt = l1(uidx_v, ucidx_v, ucpos_v)
    icnt = l1(iidx_v, icidx_v, icpos_v)

    SUBN, SUBCAP, SUBW = 8, 256, 16 * W

    def partition(cidx_ref, cpos_ref, cnt, sidx_ref, spos_ref):
        ncv = lax.div(cnt + 15, jnp.int32(16))
        cnts = []
        for s in range(SUBN):
            s_lo = lo + s * SUBW
            s_hi = jnp.minimum(lo + (s + 1) * SUBW, hi)

            def body(cv, off, s_lo=s_lo, s_hi=s_hi, s=s):
                gid = cv * 16 + lane
                ci = cidx_ref[pl.ds(cv * 16, 16)]
                cp = cpos_ref[pl.ds(cv * 16, 16)]
                m = (gid < cnt) & (ci >= s_lo) & (ci < s_hi)
                c = popcnt(m)
                o = jnp.minimum(off, SUBCAP - 16)
                plsc.store_compressed(
                    sidx_ref.at[pl.ds(s * SUBCAP + o, 16)], ci, mask=m)
                plsc.store_compressed(
                    spos_ref.at[pl.ds(s * SUBCAP + o, 16)], cp, mask=m)
                return off + c
            cnts.append(lax.fori_loop(0, ncv, body, jnp.int32(0)))
        cntvec = jnp.zeros_like(lane)
        for s in range(SUBN):
            cntvec = cntvec + jnp.where(lane == s, cnts[s], 0)
        return cntvec

    ucntv_v[pl.ds(0, 16)] = partition(ucidx_v, ucpos_v, ucnt,
                                      usidx_v, uspos_v)
    icntv_v[pl.ds(0, 16)] = partition(icidx_v, icpos_v, icnt,
                                      isidx_v, ispos_v)

    def scan_block(blk_ref, j, boff, sidx_ref, spos_ref, cntv_ref,
                   out_hbm, issued):
        s_dyn = lax.shift_right_logical(j, 4)
        sbase = s_dyn * SUBCAP
        cnt = cntv_ref[pl.ds(s_dyn, 16)][0]
        ncv = lax.div(cnt + 15, jnp.int32(16))

        def cand_body(cv, issued):
            gid = cv * 16 + lane
            cidx = sidx_ref[pl.ds(sbase + cv * 16, 16)]
            cpos = spos_ref[pl.ds(sbase + cv * 16, 16)]
            m = (gid < cnt) & (cidx >= boff) & (cidx < boff + W)
            nh = popcnt(m)
            plsc.store_compressed(hidx_v.at[pl.ds(0, 16)], cidx - boff, mask=m)
            plsc.store_compressed(hpos_v.at[pl.ds(0, 16)], cpos, mask=m)

            def hit_body(h, issued):
                col_s = hidx_v[pl.ds(h, 16)][0]
                pos_s = hpos_v[pl.ds(h, 16)][0]
                col_v = jnp.zeros_like(lane) + col_s
                slot = lax.rem(issued, RING)
                @pl.when(issued >= RING)
                def _():
                    pltpu.make_async_copy(
                        out_hbm.at[pl.ds(0, D)], ring_v.at[0], osem).wait()
                for g in range(D // 16):
                    val = plsc.load_gather(blk_ref, [g * 16 + lane, col_v])
                    ring_v[slot, pl.ds(g * 16, 16)] = val
                pltpu.async_copy(
                    ring_v.at[slot], out_hbm.at[pl.ds(pos_s * D, D)], osem)
                return issued + 1

            return lax.fori_loop(0, nh, hit_body, issued)

        return lax.fori_loop(0, ncv, cand_body, issued)

    def blk_body(j, issued):
        buf = lax.rem(j, 2)
        boff = lo + j * W
        pltpu.make_async_copy(
            ut_hbm.at[:, pl.ds(0, W)], ublk_v.at[buf], usem).wait()
        pltpu.make_async_copy(
            it_hbm.at[:, pl.ds(0, W)], iblk_v.at[buf], isem).wait()
        issued = scan_block(ublk_v.at[buf], j, boff, usidx_v, uspos_v,
                            ucntv_v, uout_hbm, issued)
        issued = scan_block(iblk_v.at[buf], j, boff, isidx_v, ispos_v,
                            icntv_v, iout_hbm, issued)
        @pl.when(j + 2 < nblk)
        def _():
            fire(j + 2, buf)
        return issued

    issued = lax.fori_loop(0, nblk, blk_body, jnp.int32(0))

    def tail_scan(idx_ref, tail_ref, out_hbm, issued):
        def body(v, issued):
            base = wid * BPW + v * 16
            idx = idx_ref[pl.ds(base, 16)]
            m = idx >= TAIL0
            nh = popcnt(m)
            plsc.store_compressed(hidx_v.at[pl.ds(0, 16)],
                                  (idx - TAIL0) * D, mask=m)
            plsc.store_compressed(hpos_v.at[pl.ds(0, 16)], base + lane, mask=m)

            def hit_body(h, issued):
                adr_s = hidx_v[pl.ds(h, 16)][0]
                pos_s = hpos_v[pl.ds(h, 16)][0]
                slot = lax.rem(issued, RING)
                @pl.when(issued >= RING)
                def _():
                    pltpu.make_async_copy(
                        out_hbm.at[pl.ds(0, D)], ring_v.at[0], osem).wait()
                for g in range(D // 16):
                    val = plsc.load_gather(tail_ref,
                                           [adr_s + g * 16 + lane])
                    ring_v[slot, pl.ds(g * 16, 16)] = val
                pltpu.async_copy(
                    ring_v.at[slot], out_hbm.at[pl.ds(pos_s * D, D)], osem)
                return issued + 1

            return lax.fori_loop(0, nh, hit_body, issued)
        return lax.fori_loop(0, BPW // 16, body, issued)

    issued = tail_scan(uidx_v, utail_v, uout_hbm, issued)
    issued = tail_scan(iidx_v, itail_v, iout_hbm, issued)

    def drain(_, carry):
        pltpu.make_async_copy(
            uout_hbm.at[pl.ds(0, D)], ring_v.at[0], osem).wait()
        return carry
    lax.fori_loop(0, jnp.minimum(issued, RING), drain, jnp.int32(0))


@jax.jit
def kernel(users, items, user_table, item_table):
    utail = user_table[TAIL0:].reshape(-1)
    itail = item_table[TAIL0:].reshape(-1)
    u1d, i1d = _stream_compact(users, items, user_table.T, item_table.T,
                               utail, itail)
    return (u1d.reshape(B, D), i1d.reshape(B, D))

# --- scband reference (transcript-rebuilt; emitter-appended) ---
"""Pipeline reference for scband-emb-network-10754598109890 (READ-ONLY COPY).

The authoritative reference and input builder live on the scoring server;
editing this copy changes nothing except your own understanding.
"""

import jax, jax.numpy as jnp
import numpy as np

N_USERS = 1000000
M_ITEMS = 1000000
LATENT_DIM = 64
BATCH = 16384


def setup_inputs(seed: int = 0) -> dict:
    key = jax.random.key(seed)
    k1, k2, k3, k4 = jax.random.split(key, 4)
    users = jax.random.randint(k1, (BATCH,), 0, N_USERS, dtype=jnp.int64 if jax.config.jax_enable_x64 else jnp.int32)
    items = jax.random.randint(k2, (BATCH,), 0, M_ITEMS, dtype=jnp.int64 if jax.config.jax_enable_x64 else jnp.int32)
    user_table = jax.random.normal(k3, (N_USERS, LATENT_DIM), dtype=jnp.float32)
    item_table = jax.random.normal(k4, (M_ITEMS, LATENT_DIM), dtype=jnp.float32)
    return {"users": users, "items": items, "user_table": user_table, "item_table": item_table}


def reference(users, items, user_table, item_table):
    users_emb = jnp.take(user_table, users, axis=0)
    items_emb = jnp.take(item_table, items, axis=0)
    return (users_emb, items_emb)

if __name__ == "__main__":
    import jax
    _d = setup_inputs()
    print(jax.jit(kernel)(*tuple(_d.values())))

</pallas_src>

<mosaic_0001>
#map = affine_map<(d0, d1) -> (0)>
#map1 = affine_map<(d0, d1) -> (0, 0)>
module attributes {stable_mosaic.version = 14 : i64} {
  func.func @_stream_compact(%arg0: i32, %arg1: i32, %arg2: memref<16384xi32, #tpu.memory_space<hbm>>, %arg3: memref<16384xi32, #tpu.memory_space<hbm>>, %arg4: memref<64x1000000xf32, #tpu.memory_space<hbm>>, %arg5: memref<64x1000000xf32, #tpu.memory_space<hbm>>, %arg6: memref<4096xf32, #tpu.memory_space<hbm>>, %arg7: memref<4096xf32, #tpu.memory_space<hbm>>, %arg8: memref<1048576xf32, #tpu.memory_space<hbm>>, %arg9: memref<1048576xf32, #tpu.memory_space<hbm>>, %arg10: memref<16384xi32, #tpu.memory_space<vmem>>, %arg11: memref<16384xi32, #tpu.memory_space<vmem>>, %arg12: memref<2x64x256xf32, #tpu.memory_space<vmem>>, %arg13: memref<2x64x256xf32, #tpu.memory_space<vmem>>, %arg14: memref<1536xi32, #tpu.memory_space<vmem>>, %arg15: memref<1536xi32, #tpu.memory_space<vmem>>, %arg16: memref<1536xi32, #tpu.memory_space<vmem>>, %arg17: memref<1536xi32, #tpu.memory_space<vmem>>, %arg18: memref<2048xi32, #tpu.memory_space<vmem>>, %arg19: memref<2048xi32, #tpu.memory_space<vmem>>, %arg20: memref<2048xi32, #tpu.memory_space<vmem>>, %arg21: memref<2048xi32, #tpu.memory_space<vmem>>, %arg22: memref<32xi32, #tpu.memory_space<vmem>>, %arg23: memref<32xi32, #tpu.memory_space<vmem>>, %arg24: memref<32xi32, #tpu.memory_space<vmem>>, %arg25: memref<32xi32, #tpu.memory_space<vmem>>, %arg26: memref<64x64xf32, #tpu.memory_space<vmem>>, %arg27: memref<4096xf32, #tpu.memory_space<vmem>>, %arg28: memref<4096xf32, #tpu.memory_space<vmem>>, %arg29: memref<!tpu.dma_semaphore, #tpu.memory_space<semaphore_mem>>, %arg30: memref<!tpu.dma_semaphore, #tpu.memory_space<semaphore_mem>>, %arg31: memref<!tpu.dma_semaphore, #tpu.memory_space<semaphore_mem>>) attributes {dimension_semantics = [#tpu.dimension_semantics<core_parallel>, #tpu.dimension_semantics<subcore_parallel>], iteration_bounds = array<i64: 2, 16>, scalar_prefetch = 0 : i64, scratch_operands = 22 : i64, tpu.core_type = #tpu.core_type<sc_vector_subcore>, window_params = [{transform_indices = #map}, {transform_indices = #map}, {transform_indices = #map1}, {transform_indices = #map1}, {transform_indices = #map}, {transform_indices = #map}, {transform_indices = #map}, {transform_indices = #map}]} {
    %mul3A = arith.constant 2 : i32
    %mul3A_0 = arith.muli %arg1, %mul3A : i32
    %add3A = arith.addi %mul3A_0, %arg0 : i32
    %mul3A_1 = arith.constant 31232 : i32
    %mul3A_2 = arith.muli %add3A, %mul3A_1 : i32
    %eq3A = arith.constant 31 : i32
    %eq3A_3 = arith.cmpi eq, %add3A, %eq3A : i32
    %convert_element_type3A = arith.extui %eq3A_3 : i1 to i32
    %add3A_4 = arith.constant 31232 : i32
    %add3A_5 = arith.addi %mul3A_2, %add3A_4 : i32
    %mul3A_6 = arith.constant 512 : i32
    %mul3A_7 = arith.muli %convert_element_type3A, %mul3A_6 : i32
    %add3A_8 = arith.addi %add3A_5, %mul3A_7 : i32
    %mul3A_9 = arith.constant 2 : i32
    %mul3A_10 = arith.muli %convert_element_type3A, %mul3A_9 : i32
    %add3A_11 = arith.constant 122 : i32
    %add3A_12 = arith.addi %add3A_11, %mul3A_10 : i32
    %add3A_13 = arith.constant 0 : i32
    %add3A_14 = arith.addi %mul3A_2, %add3A_13 : i32
    %dma_start3A = arith.constant 0 : i32
    %dma_start3A_15 = arith.constant 0 : i32
    %dma_start3A_16 = arith.constant 0 : i32
    %dma_start3A_17 = tpu.memref_slice %arg12[%dma_start3A, %dma_start3A_15, %dma_start3A_16] : memref<2x64x256xf32, #tpu.memory_space<vmem>> -> memref<1x64x256xf32, #tpu.memory_space<vmem>>
    %dma_start3A_18 = tpu.memref_squeeze %dma_start3A_17 : memref<1x64x256xf32, #tpu.memory_space<vmem>> -> memref<64x256xf32, #tpu.memory_space<vmem>>
    %dma_start3A_19 = arith.constant 0 : i32
    %dma_start3A_20 = tpu.memref_slice %arg4[%dma_start3A_19, %add3A_14] : memref<64x1000000xf32, #tpu.memory_space<hbm>> -> memref<64x256xf32, #tpu.memory_space<hbm>>
    %dma_start3A_21 = arith.constant 0 : i32
    %dma_start3A_22 = arith.constant 0 : i32
    %dma_start3A_23 = tpu.memref_slice %arg12[%dma_start3A, %dma_start3A_21, %dma_start3A_22] : memref<2x64x256xf32, #tpu.memory_space<vmem>> -> memref<1x64x256xf32, #tpu.memory_space<vmem>>
    %dma_start3A_24 = tpu.memref_squeeze %dma_start3A_23 : memref<1x64x256xf32, #tpu.memory_space<vmem>> -> memref<64x256xf32, #tpu.memory_space<vmem>>
    %dma_start3A_25 = arith.constant 0 : i32
    %dma_start3A_26 = tpu.memref_slice %arg4[%dma_start3A_25, %add3A_14] : memref<64x1000000xf32, #tpu.memory_space<hbm>> -> memref<64x256xf32, #tpu.memory_space<hbm>>
    tpu.enqueue_dma source(%dma_start3A_26 : memref<64x256xf32, #tpu.memory_space<hbm>>) target(%dma_start3A_24 : memref<64x256xf32, #tpu.memory_space<vmem>>) target_semaphore(%arg29 : memref<!tpu.dma_semaphore, #tpu.memory_space<semaphore_mem>>)
    %dma_start3A_27 = arith.constant 0 : i32
    %dma_start3A_28 = arith.constant 0 : i32
    %dma_start3A_29 = arith.constant 0 : i32
    %dma_start3A_30 = tpu.memref_slice %arg13[%dma_start3A_27, %dma_start3A_28, %dma_start3A_29] : memref<2x64x256xf32, #tpu.memory_space<vmem>> -> memref<1x64x256xf32, #tpu.memory_space<vmem>>
    %dma_start3A_31 = tpu.memref_squeeze %dma_start3A_30 : memref<1x64x256xf32, #tpu.memory_space<vmem>> -> memref<64x256xf32, #tpu.memory_space<vmem>>
    %dma_start3A_32 = arith.constant 0 : i32
    %dma_start3A_33 = tpu.memref_slice %arg5[%dma_start3A_32, %add3A_14] : memref<64x1000000xf32, #tpu.memory_space<hbm>> -> memref<64x256xf32, #tpu.memory_space<hbm>>
    %dma_start3A_34 = arith.constant 0 : i32
    %dma_start3A_35 = arith.constant 0 : i32
    %dma_start3A_36 = tpu.memref_slice %arg13[%dma_start3A_27, %dma_start3A_34, %dma_start3A_35] : memref<2x64x256xf32, #tpu.memory_space<vmem>> -> memref<1x64x256xf32, #tpu.memory_space<vmem>>
    %dma_start3A_37 = tpu.memref_squeeze %dma_start3A_36 : memref<1x64x256xf32, #tpu.memory_space<vmem>> -> memref<64x256xf32, #tpu.memory_space<vmem>>
    %dma_start3A_38 = arith.constant 0 : i32
    %dma_start3A_39 = tpu.memref_slice %arg5[%dma_start3A_38, %add3A_14] : memref<64x1000000xf32, #tpu.memory_space<hbm>> -> memref<64x256xf32, #tpu.memory_space<hbm>>
    tpu.enqueue_dma source(%dma_start3A_39 : memref<64x256xf32, #tpu.memory_space<hbm>>) target(%dma_start3A_37 : memref<64x256xf32, #tpu.memory_space<vmem>>) target_semaphore(%arg30 : memref<!tpu.dma_semaphore, #tpu.memory_space<semaphore_mem>>)
    %add3A_40 = arith.constant 256 : i32
    %add3A_41 = arith.addi %mul3A_2, %add3A_40 : i32
    %dma_start3A_42 = arith.constant 1 : i32
    %dma_start3A_43 = arith.constant 0 : i32
    %dma_start3A_44 = arith.constant 0 : i32
    %dma_start3A_45 = tpu.memref_slice %arg12[%dma_start3A_42, %dma_start3A_43, %dma_start3A_44] : memref<2x64x256xf32, #tpu.memory_space<vmem>> -> memref<1x64x256xf32, #tpu.memory_space<vmem>>
    %dma_start3A_46 = tpu.memref_squeeze %dma_start3A_45 : memref<1x64x256xf32, #tpu.memory_space<vmem>> -> memref<64x256xf32, #tpu.memory_space<vmem>>
    %dma_start3A_47 = arith.constant 0 : i32
    %dma_start3A_48 = tpu.memref_slice %arg4[%dma_start3A_47, %add3A_41] : memref<64x1000000xf32, #tpu.memory_space<hbm>> -> memref<64x256xf32, #tpu.memory_space<hbm>>
    %dma_start3A_49 = arith.constant 0 : i32
    %dma_start3A_50 = arith.constant 0 : i32
    %dma_start3A_51 = tpu.memref_slice %arg12[%dma_start3A_42, %dma_start3A_49, %dma_start3A_50] : memref<2x64x256xf32, #tpu.memory_space<vmem>> -> memref<1x64x256xf32, #tpu.memory_space<vmem>>
    %dma_start3A_52 = tpu.memref_squeeze %dma_start3A_51 : memref<1x64x256xf32, #tpu.memory_space<vmem>> -> memref<64x256xf32, #tpu.memory_space<vmem>>
    %dma_start3A_53 = arith.constant 0 : i32
    %dma_start3A_54 = tpu.memref_slice %arg4[%dma_start3A_53, %add3A_41] : memref<64x1000000xf32, #tpu.memory_space<hbm>> -> memref<64x256xf32, #tpu.memory_space<hbm>>
    tpu.enqueue_dma source(%dma_start3A_54 : memref<64x256xf32, #tpu.memory_space<hbm>>) target(%dma_start3A_52 : memref<64x256xf32, #tpu.memory_space<vmem>>) target_semaphore(%arg29 : memref<!tpu.dma_semaphore, #tpu.memory_space<semaphore_mem>>)
    %dma_start3A_55 = arith.constant 1 : i32
    %dma_start3A_56 = arith.constant 0 : i32
    %dma_start3A_57 = arith.constant 0 : i32
    %dma_start3A_58 = tpu.memref_slice %arg13[%dma_start3A_55, %dma_start3A_56, %dma_start3A_57] : memref<2x64x256xf32, #tpu.memory_space<vmem>> -> memref<1x64x256xf32, #tpu.memory_space<vmem>>
    %dma_start3A_59 = tpu.memref_squeeze %dma_start3A_58 : memref<1x64x256xf32, #tpu.memory_space<vmem>> -> memref<64x256xf32, #tpu.memory_space<vmem>>
    %dma_start3A_60 = arith.constant 0 : i32
    %dma_start3A_61 = tpu.memref_slice %arg5[%dma_start3A_60, %add3A_41] : memref<64x1000000xf32, #tpu.memory_space<hbm>> -> memref<64x256xf32, #tpu.memory_space<hbm>>
    %dma_start3A_62 = arith.constant 0 : i32
    %dma_start3A_63 = arith.constant 0 : i32
    %dma_start3A_64 = tpu.memref_slice %arg13[%dma_start3A_55, %dma_start3A_62, %dma_start3A_63] : memref<2x64x256xf32, #tpu.memory_space<vmem>> -> memref<1x64x256xf32, #tpu.memory_space<vmem>>
    %dma_start3A_65 = tpu.memref_squeeze %dma_start3A_64 : memref<1x64x256xf32, #tpu.memory_space<vmem>> -> memref<64x256xf32, #tpu.memory_space<vmem>>
    %dma_start3A_66 = arith.constant 0 : i32
    %dma_start3A_67 = tpu.memref_slice %arg5[%dma_start3A_66, %add3A_41] : memref<64x1000000xf32, #tpu.memory_space<hbm>> -> memref<64x256xf32, #tpu.memory_space<hbm>>
    tpu.enqueue_dma source(%dma_start3A_67 : memref<64x256xf32, #tpu.memory_space<hbm>>) target(%dma_start3A_65 : memref<64x256xf32, #tpu.memory_space<vmem>>) target_semaphore(%arg30 : memref<!tpu.dma_semaphore, #tpu.memory_space<semaphore_mem>>)
    "tpu.region"() ({
      %run_scoped3A = tpu.sem_alloc : memref<!tpu.dma_semaphore, #tpu.memory_space<semaphore_mem>>
      tpu.enqueue_dma source(%arg2 : memref<16384xi32, #tpu.memory_space<hbm>>) target(%arg10 : memref<16384xi32, #tpu.memory_space<vmem>>) target_semaphore(%run_scoped3A : memref<!tpu.dma_semaphore, #tpu.memory_space<semaphore_mem>>)
      tpu.wait_dma2 semaphore(%run_scoped3A : memref<!tpu.dma_semaphore, #tpu.memory_space<semaphore_mem>>) src(%arg2 : memref<16384xi32, #tpu.memory_space<hbm>>) dst(%arg10 : memref<16384xi32, #tpu.memory_space<vmem>>)
      tpu.yield
    }) : () -> ()
    "tpu.region"() ({
      %run_scoped3A = tpu.sem_alloc : memref<!tpu.dma_semaphore, #tpu.memory_space<semaphore_mem>>
      tpu.enqueue_dma source(%arg3 : memref<16384xi32, #tpu.memory_space<hbm>>) target(%arg11 : memref<16384xi32, #tpu.memory_space<vmem>>) target_semaphore(%run_scoped3A : memref<!tpu.dma_semaphore, #tpu.memory_space<semaphore_mem>>)
      tpu.wait_dma2 semaphore(%run_scoped3A : memref<!tpu.dma_semaphore, #tpu.memory_space<semaphore_mem>>) src(%arg3 : memref<16384xi32, #tpu.memory_space<hbm>>) dst(%arg11 : memref<16384xi32, #tpu.memory_space<vmem>>)
      tpu.yield
    }) : () -> ()
    "tpu.region"() ({
      %run_scoped3A = tpu.sem_alloc : memref<!tpu.dma_semaphore, #tpu.memory_space<semaphore_mem>>
      tpu.enqueue_dma source(%arg6 : memref<4096xf32, #tpu.memory_space<hbm>>) target(%arg27 : memref<4096xf32, #tpu.memory_space<vmem>>) target_semaphore(%run_scoped3A : memref<!tpu.dma_semaphore, #tpu.memory_space<semaphore_mem>>)
      tpu.wait_dma2 semaphore(%run_scoped3A : memref<!tpu.dma_semaphore, #tpu.memory_space<semaphore_mem>>) src(%arg6 : memref<4096xf32, #tpu.memory_space<hbm>>) dst(%arg27 : memref<4096xf32, #tpu.memory_space<vmem>>)
      tpu.yield
    }) : () -> ()
    "tpu.region"() ({
      %run_scoped3A = tpu.sem_alloc : memref<!tpu.dma_semaphore, #tpu.memory_space<semaphore_mem>>
      tpu.enqueue_dma source(%arg7 : memref<4096xf32, #tpu.memory_space<hbm>>) target(%arg28 : memref<4096xf32, #tpu.memory_space<vmem>>) target_semaphore(%run_scoped3A : memref<!tpu.dma_semaphore, #tpu.memory_space<semaphore_mem>>)
      tpu.wait_dma2 semaphore(%run_scoped3A : memref<!tpu.dma_semaphore, #tpu.memory_space<semaphore_mem>>) src(%arg7 : memref<4096xf32, #tpu.memory_space<hbm>>) dst(%arg28 : memref<4096xf32, #tpu.memory_space<vmem>>)
      tpu.yield
    }) : () -> ()
    %iota3A = tpu.iota {dimensions = array<i32: 0>} : vector<16xi32>
    %scan3A = arith.constant 0 : i32
    %scan3A_68 = arith.constant 0 : i32
    %scan3A_69 = arith.constant 256 : i32
    %scan3A_70 = arith.addi %scan3A_68, %scan3A_69 : i32
    %scan3A_71 = arith.constant 1 : i32
    %scan3A_72 = scf.for %scan3A_526 = %scan3A_68 to %scan3A_70 step %scan3A_71 iter_args(%scan3A_527 = %scan3A) -> (i32)  : i32 {
      %mul3A_528 = arith.constant 4 : i32
      %mul3A_529 = arith.muli %scan3A_526, %mul3A_528 : i32
      %add3A_530 = arith.constant 0 : i32
      %add3A_531 = arith.addi %mul3A_529, %add3A_530 : i32
      %mul3A_532 = arith.constant 16 : i32
      %mul3A_533 = arith.muli %add3A_531, %mul3A_532 : i32
      %get3A = arith.index_cast %mul3A_533 : i32 to index
      %get3A_534 = tpu.vector_load %arg10[%get3A] {strides = array<i32>} : memref<16384xi32, #tpu.memory_space<vmem>>, vector<16xi32>,
      %ge3A = vector.broadcast %mul3A_2 : i32 to vector<16xi32>
      %ge3A_535 = arith.cmpi sge, %get3A_534, %ge3A : vector<16xi32>
      %lt3A = vector.broadcast %add3A_8 : i32 to vector<16xi32>
      %lt3A_536 = arith.cmpi slt, %get3A_534, %lt3A : vector<16xi32>
      %and3A = arith.andi %ge3A_535, %lt3A_536 : vector<16xi1>
      %all_reduce_population_count3A = tpu.all_reduce %and3A {dim = 0 : i64, kind = #tpu.reduction_kind<sum>} : vector<16xi1> -> vector<16xi32>
      %slice3A = vector.extract_strided_slice %all_reduce_population_count3A {offsets = [0], sizes = [1], strides = [1]} : vector<16xi32> to vector<1xi32>
      %squeeze3A = vector.extract %slice3A[0] : i32 from vector<1xi32>
      %min3A_537 = arith.constant 1520 : i32
      %min3A_538 = arith.minsi %scan3A_527, %min3A_537 : i32
      %swap3A_539 = arith.index_cast %min3A_538 : i32 to index
      %swap3A_540 = tpu.vector_load %arg14[%swap3A_539] masked %and3A {strides = array<i32>} : memref<1536xi32, #tpu.memory_space<vmem>>, vector<16xi32>, vector<16xi1>
      tpu.vector_store %arg14[%swap3A_539], %get3A_534 masked %and3A {strides = array<i32>} : memref<1536xi32, #tpu.memory_space<vmem>>, vector<16xi32>, vector<16xi1>
      %mul3A_541 = arith.constant 16 : i32
      %mul3A_542 = arith.muli %add3A_531, %mul3A_541 : i32
      %add3A_543 = vector.broadcast %mul3A_542 : i32 to vector<16xi32>
      %add3A_544 = arith.addi %add3A_543, %iota3A : vector<16xi32>
      %swap3A_545 = arith.index_cast %min3A_538 : i32 to index
      %swap3A_546 = tpu.vector_load %arg15[%swap3A_545] masked %and3A {strides = array<i32>} : memref<1536xi32, #tpu.memory_space<vmem>>, vector<16xi32>, vector<16xi1>
      tpu.vector_store %arg15[%swap3A_545], %add3A_544 masked %and3A {strides = array<i32>} : memref<1536xi32, #tpu.memory_space<vmem>>, vector<16xi32>, vector<16xi1>
      %add3A_547 = arith.addi %scan3A_527, %squeeze3A : i32
      %mul3A_548 = arith.constant 4 : i32
      %mul3A_549 = arith.muli %scan3A_526, %mul3A_548 : i32
      %add3A_550 = arith.constant 1 : i32
      %add3A_551 = arith.addi %mul3A_549, %add3A_550 : i32
      %mul3A_552 = arith.constant 16 : i32
      %mul3A_553 = arith.muli %add3A_551, %mul3A_552 : i32
      %get3A_554 = arith.index_cast %mul3A_553 : i32 to index
      %get3A_555 = tpu.vector_load %arg10[%get3A_554] {strides = array<i32>} : memref<16384xi32, #tpu.memory_space<vmem>>, vector<16xi32>,
      %ge3A_556 = vector.broadcast %mul3A_2 : i32 to vector<16xi32>
      %ge3A_557 = arith.cmpi sge, %get3A_555, %ge3A_556 : vector<16xi32>
      %lt3A_558 = vector.broadcast %add3A_8 : i32 to vector<16xi32>
      %lt3A_559 = arith.cmpi slt, %get3A_555, %lt3A_558 : vector<16xi32>
      %and3A_560 = arith.andi %ge3A_557, %lt3A_559 : vector<16xi1>
      %all_reduce_population_count3A_561 = tpu.all_reduce %and3A_560 {dim = 0 : i64, kind = #tpu.reduction_kind<sum>} : vector<16xi1> -> vector<16xi32>
      %slice3A_562 = vector.extract_strided_slice %all_reduce_population_count3A_561 {offsets = [0], sizes = [1], strides = [1]} : vector<16xi32> to vector<1xi32>
      %squeeze3A_563 = vector.extract %slice3A_562[0] : i32 from vector<1xi32>
      %min3A_564 = arith.constant 1520 : i32
      %min3A_565 = arith.minsi %add3A_547, %min3A_564 : i32
      %swap3A_566 = arith.index_cast %min3A_565 : i32 to index
      %swap3A_567 = tpu.vector_load %arg14[%swap3A_566] masked %and3A_560 {strides = array<i32>} : memref<1536xi32, #tpu.memory_space<vmem>>, vector<16xi32>, vector<16xi1>
      tpu.vector_store %arg14[%swap3A_566], %get3A_555 masked %and3A_560 {strides = array<i32>} : memref<1536xi32, #tpu.memory_space<vmem>>, vector<16xi32>, vector<16xi1>
      %mul3A_568 = arith.constant 16 : i32
      %mul3A_569 = arith.muli %add3A_551, %mul3A_568 : i32
      %add3A_570 = vector.broadcast %mul3A_569 : i32 to vector<16xi32>
      %add3A_571 = arith.addi %add3A_570, %iota3A : vector<16xi32>
      %swap3A_572 = arith.index_cast %min3A_565 : i32 to index
      %swap3A_573 = tpu.vector_load %arg15[%swap3A_572] masked %and3A_560 {strides = array<i32>} : memref<1536xi32, #tpu.memory_space<vmem>>, vector<16xi32>, vector<16xi1>
      tpu.vector_store %arg15[%swap3A_572], %add3A_571 masked %and3A_560 {strides = array<i32>} : memref<1536xi32, #tpu.memory_space<vmem>>, vector<16xi32>, vector<16xi1>
      %add3A_574 = arith.addi %add3A_547, %squeeze3A_563 : i32
      %mul3A_575 = arith.constant 4 : i32
      %mul3A_576 = arith.muli %scan3A_526, %mul3A_575 : i32
      %add3A_577 = arith.constant 2 : i32
      %add3A_578 = arith.addi %mul3A_576, %add3A_577 : i32
      %mul3A_579 = arith.constant 16 : i32
      %mul3A_580 = arith.muli %add3A_578, %mul3A_579 : i32
      %get3A_581 = arith.index_cast %mul3A_580 : i32 to index
      %get3A_582 = tpu.vector_load %arg10[%get3A_581] {strides = array<i32>} : memref<16384xi32, #tpu.memory_space<vmem>>, vector<16xi32>,
      %ge3A_583 = vector.broadcast %mul3A_2 : i32 to vector<16xi32>
      %ge3A_584 = arith.cmpi sge, %get3A_582, %ge3A_583 : vector<16xi32>
      %lt3A_585 = vector.broadcast %add3A_8 : i32 to vector<16xi32>
      %lt3A_586 = arith.cmpi slt, %get3A_582, %lt3A_585 : vector<16xi32>
      %and3A_587 = arith.andi %ge3A_584, %lt3A_586 : vector<16xi1>
      %all_reduce_population_count3A_588 = tpu.all_reduce %and3A_587 {dim = 0 : i64, kind = #tpu.reduction_kind<sum>} : vector<16xi1> -> vector<16xi32>
      %slice3A_589 = vector.extract_strided_slice %all_reduce_population_count3A_588 {offsets = [0], sizes = [1], strides = [1]} : vector<16xi32> to vector<1xi32>
      %squeeze3A_590 = vector.extract %slice3A_589[0] : i32 from vector<1xi32>
      %min3A_591 = arith.constant 1520 : i32
      %min3A_592 = arith.minsi %add3A_574, %min3A_591 : i32
      %swap3A_593 = arith.index_cast %min3A_592 : i32 to index
      %swap3A_594 = tpu.vector_load %arg14[%swap3A_593] masked %and3A_587 {strides = array<i32>} : memref<1536xi32, #tpu.memory_space<vmem>>, vector<16xi32>, vector<16xi1>
      tpu.vector_store %arg14[%swap3A_593], %get3A_582 masked %and3A_587 {strides = array<i32>} : memref<1536xi32, #tpu.memory_space<vmem>>, vector<16xi32>, vector<16xi1>
      %mul3A_595 = arith.constant 16 : i32
      %mul3A_596 = arith.muli %add3A_578, %mul3A_595 : i32
      %add3A_597 = vector.broadcast %mul3A_596 : i32 to vector<16xi32>
      %add3A_598 = arith.addi %add3A_597, %iota3A : vector<16xi32>
      %swap3A_599 = arith.index_cast %min3A_592 : i32 to index
      %swap3A_600 = tpu.vector_load %arg15[%swap3A_599] masked %and3A_587 {strides = array<i32>} : memref<1536xi32, #tpu.memory_space<vmem>>, vector<16xi32>, vector<16xi1>
      tpu.vector_store %arg15[%swap3A_599], %add3A_598 masked %and3A_587 {strides = array<i32>} : memref<1536xi32, #tpu.memory_space<vmem>>, vector<16xi32>, vector<16xi1>
      %add3A_601 = arith.addi %add3A_574, %squeeze3A_590 : i32
      %mul3A_602 = arith.constant 4 : i32
      %mul3A_603 = arith.muli %scan3A_526, %mul3A_602 : i32
      %add3A_604 = arith.constant 3 : i32
      %add3A_605 = arith.addi %mul3A_603, %add3A_604 : i32
      %mul3A_606 = arith.constant 16 : i32
      %mul3A_607 = arith.muli %add3A_605, %mul3A_606 : i32
      %get3A_608 = arith.index_cast %mul3A_607 : i32 to index
      %get3A_609 = tpu.vector_load %arg10[%get3A_608] {strides = array<i32>} : memref<16384xi32, #tpu.memory_space<vmem>>, vector<16xi32>,
      %ge3A_610 = vector.broadcast %mul3A_2 : i32 to vector<16xi32>
      %ge3A_611 = arith.cmpi sge, %get3A_609, %ge3A_610 : vector<16xi32>
      %lt3A_612 = vector.broadcast %add3A_8 : i32 to vector<16xi32>
      %lt3A_613 = arith.cmpi slt, %get3A_609, %lt3A_612 : vector<16xi32>
      %and3A_614 = arith.andi %ge3A_611, %lt3A_613 : vector<16xi1>
      %all_reduce_population_count3A_615 = tpu.all_reduce %and3A_614 {dim = 0 : i64, kind = #tpu.reduction_kind<sum>} : vector<16xi1> -> vector<16xi32>
      %slice3A_616 = vector.extract_strided_slice %all_reduce_population_count3A_615 {offsets = [0], sizes = [1], strides = [1]} : vector<16xi32> to vector<1xi32>
      %squeeze3A_617 = vector.extract %slice3A_616[0] : i32 from vector<1xi32>
      %min3A_618 = arith.constant 1520 : i32
      %min3A_619 = arith.minsi %add3A_601, %min3A_618 : i32
      %swap3A_620 = arith.index_cast %min3A_619 : i32 to index
      %swap3A_621 = tpu.vector_load %arg14[%swap3A_620] masked %and3A_614 {strides = array<i32>} : memref<1536xi32, #tpu.memory_space<vmem>>, vector<16xi32>, vector<16xi1>
      tpu.vector_store %arg14[%swap3A_620], %get3A_609 masked %and3A_614 {strides = array<i32>} : memref<1536xi32, #tpu.memory_space<vmem>>, vector<16xi32>, vector<16xi1>
      %mul3A_622 = arith.constant 16 : i32
      %mul3A_623 = arith.muli %add3A_605, %mul3A_622 : i32
      %add3A_624 = vector.broadcast %mul3A_623 : i32 to vector<16xi32>
      %add3A_625 = arith.addi %add3A_624, %iota3A : vector<16xi32>
      %swap3A_626 = arith.index_cast %min3A_619 : i32 to index
      %swap3A_627 = tpu.vector_load %arg15[%swap3A_626] masked %and3A_614 {strides = array<i32>} : memref<1536xi32, #tpu.memory_space<vmem>>, vector<16xi32>, vector<16xi1>
      tpu.vector_store %arg15[%swap3A_626], %add3A_625 masked %and3A_614 {strides = array<i32>} : memref<1536xi32, #tpu.memory_space<vmem>>, vector<16xi32>, vector<16xi1>
      %add3A_628 = arith.addi %add3A_601, %squeeze3A_617 : i32
      scf.yield %add3A_628 : i32
    }
    %scan3A_73 = arith.constant 256 : i32
    %scan3A_74 = arith.constant 0 : i32
    %scan3A_75 = arith.constant 0 : i32
    %scan3A_76 = arith.constant 256 : i32
    %scan3A_77 = arith.addi %scan3A_75, %scan3A_76 : i32
    %scan3A_78 = arith.constant 1 : i32
    %scan3A_79 = scf.for %scan3A_526 = %scan3A_75 to %scan3A_77 step %scan3A_78 iter_args(%scan3A_527 = %scan3A_74) -> (i32)  : i32 {
      %mul3A_528 = arith.constant 4 : i32
      %mul3A_529 = arith.muli %scan3A_526, %mul3A_528 : i32
      %add3A_530 = arith.constant 0 : i32
      %add3A_531 = arith.addi %mul3A_529, %add3A_530 : i32
      %mul3A_532 = arith.constant 16 : i32
      %mul3A_533 = arith.muli %add3A_531, %mul3A_532 : i32
      %get3A = arith.index_cast %mul3A_533 : i32 to index
      %get3A_534 = tpu.vector_load %arg11[%get3A] {strides = array<i32>} : memref<16384xi32, #tpu.memory_space<vmem>>, vector<16xi32>,
      %ge3A = vector.broadcast %mul3A_2 : i32 to vector<16xi32>
      %ge3A_535 = arith.cmpi sge, %get3A_534, %ge3A : vector<16xi32>
      %lt3A = vector.broadcast %add3A_8 : i32 to vector<16xi32>
      %lt3A_536 = arith.cmpi slt, %get3A_534, %lt3A : vector<16xi32>
      %and3A = arith.andi %ge3A_535, %lt3A_536 : vector<16xi1>
      %all_reduce_population_count3A = tpu.all_reduce %and3A {dim = 0 : i64, kind = #tpu.reduction_kind<sum>} : vector<16xi1> -> vector<16xi32>
      %slice3A = vector.extract_strided_slice %all_reduce_population_count3A {offsets = [0], sizes = [1], strides = [1]} : vector<16xi32> to vector<1xi32>
      %squeeze3A = vector.extract %slice3A[0] : i32 from vector<1xi32>
      %min3A_537 = arith.constant 1520 : i32
      %min3A_538 = arith.minsi %scan3A_527, %min3A_537 : i32
      %swap3A_539 = arith.index_cast %min3A_538 : i32 to index
      %swap3A_540 = tpu.vector_load %arg16[%swap3A_539] masked %and3A {strides = array<i32>} : memref<1536xi32, #tpu.memory_space<vmem>>, vector<16xi32>, vector<16xi1>
      tpu.vector_store %arg16[%swap3A_539], %get3A_534 masked %and3A {strides = array<i32>} : memref<1536xi32, #tpu.memory_space<vmem>>, vector<16xi32>, vector<16xi1>
      %mul3A_541 = arith.constant 16 : i32
      %mul3A_542 = arith.muli %add3A_531, %mul3A_541 : i32
      %add3A_543 = vector.broadcast %mul3A_542 : i32 to vector<16xi32>
      %add3A_544 = arith.addi %add3A_543, %iota3A : vector<16xi32>
      %swap3A_545 = arith.index_cast %min3A_538 : i32 to index
      %swap3A_546 = tpu.vector_load %arg17[%swap3A_545] masked %and3A {strides = array<i32>} : memref<1536xi32, #tpu.memory_space<vmem>>, vector<16xi32>, vector<16xi1>
      tpu.vector_store %arg17[%swap3A_545], %add3A_544 masked %and3A {strides = array<i32>} : memref<1536xi32, #tpu.memory_space<vmem>>, vector<16xi32>, vector<16xi1>
      %add3A_547 = arith.addi %scan3A_527, %squeeze3A : i32
      %mul3A_548 = arith.constant 4 : i32
      %mul3A_549 = arith.muli %scan3A_526, %mul3A_548 : i32
      %add3A_550 = arith.constant 1 : i32
      %add3A_551 = arith.addi %mul3A_549, %add3A_550 : i32
      %mul3A_552 = arith.constant 16 : i32
      %mul3A_553 = arith.muli %add3A_551, %mul3A_552 : i32
      %get3A_554 = arith.index_cast %mul3A_553 : i32 to index
      %get3A_555 = tpu.vector_load %arg11[%get3A_554] {strides = array<i32>} : memref<16384xi32, #tpu.memory_space<vmem>>, vector<16xi32>,
      %ge3A_556 = vector.broadcast %mul3A_2 : i32 to vector<16xi32>
      %ge3A_557 = arith.cmpi sge, %get3A_555, %ge3A_556 : vector<16xi32>
      %lt3A_558 = vector.broadcast %add3A_8 : i32 to vector<16xi32>
      %lt3A_559 = arith.cmpi slt, %get3A_555, %lt3A_558 : vector<16xi32>
      %and3A_560 = arith.andi %ge3A_557, %lt3A_559 : vector<16xi1>
      %all_reduce_population_count3A_561 = tpu.all_reduce %and3A_560 {dim = 0 : i64, kind = #tpu.reduction_kind<sum>} : vector<16xi1> -> vector<16xi32>
      %slice3A_562 = vector.extract_strided_slice %all_reduce_population_count3A_561 {offsets = [0], sizes = [1], strides = [1]} : vector<16xi32> to vector<1xi32>
      %squeeze3A_563 = vector.extract %slice3A_562[0] : i32 from vector<1xi32>
      %min3A_564 = arith.constant 1520 : i32
      %min3A_565 = arith.minsi %add3A_547, %min3A_564 : i32
      %swap3A_566 = arith.index_cast %min3A_565 : i32 to index
      %swap3A_567 = tpu.vector_load %arg16[%swap3A_566] masked %and3A_560 {strides = array<i32>} : memref<1536xi32, #tpu.memory_space<vmem>>, vector<16xi32>, vector<16xi1>
      tpu.vector_store %arg16[%swap3A_566], %get3A_555 masked %and3A_560 {strides = array<i32>} : memref<1536xi32, #tpu.memory_space<vmem>>, vector<16xi32>, vector<16xi1>
      %mul3A_568 = arith.constant 16 : i32
      %mul3A_569 = arith.muli %add3A_551, %mul3A_568 : i32
      %add3A_570 = vector.broadcast %mul3A_569 : i32 to vector<16xi32>
      %add3A_571 = arith.addi %add3A_570, %iota3A : vector<16xi32>
      %swap3A_572 = arith.index_cast %min3A_565 : i32 to index
      %swap3A_573 = tpu.vector_load %arg17[%swap3A_572] masked %and3A_560 {strides = array<i32>} : memref<1536xi32, #tpu.memory_space<vmem>>, vector<16xi32>, vector<16xi1>
      tpu.vector_store %arg17[%swap3A_572], %add3A_571 masked %and3A_560 {strides = array<i32>} : memref<1536xi32, #tpu.memory_space<vmem>>, vector<16xi32>, vector<16xi1>
      %add3A_574 = arith.addi %add3A_547, %squeeze3A_563 : i32
      %mul3A_575 = arith.constant 4 : i32
      %mul3A_576 = arith.muli %scan3A_526, %mul3A_575 : i32
      %add3A_577 = arith.constant 2 : i32
      %add3A_578 = arith.addi %mul3A_576, %add3A_577 : i32
      %mul3A_579 = arith.constant 16 : i32
      %mul3A_580 = arith.muli %add3A_578, %mul3A_579 : i32
      %get3A_581 = arith.index_cast %mul3A_580 : i32 to index
      %get3A_582 = tpu.vector_load %arg11[%get3A_581] {strides = array<i32>} : memref<16384xi32, #tpu.memory_space<vmem>>, vector<16xi32>,
      %ge3A_583 = vector.broadcast %mul3A_2 : i32 to vector<16xi32>
      %ge3A_584 = arith.cmpi sge, %get3A_582, %ge3A_583 : vector<16xi32>
      %lt3A_585 = vector.broadcast %add3A_8 : i32 to vector<16xi32>
      %lt3A_586 = arith.cmpi slt, %get3A_582, %lt3A_585 : vector<16xi32>
      %and3A_587 = arith.andi %ge3A_584, %lt3A_586 : vector<16xi1>
      %all_reduce_population_count3A_588 = tpu.all_reduce %and3A_587 {dim = 0 : i64, kind = #tpu.reduction_kind<sum>} : vector<16xi1> -> vector<16xi32>
      %slice3A_589 = vector.extract_strided_slice %all_reduce_population_count3A_588 {offsets = [0], sizes = [1], strides = [1]} : vector<16xi32> to vector<1xi32>
      %squeeze3A_590 = vector.extract %slice3A_589[0] : i32 from vector<1xi32>
      %min3A_591 = arith.constant 1520 : i32
      %min3A_592 = arith.minsi %add3A_574, %min3A_591 : i32
      %swap3A_593 = arith.index_cast %min3A_592 : i32 to index
      %swap3A_594 = tpu.vector_load %arg16[%swap3A_593] masked %and3A_587 {strides = array<i32>} : memref<1536xi32, #tpu.memory_space<vmem>>, vector<16xi32>, vector<16xi1>
      tpu.vector_store %arg16[%swap3A_593], %get3A_582 masked %and3A_587 {strides = array<i32>} : memref<1536xi32, #tpu.memory_space<vmem>>, vector<16xi32>, vector<16xi1>
      %mul3A_595 = arith.constant 16 : i32
      %mul3A_596 = arith.muli %add3A_578, %mul3A_595 : i32
      %add3A_597 = vector.broadcast %mul3A_596 : i32 to vector<16xi32>
      %add3A_598 = arith.addi %add3A_597, %iota3A : vector<16xi32>
      %swap3A_599 = arith.index_cast %min3A_592 : i32 to index
      %swap3A_600 = tpu.vector_load %arg17[%swap3A_599] masked %and3A_587 {strides = array<i32>} : memref<1536xi32, #tpu.memory_space<vmem>>, vector<16xi32>, vector<16xi1>
      tpu.vector_store %arg17[%swap3A_599], %add3A_598 masked %and3A_587 {strides = array<i32>} : memref<1536xi32, #tpu.memory_space<vmem>>, vector<16xi32>, vector<16xi1>
      %add3A_601 = arith.addi %add3A_574, %squeeze3A_590 : i32
      %mul3A_602 = arith.constant 4 : i32
      %mul3A_603 = arith.muli %scan3A_526, %mul3A_602 : i32
      %add3A_604 = arith.constant 3 : i32
      %add3A_605 = arith.addi %mul3A_603, %add3A_604 : i32
      %mul3A_606 = arith.constant 16 : i32
      %mul3A_607 = arith.muli %add3A_605, %mul3A_606 : i32
      %get3A_608 = arith.index_cast %mul3A_607 : i32 to index
      %get3A_609 = tpu.vector_load %arg11[%get3A_608] {strides = array<i32>} : memref<16384xi32, #tpu.memory_space<vmem>>, vector<16xi32>,
      %ge3A_610 = vector.broadcast %mul3A_2 : i32 to vector<16xi32>
      %ge3A_611 = arith.cmpi sge, %get3A_609, %ge3A_610 : vector<16xi32>
      %lt3A_612 = vector.broadcast %add3A_8 : i32 to vector<16xi32>
      %lt3A_613 = arith.cmpi slt, %get3A_609, %lt3A_612 : vector<16xi32>
      %and3A_614 = arith.andi %ge3A_611, %lt3A_613 : vector<16xi1>
      %all_reduce_population_count3A_615 = tpu.all_reduce %and3A_614 {dim = 0 : i64, kind = #tpu.reduction_kind<sum>} : vector<16xi1> -> vector<16xi32>
      %slice3A_616 = vector.extract_strided_slice %all_reduce_population_count3A_615 {offsets = [0], sizes = [1], strides = [1]} : vector<16xi32> to vector<1xi32>
      %squeeze3A_617 = vector.extract %slice3A_616[0] : i32 from vector<1xi32>
      %min3A_618 = arith.constant 1520 : i32
      %min3A_619 = arith.minsi %add3A_601, %min3A_618 : i32
      %swap3A_620 = arith.index_cast %min3A_619 : i32 to index
      %swap3A_621 = tpu.vector_load %arg16[%swap3A_620] masked %and3A_614 {strides = array<i32>} : memref<1536xi32, #tpu.memory_space<vmem>>, vector<16xi32>, vector<16xi1>
      tpu.vector_store %arg16[%swap3A_620], %get3A_609 masked %and3A_614 {strides = array<i32>} : memref<1536xi32, #tpu.memory_space<vmem>>, vector<16xi32>, vector<16xi1>
      %mul3A_622 = arith.constant 16 : i32
      %mul3A_623 = arith.muli %add3A_605, %mul3A_622 : i32
      %add3A_624 = vector.broadcast %mul3A_623 : i32 to vector<16xi32>
      %add3A_625 = arith.addi %add3A_624, %iota3A : vector<16xi32>
      %swap3A_626 = arith.index_cast %min3A_619 : i32 to index
      %swap3A_627 = tpu.vector_load %arg17[%swap3A_626] masked %and3A_614 {strides = array<i32>} : memref<1536xi32, #tpu.memory_space<vmem>>, vector<16xi32>, vector<16xi1>
      tpu.vector_store %arg17[%swap3A_626], %add3A_625 masked %and3A_614 {strides = array<i32>} : memref<1536xi32, #tpu.memory_space<vmem>>, vector<16xi32>, vector<16xi1>
      %add3A_628 = arith.addi %add3A_601, %squeeze3A_617 : i32
      scf.yield %add3A_628 : i32
    }
    %scan3A_80 = arith.constant 256 : i32
    %add3A_81 = arith.constant 15 : i32
    %add3A_82 = arith.addi %scan3A_72, %add3A_81 : i32
    %div3A = arith.constant 16 : i32
    %div3A_83 = arith.divsi %add3A_82, %div3A : i32
    %add3A_84 = arith.constant 0 : i32
    %add3A_85 = arith.addi %mul3A_2, %add3A_84 : i32
    %add3A_86 = arith.constant 4096 : i32
    %add3A_87 = arith.addi %mul3A_2, %add3A_86 : i32
    %min3A = arith.minsi %add3A_87, %add3A_8 : i32
    %while3A = arith.constant 0 : i32
    %while3A_88 = arith.constant 0 : i32
    %while3A_89 = arith.subi %div3A_83, %while3A : i32
    %while3A_90 = arith.addi %while3A, %while3A_89 : i32
    %while3A_91 = arith.constant 1 : i32
    %while3A_92 = arith.divsi %while3A_89, %while3A_91 : i32
    %while3A_93 = arith.muli %while3A_92, %while3A_91 : i32
    %while3A_94 = arith.addi %while3A, %while3A_93 : i32
    %while3A_95 = arith.constant 1 : i32
    %while3A_96 = scf.for %while3A_526 = %while3A to %while3A_94 step %while3A_95 iter_args(%while3A_527 = %while3A_88) -> (i32)  : i32 {
      %mul3A_528 = arith.constant 16 : i32
      %mul3A_529 = arith.muli %while3A_526, %mul3A_528 : i32
      %add3A_530 = vector.broadcast %mul3A_529 : i32 to vector<16xi32>
      %add3A_531 = arith.addi %add3A_530, %iota3A : vector<16xi32>
      %mul3A_532 = arith.constant 16 : i32
      %mul3A_533 = arith.muli %while3A_526, %mul3A_532 : i32
      %get3A = arith.index_cast %mul3A_533 : i32 to index
      %get3A_534 = tpu.vector_load %arg14[%get3A] {strides = array<i32>} : memref<1536xi32, #tpu.memory_space<vmem>>, vector<16xi32>,
      %mul3A_535 = arith.constant 16 : i32
      %mul3A_536 = arith.muli %while3A_526, %mul3A_535 : i32
      %get3A_537 = arith.index_cast %mul3A_536 : i32 to index
      %get3A_538 = tpu.vector_load %arg15[%get3A_537] {strides = array<i32>} : memref<1536xi32, #tpu.memory_space<vmem>>, vector<16xi32>,
      %lt3A = vector.broadcast %scan3A_72 : i32 to vector<16xi32>
      %lt3A_539 = arith.cmpi slt, %add3A_531, %lt3A : vector<16xi32>
      %ge3A = vector.broadcast %add3A_85 : i32 to vector<16xi32>
      %ge3A_540 = arith.cmpi sge, %get3A_534, %ge3A : vector<16xi32>
      %and3A = arith.andi %lt3A_539, %ge3A_540 : vector<16xi1>
      %lt3A_541 = vector.broadcast %min3A : i32 to vector<16xi32>
      %lt3A_542 = arith.cmpi slt, %get3A_534, %lt3A_541 : vector<16xi32>
      %and3A_543 = arith.andi %and3A, %lt3A_542 : vector<16xi1>
      %all_reduce_population_count3A = tpu.all_reduce %and3A_543 {dim = 0 : i64, kind = #tpu.reduction_kind<sum>} : vector<16xi1> -> vector<16xi32>
      %slice3A = vector.extract_strided_slice %all_reduce_population_count3A {offsets = [0], sizes = [1], strides = [1]} : vector<16xi32> to vector<1xi32>
      %squeeze3A = vector.extract %slice3A[0] : i32 from vector<1xi32>
      %min3A_544 = arith.constant 240 : i32
      %min3A_545 = arith.minsi %while3A_527, %min3A_544 : i32
      %add3A_546 = arith.constant 0 : i32
      %add3A_547 = arith.addi %add3A_546, %min3A_545 : i32
      %swap3A_548 = arith.index_cast %add3A_547 : i32 to index
      %swap3A_549 = tpu.vector_load %arg18[%swap3A_548] masked %and3A_543 {strides = array<i32>} : memref<2048xi32, #tpu.memory_space<vmem>>, vector<16xi32>, vector<16xi1>
      tpu.vector_store %arg18[%swap3A_548], %get3A_534 masked %and3A_543 {strides = array<i32>} : memref<2048xi32, #tpu.memory_space<vmem>>, vector<16xi32>, vector<16xi1>
      %add3A_550 = arith.constant 0 : i32
      %add3A_551 = arith.addi %add3A_550, %min3A_545 : i32
      %swap3A_552 = arith.index_cast %add3A_551 : i32 to index
      %swap3A_553 = tpu.vector_load %arg19[%swap3A_552] masked %and3A_543 {strides = array<i32>} : memref<2048xi32, #tpu.memory_space<vmem>>, vector<16xi32>, vector<16xi1>
      tpu.vector_store %arg19[%swap3A_552], %get3A_538 masked %and3A_543 {strides = array<i32>} : memref<2048xi32, #tpu.memory_space<vmem>>, vector<16xi32>, vector<16xi1>
      %add3A_554 = arith.addi %while3A_527, %squeeze3A : i32
      scf.yield %add3A_554 : i32
    }
    %while3A_97 = arith.constant 1 : i32
    %while3A_98 = scf.for %while3A_526 = %while3A_94 to %while3A_90 step %while3A_97 iter_args(%while3A_527 = %while3A_96) -> (i32)  : i32 {
      %mul3A_528 = arith.constant 16 : i32
      %mul3A_529 = arith.muli %while3A_526, %mul3A_528 : i32
      %add3A_530 = vector.broadcast %mul3A_529 : i32 to vector<16xi32>
      %add3A_531 = arith.addi %add3A_530, %iota3A : vector<16xi32>
      %mul3A_532 = arith.constant 16 : i32
      %mul3A_533 = arith.muli %while3A_526, %mul3A_532 : i32
      %get3A = arith.index_cast %mul3A_533 : i32 to index
      %get3A_534 = tpu.vector_load %arg14[%get3A] {strides = array<i32>} : memref<1536xi32, #tpu.memory_space<vmem>>, vector<16xi32>,
      %mul3A_535 = arith.constant 16 : i32
      %mul3A_536 = arith.muli %while3A_526, %mul3A_535 : i32
      %get3A_537 = arith.index_cast %mul3A_536 : i32 to index
      %get3A_538 = tpu.vector_load %arg15[%get3A_537] {strides = array<i32>} : memref<1536xi32, #tpu.memory_space<vmem>>, vector<16xi32>,
      %lt3A = vector.broadcast %scan3A_72 : i32 to vector<16xi32>
      %lt3A_539 = arith.cmpi slt, %add3A_531, %lt3A : vector<16xi32>
      %ge3A = vector.broadcast %add3A_85 : i32 to vector<16xi32>
      %ge3A_540 = arith.cmpi sge, %get3A_534, %ge3A : vector<16xi32>
      %and3A = arith.andi %lt3A_539, %ge3A_540 : vector<16xi1>
      %lt3A_541 = vector.broadcast %min3A : i32 to vector<16xi32>
      %lt3A_542 = arith.cmpi slt, %get3A_534, %lt3A_541 : vector<16xi32>
      %and3A_543 = arith.andi %and3A, %lt3A_542 : vector<16xi1>
      %all_reduce_population_count3A = tpu.all_reduce %and3A_543 {dim = 0 : i64, kind = #tpu.reduction_kind<sum>} : vector<16xi1> -> vector<16xi32>
      %slice3A = vector.extract_strided_slice %all_reduce_population_count3A {offsets = [0], sizes = [1], strides = [1]} : vector<16xi32> to vector<1xi32>
      %squeeze3A = vector.extract %slice3A[0] : i32 from vector<1xi32>
      %min3A_544 = arith.constant 240 : i32
      %min3A_545 = arith.minsi %while3A_527, %min3A_544 : i32
      %add3A_546 = arith.constant 0 : i32
      %add3A_547 = arith.addi %add3A_546, %min3A_545 : i32
      %swap3A_548 = arith.index_cast %add3A_547 : i32 to index
      %swap3A_549 = tpu.vector_load %arg18[%swap3A_548] masked %and3A_543 {strides = array<i32>} : memref<2048xi32, #tpu.memory_space<vmem>>, vector<16xi32>, vector<16xi1>
      tpu.vector_store %arg18[%swap3A_548], %get3A_534 masked %and3A_543 {strides = array<i32>} : memref<2048xi32, #tpu.memory_space<vmem>>, vector<16xi32>, vector<16xi1>
      %add3A_550 = arith.constant 0 : i32
      %add3A_551 = arith.addi %add3A_550, %min3A_545 : i32
      %swap3A_552 = arith.index_cast %add3A_551 : i32 to index
      %swap3A_553 = tpu.vector_load %arg19[%swap3A_552] masked %and3A_543 {strides = array<i32>} : memref<2048xi32, #tpu.memory_space<vmem>>, vector<16xi32>, vector<16xi1>
      tpu.vector_store %arg19[%swap3A_552], %get3A_538 masked %and3A_543 {strides = array<i32>} : memref<2048xi32, #tpu.memory_space<vmem>>, vector<16xi32>, vector<16xi1>
      %add3A_554 = arith.addi %while3A_527, %squeeze3A : i32
      scf.yield %add3A_554 : i32
    }
    %add3A_99 = arith.constant 4096 : i32
    %add3A_100 = arith.addi %mul3A_2, %add3A_99 : i32
    %add3A_101 = arith.constant 8192 : i32
    %add3A_102 = arith.addi %mul3A_2, %add3A_101 : i32
    %min3A_103 = arith.minsi %add3A_102, %add3A_8 : i32
    %while3A_104 = arith.constant 0 : i32
    %while3A_105 = arith.constant 0 : i32
    %while3A_106 = arith.subi %div3A_83, %while3A_104 : i32
    %while3A_107 = arith.addi %while3A_104, %while3A_106 : i32
    %while3A_108 = arith.constant 1 : i32
    %while3A_109 = arith.divsi %while3A_106, %while3A_108 : i32
    %while3A_110 = arith.muli %while3A_109, %while3A_108 : i32
    %while3A_111 = arith.addi %while3A_104, %while3A_110 : i32
    %while3A_112 = arith.constant 1 : i32
    %while3A_113 = scf.for %while3A_526 = %while3A_104 to %while3A_111 step %while3A_112 iter_args(%while3A_527 = %while3A_105) -> (i32)  : i32 {
      %mul3A_528 = arith.constant 16 : i32
      %mul3A_529 = arith.muli %while3A_526, %mul3A_528 : i32
      %add3A_530 = vector.broadcast %mul3A_529 : i32 to vector<16xi32>
      %add3A_531 = arith.addi %add3A_530, %iota3A : vector<16xi32>
      %mul3A_532 = arith.constant 16 : i32
      %mul3A_533 = arith.muli %while3A_526, %mul3A_532 : i32
      %get3A = arith.index_cast %mul3A_533 : i32 to index
      %get3A_534 = tpu.vector_load %arg14[%get3A] {strides = array<i32>} : memref<1536xi32, #tpu.memory_space<vmem>>, vector<16xi32>,
      %mul3A_535 = arith.constant 16 : i32
      %mul3A_536 = arith.muli %while3A_526, %mul3A_535 : i32
      %get3A_537 = arith.index_cast %mul3A_536 : i32 to index
      %get3A_538 = tpu.vector_load %arg15[%get3A_537] {strides = array<i32>} : memref<1536xi32, #tpu.memory_space<vmem>>, vector<16xi32>,
      %lt3A = vector.broadcast %scan3A_72 : i32 to vector<16xi32>
      %lt3A_539 = arith.cmpi slt, %add3A_531, %lt3A : vector<16xi32>
      %ge3A = vector.broadcast %add3A_100 : i32 to vector<16xi32>
      %ge3A_540 = arith.cmpi sge, %get3A_534, %ge3A : vector<16xi32>
      %and3A = arith.andi %lt3A_539, %ge3A_540 : vector<16xi1>
      %lt3A_541 = vector.broadcast %min3A_103 : i32 to vector<16xi32>
      %lt3A_542 = arith.cmpi slt, %get3A_534, %lt3A_541 : vector<16xi32>
      %and3A_543 = arith.andi %and3A, %lt3A_542 : vector<16xi1>
      %all_reduce_population_count3A = tpu.all_reduce %and3A_543 {dim = 0 : i64, kind = #tpu.reduction_kind<sum>} : vector<16xi1> -> vector<16xi32>
      %slice3A = vector.extract_strided_slice %all_reduce_population_count3A {offsets = [0], sizes = [1], strides = [1]} : vector<16xi32> to vector<1xi32>
      %squeeze3A = vector.extract %slice3A[0] : i32 from vector<1xi32>
      %min3A_544 = arith.constant 240 : i32
      %min3A_545 = arith.minsi %while3A_527, %min3A_544 : i32
      %add3A_546 = arith.constant 256 : i32
      %add3A_547 = arith.addi %add3A_546, %min3A_545 : i32
      %swap3A_548 = arith.index_cast %add3A_547 : i32 to index
      %swap3A_549 = tpu.vector_load %arg18[%swap3A_548] masked %and3A_543 {strides = array<i32>} : memref<2048xi32, #tpu.memory_space<vmem>>, vector<16xi32>, vector<16xi1>
      tpu.vector_store %arg18[%swap3A_548], %get3A_534 masked %and3A_543 {strides = array<i32>} : memref<2048xi32, #tpu.memory_space<vmem>>, vector<16xi32>, vector<16xi1>
      %add3A_550 = arith.constant 256 : i32
      %add3A_551 = arith.addi %add3A_550, %min3A_545 : i32
      %swap3A_552 = arith.index_cast %add3A_551 : i32 to index
      %swap3A_553 = tpu.vector_load %arg19[%swap3A_552] masked %and3A_543 {strides = array<i32>} : memref<2048xi32, #tpu.memory_space<vmem>>, vector<16xi32>, vector<16xi1>
      tpu.vector_store %arg19[%swap3A_552], %get3A_538 masked %and3A_543 {strides = array<i32>} : memref<2048xi32, #tpu.memory_space<vmem>>, vector<16xi32>, vector<16xi1>
      %add3A_554 = arith.addi %while3A_527, %squeeze3A : i32
      scf.yield %add3A_554 : i32
    }
    %while3A_114 = arith.constant 1 : i32
    %while3A_115 = scf.for %while3A_526 = %while3A_111 to %while3A_107 step %while3A_114 iter_args(%while3A_527 = %while3A_113) -> (i32)  : i32 {
      %mul3A_528 = arith.constant 16 : i32
      %mul3A_529 = arith.muli %while3A_526, %mul3A_528 : i32
      %add3A_530 = vector.broadcast %mul3A_529 : i32 to vector<16xi32>
      %add3A_531 = arith.addi %add3A_530, %iota3A : vector<16xi32>
      %mul3A_532 = arith.constant 16 : i32
      %mul3A_533 = arith.muli %while3A_526, %mul3A_532 : i32
      %get3A = arith.index_cast %mul3A_533 : i32 to index
      %get3A_534 = tpu.vector_load %arg14[%get3A] {strides = array<i32>} : memref<1536xi32, #tpu.memory_space<vmem>>, vector<16xi32>,
      %mul3A_535 = arith.constant 16 : i32
      %mul3A_536 = arith.muli %while3A_526, %mul3A_535 : i32
      %get3A_537 = arith.index_cast %mul3A_536 : i32 to index
      %get3A_538 = tpu.vector_load %arg15[%get3A_537] {strides = array<i32>} : memref<1536xi32, #tpu.memory_space<vmem>>, vector<16xi32>,
      %lt3A = vector.broadcast %scan3A_72 : i32 to vector<16xi32>
      %lt3A_539 = arith.cmpi slt, %add3A_531, %lt3A : vector<16xi32>
      %ge3A = vector.broadcast %add3A_100 : i32 to vector<16xi32>
      %ge3A_540 = arith.cmpi sge, %get3A_534, %ge3A : vector<16xi32>
      %and3A = arith.andi %lt3A_539, %ge3A_540 : vector<16xi1>
      %lt3A_541 = vector.broadcast %min3A_103 : i32 to vector<16xi32>
      %lt3A_542 = arith.cmpi slt, %get3A_534, %lt3A_541 : vector<16xi32>
      %and3A_543 = arith.andi %and3A, %lt3A_542 : vector<16xi1>
      %all_reduce_population_count3A = tpu.all_reduce %and3A_543 {dim = 0 : i64, kind = #tpu.reduction_kind<sum>} : vector<16xi1> -> vector<16xi32>
      %slice3A = vector.extract_strided_slice %all_reduce_population_count3A {offsets = [0], sizes = [1], strides = [1]} : vector<16xi32> to vector<1xi32>
      %squeeze3A = vector.extract %slice3A[0] : i32 from vector<1xi32>
      %min3A_544 = arith.constant 240 : i32
      %min3A_545 = arith.minsi %while3A_527, %min3A_544 : i32
      %add3A_546 = arith.constant 256 : i32
      %add3A_547 = arith.addi %add3A_546, %min3A_545 : i32
      %swap3A_548 = arith.index_cast %add3A_547 : i32 to index
      %swap3A_549 = tpu.vector_load %arg18[%swap3A_548] masked %and3A_543 {strides = array<i32>} : memref<2048xi32, #tpu.memory_space<vmem>>, vector<16xi32>, vector<16xi1>
      tpu.vector_store %arg18[%swap3A_548], %get3A_534 masked %and3A_543 {strides = array<i32>} : memref<2048xi32, #tpu.memory_space<vmem>>, vector<16xi32>, vector<16xi1>
      %add3A_550 = arith.constant 256 : i32
      %add3A_551 = arith.addi %add3A_550, %min3A_545 : i32
      %swap3A_552 = arith.index_cast %add3A_551 : i32 to index
      %swap3A_553 = tpu.vector_load %arg19[%swap3A_552] masked %and3A_543 {strides = array<i32>} : memref<2048xi32, #tpu.memory_space<vmem>>, vector<16xi32>, vector<16xi1>
      tpu.vector_store %arg19[%swap3A_552], %get3A_538 masked %and3A_543 {strides = array<i32>} : memref<2048xi32, #tpu.memory_space<vmem>>, vector<16xi32>, vector<16xi1>
      %add3A_554 = arith.addi %while3A_527, %squeeze3A : i32
      scf.yield %add3A_554 : i32
    }
    %add3A_116 = arith.constant 8192 : i32
    %add3A_117 = arith.addi %mul3A_2, %add3A_116 : i32
    %add3A_118 = arith.constant 12288 : i32
    %add3A_119 = arith.addi %mul3A_2, %add3A_118 : i32
    %min3A_120 = arith.minsi %add3A_119, %add3A_8 : i32
    %while3A_121 = arith.constant 0 : i32
    %while3A_122 = arith.constant 0 : i32
    %while3A_123 = arith.subi %div3A_83, %while3A_121 : i32
    %while3A_124 = arith.addi %while3A_121, %while3A_123 : i32
    %while3A_125 = arith.constant 1 : i32
    %while3A_126 = arith.divsi %while3A_123, %while3A_125 : i32
    %while3A_127 = arith.muli %while3A_126, %while3A_125 : i32
    %while3A_128 = arith.addi %while3A_121, %while3A_127 : i32
    %while3A_129 = arith.constant 1 : i32
    %while3A_130 = scf.for %while3A_526 = %while3A_121 to %while3A_128 step %while3A_129 iter_args(%while3A_527 = %while3A_122) -> (i32)  : i32 {
      %mul3A_528 = arith.constant 16 : i32
      %mul3A_529 = arith.muli %while3A_526, %mul3A_528 : i32
      %add3A_530 = vector.broadcast %mul3A_529 : i32 to vector<16xi32>
      %add3A_531 = arith.addi %add3A_530, %iota3A : vector<16xi32>
      %mul3A_532 = arith.constant 16 : i32
      %mul3A_533 = arith.muli %while3A_526, %mul3A_532 : i32
      %get3A = arith.index_cast %mul3A_533 : i32 to index
      %get3A_534 = tpu.vector_load %arg14[%get3A] {strides = array<i32>} : memref<1536xi32, #tpu.memory_space<vmem>>, vector<16xi32>,
      %mul3A_535 = arith.constant 16 : i32
      %mul3A_536 = arith.muli %while3A_526, %mul3A_535 : i32
      %get3A_537 = arith.index_cast %mul3A_536 : i32 to index
      %get3A_538 = tpu.vector_load %arg15[%get3A_537] {strides = array<i32>} : memref<1536xi32, #tpu.memory_space<vmem>>, vector<16xi32>,
      %lt3A = vector.broadcast %scan3A_72 : i32 to vector<16xi32>
      %lt3A_539 = arith.cmpi slt, %add3A_531, %lt3A : vector<16xi32>
      %ge3A = vector.broadcast %add3A_117 : i32 to vector<16xi32>
      %ge3A_540 = arith.cmpi sge, %get3A_534, %ge3A : vector<16xi32>
      %and3A = arith.andi %lt3A_539, %ge3A_540 : vector<16xi1>
      %lt3A_541 = vector.broadcast %min3A_120 : i32 to vector<16xi32>
      %lt3A_542 = arith.cmpi slt, %get3A_534, %lt3A_541 : vector<16xi32>
      %and3A_543 = arith.andi %and3A, %lt3A_542 : vector<16xi1>
      %all_reduce_population_count3A = tpu.all_reduce %and3A_543 {dim = 0 : i64, kind = #tpu.reduction_kind<sum>} : vector<16xi1> -> vector<16xi32>
      %slice3A = vector.extract_strided_slice %all_reduce_population_count3A {offsets = [0], sizes = [1], strides = [1]} : vector<16xi32> to vector<1xi32>
      %squeeze3A = vector.extract %slice3A[0] : i32 from vector<1xi32>
      %min3A_544 = arith.constant 240 : i32
      %min3A_545 = arith.minsi %while3A_527, %min3A_544 : i32
      %add3A_546 = arith.constant 512 : i32
      %add3A_547 = arith.addi %add3A_546, %min3A_545 : i32
      %swap3A_548 = arith.index_cast %add3A_547 : i32 to index
      %swap3A_549 = tpu.vector_load %arg18[%swap3A_548] masked %and3A_543 {strides = array<i32>} : memref<2048xi32, #tpu.memory_space<vmem>>, vector<16xi32>, vector<16xi1>
      tpu.vector_store %arg18[%swap3A_548], %get3A_534 masked %and3A_543 {strides = array<i32>} : memref<2048xi32, #tpu.memory_space<vmem>>, vector<16xi32>, vector<16xi1>
      %add3A_550 = arith.constant 512 : i32
      %add3A_551 = arith.addi %add3A_550, %min3A_545 : i32
      %swap3A_552 = arith.index_cast %add3A_551 : i32 to index
      %swap3A_553 = tpu.vector_load %arg19[%swap3A_552] masked %and3A_543 {strides = array<i32>} : memref<2048xi32, #tpu.memory_space<vmem>>, vector<16xi32>, vector<16xi1>
      tpu.vector_store %arg19[%swap3A_552], %get3A_538 masked %and3A_543 {strides = array<i32>} : memref<2048xi32, #tpu.memory_space<vmem>>, vector<16xi32>, vector<16xi1>
      %add3A_554 = arith.addi %while3A_527, %squeeze3A : i32
      scf.yield %add3A_554 : i32
    }
    %while3A_131 = arith.constant 1 : i32
    %while3A_132 = scf.for %while3A_526 = %while3A_128 to %while3A_124 step %while3A_131 iter_args(%while3A_527 = %while3A_130) -> (i32)  : i32 {
      %mul3A_528 = arith.constant 16 : i32
      %mul3A_529 = arith.muli %while3A_526, %mul3A_528 : i32
      %add3A_530 = vector.broadcast %mul3A_529 : i32 to vector<16xi32>
      %add3A_531 = arith.addi %add3A_530, %iota3A : vector<16xi32>
      %mul3A_532 = arith.constant 16 : i32
      %mul3A_533 = arith.muli %while3A_526, %mul3A_532 : i32
      %get3A = arith.index_cast %mul3A_533 : i32 to index
      %get3A_534 = tpu.vector_load %arg14[%get3A] {strides = array<i32>} : memref<1536xi32, #tpu.memory_space<vmem>>, vector<16xi32>,
      %mul3A_535 = arith.constant 16 : i32
      %mul3A_536 = arith.muli %while3A_526, %mul3A_535 : i32
      %get3A_537 = arith.index_cast %mul3A_536 : i32 to index
      %get3A_538 = tpu.vector_load %arg15[%get3A_537] {strides = array<i32>} : memref<1536xi32, #tpu.memory_space<vmem>>, vector<16xi32>,
      %lt3A = vector.broadcast %scan3A_72 : i32 to vector<16xi32>
      %lt3A_539 = arith.cmpi slt, %add3A_531, %lt3A : vector<16xi32>
      %ge3A = vector.broadcast %add3A_117 : i32 to vector<16xi32>
      %ge3A_540 = arith.cmpi sge, %get3A_534, %ge3A : vector<16xi32>
      %and3A = arith.andi %lt3A_539, %ge3A_540 : vector<16xi1>
      %lt3A_541 = vector.broadcast %min3A_120 : i32 to vector<16xi32>
      %lt3A_542 = arith.cmpi slt, %get3A_534, %lt3A_541 : vector<16xi32>
      %and3A_543 = arith.andi %and3A, %lt3A_542 : vector<16xi1>
      %all_reduce_population_count3A = tpu.all_reduce %and3A_543 {dim = 0 : i64, kind = #tpu.reduction_kind<sum>} : vector<16xi1> -> vector<16xi32>
      %slice3A = vector.extract_strided_slice %all_reduce_population_count3A {offsets = [0], sizes = [1], strides = [1]} : vector<16xi32> to vector<1xi32>
      %squeeze3A = vector.extract %slice3A[0] : i32 from vector<1xi32>
      %min3A_544 = arith.constant 240 : i32
      %min3A_545 = arith.minsi %while3A_527, %min3A_544 : i32
      %add3A_546 = arith.constant 512 : i32
      %add3A_547 = arith.addi %add3A_546, %min3A_545 : i32
      %swap3A_548 = arith.index_cast %add3A_547 : i32 to index
      %swap3A_549 = tpu.vector_load %arg18[%swap3A_548] masked %and3A_543 {strides = array<i32>} : memref<2048xi32, #tpu.memory_space<vmem>>, vector<16xi32>, vector<16xi1>
      tpu.vector_store %arg18[%swap3A_548], %get3A_534 masked %and3A_543 {strides = array<i32>} : memref<2048xi32, #tpu.memory_space<vmem>>, vector<16xi32>, vector<16xi1>
      %add3A_550 = arith.constant 512 : i32
      %add3A_551 = arith.addi %add3A_550, %min3A_545 : i32
      %swap3A_552 = arith.index_cast %add3A_551 : i32 to index
      %swap3A_553 = tpu.vector_load %arg19[%swap3A_552] masked %and3A_543 {strides = array<i32>} : memref<2048xi32, #tpu.memory_space<vmem>>, vector<16xi32>, vector<16xi1>
      tpu.vector_store %arg19[%swap3A_552], %get3A_538 masked %and3A_543 {strides = array<i32>} : memref<2048xi32, #tpu.memory_space<vmem>>, vector<16xi32>, vector<16xi1>
      %add3A_554 = arith.addi %while3A_527, %squeeze3A : i32
      scf.yield %add3A_554 : i32
    }
    %add3A_133 = arith.constant 12288 : i32
    %add3A_134 = arith.addi %mul3A_2, %add3A_133 : i32
    %add3A_135 = arith.constant 16384 : i32
    %add3A_136 = arith.addi %mul3A_2, %add3A_135 : i32
    %min3A_137 = arith.minsi %add3A_136, %add3A_8 : i32
    %while3A_138 = arith.constant 0 : i32
    %while3A_139 = arith.constant 0 : i32
    %while3A_140 = arith.subi %div3A_83, %while3A_138 : i32
    %while3A_141 = arith.addi %while3A_138, %while3A_140 : i32
    %while3A_142 = arith.constant 1 : i32
    %while3A_143 = arith.divsi %while3A_140, %while3A_142 : i32
    %while3A_144 = arith.muli %while3A_143, %while3A_142 : i32
    %while3A_145 = arith.addi %while3A_138, %while3A_144 : i32
    %while3A_146 = arith.constant 1 : i32
    %while3A_147 = scf.for %while3A_526 = %while3A_138 to %while3A_145 step %while3A_146 iter_args(%while3A_527 = %while3A_139) -> (i32)  : i32 {
      %mul3A_528 = arith.constant 16 : i32
      %mul3A_529 = arith.muli %while3A_526, %mul3A_528 : i32
      %add3A_530 = vector.broadcast %mul3A_529 : i32 to vector<16xi32>
      %add3A_531 = arith.addi %add3A_530, %iota3A : vector<16xi32>
      %mul3A_532 = arith.constant 16 : i32
      %mul3A_533 = arith.muli %while3A_526, %mul3A_532 : i32
      %get3A = arith.index_cast %mul3A_533 : i32 to index
      %get3A_534 = tpu.vector_load %arg14[%get3A] {strides = array<i32>} : memref<1536xi32, #tpu.memory_space<vmem>>, vector<16xi32>,
      %mul3A_535 = arith.constant 16 : i32
      %mul3A_536 = arith.muli %while3A_526, %mul3A_535 : i32
      %get3A_537 = arith.index_cast %mul3A_536 : i32 to index
      %get3A_538 = tpu.vector_load %arg15[%get3A_537] {strides = array<i32>} : memref<1536xi32, #tpu.memory_space<vmem>>, vector<16xi32>,
      %lt3A = vector.broadcast %scan3A_72 : i32 to vector<16xi32>
      %lt3A_539 = arith.cmpi slt, %add3A_531, %lt3A : vector<16xi32>
      %ge3A = vector.broadcast %add3A_134 : i32 to vector<16xi32>
      %ge3A_540 = arith.cmpi sge, %get3A_534, %ge3A : vector<16xi32>
      %and3A = arith.andi %lt3A_539, %ge3A_540 : vector<16xi1>
      %lt3A_541 = vector.broadcast %min3A_137 : i32 to vector<16xi32>
      %lt3A_542 = arith.cmpi slt, %get3A_534, %lt3A_541 : vector<16xi32>
      %and3A_543 = arith.andi %and3A, %lt3A_542 : vector<16xi1>
      %all_reduce_population_count3A = tpu.all_reduce %and3A_543 {dim = 0 : i64, kind = #tpu.reduction_kind<sum>} : vector<16xi1> -> vector<16xi32>
      %slice3A = vector.extract_strided_slice %all_reduce_population_count3A {offsets = [0], sizes = [1], strides = [1]} : vector<16xi32> to vector<1xi32>
      %squeeze3A = vector.extract %slice3A[0] : i32 from vector<1xi32>
      %min3A_544 = arith.constant 240 : i32
      %min3A_545 = arith.minsi %while3A_527, %min3A_544 : i32
      %add3A_546 = arith.constant 768 : i32
      %add3A_547 = arith.addi %add3A_546, %min3A_545 : i32
      %swap3A_548 = arith.index_cast %add3A_547 : i32 to index
      %swap3A_549 = tpu.vector_load %arg18[%swap3A_548] masked %and3A_543 {strides = array<i32>} : memref<2048xi32, #tpu.memory_space<vmem>>, vector<16xi32>, vector<16xi1>
      tpu.vector_store %arg18[%swap3A_548], %get3A_534 masked %and3A_543 {strides = array<i32>} : memref<2048xi32, #tpu.memory_space<vmem>>, vector<16xi32>, vector<16xi1>
      %add3A_550 = arith.constant 768 : i32
      %add3A_551 = arith.addi %add3A_550, %min3A_545 : i32
      %swap3A_552 = arith.index_cast %add3A_551 : i32 to index
      %swap3A_553 = tpu.vector_load %arg19[%swap3A_552] masked %and3A_543 {strides = array<i32>} : memref<2048xi32, #tpu.memory_space<vmem>>, vector<16xi32>, vector<16xi1>
      tpu.vector_store %arg19[%swap3A_552], %get3A_538 masked %and3A_543 {strides = array<i32>} : memref<2048xi32, #tpu.memory_space<vmem>>, vector<16xi32>, vector<16xi1>
      %add3A_554 = arith.addi %while3A_527, %squeeze3A : i32
      scf.yield %add3A_554 : i32
    }
    %while3A_148 = arith.constant 1 : i32
    %while3A_149 = scf.for %while3A_526 = %while3A_145 to %while3A_141 step %while3A_148 iter_args(%while3A_527 = %while3A_147) -> (i32)  : i32 {
      %mul3A_528 = arith.constant 16 : i32
      %mul3A_529 = arith.muli %while3A_526, %mul3A_528 : i32
      %add3A_530 = vector.broadcast %mul3A_529 : i32 to vector<16xi32>
      %add3A_531 = arith.addi %add3A_530, %iota3A : vector<16xi32>
      %mul3A_532 = arith.constant 16 : i32
      %mul3A_533 = arith.muli %while3A_526, %mul3A_532 : i32
      %get3A = arith.index_cast %mul3A_533 : i32 to index
      %get3A_534 = tpu.vector_load %arg14[%get3A] {strides = array<i32>} : memref<1536xi32, #tpu.memory_space<vmem>>, vector<16xi32>,
      %mul3A_535 = arith.constant 16 : i32
      %mul3A_536 = arith.muli %while3A_526, %mul3A_535 : i32
      %get3A_537 = arith.index_cast %mul3A_536 : i32 to index
      %get3A_538 = tpu.vector_load %arg15[%get3A_537] {strides = array<i32>} : memref<1536xi32, #tpu.memory_space<vmem>>, vector<16xi32>,
      %lt3A = vector.broadcast %scan3A_72 : i32 to vector<16xi32>
      %lt3A_539 = arith.cmpi slt, %add3A_531, %lt3A : vector<16xi32>
      %ge3A = vector.broadcast %add3A_134 : i32 to vector<16xi32>
      %ge3A_540 = arith.cmpi sge, %get3A_534, %ge3A : vector<16xi32>
      %and3A = arith.andi %lt3A_539, %ge3A_540 : vector<16xi1>
      %lt3A_541 = vector.broadcast %min3A_137 : i32 to vector<16xi32>
      %lt3A_542 = arith.cmpi slt, %get3A_534, %lt3A_541 : vector<16xi32>
      %and3A_543 = arith.andi %and3A, %lt3A_542 : vector<16xi1>
      %all_reduce_population_count3A = tpu.all_reduce %and3A_543 {dim = 0 : i64, kind = #tpu.reduction_kind<sum>} : vector<16xi1> -> vector<16xi32>
      %slice3A = vector.extract_strided_slice %all_reduce_population_count3A {offsets = [0], sizes = [1], strides = [1]} : vector<16xi32> to vector<1xi32>
      %squeeze3A = vector.extract %slice3A[0] : i32 from vector<1xi32>
      %min3A_544 = arith.constant 240 : i32
      %min3A_545 = arith.minsi %while3A_527, %min3A_544 : i32
      %add3A_546 = arith.constant 768 : i32
      %add3A_547 = arith.addi %add3A_546, %min3A_545 : i32
      %swap3A_548 = arith.index_cast %add3A_547 : i32 to index
      %swap3A_549 = tpu.vector_load %arg18[%swap3A_548] masked %and3A_543 {strides = array<i32>} : memref<2048xi32, #tpu.memory_space<vmem>>, vector<16xi32>, vector<16xi1>
      tpu.vector_store %arg18[%swap3A_548], %get3A_534 masked %and3A_543 {strides = array<i32>} : memref<2048xi32, #tpu.memory_space<vmem>>, vector<16xi32>, vector<16xi1>
      %add3A_550 = arith.constant 768 : i32
      %add3A_551 = arith.addi %add3A_550, %min3A_545 : i32
      %swap3A_552 = arith.index_cast %add3A_551 : i32 to index
      %swap3A_553 = tpu.vector_load %arg19[%swap3A_552] masked %and3A_543 {strides = array<i32>} : memref<2048xi32, #tpu.memory_space<vmem>>, vector<16xi32>, vector<16xi1>
      tpu.vector_store %arg19[%swap3A_552], %get3A_538 masked %and3A_543 {strides = array<i32>} : memref<2048xi32, #tpu.memory_space<vmem>>, vector<16xi32>, vector<16xi1>
      %add3A_554 = arith.addi %while3A_527, %squeeze3A : i32
      scf.yield %add3A_554 : i32
    }
    %add3A_150 = arith.constant 16384 : i32
    %add3A_151 = arith.addi %mul3A_2, %add3A_150 : i32
    %add3A_152 = arith.constant 20480 : i32
    %add3A_153 = arith.addi %mul3A_2, %add3A_152 : i32
    %min3A_154 = arith.minsi %add3A_153, %add3A_8 : i32
    %while3A_155 = arith.constant 0 : i32
    %while3A_156 = arith.constant 0 : i32
    %while3A_157 = arith.subi %div3A_83, %while3A_155 : i32
    %while3A_158 = arith.addi %while3A_155, %while3A_157 : i32
    %while3A_159 = arith.constant 1 : i32
    %while3A_160 = arith.divsi %while3A_157, %while3A_159 : i32
    %while3A_161 = arith.muli %while3A_160, %while3A_159 : i32
    %while3A_162 = arith.addi %while3A_155, %while3A_161 : i32
    %while3A_163 = arith.constant 1 : i32
    %while3A_164 = scf.for %while3A_526 = %while3A_155 to %while3A_162 step %while3A_163 iter_args(%while3A_527 = %while3A_156) -> (i32)  : i32 {
      %mul3A_528 = arith.constant 16 : i32
      %mul3A_529 = arith.muli %while3A_526, %mul3A_528 : i32
      %add3A_530 = vector.broadcast %mul3A_529 : i32 to vector<16xi32>
      %add3A_531 = arith.addi %add3A_530, %iota3A : vector<16xi32>
      %mul3A_532 = arith.constant 16 : i32
      %mul3A_533 = arith.muli %while3A_526, %mul3A_532 : i32
      %get3A = arith.index_cast %mul3A_533 : i32 to index
      %get3A_534 = tpu.vector_load %arg14[%get3A] {strides = array<i32>} : memref<1536xi32, #tpu.memory_space<vmem>>, vector<16xi32>,
      %mul3A_535 = arith.constant 16 : i32
      %mul3A_536 = arith.muli %while3A_526, %mul3A_535 : i32
      %get3A_537 = arith.index_cast %mul3A_536 : i32 to index
      %get3A_538 = tpu.vector_load %arg15[%get3A_537] {strides = array<i32>} : memref<1536xi32, #tpu.memory_space<vmem>>, vector<16xi32>,
      %lt3A = vector.broadcast %scan3A_72 : i32 to vector<16xi32>
      %lt3A_539 = arith.cmpi slt, %add3A_531, %lt3A : vector<16xi32>
      %ge3A = vector.broadcast %add3A_151 : i32 to vector<16xi32>
      %ge3A_540 = arith.cmpi sge, %get3A_534, %ge3A : vector<16xi32>
      %and3A = arith.andi %lt3A_539, %ge3A_540 : vector<16xi1>
      %lt3A_541 = vector.broadcast %min3A_154 : i32 to vector<16xi32>
      %lt3A_542 = arith.cmpi slt, %get3A_534, %lt3A_541 : vector<16xi32>
      %and3A_543 = arith.andi %and3A, %lt3A_542 : vector<16xi1>
      %all_reduce_population_count3A = tpu.all_reduce %and3A_543 {dim = 0 : i64, kind = #tpu.reduction_kind<sum>} : vector<16xi1> -> vector<16xi32>
      %slice3A = vector.extract_strided_slice %all_reduce_population_count3A {offsets = [0], sizes = [1], strides = [1]} : vector<16xi32> to vector<1xi32>
      %squeeze3A = vector.extract %slice3A[0] : i32 from vector<1xi32>
      %min3A_544 = arith.constant 240 : i32
      %min3A_545 = arith.minsi %while3A_527, %min3A_544 : i32
      %add3A_546 = arith.constant 1024 : i32
      %add3A_547 = arith.addi %add3A_546, %min3A_545 : i32
      %swap3A_548 = arith.index_cast %add3A_547 : i32 to index
      %swap3A_549 = tpu.vector_load %arg18[%swap3A_548] masked %and3A_543 {strides = array<i32>} : memref<2048xi32, #tpu.memory_space<vmem>>, vector<16xi32>, vector<16xi1>
      tpu.vector_store %arg18[%swap3A_548], %get3A_534 masked %and3A_543 {strides = array<i32>} : memref<2048xi32, #tpu.memory_space<vmem>>, vector<16xi32>, vector<16xi1>
      %add3A_550 = arith.constant 1024 : i32
      %add3A_551 = arith.addi %add3A_550, %min3A_545 : i32
      %swap3A_552 = arith.index_cast %add3A_551 : i32 to index
      %swap3A_553 = tpu.vector_load %arg19[%swap3A_552] masked %and3A_543 {strides = array<i32>} : memref<2048xi32, #tpu.memory_space<vmem>>, vector<16xi32>, vector<16xi1>
      tpu.vector_store %arg19[%swap3A_552], %get3A_538 masked %and3A_543 {strides = array<i32>} : memref<2048xi32, #tpu.memory_space<vmem>>, vector<16xi32>, vector<16xi1>
      %add3A_554 = arith.addi %while3A_527, %squeeze3A : i32
      scf.yield %add3A_554 : i32
    }
    %while3A_165 = arith.constant 1 : i32
    %while3A_166 = scf.for %while3A_526 = %while3A_162 to %while3A_158 step %while3A_165 iter_args(%while3A_527 = %while3A_164) -> (i32)  : i32 {
      %mul3A_528 = arith.constant 16 : i32
      %mul3A_529 = arith.muli %while3A_526, %mul3A_528 : i32
      %add3A_530 = vector.broadcast %mul3A_529 : i32 to vector<16xi32>
      %add3A_531 = arith.addi %add3A_530, %iota3A : vector<16xi32>
      %mul3A_532 = arith.constant 16 : i32
      %mul3A_533 = arith.muli %while3A_526, %mul3A_532 : i32
      %get3A = arith.index_cast %mul3A_533 : i32 to index
      %get3A_534 = tpu.vector_load %arg14[%get3A] {strides = array<i32>} : memref<1536xi32, #tpu.memory_space<vmem>>, vector<16xi32>,
      %mul3A_535 = arith.constant 16 : i32
      %mul3A_536 = arith.muli %while3A_526, %mul3A_535 : i32
      %get3A_537 = arith.index_cast %mul3A_536 : i32 to index
      %get3A_538 = tpu.vector_load %arg15[%get3A_537] {strides = array<i32>} : memref<1536xi32, #tpu.memory_space<vmem>>, vector<16xi32>,
      %lt3A = vector.broadcast %scan3A_72 : i32 to vector<16xi32>
      %lt3A_539 = arith.cmpi slt, %add3A_531, %lt3A : vector<16xi32>
      %ge3A = vector.broadcast %add3A_151 : i32 to vector<16xi32>
      %ge3A_540 = arith.cmpi sge, %get3A_534, %ge3A : vector<16xi32>
      %and3A = arith.andi %lt3A_539, %ge3A_540 : vector<16xi1>
      %lt3A_541 = vector.broadcast %min3A_154 : i32 to vector<16xi32>
      %lt3A_542 = arith.cmpi slt, %get3A_534, %lt3A_541 : vector<16xi32>
      %and3A_543 = arith.andi %and3A, %lt3A_542 : vector<16xi1>
      %all_reduce_population_count3A = tpu.all_reduce %and3A_543 {dim = 0 : i64, kind = #tpu.reduction_kind<sum>} : vector<16xi1> -> vector<16xi32>
      %slice3A = vector.extract_strided_slice %all_reduce_population_count3A {offsets = [0], sizes = [1], strides = [1]} : vector<16xi32> to vector<1xi32>
      %squeeze3A = vector.extract %slice3A[0] : i32 from vector<1xi32>
      %min3A_544 = arith.constant 240 : i32
      %min3A_545 = arith.minsi %while3A_527, %min3A_544 : i32
      %add3A_546 = arith.constant 1024 : i32
      %add3A_547 = arith.addi %add3A_546, %min3A_545 : i32
      %swap3A_548 = arith.index_cast %add3A_547 : i32 to index
      %swap3A_549 = tpu.vector_load %arg18[%swap3A_548] masked %and3A_543 {strides = array<i32>} : memref<2048xi32, #tpu.memory_space<vmem>>, vector<16xi32>, vector<16xi1>
      tpu.vector_store %arg18[%swap3A_548], %get3A_534 masked %and3A_543 {strides = array<i32>} : memref<2048xi32, #tpu.memory_space<vmem>>, vector<16xi32>, vector<16xi1>
      %add3A_550 = arith.constant 1024 : i32
      %add3A_551 = arith.addi %add3A_550, %min3A_545 : i32
      %swap3A_552 = arith.index_cast %add3A_551 : i32 to index
      %swap3A_553 = tpu.vector_load %arg19[%swap3A_552] masked %and3A_543 {strides = array<i32>} : memref<2048xi32, #tpu.memory_space<vmem>>, vector<16xi32>, vector<16xi1>
      tpu.vector_store %arg19[%swap3A_552], %get3A_538 masked %and3A_543 {strides = array<i32>} : memref<2048xi32, #tpu.memory_space<vmem>>, vector<16xi32>, vector<16xi1>
      %add3A_554 = arith.addi %while3A_527, %squeeze3A : i32
      scf.yield %add3A_554 : i32
    }
    %add3A_167 = arith.constant 20480 : i32
    %add3A_168 = arith.addi %mul3A_2, %add3A_167 : i32
    %add3A_169 = arith.constant 24576 : i32
    %add3A_170 = arith.addi %mul3A_2, %add3A_169 : i32
    %min3A_171 = arith.minsi %add3A_170, %add3A_8 : i32
    %while3A_172 = arith.constant 0 : i32
    %while3A_173 = arith.constant 0 : i32
    %while3A_174 = arith.subi %div3A_83, %while3A_172 : i32
    %while3A_175 = arith.addi %while3A_172, %while3A_174 : i32
    %while3A_176 = arith.constant 1 : i32
    %while3A_177 = arith.divsi %while3A_174, %while3A_176 : i32
    %while3A_178 = arith.muli %while3A_177, %while3A_176 : i32
    %while3A_179 = arith.addi %while3A_172, %while3A_178 : i32
    %while3A_180 = arith.constant 1 : i32
    %while3A_181 = scf.for %while3A_526 = %while3A_172 to %while3A_179 step %while3A_180 iter_args(%while3A_527 = %while3A_173) -> (i32)  : i32 {
      %mul3A_528 = arith.constant 16 : i32
      %mul3A_529 = arith.muli %while3A_526, %mul3A_528 : i32
      %add3A_530 = vector.broadcast %mul3A_529 : i32 to vector<16xi32>
      %add3A_531 = arith.addi %add3A_530, %iota3A : vector<16xi32>
      %mul3A_532 = arith.constant 16 : i32
      %mul3A_533 = arith.muli %while3A_526, %mul3A_532 : i32
      %get3A = arith.index_cast %mul3A_533 : i32 to index
      %get3A_534 = tpu.vector_load %arg14[%get3A] {strides = array<i32>} : memref<1536xi32, #tpu.memory_space<vmem>>, vector<16xi32>,
      %mul3A_535 = arith.constant 16 : i32
      %mul3A_536 = arith.muli %while3A_526, %mul3A_535 : i32
      %get3A_537 = arith.index_cast %mul3A_536 : i32 to index
      %get3A_538 = tpu.vector_load %arg15[%get3A_537] {strides = array<i32>} : memref<1536xi32, #tpu.memory_space<vmem>>, vector<16xi32>,
      %lt3A = vector.broadcast %scan3A_72 : i32 to vector<16xi32>
      %lt3A_539 = arith.cmpi slt, %add3A_531, %lt3A : vector<16xi32>
      %ge3A = vector.broadcast %add3A_168 : i32 to vector<16xi32>
      %ge3A_540 = arith.cmpi sge, %get3A_534, %ge3A : vector<16xi32>
      %and3A = arith.andi %lt3A_539, %ge3A_540 : vector<16xi1>
      %lt3A_541 = vector.broadcast %min3A_171 : i32 to vector<16xi32>
      %lt3A_542 = arith.cmpi slt, %get3A_534, %lt3A_541 : vector<16xi32>
      %and3A_543 = arith.andi %and3A, %lt3A_542 : vector<16xi1>
      %all_reduce_population_count3A = tpu.all_reduce %and3A_543 {dim = 0 : i64, kind = #tpu.reduction_kind<sum>} : vector<16xi1> -> vector<16xi32>
      %slice3A = vector.extract_strided_slice %all_reduce_population_count3A {offsets = [0], sizes = [1], strides = [1]} : vector<16xi32> to vector<1xi32>
      %squeeze3A = vector.extract %slice3A[0] : i32 from vector<1xi32>
      %min3A_544 = arith.constant 240 : i32
      %min3A_545 = arith.minsi %while3A_527, %min3A_544 : i32
      %add3A_546 = arith.constant 1280 : i32
      %add3A_547 = arith.addi %add3A_546, %min3A_545 : i32
      %swap3A_548 = arith.index_cast %add3A_547 : i32 to index
      %swap3A_549 = tpu.vector_load %arg18[%swap3A_548] masked %and3A_543 {strides = array<i32>} : memref<2048xi32, #tpu.memory_space<vmem>>, vector<16xi32>, vector<16xi1>
      tpu.vector_store %arg18[%swap3A_548], %get3A_534 masked %and3A_543 {strides = array<i32>} : memref<2048xi32, #tpu.memory_space<vmem>>, vector<16xi32>, vector<16xi1>
      %add3A_550 = arith.constant 1280 : i32
      %add3A_551 = arith.addi %add3A_550, %min3A_545 : i32
      %swap3A_552 = arith.index_cast %add3A_551 : i32 to index
      %swap3A_553 = tpu.vector_load %arg19[%swap3A_552] masked %and3A_543 {strides = array<i32>} : memref<2048xi32, #tpu.memory_space<vmem>>, vector<16xi32>, vector<16xi1>
      tpu.vector_store %arg19[%swap3A_552], %get3A_538 masked %and3A_543 {strides = array<i32>} : memref<2048xi32, #tpu.memory_space<vmem>>, vector<16xi32>, vector<16xi1>
      %add3A_554 = arith.addi %while3A_527, %squeeze3A : i32
      scf.yield %add3A_554 : i32
    }
    %while3A_182 = arith.constant 1 : i32
    %while3A_183 = scf.for %while3A_526 = %while3A_179 to %while3A_175 step %while3A_182 iter_args(%while3A_527 = %while3A_181) -> (i32)  : i32 {
      %mul3A_528 = arith.constant 16 : i32
      %mul3A_529 = arith.muli %while3A_526, %mul3A_528 : i32
      %add3A_530 = vector.broadcast %mul3A_529 : i32 to vector<16xi32>
      %add3A_531 = arith.addi %add3A_530, %iota3A : vector<16xi32>
      %mul3A_532 = arith.constant 16 : i32
      %mul3A_533 = arith.muli %while3A_526, %mul3A_532 : i32
      %get3A = arith.index_cast %mul3A_533 : i32 to index
      %get3A_534 = tpu.vector_load %arg14[%get3A] {strides = array<i32>} : memref<1536xi32, #tpu.memory_space<vmem>>, vector<16xi32>,
      %mul3A_535 = arith.constant 16 : i32
      %mul3A_536 = arith.muli %while3A_526, %mul3A_535 : i32
      %get3A_537 = arith.index_cast %mul3A_536 : i32 to index
      %get3A_538 = tpu.vector_load %arg15[%get3A_537] {strides = array<i32>} : memref<1536xi32, #tpu.memory_space<vmem>>, vector<16xi32>,
      %lt3A = vector.broadcast %scan3A_72 : i32 to vector<16xi32>
      %lt3A_539 = arith.cmpi slt, %add3A_531, %lt3A : vector<16xi32>
      %ge3A = vector.broadcast %add3A_168 : i32 to vector<16xi32>
      %ge3A_540 = arith.cmpi sge, %get3A_534, %ge3A : vector<16xi32>
      %and3A = arith.andi %lt3A_539, %ge3A_540 : vector<16xi1>
      %lt3A_541 = vector.broadcast %min3A_171 : i32 to vector<16xi32>
      %lt3A_542 = arith.cmpi slt, %get3A_534, %lt3A_541 : vector<16xi32>
      %and3A_543 = arith.andi %and3A, %lt3A_542 : vector<16xi1>
      %all_reduce_population_count3A = tpu.all_reduce %and3A_543 {dim = 0 : i64, kind = #tpu.reduction_kind<sum>} : vector<16xi1> -> vector<16xi32>
      %slice3A = vector.extract_strided_slice %all_reduce_population_count3A {offsets = [0], sizes = [1], strides = [1]} : vector<16xi32> to vector<1xi32>
      %squeeze3A = vector.extract %slice3A[0] : i32 from vector<1xi32>
      %min3A_544 = arith.constant 240 : i32
      %min3A_545 = arith.minsi %while3A_527, %min3A_544 : i32
      %add3A_546 = arith.constant 1280 : i32
      %add3A_547 = arith.addi %add3A_546, %min3A_545 : i32
      %swap3A_548 = arith.index_cast %add3A_547 : i32 to index
      %swap3A_549 = tpu.vector_load %arg18[%swap3A_548] masked %and3A_543 {strides = array<i32>} : memref<2048xi32, #tpu.memory_space<vmem>>, vector<16xi32>, vector<16xi1>
      tpu.vector_store %arg18[%swap3A_548], %get3A_534 masked %and3A_543 {strides = array<i32>} : memref<2048xi32, #tpu.memory_space<vmem>>, vector<16xi32>, vector<16xi1>
      %add3A_550 = arith.constant 1280 : i32
      %add3A_551 = arith.addi %add3A_550, %min3A_545 : i32
      %swap3A_552 = arith.index_cast %add3A_551 : i32 to index
      %swap3A_553 = tpu.vector_load %arg19[%swap3A_552] masked %and3A_543 {strides = array<i32>} : memref<2048xi32, #tpu.memory_space<vmem>>, vector<16xi32>, vector<16xi1>
      tpu.vector_store %arg19[%swap3A_552], %get3A_538 masked %and3A_543 {strides = array<i32>} : memref<2048xi32, #tpu.memory_space<vmem>>, vector<16xi32>, vector<16xi1>
      %add3A_554 = arith.addi %while3A_527, %squeeze3A : i32
      scf.yield %add3A_554 : i32
    }
    %add3A_184 = arith.constant 24576 : i32
    %add3A_185 = arith.addi %mul3A_2, %add3A_184 : i32
    %add3A_186 = arith.constant 28672 : i32
    %add3A_187 = arith.addi %mul3A_2, %add3A_186 : i32
    %min3A_188 = arith.minsi %add3A_187, %add3A_8 : i32
    %while3A_189 = arith.constant 0 : i32
    %while3A_190 = arith.constant 0 : i32
    %while3A_191 = arith.subi %div3A_83, %while3A_189 : i32
    %while3A_192 = arith.addi %while3A_189, %while3A_191 : i32
    %while3A_193 = arith.constant 1 : i32
    %while3A_194 = arith.divsi %while3A_191, %while3A_193 : i32
    %while3A_195 = arith.muli %while3A_194, %while3A_193 : i32
    %while3A_196 = arith.addi %while3A_189, %while3A_195 : i32
    %while3A_197 = arith.constant 1 : i32
    %while3A_198 = scf.for %while3A_526 = %while3A_189 to %while3A_196 step %while3A_197 iter_args(%while3A_527 = %while3A_190) -> (i32)  : i32 {
      %mul3A_528 = arith.constant 16 : i32
      %mul3A_529 = arith.muli %while3A_526, %mul3A_528 : i32
      %add3A_530 = vector.broadcast %mul3A_529 : i32 to vector<16xi32>
      %add3A_531 = arith.addi %add3A_530, %iota3A : vector<16xi32>
      %mul3A_532 = arith.constant 16 : i32
      %mul3A_533 = arith.muli %while3A_526, %mul3A_532 : i32
      %get3A = arith.index_cast %mul3A_533 : i32 to index
      %get3A_534 = tpu.vector_load %arg14[%get3A] {strides = array<i32>} : memref<1536xi32, #tpu.memory_space<vmem>>, vector<16xi32>,
      %mul3A_535 = arith.constant 16 : i32
      %mul3A_536 = arith.muli %while3A_526, %mul3A_535 : i32
      %get3A_537 = arith.index_cast %mul3A_536 : i32 to index
      %get3A_538 = tpu.vector_load %arg15[%get3A_537] {strides = array<i32>} : memref<1536xi32, #tpu.memory_space<vmem>>, vector<16xi32>,
      %lt3A = vector.broadcast %scan3A_72 : i32 to vector<16xi32>
      %lt3A_539 = arith.cmpi slt, %add3A_531, %lt3A : vector<16xi32>
      %ge3A = vector.broadcast %add3A_185 : i32 to vector<16xi32>
      %ge3A_540 = arith.cmpi sge, %get3A_534, %ge3A : vector<16xi32>
      %and3A = arith.andi %lt3A_539, %ge3A_540 : vector<16xi1>
      %lt3A_541 = vector.broadcast %min3A_188 : i32 to vector<16xi32>
      %lt3A_542 = arith.cmpi slt, %get3A_534, %lt3A_541 : vector<16xi32>
      %and3A_543 = arith.andi %and3A, %lt3A_542 : vector<16xi1>
      %all_reduce_population_count3A = tpu.all_reduce %and3A_543 {dim = 0 : i64, kind = #tpu.reduction_kind<sum>} : vector<16xi1> -> vector<16xi32>
      %slice3A = vector.extract_strided_slice %all_reduce_population_count3A {offsets = [0], sizes = [1], strides = [1]} : vector<16xi32> to vector<1xi32>
      %squeeze3A = vector.extract %slice3A[0] : i32 from vector<1xi32>
      %min3A_544 = arith.constant 240 : i32
      %min3A_545 = arith.minsi %while3A_527, %min3A_544 : i32
      %add3A_546 = arith.constant 1536 : i32
      %add3A_547 = arith.addi %add3A_546, %min3A_545 : i32
      %swap3A_548 = arith.index_cast %add3A_547 : i32 to index
      %swap3A_549 = tpu.vector_load %arg18[%swap3A_548] masked %and3A_543 {strides = array<i32>} : memref<2048xi32, #tpu.memory_space<vmem>>, vector<16xi32>, vector<16xi1>
      tpu.vector_store %arg18[%swap3A_548], %get3A_534 masked %and3A_543 {strides = array<i32>} : memref<2048xi32, #tpu.memory_space<vmem>>, vector<16xi32>, vector<16xi1>
      %add3A_550 = arith.constant 1536 : i32
      %add3A_551 = arith.addi %add3A_550, %min3A_545 : i32
      %swap3A_552 = arith.index_cast %add3A_551 : i32 to index
      %swap3A_553 = tpu.vector_load %arg19[%swap3A_552] masked %and3A_543 {strides = array<i32>} : memref<2048xi32, #tpu.memory_space<vmem>>, vector<16xi32>, vector<16xi1>
      tpu.vector_store %arg19[%swap3A_552], %get3A_538 masked %and3A_543 {strides = array<i32>} : memref<2048xi32, #tpu.memory_space<vmem>>, vector<16xi32>, vector<16xi1>
      %add3A_554 = arith.addi %while3A_527, %squeeze3A : i32
      scf.yield %add3A_554 : i32
    }
    %while3A_199 = arith.constant 1 : i32
    %while3A_200 = scf.for %while3A_526 = %while3A_196 to %while3A_192 step %while3A_199 iter_args(%while3A_527 = %while3A_198) -> (i32)  : i32 {
      %mul3A_528 = arith.constant 16 : i32
      %mul3A_529 = arith.muli %while3A_526, %mul3A_528 : i32
      %add3A_530 = vector.broadcast %mul3A_529 : i32 to vector<16xi32>
      %add3A_531 = arith.addi %add3A_530, %iota3A : vector<16xi32>
      %mul3A_532 = arith.constant 16 : i32
      %mul3A_533 = arith.muli %while3A_526, %mul3A_532 : i32
      %get3A = arith.index_cast %mul3A_533 : i32 to index
      %get3A_534 = tpu.vector_load %arg14[%get3A] {strides = array<i32>} : memref<1536xi32, #tpu.memory_space<vmem>>, vector<16xi32>,
      %mul3A_535 = arith.constant 16 : i32
      %mul3A_536 = arith.muli %while3A_526, %mul3A_535 : i32
      %get3A_537 = arith.index_cast %mul3A_536 : i32 to index
      %get3A_538 = tpu.vector_load %arg15[%get3A_537] {strides = array<i32>} : memref<1536xi32, #tpu.memory_space<vmem>>, vector<16xi32>,
      %lt3A = vector.broadcast %scan3A_72 : i32 to vector<16xi32>
      %lt3A_539 = arith.cmpi slt, %add3A_531, %lt3A : vector<16xi32>
      %ge3A = vector.broadcast %add3A_185 : i32 to vector<16xi32>
      %ge3A_540 = arith.cmpi sge, %get3A_534, %ge3A : vector<16xi32>
      %and3A = arith.andi %lt3A_539, %ge3A_540 : vector<16xi1>
      %lt3A_541 = vector.broadcast %min3A_188 : i32 to vector<16xi32>
      %lt3A_542 = arith.cmpi slt, %get3A_534, %lt3A_541 : vector<16xi32>
      %and3A_543 = arith.andi %and3A, %lt3A_542 : vector<16xi1>
      %all_reduce_population_count3A = tpu.all_reduce %and3A_543 {dim = 0 : i64, kind = #tpu.reduction_kind<sum>} : vector<16xi1> -> vector<16xi32>
      %slice3A = vector.extract_strided_slice %all_reduce_population_count3A {offsets = [0], sizes = [1], strides = [1]} : vector<16xi32> to vector<1xi32>
      %squeeze3A = vector.extract %slice3A[0] : i32 from vector<1xi32>
      %min3A_544 = arith.constant 240 : i32
      %min3A_545 = arith.minsi %while3A_527, %min3A_544 : i32
      %add3A_546 = arith.constant 1536 : i32
      %add3A_547 = arith.addi %add3A_546, %min3A_545 : i32
      %swap3A_548 = arith.index_cast %add3A_547 : i32 to index
      %swap3A_549 = tpu.vector_load %arg18[%swap3A_548] masked %and3A_543 {strides = array<i32>} : memref<2048xi32, #tpu.memory_space<vmem>>, vector<16xi32>, vector<16xi1>
      tpu.vector_store %arg18[%swap3A_548], %get3A_534 masked %and3A_543 {strides = array<i32>} : memref<2048xi32, #tpu.memory_space<vmem>>, vector<16xi32>, vector<16xi1>
      %add3A_550 = arith.constant 1536 : i32
      %add3A_551 = arith.addi %add3A_550, %min3A_545 : i32
      %swap3A_552 = arith.index_cast %add3A_551 : i32 to index
      %swap3A_553 = tpu.vector_load %arg19[%swap3A_552] masked %and3A_543 {strides = array<i32>} : memref<2048xi32, #tpu.memory_space<vmem>>, vector<16xi32>, vector<16xi1>
      tpu.vector_store %arg19[%swap3A_552], %get3A_538 masked %and3A_543 {strides = array<i32>} : memref<2048xi32, #tpu.memory_space<vmem>>, vector<16xi32>, vector<16xi1>
      %add3A_554 = arith.addi %while3A_527, %squeeze3A : i32
      scf.yield %add3A_554 : i32
    }
    %add3A_201 = arith.constant 28672 : i32
    %add3A_202 = arith.addi %mul3A_2, %add3A_201 : i32
    %add3A_203 = arith.constant 32768 : i32
    %add3A_204 = arith.addi %mul3A_2, %add3A_203 : i32
    %min3A_205 = arith.minsi %add3A_204, %add3A_8 : i32
    %while3A_206 = arith.constant 0 : i32
    %while3A_207 = arith.constant 0 : i32
    %while3A_208 = arith.subi %div3A_83, %while3A_206 : i32
    %while3A_209 = arith.addi %while3A_206, %while3A_208 : i32
    %while3A_210 = arith.constant 1 : i32
    %while3A_211 = arith.divsi %while3A_208, %while3A_210 : i32
    %while3A_212 = arith.muli %while3A_211, %while3A_210 : i32
    %while3A_213 = arith.addi %while3A_206, %while3A_212 : i32
    %while3A_214 = arith.constant 1 : i32
    %while3A_215 = scf.for %while3A_526 = %while3A_206 to %while3A_213 step %while3A_214 iter_args(%while3A_527 = %while3A_207) -> (i32)  : i32 {
      %mul3A_528 = arith.constant 16 : i32
      %mul3A_529 = arith.muli %while3A_526, %mul3A_528 : i32
      %add3A_530 = vector.broadcast %mul3A_529 : i32 to vector<16xi32>
      %add3A_531 = arith.addi %add3A_530, %iota3A : vector<16xi32>
      %mul3A_532 = arith.constant 16 : i32
      %mul3A_533 = arith.muli %while3A_526, %mul3A_532 : i32
      %get3A = arith.index_cast %mul3A_533 : i32 to index
      %get3A_534 = tpu.vector_load %arg14[%get3A] {strides = array<i32>} : memref<1536xi32, #tpu.memory_space<vmem>>, vector<16xi32>,
      %mul3A_535 = arith.constant 16 : i32
      %mul3A_536 = arith.muli %while3A_526, %mul3A_535 : i32
      %get3A_537 = arith.index_cast %mul3A_536 : i32 to index
      %get3A_538 = tpu.vector_load %arg15[%get3A_537] {strides = array<i32>} : memref<1536xi32, #tpu.memory_space<vmem>>, vector<16xi32>,
      %lt3A = vector.broadcast %scan3A_72 : i32 to vector<16xi32>
      %lt3A_539 = arith.cmpi slt, %add3A_531, %lt3A : vector<16xi32>
      %ge3A = vector.broadcast %add3A_202 : i32 to vector<16xi32>
      %ge3A_540 = arith.cmpi sge, %get3A_534, %ge3A : vector<16xi32>
      %and3A = arith.andi %lt3A_539, %ge3A_540 : vector<16xi1>
      %lt3A_541 = vector.broadcast %min3A_205 : i32 to vector<16xi32>
      %lt3A_542 = arith.cmpi slt, %get3A_534, %lt3A_541 : vector<16xi32>
      %and3A_543 = arith.andi %and3A, %lt3A_542 : vector<16xi1>
      %all_reduce_population_count3A = tpu.all_reduce %and3A_543 {dim = 0 : i64, kind = #tpu.reduction_kind<sum>} : vector<16xi1> -> vector<16xi32>
      %slice3A = vector.extract_strided_slice %all_reduce_population_count3A {offsets = [0], sizes = [1], strides = [1]} : vector<16xi32> to vector<1xi32>
      %squeeze3A = vector.extract %slice3A[0] : i32 from vector<1xi32>
      %min3A_544 = arith.constant 240 : i32
      %min3A_545 = arith.minsi %while3A_527, %min3A_544 : i32
      %add3A_546 = arith.constant 1792 : i32
      %add3A_547 = arith.addi %add3A_546, %min3A_545 : i32
      %swap3A_548 = arith.index_cast %add3A_547 : i32 to index
      %swap3A_549 = tpu.vector_load %arg18[%swap3A_548] masked %and3A_543 {strides = array<i32>} : memref<2048xi32, #tpu.memory_space<vmem>>, vector<16xi32>, vector<16xi1>
      tpu.vector_store %arg18[%swap3A_548], %get3A_534 masked %and3A_543 {strides = array<i32>} : memref<2048xi32, #tpu.memory_space<vmem>>, vector<16xi32>, vector<16xi1>
      %add3A_550 = arith.constant 1792 : i32
      %add3A_551 = arith.addi %add3A_550, %min3A_545 : i32
      %swap3A_552 = arith.index_cast %add3A_551 : i32 to index
      %swap3A_553 = tpu.vector_load %arg19[%swap3A_552] masked %and3A_543 {strides = array<i32>} : memref<2048xi32, #tpu.memory_space<vmem>>, vector<16xi32>, vector<16xi1>
      tpu.vector_store %arg19[%swap3A_552], %get3A_538 masked %and3A_543 {strides = array<i32>} : memref<2048xi32, #tpu.memory_space<vmem>>, vector<16xi32>, vector<16xi1>
      %add3A_554 = arith.addi %while3A_527, %squeeze3A : i32
      scf.yield %add3A_554 : i32
    }
    %while3A_216 = arith.constant 1 : i32
    %while3A_217 = scf.for %while3A_526 = %while3A_213 to %while3A_209 step %while3A_216 iter_args(%while3A_527 = %while3A_215) -> (i32)  : i32 {
      %mul3A_528 = arith.constant 16 : i32
      %mul3A_529 = arith.muli %while3A_526, %mul3A_528 : i32
      %add3A_530 = vector.broadcast %mul3A_529 : i32 to vector<16xi32>
      %add3A_531 = arith.addi %add3A_530, %iota3A : vector<16xi32>
      %mul3A_532 = arith.constant 16 : i32
      %mul3A_533 = arith.muli %while3A_526, %mul3A_532 : i32
      %get3A = arith.index_cast %mul3A_533 : i32 to index
      %get3A_534 = tpu.vector_load %arg14[%get3A] {strides = array<i32>} : memref<1536xi32, #tpu.memory_space<vmem>>, vector<16xi32>,
      %mul3A_535 = arith.constant 16 : i32
      %mul3A_536 = arith.muli %while3A_526, %mul3A_535 : i32
      %get3A_537 = arith.index_cast %mul3A_536 : i32 to index
      %get3A_538 = tpu.vector_load %arg15[%get3A_537] {strides = array<i32>} : memref<1536xi32, #tpu.memory_space<vmem>>, vector<16xi32>,
      %lt3A = vector.broadcast %scan3A_72 : i32 to vector<16xi32>
      %lt3A_539 = arith.cmpi slt, %add3A_531, %lt3A : vector<16xi32>
      %ge3A = vector.broadcast %add3A_202 : i32 to vector<16xi32>
      %ge3A_540 = arith.cmpi sge, %get3A_534, %ge3A : vector<16xi32>
      %and3A = arith.andi %lt3A_539, %ge3A_540 : vector<16xi1>
      %lt3A_541 = vector.broadcast %min3A_205 : i32 to vector<16xi32>
      %lt3A_542 = arith.cmpi slt, %get3A_534, %lt3A_541 : vector<16xi32>
      %and3A_543 = arith.andi %and3A, %lt3A_542 : vector<16xi1>
      %all_reduce_population_count3A = tpu.all_reduce %and3A_543 {dim = 0 : i64, kind = #tpu.reduction_kind<sum>} : vector<16xi1> -> vector<16xi32>
      %slice3A = vector.extract_strided_slice %all_reduce_population_count3A {offsets = [0], sizes = [1], strides = [1]} : vector<16xi32> to vector<1xi32>
      %squeeze3A = vector.extract %slice3A[0] : i32 from vector<1xi32>
      %min3A_544 = arith.constant 240 : i32
      %min3A_545 = arith.minsi %while3A_527, %min3A_544 : i32
      %add3A_546 = arith.constant 1792 : i32
      %add3A_547 = arith.addi %add3A_546, %min3A_545 : i32
      %swap3A_548 = arith.index_cast %add3A_547 : i32 to index
      %swap3A_549 = tpu.vector_load %arg18[%swap3A_548] masked %and3A_543 {strides = array<i32>} : memref<2048xi32, #tpu.memory_space<vmem>>, vector<16xi32>, vector<16xi1>
      tpu.vector_store %arg18[%swap3A_548], %get3A_534 masked %and3A_543 {strides = array<i32>} : memref<2048xi32, #tpu.memory_space<vmem>>, vector<16xi32>, vector<16xi1>
      %add3A_550 = arith.constant 1792 : i32
      %add3A_551 = arith.addi %add3A_550, %min3A_545 : i32
      %swap3A_552 = arith.index_cast %add3A_551 : i32 to index
      %swap3A_553 = tpu.vector_load %arg19[%swap3A_552] masked %and3A_543 {strides = array<i32>} : memref<2048xi32, #tpu.memory_space<vmem>>, vector<16xi32>, vector<16xi1>
      tpu.vector_store %arg19[%swap3A_552], %get3A_538 masked %and3A_543 {strides = array<i32>} : memref<2048xi32, #tpu.memory_space<vmem>>, vector<16xi32>, vector<16xi1>
      %add3A_554 = arith.addi %while3A_527, %squeeze3A : i32
      scf.yield %add3A_554 : i32
    }
    %broadcast_in_dim3A = arith.constant 0 : i32
    %broadcast_in_dim3A_218 = vector.broadcast %broadcast_in_dim3A : i32 to vector<16xi32>
    %eq3A_219 = arith.constant 0 : i32
    %eq3A_220 = vector.broadcast %eq3A_219 : i32 to vector<16xi32>
    %eq3A_221 = arith.cmpi eq, %iota3A, %eq3A_220 : vector<16xi32>
    %jit3A = arith.constant 0 : i32
    %broadcast_in_dim3A_222 = vector.broadcast %while3A_98 : i32 to vector<16xi32>
    %broadcast_in_dim3A_223 = vector.broadcast %jit3A : i32 to vector<16xi32>
    %select_n3A = arith.select %eq3A_221, %broadcast_in_dim3A_222, %broadcast_in_dim3A_223 : vector<16xi1>, vector<16xi32>
    %add3A_224 = arith.addi %broadcast_in_dim3A_218, %select_n3A : vector<16xi32>
    %eq3A_225 = arith.constant 1 : i32
    %eq3A_226 = vector.broadcast %eq3A_225 : i32 to vector<16xi32>
    %eq3A_227 = arith.cmpi eq, %iota3A, %eq3A_226 : vector<16xi32>
    %jit3A_228 = arith.constant 0 : i32
    %broadcast_in_dim3A_229 = vector.broadcast %while3A_115 : i32 to vector<16xi32>
    %broadcast_in_dim3A_230 = vector.broadcast %jit3A_228 : i32 to vector<16xi32>
    %select_n3A_231 = arith.select %eq3A_227, %broadcast_in_dim3A_229, %broadcast_in_dim3A_230 : vector<16xi1>, vector<16xi32>
    %add3A_232 = arith.addi %add3A_224, %select_n3A_231 : vector<16xi32>
    %eq3A_233 = arith.constant 2 : i32
    %eq3A_234 = vector.broadcast %eq3A_233 : i32 to vector<16xi32>
    %eq3A_235 = arith.cmpi eq, %iota3A, %eq3A_234 : vector<16xi32>
    %jit3A_236 = arith.constant 0 : i32
    %broadcast_in_dim3A_237 = vector.broadcast %while3A_132 : i32 to vector<16xi32>
    %broadcast_in_dim3A_238 = vector.broadcast %jit3A_236 : i32 to vector<16xi32>
    %select_n3A_239 = arith.select %eq3A_235, %broadcast_in_dim3A_237, %broadcast_in_dim3A_238 : vector<16xi1>, vector<16xi32>
    %add3A_240 = arith.addi %add3A_232, %select_n3A_239 : vector<16xi32>
    %eq3A_241 = arith.constant 3 : i32
    %eq3A_242 = vector.broadcast %eq3A_241 : i32 to vector<16xi32>
    %eq3A_243 = arith.cmpi eq, %iota3A, %eq3A_242 : vector<16xi32>
    %jit3A_244 = arith.constant 0 : i32
    %broadcast_in_dim3A_245 = vector.broadcast %while3A_149 : i32 to vector<16xi32>
    %broadcast_in_dim3A_246 = vector.broadcast %jit3A_244 : i32 to vector<16xi32>
    %select_n3A_247 = arith.select %eq3A_243, %broadcast_in_dim3A_245, %broadcast_in_dim3A_246 : vector<16xi1>, vector<16xi32>
    %add3A_248 = arith.addi %add3A_240, %select_n3A_247 : vector<16xi32>
    %eq3A_249 = arith.constant 4 : i32
    %eq3A_250 = vector.broadcast %eq3A_249 : i32 to vector<16xi32>
    %eq3A_251 = arith.cmpi eq, %iota3A, %eq3A_250 : vector<16xi32>
    %jit3A_252 = arith.constant 0 : i32
    %broadcast_in_dim3A_253 = vector.broadcast %while3A_166 : i32 to vector<16xi32>
    %broadcast_in_dim3A_254 = vector.broadcast %jit3A_252 : i32 to vector<16xi32>
    %select_n3A_255 = arith.select %eq3A_251, %broadcast_in_dim3A_253, %broadcast_in_dim3A_254 : vector<16xi1>, vector<16xi32>
    %add3A_256 = arith.addi %add3A_248, %select_n3A_255 : vector<16xi32>
    %eq3A_257 = arith.constant 5 : i32
    %eq3A_258 = vector.broadcast %eq3A_257 : i32 to vector<16xi32>
    %eq3A_259 = arith.cmpi eq, %iota3A, %eq3A_258 : vector<16xi32>
    %jit3A_260 = arith.constant 0 : i32
    %broadcast_in_dim3A_261 = vector.broadcast %while3A_183 : i32 to vector<16xi32>
    %broadcast_in_dim3A_262 = vector.broadcast %jit3A_260 : i32 to vector<16xi32>
    %select_n3A_263 = arith.select %eq3A_259, %broadcast_in_dim3A_261, %broadcast_in_dim3A_262 : vector<16xi1>, vector<16xi32>
    %add3A_264 = arith.addi %add3A_256, %select_n3A_263 : vector<16xi32>
    %eq3A_265 = arith.constant 6 : i32
    %eq3A_266 = vector.broadcast %eq3A_265 : i32 to vector<16xi32>
    %eq3A_267 = arith.cmpi eq, %iota3A, %eq3A_266 : vector<16xi32>
    %jit3A_268 = arith.constant 0 : i32
    %broadcast_in_dim3A_269 = vector.broadcast %while3A_200 : i32 to vector<16xi32>
    %broadcast_in_dim3A_270 = vector.broadcast %jit3A_268 : i32 to vector<16xi32>
    %select_n3A_271 = arith.select %eq3A_267, %broadcast_in_dim3A_269, %broadcast_in_dim3A_270 : vector<16xi1>, vector<16xi32>
    %add3A_272 = arith.addi %add3A_264, %select_n3A_271 : vector<16xi32>
    %eq3A_273 = arith.constant 7 : i32
    %eq3A_274 = vector.broadcast %eq3A_273 : i32 to vector<16xi32>
    %eq3A_275 = arith.cmpi eq, %iota3A, %eq3A_274 : vector<16xi32>
    %jit3A_276 = arith.constant 0 : i32
    %broadcast_in_dim3A_277 = vector.broadcast %while3A_217 : i32 to vector<16xi32>
    %broadcast_in_dim3A_278 = vector.broadcast %jit3A_276 : i32 to vector<16xi32>
    %select_n3A_279 = arith.select %eq3A_275, %broadcast_in_dim3A_277, %broadcast_in_dim3A_278 : vector<16xi1>, vector<16xi32>
    %add3A_280 = arith.addi %add3A_272, %select_n3A_279 : vector<16xi32>
    %swap3A = arith.constant 0 : index
    %swap3A_281 = tpu.vector_load %arg22[%swap3A] {strides = array<i32>} : memref<32xi32, #tpu.memory_space<vmem>>, vector<16xi32>,
    tpu.vector_store %arg22[%swap3A], %add3A_280 {strides = array<i32>} : memref<32xi32, #tpu.memory_space<vmem>>, vector<16xi32>,
    %add3A_282 = arith.constant 15 : i32
    %add3A_283 = arith.addi %scan3A_79, %add3A_282 : i32
    %div3A_284 = arith.constant 16 : i32
    %div3A_285 = arith.divsi %add3A_283, %div3A_284 : i32
    %add3A_286 = arith.constant 0 : i32
    %add3A_287 = arith.addi %mul3A_2, %add3A_286 : i32
    %add3A_288 = arith.constant 4096 : i32
    %add3A_289 = arith.addi %mul3A_2, %add3A_288 : i32
    %min3A_290 = arith.minsi %add3A_289, %add3A_8 : i32
    %while3A_291 = arith.constant 0 : i32
    %while3A_292 = arith.constant 0 : i32
    %while3A_293 = arith.subi %div3A_285, %while3A_291 : i32
    %while3A_294 = arith.addi %while3A_291, %while3A_293 : i32
    %while3A_295 = arith.constant 1 : i32
    %while3A_296 = arith.divsi %while3A_293, %while3A_295 : i32
    %while3A_297 = arith.muli %while3A_296, %while3A_295 : i32
    %while3A_298 = arith.addi %while3A_291, %while3A_297 : i32
    %while3A_299 = arith.constant 1 : i32
    %while3A_300 = scf.for %while3A_526 = %while3A_291 to %while3A_298 step %while3A_299 iter_args(%while3A_527 = %while3A_292) -> (i32)  : i32 {
      %mul3A_528 = arith.constant 16 : i32
      %mul3A_529 = arith.muli %while3A_526, %mul3A_528 : i32
      %add3A_530 = vector.broadcast %mul3A_529 : i32 to vector<16xi32>
      %add3A_531 = arith.addi %add3A_530, %iota3A : vector<16xi32>
      %mul3A_532 = arith.constant 16 : i32
      %mul3A_533 = arith.muli %while3A_526, %mul3A_532 : i32
      %get3A = arith.index_cast %mul3A_533 : i32 to index
      %get3A_534 = tpu.vector_load %arg16[%get3A] {strides = array<i32>} : memref<1536xi32, #tpu.memory_space<vmem>>, vector<16xi32>,
      %mul3A_535 = arith.constant 16 : i32
      %mul3A_536 = arith.muli %while3A_526, %mul3A_535 : i32
      %get3A_537 = arith.index_cast %mul3A_536 : i32 to index
      %get3A_538 = tpu.vector_load %arg17[%get3A_537] {strides = array<i32>} : memref<1536xi32, #tpu.memory_space<vmem>>, vector<16xi32>,
      %lt3A = vector.broadcast %scan3A_79 : i32 to vector<16xi32>
      %lt3A_539 = arith.cmpi slt, %add3A_531, %lt3A : vector<16xi32>
      %ge3A = vector.broadcast %add3A_287 : i32 to vector<16xi32>
      %ge3A_540 = arith.cmpi sge, %get3A_534, %ge3A : vector<16xi32>
      %and3A = arith.andi %lt3A_539, %ge3A_540 : vector<16xi1>
      %lt3A_541 = vector.broadcast %min3A_290 : i32 to vector<16xi32>
      %lt3A_542 = arith.cmpi slt, %get3A_534, %lt3A_541 : vector<16xi32>
      %and3A_543 = arith.andi %and3A, %lt3A_542 : vector<16xi1>
      %all_reduce_population_count3A = tpu.all_reduce %and3A_543 {dim = 0 : i64, kind = #tpu.reduction_kind<sum>} : vector<16xi1> -> vector<16xi32>
      %slice3A = vector.extract_strided_slice %all_reduce_population_count3A {offsets = [0], sizes = [1], strides = [1]} : vector<16xi32> to vector<1xi32>
      %squeeze3A = vector.extract %slice3A[0] : i32 from vector<1xi32>
      %min3A_544 = arith.constant 240 : i32
      %min3A_545 = arith.minsi %while3A_527, %min3A_544 : i32
      %add3A_546 = arith.constant 0 : i32
      %add3A_547 = arith.addi %add3A_546, %min3A_545 : i32
      %swap3A_548 = arith.index_cast %add3A_547 : i32 to index
      %swap3A_549 = tpu.vector_load %arg20[%swap3A_548] masked %and3A_543 {strides = array<i32>} : memref<2048xi32, #tpu.memory_space<vmem>>, vector<16xi32>, vector<16xi1>
      tpu.vector_store %arg20[%swap3A_548], %get3A_534 masked %and3A_543 {strides = array<i32>} : memref<2048xi32, #tpu.memory_space<vmem>>, vector<16xi32>, vector<16xi1>
      %add3A_550 = arith.constant 0 : i32
      %add3A_551 = arith.addi %add3A_550, %min3A_545 : i32
      %swap3A_552 = arith.index_cast %add3A_551 : i32 to index
      %swap3A_553 = tpu.vector_load %arg21[%swap3A_552] masked %and3A_543 {strides = array<i32>} : memref<2048xi32, #tpu.memory_space<vmem>>, vector<16xi32>, vector<16xi1>
      tpu.vector_store %arg21[%swap3A_552], %get3A_538 masked %and3A_543 {strides = array<i32>} : memref<2048xi32, #tpu.memory_space<vmem>>, vector<16xi32>, vector<16xi1>
      %add3A_554 = arith.addi %while3A_527, %squeeze3A : i32
      scf.yield %add3A_554 : i32
    }
    %while3A_301 = arith.constant 1 : i32
    %while3A_302 = scf.for %while3A_526 = %while3A_298 to %while3A_294 step %while3A_301 iter_args(%while3A_527 = %while3A_300) -> (i32)  : i32 {
      %mul3A_528 = arith.constant 16 : i32
      %mul3A_529 = arith.muli %while3A_526, %mul3A_528 : i32
      %add3A_530 = vector.broadcast %mul3A_529 : i32 to vector<16xi32>
      %add3A_531 = arith.addi %add3A_530, %iota3A : vector<16xi32>
      %mul3A_532 = arith.constant 16 : i32
      %mul3A_533 = arith.muli %while3A_526, %mul3A_532 : i32
      %get3A = arith.index_cast %mul3A_533 : i32 to index
      %get3A_534 = tpu.vector_load %arg16[%get3A] {strides = array<i32>} : memref<1536xi32, #tpu.memory_space<vmem>>, vector<16xi32>,
      %mul3A_535 = arith.constant 16 : i32
      %mul3A_536 = arith.muli %while3A_526, %mul3A_535 : i32
      %get3A_537 = arith.index_cast %mul3A_536 : i32 to index
      %get3A_538 = tpu.vector_load %arg17[%get3A_537] {strides = array<i32>} : memref<1536xi32, #tpu.memory_space<vmem>>, vector<16xi32>,
      %lt3A = vector.broadcast %scan3A_79 : i32 to vector<16xi32>
      %lt3A_539 = arith.cmpi slt, %add3A_531, %lt3A : vector<16xi32>
      %ge3A = vector.broadcast %add3A_287 : i32 to vector<16xi32>
      %ge3A_540 = arith.cmpi sge, %get3A_534, %ge3A : vector<16xi32>
      %and3A = arith.andi %lt3A_539, %ge3A_540 : vector<16xi1>
      %lt3A_541 = vector.broadcast %min3A_290 : i32 to vector<16xi32>
      %lt3A_542 = arith.cmpi slt, %get3A_534, %lt3A_541 : vector<16xi32>
      %and3A_543 = arith.andi %and3A, %lt3A_542 : vector<16xi1>
      %all_reduce_population_count3A = tpu.all_reduce %and3A_543 {dim = 0 : i64, kind = #tpu.reduction_kind<sum>} : vector<16xi1> -> vector<16xi32>
      %slice3A = vector.extract_strided_slice %all_reduce_population_count3A {offsets = [0], sizes = [1], strides = [1]} : vector<16xi32> to vector<1xi32>
      %squeeze3A = vector.extract %slice3A[0] : i32 from vector<1xi32>
      %min3A_544 = arith.constant 240 : i32
      %min3A_545 = arith.minsi %while3A_527, %min3A_544 : i32
      %add3A_546 = arith.constant 0 : i32
      %add3A_547 = arith.addi %add3A_546, %min3A_545 : i32
      %swap3A_548 = arith.index_cast %add3A_547 : i32 to index
      %swap3A_549 = tpu.vector_load %arg20[%swap3A_548] masked %and3A_543 {strides = array<i32>} : memref<2048xi32, #tpu.memory_space<vmem>>, vector<16xi32>, vector<16xi1>
      tpu.vector_store %arg20[%swap3A_548], %get3A_534 masked %and3A_543 {strides = array<i32>} : memref<2048xi32, #tpu.memory_space<vmem>>, vector<16xi32>, vector<16xi1>
      %add3A_550 = arith.constant 0 : i32
      %add3A_551 = arith.addi %add3A_550, %min3A_545 : i32
      %swap3A_552 = arith.index_cast %add3A_551 : i32 to index
      %swap3A_553 = tpu.vector_load %arg21[%swap3A_552] masked %and3A_543 {strides = array<i32>} : memref<2048xi32, #tpu.memory_space<vmem>>, vector<16xi32>, vector<16xi1>
      tpu.vector_store %arg21[%swap3A_552], %get3A_538 masked %and3A_543 {strides = array<i32>} : memref<2048xi32, #tpu.memory_space<vmem>>, vector<16xi32>, vector<16xi1>
      %add3A_554 = arith.addi %while3A_527, %squeeze3A : i32
      scf.yield %add3A_554 : i32
    }
    %add3A_303 = arith.constant 4096 : i32
    %add3A_304 = arith.addi %mul3A_2, %add3A_303 : i32
    %add3A_305 = arith.constant 8192 : i32
    %add3A_306 = arith.addi %mul3A_2, %add3A_305 : i32
    %min3A_307 = arith.minsi %add3A_306, %add3A_8 : i32
    %while3A_308 = arith.constant 0 : i32
    %while3A_309 = arith.constant 0 : i32
    %while3A_310 = arith.subi %div3A_285, %while3A_308 : i32
    %while3A_311 = arith.addi %while3A_308, %while3A_310 : i32
    %while3A_312 = arith.constant 1 : i32
    %while3A_313 = arith.divsi %while3A_310, %while3A_312 : i32
    %while3A_314 = arith.muli %while3A_313, %while3A_312 : i32
    %while3A_315 = arith.addi %while3A_308, %while3A_314 : i32
    %while3A_316 = arith.constant 1 : i32
    %while3A_317 = scf.for %while3A_526 = %while3A_308 to %while3A_315 step %while3A_316 iter_args(%while3A_527 = %while3A_309) -> (i32)  : i32 {
      %mul3A_528 = arith.constant 16 : i32
      %mul3A_529 = arith.muli %while3A_526, %mul3A_528 : i32
      %add3A_530 = vector.broadcast %mul3A_529 : i32 to vector<16xi32>
      %add3A_531 = arith.addi %add3A_530, %iota3A : vector<16xi32>
      %mul3A_532 = arith.constant 16 : i32
      %mul3A_533 = arith.muli %while3A_526, %mul3A_532 : i32
      %get3A = arith.index_cast %mul3A_533 : i32 to index
      %get3A_534 = tpu.vector_load %arg16[%get3A] {strides = array<i32>} : memref<1536xi32, #tpu.memory_space<vmem>>, vector<16xi32>,
      %mul3A_535 = arith.constant 16 : i32
      %mul3A_536 = arith.muli %while3A_526, %mul3A_535 : i32
      %get3A_537 = arith.index_cast %mul3A_536 : i32 to index
      %get3A_538 = tpu.vector_load %arg17[%get3A_537] {strides = array<i32>} : memref<1536xi32, #tpu.memory_space<vmem>>, vector<16xi32>,
      %lt3A = vector.broadcast %scan3A_79 : i32 to vector<16xi32>
      %lt3A_539 = arith.cmpi slt, %add3A_531, %lt3A : vector<16xi32>
      %ge3A = vector.broadcast %add3A_304 : i32 to vector<16xi32>
      %ge3A_540 = arith.cmpi sge, %get3A_534, %ge3A : vector<16xi32>
      %and3A = arith.andi %lt3A_539, %ge3A_540 : vector<16xi1>
      %lt3A_541 = vector.broadcast %min3A_307 : i32 to vector<16xi32>
      %lt3A_542 = arith.cmpi slt, %get3A_534, %lt3A_541 : vector<16xi32>
      %and3A_543 = arith.andi %and3A, %lt3A_542 : vector<16xi1>
      %all_reduce_population_count3A = tpu.all_reduce %and3A_543 {dim = 0 : i64, kind = #tpu.reduction_kind<sum>} : vector<16xi1> -> vector<16xi32>
      %slice3A = vector.extract_strided_slice %all_reduce_population_count3A {offsets = [0], sizes = [1], strides = [1]} : vector<16xi32> to vector<1xi32>
      %squeeze3A = vector.extract %slice3A[0] : i32 from vector<1xi32>
      %min3A_544 = arith.constant 240 : i32
      %min3A_545 = arith.minsi %while3A_527, %min3A_544 : i32
      %add3A_546 = arith.constant 256 : i32
      %add3A_547 = arith.addi %add3A_546, %min3A_545 : i32
      %swap3A_548 = arith.index_cast %add3A_547 : i32 to index
      %swap3A_549 = tpu.vector_load %arg20[%swap3A_548] masked %and3A_543 {strides = array<i32>} : memref<2048xi32, #tpu.memory_space<vmem>>, vector<16xi32>, vector<16xi1>
      tpu.vector_store %arg20[%swap3A_548], %get3A_534 masked %and3A_543 {strides = array<i32>} : memref<2048xi32, #tpu.memory_space<vmem>>, vector<16xi32>, vector<16xi1>
      %add3A_550 = arith.constant 256 : i32
      %add3A_551 = arith.addi %add3A_550, %min3A_545 : i32
      %swap3A_552 = arith.index_cast %add3A_551 : i32 to index
      %swap3A_553 = tpu.vector_load %arg21[%swap3A_552] masked %and3A_543 {strides = array<i32>} : memref<2048xi32, #tpu.memory_space<vmem>>, vector<16xi32>, vector<16xi1>
      tpu.vector_store %arg21[%swap3A_552], %get3A_538 masked %and3A_543 {strides = array<i32>} : memref<2048xi32, #tpu.memory_space<vmem>>, vector<16xi32>, vector<16xi1>
      %add3A_554 = arith.addi %while3A_527, %squeeze3A : i32
      scf.yield %add3A_554 : i32
    }
    %while3A_318 = arith.constant 1 : i32
    %while3A_319 = scf.for %while3A_526 = %while3A_315 to %while3A_311 step %while3A_318 iter_args(%while3A_527 = %while3A_317) -> (i32)  : i32 {
      %mul3A_528 = arith.constant 16 : i32
      %mul3A_529 = arith.muli %while3A_526, %mul3A_528 : i32
      %add3A_530 = vector.broadcast %mul3A_529 : i32 to vector<16xi32>
      %add3A_531 = arith.addi %add3A_530, %iota3A : vector<16xi32>
      %mul3A_532 = arith.constant 16 : i32
      %mul3A_533 = arith.muli %while3A_526, %mul3A_532 : i32
      %get3A = arith.index_cast %mul3A_533 : i32 to index
      %get3A_534 = tpu.vector_load %arg16[%get3A] {strides = array<i32>} : memref<1536xi32, #tpu.memory_space<vmem>>, vector<16xi32>,
      %mul3A_535 = arith.constant 16 : i32
      %mul3A_536 = arith.muli %while3A_526, %mul3A_535 : i32
      %get3A_537 = arith.index_cast %mul3A_536 : i32 to index
      %get3A_538 = tpu.vector_load %arg17[%get3A_537] {strides = array<i32>} : memref<1536xi32, #tpu.memory_space<vmem>>, vector<16xi32>,
      %lt3A = vector.broadcast %scan3A_79 : i32 to vector<16xi32>
      %lt3A_539 = arith.cmpi slt, %add3A_531, %lt3A : vector<16xi32>
      %ge3A = vector.broadcast %add3A_304 : i32 to vector<16xi32>
      %ge3A_540 = arith.cmpi sge, %get3A_534, %ge3A : vector<16xi32>
      %and3A = arith.andi %lt3A_539, %ge3A_540 : vector<16xi1>
      %lt3A_541 = vector.broadcast %min3A_307 : i32 to vector<16xi32>
      %lt3A_542 = arith.cmpi slt, %get3A_534, %lt3A_541 : vector<16xi32>
      %and3A_543 = arith.andi %and3A, %lt3A_542 : vector<16xi1>
      %all_reduce_population_count3A = tpu.all_reduce %and3A_543 {dim = 0 : i64, kind = #tpu.reduction_kind<sum>} : vector<16xi1> -> vector<16xi32>
      %slice3A = vector.extract_strided_slice %all_reduce_population_count3A {offsets = [0], sizes = [1], strides = [1]} : vector<16xi32> to vector<1xi32>
      %squeeze3A = vector.extract %slice3A[0] : i32 from vector<1xi32>
      %min3A_544 = arith.constant 240 : i32
      %min3A_545 = arith.minsi %while3A_527, %min3A_544 : i32
      %add3A_546 = arith.constant 256 : i32
      %add3A_547 = arith.addi %add3A_546, %min3A_545 : i32
      %swap3A_548 = arith.index_cast %add3A_547 : i32 to index
      %swap3A_549 = tpu.vector_load %arg20[%swap3A_548] masked %and3A_543 {strides = array<i32>} : memref<2048xi32, #tpu.memory_space<vmem>>, vector<16xi32>, vector<16xi1>
      tpu.vector_store %arg20[%swap3A_548], %get3A_534 masked %and3A_543 {strides = array<i32>} : memref<2048xi32, #tpu.memory_space<vmem>>, vector<16xi32>, vector<16xi1>
      %add3A_550 = arith.constant 256 : i32
      %add3A_551 = arith.addi %add3A_550, %min3A_545 : i32
      %swap3A_552 = arith.index_cast %add3A_551 : i32 to index
      %swap3A_553 = tpu.vector_load %arg21[%swap3A_552] masked %and3A_543 {strides = array<i32>} : memref<2048xi32, #tpu.memory_space<vmem>>, vector<16xi32>, vector<16xi1>
      tpu.vector_store %arg21[%swap3A_552], %get3A_538 masked %and3A_543 {strides = array<i32>} : memref<2048xi32, #tpu.memory_space<vmem>>, vector<16xi32>, vector<16xi1>
      %add3A_554 = arith.addi %while3A_527, %squeeze3A : i32
      scf.yield %add3A_554 : i32
    }
    %add3A_320 = arith.constant 8192 : i32
    %add3A_321 = arith.addi %mul3A_2, %add3A_320 : i32
    %add3A_322 = arith.constant 12288 : i32
    %add3A_323 = arith.addi %mul3A_2, %add3A_322 : i32
    %min3A_324 = arith.minsi %add3A_323, %add3A_8 : i32
    %while3A_325 = arith.constant 0 : i32
    %while3A_326 = arith.constant 0 : i32
    %while3A_327 = arith.subi %div3A_285, %while3A_325 : i32
    %while3A_328 = arith.addi %while3A_325, %while3A_327 : i32
    %while3A_329 = arith.constant 1 : i32
    %while3A_330 = arith.divsi %while3A_327, %while3A_329 : i32
    %while3A_331 = arith.muli %while3A_330, %while3A_329 : i32
    %while3A_332 = arith.addi %while3A_325, %while3A_331 : i32
    %while3A_333 = arith.constant 1 : i32
    %while3A_334 = scf.for %while3A_526 = %while3A_325 to %while3A_332 step %while3A_333 iter_args(%while3A_527 = %while3A_326) -> (i32)  : i32 {
      %mul3A_528 = arith.constant 16 : i32
      %mul3A_529 = arith.muli %while3A_526, %mul3A_528 : i32
      %add3A_530 = vector.broadcast %mul3A_529 : i32 to vector<16xi32>
      %add3A_531 = arith.addi %add3A_530, %iota3A : vector<16xi32>
      %mul3A_532 = arith.constant 16 : i32
      %mul3A_533 = arith.muli %while3A_526, %mul3A_532 : i32
      %get3A = arith.index_cast %mul3A_533 : i32 to index
      %get3A_534 = tpu.vector_load %arg16[%get3A] {strides = array<i32>} : memref<1536xi32, #tpu.memory_space<vmem>>, vector<16xi32>,
      %mul3A_535 = arith.constant 16 : i32
      %mul3A_536 = arith.muli %while3A_526, %mul3A_535 : i32
      %get3A_537 = arith.index_cast %mul3A_536 : i32 to index
      %get3A_538 = tpu.vector_load %arg17[%get3A_537] {strides = array<i32>} : memref<1536xi32, #tpu.memory_space<vmem>>, vector<16xi32>,
      %lt3A = vector.broadcast %scan3A_79 : i32 to vector<16xi32>
      %lt3A_539 = arith.cmpi slt, %add3A_531, %lt3A : vector<16xi32>
      %ge3A = vector.broadcast %add3A_321 : i32 to vector<16xi32>
      %ge3A_540 = arith.cmpi sge, %get3A_534, %ge3A : vector<16xi32>
      %and3A = arith.andi %lt3A_539, %ge3A_540 : vector<16xi1>
      %lt3A_541 = vector.broadcast %min3A_324 : i32 to vector<16xi32>
      %lt3A_542 = arith.cmpi slt, %get3A_534, %lt3A_541 : vector<16xi32>
      %and3A_543 = arith.andi %and3A, %lt3A_542 : vector<16xi1>
      %all_reduce_population_count3A = tpu.all_reduce %and3A_543 {dim = 0 : i64, kind = #tpu.reduction_kind<sum>} : vector<16xi1> -> vector<16xi32>
      %slice3A = vector.extract_strided_slice %all_reduce_population_count3A {offsets = [0], sizes = [1], strides = [1]} : vector<16xi32> to vector<1xi32>
      %squeeze3A = vector.extract %slice3A[0] : i32 from vector<1xi32>
      %min3A_544 = arith.constant 240 : i32
      %min3A_545 = arith.minsi %while3A_527, %min3A_544 : i32
      %add3A_546 = arith.constant 512 : i32
      %add3A_547 = arith.addi %add3A_546, %min3A_545 : i32
      %swap3A_548 = arith.index_cast %add3A_547 : i32 to index
      %swap3A_549 = tpu.vector_load %arg20[%swap3A_548] masked %and3A_543 {strides = array<i32>} : memref<2048xi32, #tpu.memory_space<vmem>>, vector<16xi32>, vector<16xi1>
      tpu.vector_store %arg20[%swap3A_548], %get3A_534 masked %and3A_543 {strides = array<i32>} : memref<2048xi32, #tpu.memory_space<vmem>>, vector<16xi32>, vector<16xi1>
      %add3A_550 = arith.constant 512 : i32
      %add3A_551 = arith.addi %add3A_550, %min3A_545 : i32
      %swap3A_552 = arith.index_cast %add3A_551 : i32 to index
      %swap3A_553 = tpu.vector_load %arg21[%swap3A_552] masked %and3A_543 {strides = array<i32>} : memref<2048xi32, #tpu.memory_space<vmem>>, vector<16xi32>, vector<16xi1>
      tpu.vector_store %arg21[%swap3A_552], %get3A_538 masked %and3A_543 {strides = array<i32>} : memref<2048xi32, #tpu.memory_space<vmem>>, vector<16xi32>, vector<16xi1>
      %add3A_554 = arith.addi %while3A_527, %squeeze3A : i32
      scf.yield %add3A_554 : i32
    }
    %while3A_335 = arith.constant 1 : i32
    %while3A_336 = scf.for %while3A_526 = %while3A_332 to %while3A_328 step %while3A_335 iter_args(%while3A_527 = %while3A_334) -> (i32)  : i32 {
      %mul3A_528 = arith.constant 16 : i32
      %mul3A_529 = arith.muli %while3A_526, %mul3A_528 : i32
      %add3A_530 = vector.broadcast %mul3A_529 : i32 to vector<16xi32>
      %add3A_531 = arith.addi %add3A_530, %iota3A : vector<16xi32>
      %mul3A_532 = arith.constant 16 : i32
      %mul3A_533 = arith.muli %while3A_526, %mul3A_532 : i32
      %get3A = arith.index_cast %mul3A_533 : i32 to index
      %get3A_534 = tpu.vector_load %arg16[%get3A] {strides = array<i32>} : memref<1536xi32, #tpu.memory_space<vmem>>, vector<16xi32>,
      %mul3A_535 = arith.constant 16 : i32
      %mul3A_536 = arith.muli %while3A_526, %mul3A_535 : i32
      %get3A_537 = arith.index_cast %mul3A_536 : i32 to index
      %get3A_538 = tpu.vector_load %arg17[%get3A_537] {strides = array<i32>} : memref<1536xi32, #tpu.memory_space<vmem>>, vector<16xi32>,
      %lt3A = vector.broadcast %scan3A_79 : i32 to vector<16xi32>
      %lt3A_539 = arith.cmpi slt, %add3A_531, %lt3A : vector<16xi32>
      %ge3A = vector.broadcast %add3A_321 : i32 to vector<16xi32>
      %ge3A_540 = arith.cmpi sge, %get3A_534, %ge3A : vector<16xi32>
      %and3A = arith.andi %lt3A_539, %ge3A_540 : vector<16xi1>
      %lt3A_541 = vector.broadcast %min3A_324 : i32 to vector<16xi32>
      %lt3A_542 = arith.cmpi slt, %get3A_534, %lt3A_541 : vector<16xi32>
      %and3A_543 = arith.andi %and3A, %lt3A_542 : vector<16xi1>
      %all_reduce_population_count3A = tpu.all_reduce %and3A_543 {dim = 0 : i64, kind = #tpu.reduction_kind<sum>} : vector<16xi1> -> vector<16xi32>
      %slice3A = vector.extract_strided_slice %all_reduce_population_count3A {offsets = [0], sizes = [1], strides = [1]} : vector<16xi32> to vector<1xi32>
      %squeeze3A = vector.extract %slice3A[0] : i32 from vector<1xi32>
      %min3A_544 = arith.constant 240 : i32
      %min3A_545 = arith.minsi %while3A_527, %min3A_544 : i32
      %add3A_546 = arith.constant 512 : i32
      %add3A_547 = arith.addi %add3A_546, %min3A_545 : i32
      %swap3A_548 = arith.index_cast %add3A_547 : i32 to index
      %swap3A_549 = tpu.vector_load %arg20[%swap3A_548] masked %and3A_543 {strides = array<i32>} : memref<2048xi32, #tpu.memory_space<vmem>>, vector<16xi32>, vector<16xi1>
      tpu.vector_store %arg20[%swap3A_548], %get3A_534 masked %and3A_543 {strides = array<i32>} : memref<2048xi32, #tpu.memory_space<vmem>>, vector<16xi32>, vector<16xi1>
      %add3A_550 = arith.constant 512 : i32
      %add3A_551 = arith.addi %add3A_550, %min3A_545 : i32
      %swap3A_552 = arith.index_cast %add3A_551 : i32 to index
      %swap3A_553 = tpu.vector_load %arg21[%swap3A_552] masked %and3A_543 {strides = array<i32>} : memref<2048xi32, #tpu.memory_space<vmem>>, vector<16xi32>, vector<16xi1>
      tpu.vector_store %arg21[%swap3A_552], %get3A_538 masked %and3A_543 {strides = array<i32>} : memref<2048xi32, #tpu.memory_space<vmem>>, vector<16xi32>, vector<16xi1>
      %add3A_554 = arith.addi %while3A_527, %squeeze3A : i32
      scf.yield %add3A_554 : i32
    }
    %add3A_337 = arith.constant 12288 : i32
    %add3A_338 = arith.addi %mul3A_2, %add3A_337 : i32
    %add3A_339 = arith.constant 16384 : i32
    %add3A_340 = arith.addi %mul3A_2, %add3A_339 : i32
    %min3A_341 = arith.minsi %add3A_340, %add3A_8 : i32
    %while3A_342 = arith.constant 0 : i32
    %while3A_343 = arith.constant 0 : i32
    %while3A_344 = arith.subi %div3A_285, %while3A_342 : i32
    %while3A_345 = arith.addi %while3A_342, %while3A_344 : i32
    %while3A_346 = arith.constant 1 : i32
    %while3A_347 = arith.divsi %while3A_344, %while3A_346 : i32
    %while3A_348 = arith.muli %while3A_347, %while3A_346 : i32
    %while3A_349 = arith.addi %while3A_342, %while3A_348 : i32
    %while3A_350 = arith.constant 1 : i32
    %while3A_351 = scf.for %while3A_526 = %while3A_342 to %while3A_349 step %while3A_350 iter_args(%while3A_527 = %while3A_343) -> (i32)  : i32 {
      %mul3A_528 = arith.constant 16 : i32
      %mul3A_529 = arith.muli %while3A_526, %mul3A_528 : i32
      %add3A_530 = vector.broadcast %mul3A_529 : i32 to vector<16xi32>
      %add3A_531 = arith.addi %add3A_530, %iota3A : vector<16xi32>
      %mul3A_532 = arith.constant 16 : i32
      %mul3A_533 = arith.muli %while3A_526, %mul3A_532 : i32
      %get3A = arith.index_cast %mul3A_533 : i32 to index
      %get3A_534 = tpu.vector_load %arg16[%get3A] {strides = array<i32>} : memref<1536xi32, #tpu.memory_space<vmem>>, vector<16xi32>,
      %mul3A_535 = arith.constant 16 : i32
      %mul3A_536 = arith.muli %while3A_526, %mul3A_535 : i32
      %get3A_537 = arith.index_cast %mul3A_536 : i32 to index
      %get3A_538 = tpu.vector_load %arg17[%get3A_537] {strides = array<i32>} : memref<1536xi32, #tpu.memory_space<vmem>>, vector<16xi32>,
      %lt3A = vector.broadcast %scan3A_79 : i32 to vector<16xi32>
      %lt3A_539 = arith.cmpi slt, %add3A_531, %lt3A : vector<16xi32>
      %ge3A = vector.broadcast %add3A_338 : i32 to vector<16xi32>
      %ge3A_540 = arith.cmpi sge, %get3A_534, %ge3A : vector<16xi32>
      %and3A = arith.andi %lt3A_539, %ge3A_540 : vector<16xi1>
      %lt3A_541 = vector.broadcast %min3A_341 : i32 to vector<16xi32>
      %lt3A_542 = arith.cmpi slt, %get3A_534, %lt3A_541 : vector<16xi32>
      %and3A_543 = arith.andi %and3A, %lt3A_542 : vector<16xi1>
      %all_reduce_population_count3A = tpu.all_reduce %and3A_543 {dim = 0 : i64, kind = #tpu.reduction_kind<sum>} : vector<16xi1> -> vector<16xi32>
      %slice3A = vector.extract_strided_slice %all_reduce_population_count3A {offsets = [0], sizes = [1], strides = [1]} : vector<16xi32> to vector<1xi32>
      %squeeze3A = vector.extract %slice3A[0] : i32 from vector<1xi32>
      %min3A_544 = arith.constant 240 : i32
      %min3A_545 = arith.minsi %while3A_527, %min3A_544 : i32
      %add3A_546 = arith.constant 768 : i32
      %add3A_547 = arith.addi %add3A_546, %min3A_545 : i32
      %swap3A_548 = arith.index_cast %add3A_547 : i32 to index
      %swap3A_549 = tpu.vector_load %arg20[%swap3A_548] masked %and3A_543 {strides = array<i32>} : memref<2048xi32, #tpu.memory_space<vmem>>, vector<16xi32>, vector<16xi1>
      tpu.vector_store %arg20[%swap3A_548], %get3A_534 masked %and3A_543 {strides = array<i32>} : memref<2048xi32, #tpu.memory_space<vmem>>, vector<16xi32>, vector<16xi1>
      %add3A_550 = arith.constant 768 : i32
      %add3A_551 = arith.addi %add3A_550, %min3A_545 : i32
      %swap3A_552 = arith.index_cast %add3A_551 : i32 to index
      %swap3A_553 = tpu.vector_load %arg21[%swap3A_552] masked %and3A_543 {strides = array<i32>} : memref<2048xi32, #tpu.memory_space<vmem>>, vector<16xi32>, vector<16xi1>
      tpu.vector_store %arg21[%swap3A_552], %get3A_538 masked %and3A_543 {strides = array<i32>} : memref<2048xi32, #tpu.memory_space<vmem>>, vector<16xi32>, vector<16xi1>
      %add3A_554 = arith.addi %while3A_527, %squeeze3A : i32
      scf.yield %add3A_554 : i32
    }
    %while3A_352 = arith.constant 1 : i32
    %while3A_353 = scf.for %while3A_526 = %while3A_349 to %while3A_345 step %while3A_352 iter_args(%while3A_527 = %while3A_351) -> (i32)  : i32 {
      %mul3A_528 = arith.constant 16 : i32
      %mul3A_529 = arith.muli %while3A_526, %mul3A_528 : i32
      %add3A_530 = vector.broadcast %mul3A_529 : i32 to vector<16xi32>
      %add3A_531 = arith.addi %add3A_530, %iota3A : vector<16xi32>
      %mul3A_532 = arith.constant 16 : i32
      %mul3A_533 = arith.muli %while3A_526, %mul3A_532 : i32
      %get3A = arith.index_cast %mul3A_533 : i32 to index
      %get3A_534 = tpu.vector_load %arg16[%get3A] {strides = array<i32>} : memref<1536xi32, #tpu.memory_space<vmem>>, vector<16xi32>,
      %mul3A_535 = arith.constant 16 : i32
      %mul3A_536 = arith.muli %while3A_526, %mul3A_535 : i32
      %get3A_537 = arith.index_cast %mul3A_536 : i32 to index
      %get3A_538 = tpu.vector_load %arg17[%get3A_537] {strides = array<i32>} : memref<1536xi32, #tpu.memory_space<vmem>>, vector<16xi32>,
      %lt3A = vector.broadcast %scan3A_79 : i32 to vector<16xi32>
      %lt3A_539 = arith.cmpi slt, %add3A_531, %lt3A : vector<16xi32>
      %ge3A = vector.broadcast %add3A_338 : i32 to vector<16xi32>
      %ge3A_540 = arith.cmpi sge, %get3A_534, %ge3A : vector<16xi32>
      %and3A = arith.andi %lt3A_539, %ge3A_540 : vector<16xi1>
      %lt3A_541 = vector.broadcast %min3A_341 : i32 to vector<16xi32>
      %lt3A_542 = arith.cmpi slt, %get3A_534, %lt3A_541 : vector<16xi32>
      %and3A_543 = arith.andi %and3A, %lt3A_542 : vector<16xi1>
      %all_reduce_population_count3A = tpu.all_reduce %and3A_543 {dim = 0 : i64, kind = #tpu.reduction_kind<sum>} : vector<16xi1> -> vector<16xi32>
      %slice3A = vector.extract_strided_slice %all_reduce_population_count3A {offsets = [0], sizes = [1], strides = [1]} : vector<16xi32> to vector<1xi32>
      %squeeze3A = vector.extract %slice3A[0] : i32 from vector<1xi32>
      %min3A_544 = arith.constant 240 : i32
      %min3A_545 = arith.minsi %while3A_527, %min3A_544 : i32
      %add3A_546 = arith.constant 768 : i32
      %add3A_547 = arith.addi %add3A_546, %min3A_545 : i32
      %swap3A_548 = arith.index_cast %add3A_547 : i32 to index
      %swap3A_549 = tpu.vector_load %arg20[%swap3A_548] masked %and3A_543 {strides = array<i32>} : memref<2048xi32, #tpu.memory_space<vmem>>, vector<16xi32>, vector<16xi1>
      tpu.vector_store %arg20[%swap3A_548], %get3A_534 masked %and3A_543 {strides = array<i32>} : memref<2048xi32, #tpu.memory_space<vmem>>, vector<16xi32>, vector<16xi1>
      %add3A_550 = arith.constant 768 : i32
      %add3A_551 = arith.addi %add3A_550, %min3A_545 : i32
      %swap3A_552 = arith.index_cast %add3A_551 : i32 to index
      %swap3A_553 = tpu.vector_load %arg21[%swap3A_552] masked %and3A_543 {strides = array<i32>} : memref<2048xi32, #tpu.memory_space<vmem>>, vector<16xi32>, vector<16xi1>
      tpu.vector_store %arg21[%swap3A_552], %get3A_538 masked %and3A_543 {strides = array<i32>} : memref<2048xi32, #tpu.memory_space<vmem>>, vector<16xi32>, vector<16xi1>
      %add3A_554 = arith.addi %while3A_527, %squeeze3A : i32
      scf.yield %add3A_554 : i32
    }
    %add3A_354 = arith.constant 16384 : i32
    %add3A_355 = arith.addi %mul3A_2, %add3A_354 : i32
    %add3A_356 = arith.constant 20480 : i32
    %add3A_357 = arith.addi %mul3A_2, %add3A_356 : i32
    %min3A_358 = arith.minsi %add3A_357, %add3A_8 : i32
    %while3A_359 = arith.constant 0 : i32
    %while3A_360 = arith.constant 0 : i32
    %while3A_361 = arith.subi %div3A_285, %while3A_359 : i32
    %while3A_362 = arith.addi %while3A_359, %while3A_361 : i32
    %while3A_363 = arith.constant 1 : i32
    %while3A_364 = arith.divsi %while3A_361, %while3A_363 : i32
    %while3A_365 = arith.muli %while3A_364, %while3A_363 : i32
    %while3A_366 = arith.addi %while3A_359, %while3A_365 : i32
    %while3A_367 = arith.constant 1 : i32
    %while3A_368 = scf.for %while3A_526 = %while3A_359 to %while3A_366 step %while3A_367 iter_args(%while3A_527 = %while3A_360) -> (i32)  : i32 {
      %mul3A_528 = arith.constant 16 : i32
      %mul3A_529 = arith.muli %while3A_526, %mul3A_528 : i32
      %add3A_530 = vector.broadcast %mul3A_529 : i32 to vector<16xi32>
      %add3A_531 = arith.addi %add3A_530, %iota3A : vector<16xi32>
      %mul3A_532 = arith.constant 16 : i32
      %mul3A_533 = arith.muli %while3A_526, %mul3A_532 : i32
      %get3A = arith.index_cast %mul3A_533 : i32 to index
      %get3A_534 = tpu.vector_load %arg16[%get3A] {strides = array<i32>} : memref<1536xi32, #tpu.memory_space<vmem>>, vector<16xi32>,
      %mul3A_535 = arith.constant 16 : i32
      %mul3A_536 = arith.muli %while3A_526, %mul3A_535 : i32
      %get3A_537 = arith.index_cast %mul3A_536 : i32 to index
      %get3A_538 = tpu.vector_load %arg17[%get3A_537] {strides = array<i32>} : memref<1536xi32, #tpu.memory_space<vmem>>, vector<16xi32>,
      %lt3A = vector.broadcast %scan3A_79 : i32 to vector<16xi32>
      %lt3A_539 = arith.cmpi slt, %add3A_531, %lt3A : vector<16xi32>
      %ge3A = vector.broadcast %add3A_355 : i32 to vector<16xi32>
      %ge3A_540 = arith.cmpi sge, %get3A_534, %ge3A : vector<16xi32>
      %and3A = arith.andi %lt3A_539, %ge3A_540 : vector<16xi1>
      %lt3A_541 = vector.broadcast %min3A_358 : i32 to vector<16xi32>
      %lt3A_542 = arith.cmpi slt, %get3A_534, %lt3A_541 : vector<16xi32>
      %and3A_543 = arith.andi %and3A, %lt3A_542 : vector<16xi1>
      %all_reduce_population_count3A = tpu.all_reduce %and3A_543 {dim = 0 : i64, kind = #tpu.reduction_kind<sum>} : vector<16xi1> -> vector<16xi32>
      %slice3A = vector.extract_strided_slice %all_reduce_population_count3A {offsets = [0], sizes = [1], strides = [1]} : vector<16xi32> to vector<1xi32>
      %squeeze3A = vector.extract %slice3A[0] : i32 from vector<1xi32>
      %min3A_544 = arith.constant 240 : i32
      %min3A_545 = arith.minsi %while3A_527, %min3A_544 : i32
      %add3A_546 = arith.constant 1024 : i32
      %add3A_547 = arith.addi %add3A_546, %min3A_545 : i32
      %swap3A_548 = arith.index_cast %add3A_547 : i32 to index
      %swap3A_549 = tpu.vector_load %arg20[%swap3A_548] masked %and3A_543 {strides = array<i32>} : memref<2048xi32, #tpu.memory_space<vmem>>, vector<16xi32>, vector<16xi1>
      tpu.vector_store %arg20[%swap3A_548], %get3A_534 masked %and3A_543 {strides = array<i32>} : memref<2048xi32, #tpu.memory_space<vmem>>, vector<16xi32>, vector<16xi1>
      %add3A_550 = arith.constant 1024 : i32
      %add3A_551 = arith.addi %add3A_550, %min3A_545 : i32
      %swap3A_552 = arith.index_cast %add3A_551 : i32 to index
      %swap3A_553 = tpu.vector_load %arg21[%swap3A_552] masked %and3A_543 {strides = array<i32>} : memref<2048xi32, #tpu.memory_space<vmem>>, vector<16xi32>, vector<16xi1>
      tpu.vector_store %arg21[%swap3A_552], %get3A_538 masked %and3A_543 {strides = array<i32>} : memref<2048xi32, #tpu.memory_space<vmem>>, vector<16xi32>, vector<16xi1>
      %add3A_554 = arith.addi %while3A_527, %squeeze3A : i32
      scf.yield %add3A_554 : i32
    }
    %while3A_369 = arith.constant 1 : i32
    %while3A_370 = scf.for %while3A_526 = %while3A_366 to %while3A_362 step %while3A_369 iter_args(%while3A_527 = %while3A_368) -> (i32)  : i32 {
      %mul3A_528 = arith.constant 16 : i32
      %mul3A_529 = arith.muli %while3A_526, %mul3A_528 : i32
      %add3A_530 = vector.broadcast %mul3A_529 : i32 to vector<16xi32>
      %add3A_531 = arith.addi %add3A_530, %iota3A : vector<16xi32>
      %mul3A_532 = arith.constant 16 : i32
      %mul3A_533 = arith.muli %while3A_526, %mul3A_532 : i32
      %get3A = arith.index_cast %mul3A_533 : i32 to index
      %get3A_534 = tpu.vector_load %arg16[%get3A] {strides = array<i32>} : memref<1536xi32, #tpu.memory_space<vmem>>, vector<16xi32>,
      %mul3A_535 = arith.constant 16 : i32
      %mul3A_536 = arith.muli %while3A_526, %mul3A_535 : i32
      %get3A_537 = arith.index_cast %mul3A_536 : i32 to index
      %get3A_538 = tpu.vector_load %arg17[%get3A_537] {strides = array<i32>} : memref<1536xi32, #tpu.memory_space<vmem>>, vector<16xi32>,
      %lt3A = vector.broadcast %scan3A_79 : i32 to vector<16xi32>
      %lt3A_539 = arith.cmpi slt, %add3A_531, %lt3A : vector<16xi32>
      %ge3A = vector.broadcast %add3A_355 : i32 to vector<16xi32>
      %ge3A_540 = arith.cmpi sge, %get3A_534, %ge3A : vector<16xi32>
      %and3A = arith.andi %lt3A_539, %ge3A_540 : vector<16xi1>
      %lt3A_541 = vector.broadcast %min3A_358 : i32 to vector<16xi32>
      %lt3A_542 = arith.cmpi slt, %get3A_534, %lt3A_541 : vector<16xi32>
      %and3A_543 = arith.andi %and3A, %lt3A_542 : vector<16xi1>
      %all_reduce_population_count3A = tpu.all_reduce %and3A_543 {dim = 0 : i64, kind = #tpu.reduction_kind<sum>} : vector<16xi1> -> vector<16xi32>
      %slice3A = vector.extract_strided_slice %all_reduce_population_count3A {offsets = [0], sizes = [1], strides = [1]} : vector<16xi32> to vector<1xi32>
      %squeeze3A = vector.extract %slice3A[0] : i32 from vector<1xi32>
      %min3A_544 = arith.constant 240 : i32
      %min3A_545 = arith.minsi %while3A_527, %min3A_544 : i32
      %add3A_546 = arith.constant 1024 : i32
      %add3A_547 = arith.addi %add3A_546, %min3A_545 : i32
      %swap3A_548 = arith.index_cast %add3A_547 : i32 to index
      %swap3A_549 = tpu.vector_load %arg20[%swap3A_548] masked %and3A_543 {strides = array<i32>} : memref<2048xi32, #tpu.memory_space<vmem>>, vector<16xi32>, vector<16xi1>
      tpu.vector_store %arg20[%swap3A_548], %get3A_534 masked %and3A_543 {strides = array<i32>} : memref<2048xi32, #tpu.memory_space<vmem>>, vector<16xi32>, vector<16xi1>
      %add3A_550 = arith.constant 1024 : i32
      %add3A_551 = arith.addi %add3A_550, %min3A_545 : i32
      %swap3A_552 = arith.index_cast %add3A_551 : i32 to index
      %swap3A_553 = tpu.vector_load %arg21[%swap3A_552] masked %and3A_543 {strides = array<i32>} : memref<2048xi32, #tpu.memory_space<vmem>>, vector<16xi32>, vector<16xi1>
      tpu.vector_store %arg21[%swap3A_552], %get3A_538 masked %and3A_543 {strides = array<i32>} : memref<2048xi32, #tpu.memory_space<vmem>>, vector<16xi32>, vector<16xi1>
      %add3A_554 = arith.addi %while3A_527, %squeeze3A : i32
      scf.yield %add3A_554 : i32
    }
    %add3A_371 = arith.constant 20480 : i32
    %add3A_372 = arith.addi %mul3A_2, %add3A_371 : i32
    %add3A_373 = arith.constant 24576 : i32
    %add3A_374 = arith.addi %mul3A_2, %add3A_373 : i32
    %min3A_375 = arith.minsi %add3A_374, %add3A_8 : i32
    %while3A_376 = arith.constant 0 : i32
    %while3A_377 = arith.constant 0 : i32
    %while3A_378 = arith.subi %div3A_285, %while3A_376 : i32
    %while3A_379 = arith.addi %while3A_376, %while3A_378 : i32
    %while3A_380 = arith.constant 1 : i32
    %while3A_381 = arith.divsi %while3A_378, %while3A_380 : i32
    %while3A_382 = arith.muli %while3A_381, %while3A_380 : i32
    %while3A_383 = arith.addi %while3A_376, %while3A_382 : i32
    %while3A_384 = arith.constant 1 : i32
    %while3A_385 = scf.for %while3A_526 = %while3A_376 to %while3A_383 step %while3A_384 iter_args(%while3A_527 = %while3A_377) -> (i32)  : i32 {
      %mul3A_528 = arith.constant 16 : i32
      %mul3A_529 = arith.muli %while3A_526, %mul3A_528 : i32
      %add3A_530 = vector.broadcast %mul3A_529 : i32 to vector<16xi32>
      %add3A_531 = arith.addi %add3A_530, %iota3A : vector<16xi32>
      %mul3A_532 = arith.constant 16 : i32
      %mul3A_533 = arith.muli %while3A_526, %mul3A_532 : i32
      %get3A = arith.index_cast %mul3A_533 : i32 to index
      %get3A_534 = tpu.vector_load %arg16[%get3A] {strides = array<i32>} : memref<1536xi32, #tpu.memory_space<vmem>>, vector<16xi32>,
      %mul3A_535 = arith.constant 16 : i32
      %mul3A_536 = arith.muli %while3A_526, %mul3A_535 : i32
      %get3A_537 = arith.index_cast %mul3A_536 : i32 to index
      %get3A_538 = tpu.vector_load %arg17[%get3A_537] {strides = array<i32>} : memref<1536xi32, #tpu.memory_space<vmem>>, vector<16xi32>,
      %lt3A = vector.broadcast %scan3A_79 : i32 to vector<16xi32>
      %lt3A_539 = arith.cmpi slt, %add3A_531, %lt3A : vector<16xi32>
      %ge3A = vector.broadcast %add3A_372 : i32 to vector<16xi32>
      %ge3A_540 = arith.cmpi sge, %get3A_534, %ge3A : vector<16xi32>
      %and3A = arith.andi %lt3A_539, %ge3A_540 : vector<16xi1>
      %lt3A_541 = vector.broadcast %min3A_375 : i32 to vector<16xi32>
      %lt3A_542 = arith.cmpi slt, %get3A_534, %lt3A_541 : vector<16xi32>
      %and3A_543 = arith.andi %and3A, %lt3A_542 : vector<16xi1>
      %all_reduce_population_count3A = tpu.all_reduce %and3A_543 {dim = 0 : i64, kind = #tpu.reduction_kind<sum>} : vector<16xi1> -> vector<16xi32>
      %slice3A = vector.extract_strided_slice %all_reduce_population_count3A {offsets = [0], sizes = [1], strides = [1]} : vector<16xi32> to vector<1xi32>
      %squeeze3A = vector.extract %slice3A[0] : i32 from vector<1xi32>
      %min3A_544 = arith.constant 240 : i32
      %min3A_545 = arith.minsi %while3A_527, %min3A_544 : i32
      %add3A_546 = arith.constant 1280 : i32
      %add3A_547 = arith.addi %add3A_546, %min3A_545 : i32
      %swap3A_548 = arith.index_cast %add3A_547 : i32 to index
      %swap3A_549 = tpu.vector_load %arg20[%swap3A_548] masked %and3A_543 {strides = array<i32>} : memref<2048xi32, #tpu.memory_space<vmem>>, vector<16xi32>, vector<16xi1>
      tpu.vector_store %arg20[%swap3A_548], %get3A_534 masked %and3A_543 {strides = array<i32>} : memref<2048xi32, #tpu.memory_space<vmem>>, vector<16xi32>, vector<16xi1>
      %add3A_550 = arith.constant 1280 : i32
      %add3A_551 = arith.addi %add3A_550, %min3A_545 : i32
      %swap3A_552 = arith.index_cast %add3A_551 : i32 to index
      %swap3A_553 = tpu.vector_load %arg21[%swap3A_552] masked %and3A_543 {strides = array<i32>} : memref<2048xi32, #tpu.memory_space<vmem>>, vector<16xi32>, vector<16xi1>
      tpu.vector_store %arg21[%swap3A_552], %get3A_538 masked %and3A_543 {strides = array<i32>} : memref<2048xi32, #tpu.memory_space<vmem>>, vector<16xi32>, vector<16xi1>
      %add3A_554 = arith.addi %while3A_527, %squeeze3A : i32
      scf.yield %add3A_554 : i32
    }
    %while3A_386 = arith.constant 1 : i32
    %while3A_387 = scf.for %while3A_526 = %while3A_383 to %while3A_379 step %while3A_386 iter_args(%while3A_527 = %while3A_385) -> (i32)  : i32 {
      %mul3A_528 = arith.constant 16 : i32
      %mul3A_529 = arith.muli %while3A_526, %mul3A_528 : i32
      %add3A_530 = vector.broadcast %mul3A_529 : i32 to vector<16xi32>
      %add3A_531 = arith.addi %add3A_530, %iota3A : vector<16xi32>
      %mul3A_532 = arith.constant 16 : i32
      %mul3A_533 = arith.muli %while3A_526, %mul3A_532 : i32
      %get3A = arith.index_cast %mul3A_533 : i32 to index
      %get3A_534 = tpu.vector_load %arg16[%get3A] {strides = array<i32>} : memref<1536xi32, #tpu.memory_space<vmem>>, vector<16xi32>,
      %mul3A_535 = arith.constant 16 : i32
      %mul3A_536 = arith.muli %while3A_526, %mul3A_535 : i32
      %get3A_537 = arith.index_cast %mul3A_536 : i32 to index
      %get3A_538 = tpu.vector_load %arg17[%get3A_537] {strides = array<i32>} : memref<1536xi32, #tpu.memory_space<vmem>>, vector<16xi32>,
      %lt3A = vector.broadcast %scan3A_79 : i32 to vector<16xi32>
      %lt3A_539 = arith.cmpi slt, %add3A_531, %lt3A : vector<16xi32>
      %ge3A = vector.broadcast %add3A_372 : i32 to vector<16xi32>
      %ge3A_540 = arith.cmpi sge, %get3A_534, %ge3A : vector<16xi32>
      %and3A = arith.andi %lt3A_539, %ge3A_540 : vector<16xi1>
      %lt3A_541 = vector.broadcast %min3A_375 : i32 to vector<16xi32>
      %lt3A_542 = arith.cmpi slt, %get3A_534, %lt3A_541 : vector<16xi32>
      %and3A_543 = arith.andi %and3A, %lt3A_542 : vector<16xi1>
      %all_reduce_population_count3A = tpu.all_reduce %and3A_543 {dim = 0 : i64, kind = #tpu.reduction_kind<sum>} : vector<16xi1> -> vector<16xi32>
      %slice3A = vector.extract_strided_slice %all_reduce_population_count3A {offsets = [0], sizes = [1], strides = [1]} : vector<16xi32> to vector<1xi32>
      %squeeze3A = vector.extract %slice3A[0] : i32 from vector<1xi32>
      %min3A_544 = arith.constant 240 : i32
      %min3A_545 = arith.minsi %while3A_527, %min3A_544 : i32
      %add3A_546 = arith.constant 1280 : i32
      %add3A_547 = arith.addi %add3A_546, %min3A_545 : i32
      %swap3A_548 = arith.index_cast %add3A_547 : i32 to index
      %swap3A_549 = tpu.vector_load %arg20[%swap3A_548] masked %and3A_543 {strides = array<i32>} : memref<2048xi32, #tpu.memory_space<vmem>>, vector<16xi32>, vector<16xi1>
      tpu.vector_store %arg20[%swap3A_548], %get3A_534 masked %and3A_543 {strides = array<i32>} : memref<2048xi32, #tpu.memory_space<vmem>>, vector<16xi32>, vector<16xi1>
      %add3A_550 = arith.constant 1280 : i32
      %add3A_551 = arith.addi %add3A_550, %min3A_545 : i32
      %swap3A_552 = arith.index_cast %add3A_551 : i32 to index
      %swap3A_553 = tpu.vector_load %arg21[%swap3A_552] masked %and3A_543 {strides = array<i32>} : memref<2048xi32, #tpu.memory_space<vmem>>, vector<16xi32>, vector<16xi1>
      tpu.vector_store %arg21[%swap3A_552], %get3A_538 masked %and3A_543 {strides = array<i32>} : memref<2048xi32, #tpu.memory_space<vmem>>, vector<16xi32>, vector<16xi1>
      %add3A_554 = arith.addi %while3A_527, %squeeze3A : i32
      scf.yield %add3A_554 : i32
    }
    %add3A_388 = arith.constant 24576 : i32
    %add3A_389 = arith.addi %mul3A_2, %add3A_388 : i32
    %add3A_390 = arith.constant 28672 : i32
    %add3A_391 = arith.addi %mul3A_2, %add3A_390 : i32
    %min3A_392 = arith.minsi %add3A_391, %add3A_8 : i32
    %while3A_393 = arith.constant 0 : i32
    %while3A_394 = arith.constant 0 : i32
    %while3A_395 = arith.subi %div3A_285, %while3A_393 : i32
    %while3A_396 = arith.addi %while3A_393, %while3A_395 : i32
    %while3A_397 = arith.constant 1 : i32
    %while3A_398 = arith.divsi %while3A_395, %while3A_397 : i32
    %while3A_399 = arith.muli %while3A_398, %while3A_397 : i32
    %while3A_400 = arith.addi %while3A_393, %while3A_399 : i32
    %while3A_401 = arith.constant 1 : i32
    %while3A_402 = scf.for %while3A_526 = %while3A_393 to %while3A_400 step %while3A_401 iter_args(%while3A_527 = %while3A_394) -> (i32)  : i32 {
      %mul3A_528 = arith.constant 16 : i32
      %mul3A_529 = arith.muli %while3A_526, %mul3A_528 : i32
      %add3A_530 = vector.broadcast %mul3A_529 : i32 to vector<16xi32>
      %add3A_531 = arith.addi %add3A_530, %iota3A : vector<16xi32>
      %mul3A_532 = arith.constant 16 : i32
      %mul3A_533 = arith.muli %while3A_526, %mul3A_532 : i32
      %get3A = arith.index_cast %mul3A_533 : i32 to index
      %get3A_534 = tpu.vector_load %arg16[%get3A] {strides = array<i32>} : memref<1536xi32, #tpu.memory_space<vmem>>, vector<16xi32>,
      %mul3A_535 = arith.constant 16 : i32
      %mul3A_536 = arith.muli %while3A_526, %mul3A_535 : i32
      %get3A_537 = arith.index_cast %mul3A_536 : i32 to index
      %get3A_538 = tpu.vector_load %arg17[%get3A_537] {strides = array<i32>} : memref<1536xi32, #tpu.memory_space<vmem>>, vector<16xi32>,
      %lt3A = vector.broadcast %scan3A_79 : i32 to vector<16xi32>
      %lt3A_539 = arith.cmpi slt, %add3A_531, %lt3A : vector<16xi32>
      %ge3A = vector.broadcast %add3A_389 : i32 to vector<16xi32>
      %ge3A_540 = arith.cmpi sge, %get3A_534, %ge3A : vector<16xi32>
      %and3A = arith.andi %lt3A_539, %ge3A_540 : vector<16xi1>
      %lt3A_541 = vector.broadcast %min3A_392 : i32 to vector<16xi32>
      %lt3A_542 = arith.cmpi slt, %get3A_534, %lt3A_541 : vector<16xi32>
      %and3A_543 = arith.andi %and3A, %lt3A_542 : vector<16xi1>
      %all_reduce_population_count3A = tpu.all_reduce %and3A_543 {dim = 0 : i64, kind = #tpu.reduction_kind<sum>} : vector<16xi1> -> vector<16xi32>
      %slice3A = vector.extract_strided_slice %all_reduce_population_count3A {offsets = [0], sizes = [1], strides = [1]} : vector<16xi32> to vector<1xi32>
      %squeeze3A = vector.extract %slice3A[0] : i32 from vector<1xi32>
      %min3A_544 = arith.constant 240 : i32
      %min3A_545 = arith.minsi %while3A_527, %min3A_544 : i32
      %add3A_546 = arith.constant 1536 : i32
      %add3A_547 = arith.addi %add3A_546, %min3A_545 : i32
      %swap3A_548 = arith.index_cast %add3A_547 : i32 to index
      %swap3A_549 = tpu.vector_load %arg20[%swap3A_548] masked %and3A_543 {strides = array<i32>} : memref<2048xi32, #tpu.memory_space<vmem>>, vector<16xi32>, vector<16xi1>
      tpu.vector_store %arg20[%swap3A_548], %get3A_534 masked %and3A_543 {strides = array<i32>} : memref<2048xi32, #tpu.memory_space<vmem>>, vector<16xi32>, vector<16xi1>
      %add3A_550 = arith.constant 1536 : i32
      %add3A_551 = arith.addi %add3A_550, %min3A_545 : i32
      %swap3A_552 = arith.index_cast %add3A_551 : i32 to index
      %swap3A_553 = tpu.vector_load %arg21[%swap3A_552] masked %and3A_543 {strides = array<i32>} : memref<2048xi32, #tpu.memory_space<vmem>>, vector<16xi32>, vector<16xi1>
      tpu.vector_store %arg21[%swap3A_552], %get3A_538 masked %and3A_543 {strides = array<i32>} : memref<2048xi32, #tpu.memory_space<vmem>>, vector<16xi32>, vector<16xi1>
      %add3A_554 = arith.addi %while3A_527, %squeeze3A : i32
      scf.yield %add3A_554 : i32
    }
    %while3A_403 = arith.constant 1 : i32
    %while3A_404 = scf.for %while3A_526 = %while3A_400 to %while3A_396 step %while3A_403 iter_args(%while3A_527 = %while3A_402) -> (i32)  : i32 {
      %mul3A_528 = arith.constant 16 : i32
      %mul3A_529 = arith.muli %while3A_526, %mul3A_528 : i32
      %add3A_530 = vector.broadcast %mul3A_529 : i32 to vector<16xi32>
      %add3A_531 = arith.addi %add3A_530, %iota3A : vector<16xi32>
      %mul3A_532 = arith.constant 16 : i32
      %mul3A_533 = arith.muli %while3A_526, %mul3A_532 : i32
      %get3A = arith.index_cast %mul3A_533 : i32 to index
      %get3A_534 = tpu.vector_load %arg16[%get3A] {strides = array<i32>} : memref<1536xi32, #tpu.memory_space<vmem>>, vector<16xi32>,
      %mul3A_535 = arith.constant 16 : i32
      %mul3A_536 = arith.muli %while3A_526, %mul3A_535 : i32
      %get3A_537 = arith.index_cast %mul3A_536 : i32 to index
      %get3A_538 = tpu.vector_load %arg17[%get3A_537] {strides = array<i32>} : memref<1536xi32, #tpu.memory_space<vmem>>, vector<16xi32>,
      %lt3A = vector.broadcast %scan3A_79 : i32 to vector<16xi32>
      %lt3A_539 = arith.cmpi slt, %add3A_531, %lt3A : vector<16xi32>
      %ge3A = vector.broadcast %add3A_389 : i32 to vector<16xi32>
      %ge3A_540 = arith.cmpi sge, %get3A_534, %ge3A : vector<16xi32>
      %and3A = arith.andi %lt3A_539, %ge3A_540 : vector<16xi1>
      %lt3A_541 = vector.broadcast %min3A_392 : i32 to vector<16xi32>
      %lt3A_542 = arith.cmpi slt, %get3A_534, %lt3A_541 : vector<16xi32>
      %and3A_543 = arith.andi %and3A, %lt3A_542 : vector<16xi1>
      %all_reduce_population_count3A = tpu.all_reduce %and3A_543 {dim = 0 : i64, kind = #tpu.reduction_kind<sum>} : vector<16xi1> -> vector<16xi32>
      %slice3A = vector.extract_strided_slice %all_reduce_population_count3A {offsets = [0], sizes = [1], strides = [1]} : vector<16xi32> to vector<1xi32>
      %squeeze3A = vector.extract %slice3A[0] : i32 from vector<1xi32>
      %min3A_544 = arith.constant 240 : i32
      %min3A_545 = arith.minsi %while3A_527, %min3A_544 : i32
      %add3A_546 = arith.constant 1536 : i32
      %add3A_547 = arith.addi %add3A_546, %min3A_545 : i32
      %swap3A_548 = arith.index_cast %add3A_547 : i32 to index
      %swap3A_549 = tpu.vector_load %arg20[%swap3A_548] masked %and3A_543 {strides = array<i32>} : memref<2048xi32, #tpu.memory_space<vmem>>, vector<16xi32>, vector<16xi1>
      tpu.vector_store %arg20[%swap3A_548], %get3A_534 masked %and3A_543 {strides = array<i32>} : memref<2048xi32, #tpu.memory_space<vmem>>, vector<16xi32>, vector<16xi1>
      %add3A_550 = arith.constant 1536 : i32
      %add3A_551 = arith.addi %add3A_550, %min3A_545 : i32
      %swap3A_552 = arith.index_cast %add3A_551 : i32 to index
      %swap3A_553 = tpu.vector_load %arg21[%swap3A_552] masked %and3A_543 {strides = array<i32>} : memref<2048xi32, #tpu.memory_space<vmem>>, vector<16xi32>, vector<16xi1>
      tpu.vector_store %arg21[%swap3A_552], %get3A_538 masked %and3A_543 {strides = array<i32>} : memref<2048xi32, #tpu.memory_space<vmem>>, vector<16xi32>, vector<16xi1>
      %add3A_554 = arith.addi %while3A_527, %squeeze3A : i32
      scf.yield %add3A_554 : i32
    }
    %add3A_405 = arith.constant 28672 : i32
    %add3A_406 = arith.addi %mul3A_2, %add3A_405 : i32
    %add3A_407 = arith.constant 32768 : i32
    %add3A_408 = arith.addi %mul3A_2, %add3A_407 : i32
    %min3A_409 = arith.minsi %add3A_408, %add3A_8 : i32
    %while3A_410 = arith.constant 0 : i32
    %while3A_411 = arith.constant 0 : i32
    %while3A_412 = arith.subi %div3A_285, %while3A_410 : i32
    %while3A_413 = arith.addi %while3A_410, %while3A_412 : i32
    %while3A_414 = arith.constant 1 : i32
    %while3A_415 = arith.divsi %while3A_412, %while3A_414 : i32
    %while3A_416 = arith.muli %while3A_415, %while3A_414 : i32
    %while3A_417 = arith.addi %while3A_410, %while3A_416 : i32
    %while3A_418 = arith.constant 1 : i32
    %while3A_419 = scf.for %while3A_526 = %while3A_410 to %while3A_417 step %while3A_418 iter_args(%while3A_527 = %while3A_411) -> (i32)  : i32 {
      %mul3A_528 = arith.constant 16 : i32
      %mul3A_529 = arith.muli %while3A_526, %mul3A_528 : i32
      %add3A_530 = vector.broadcast %mul3A_529 : i32 to vector<16xi32>
      %add3A_531 = arith.addi %add3A_530, %iota3A : vector<16xi32>
      %mul3A_532 = arith.constant 16 : i32
      %mul3A_533 = arith.muli %while3A_526, %mul3A_532 : i32
      %get3A = arith.index_cast %mul3A_533 : i32 to index
      %get3A_534 = tpu.vector_load %arg16[%get3A] {strides = array<i32>} : memref<1536xi32, #tpu.memory_space<vmem>>, vector<16xi32>,
      %mul3A_535 = arith.constant 16 : i32
      %mul3A_536 = arith.muli %while3A_526, %mul3A_535 : i32
      %get3A_537 = arith.index_cast %mul3A_536 : i32 to index
      %get3A_538 = tpu.vector_load %arg17[%get3A_537] {strides = array<i32>} : memref<1536xi32, #tpu.memory_space<vmem>>, vector<16xi32>,
      %lt3A = vector.broadcast %scan3A_79 : i32 to vector<16xi32>
      %lt3A_539 = arith.cmpi slt, %add3A_531, %lt3A : vector<16xi32>
      %ge3A = vector.broadcast %add3A_406 : i32 to vector<16xi32>
      %ge3A_540 = arith.cmpi sge, %get3A_534, %ge3A : vector<16xi32>
      %and3A = arith.andi %lt3A_539, %ge3A_540 : vector<16xi1>
      %lt3A_541 = vector.broadcast %min3A_409 : i32 to vector<16xi32>
      %lt3A_542 = arith.cmpi slt, %get3A_534, %lt3A_541 : vector<16xi32>
      %and3A_543 = arith.andi %and3A, %lt3A_542 : vector<16xi1>
      %all_reduce_population_count3A = tpu.all_reduce %and3A_543 {dim = 0 : i64, kind = #tpu.reduction_kind<sum>} : vector<16xi1> -> vector<16xi32>
      %slice3A = vector.extract_strided_slice %all_reduce_population_count3A {offsets = [0], sizes = [1], strides = [1]} : vector<16xi32> to vector<1xi32>
      %squeeze3A = vector.extract %slice3A[0] : i32 from vector<1xi32>
      %min3A_544 = arith.constant 240 : i32
      %min3A_545 = arith.minsi %while3A_527, %min3A_544 : i32
      %add3A_546 = arith.constant 1792 : i32
      %add3A_547 = arith.addi %add3A_546, %min3A_545 : i32
      %swap3A_548 = arith.index_cast %add3A_547 : i32 to index
      %swap3A_549 = tpu.vector_load %arg20[%swap3A_548] masked %and3A_543 {strides = array<i32>} : memref<2048xi32, #tpu.memory_space<vmem>>, vector<16xi32>, vector<16xi1>
      tpu.vector_store %arg20[%swap3A_548], %get3A_534 masked %and3A_543 {strides = array<i32>} : memref<2048xi32, #tpu.memory_space<vmem>>, vector<16xi32>, vector<16xi1>
      %add3A_550 = arith.constant 1792 : i32
      %add3A_551 = arith.addi %add3A_550, %min3A_545 : i32
      %swap3A_552 = arith.index_cast %add3A_551 : i32 to index
      %swap3A_553 = tpu.vector_load %arg21[%swap3A_552] masked %and3A_543 {strides = array<i32>} : memref<2048xi32, #tpu.memory_space<vmem>>, vector<16xi32>, vector<16xi1>
      tpu.vector_store %arg21[%swap3A_552], %get3A_538 masked %and3A_543 {strides = array<i32>} : memref<2048xi32, #tpu.memory_space<vmem>>, vector<16xi32>, vector<16xi1>
      %add3A_554 = arith.addi %while3A_527, %squeeze3A : i32
      scf.yield %add3A_554 : i32
    }
    %while3A_420 = arith.constant 1 : i32
    %while3A_421 = scf.for %while3A_526 = %while3A_417 to %while3A_413 step %while3A_420 iter_args(%while3A_527 = %while3A_419) -> (i32)  : i32 {
      %mul3A_528 = arith.constant 16 : i32
      %mul3A_529 = arith.muli %while3A_526, %mul3A_528 : i32
      %add3A_530 = vector.broadcast %mul3A_529 : i32 to vector<16xi32>
      %add3A_531 = arith.addi %add3A_530, %iota3A : vector<16xi32>
      %mul3A_532 = arith.constant 16 : i32
      %mul3A_533 = arith.muli %while3A_526, %mul3A_532 : i32
      %get3A = arith.index_cast %mul3A_533 : i32 to index
      %get3A_534 = tpu.vector_load %arg16[%get3A] {strides = array<i32>} : memref<1536xi32, #tpu.memory_space<vmem>>, vector<16xi32>,
      %mul3A_535 = arith.constant 16 : i32
      %mul3A_536 = arith.muli %while3A_526, %mul3A_535 : i32
      %get3A_537 = arith.index_cast %mul3A_536 : i32 to index
      %get3A_538 = tpu.vector_load %arg17[%get3A_537] {strides = array<i32>} : memref<1536xi32, #tpu.memory_space<vmem>>, vector<16xi32>,
      %lt3A = vector.broadcast %scan3A_79 : i32 to vector<16xi32>
      %lt3A_539 = arith.cmpi slt, %add3A_531, %lt3A : vector<16xi32>
      %ge3A = vector.broadcast %add3A_406 : i32 to vector<16xi32>
      %ge3A_540 = arith.cmpi sge, %get3A_534, %ge3A : vector<16xi32>
      %and3A = arith.andi %lt3A_539, %ge3A_540 : vector<16xi1>
      %lt3A_541 = vector.broadcast %min3A_409 : i32 to vector<16xi32>
      %lt3A_542 = arith.cmpi slt, %get3A_534, %lt3A_541 : vector<16xi32>
      %and3A_543 = arith.andi %and3A, %lt3A_542 : vector<16xi1>
      %all_reduce_population_count3A = tpu.all_reduce %and3A_543 {dim = 0 : i64, kind = #tpu.reduction_kind<sum>} : vector<16xi1> -> vector<16xi32>
      %slice3A = vector.extract_strided_slice %all_reduce_population_count3A {offsets = [0], sizes = [1], strides = [1]} : vector<16xi32> to vector<1xi32>
      %squeeze3A = vector.extract %slice3A[0] : i32 from vector<1xi32>
      %min3A_544 = arith.constant 240 : i32
      %min3A_545 = arith.minsi %while3A_527, %min3A_544 : i32
      %add3A_546 = arith.constant 1792 : i32
      %add3A_547 = arith.addi %add3A_546, %min3A_545 : i32
      %swap3A_548 = arith.index_cast %add3A_547 : i32 to index
      %swap3A_549 = tpu.vector_load %arg20[%swap3A_548] masked %and3A_543 {strides = array<i32>} : memref<2048xi32, #tpu.memory_space<vmem>>, vector<16xi32>, vector<16xi1>
      tpu.vector_store %arg20[%swap3A_548], %get3A_534 masked %and3A_543 {strides = array<i32>} : memref<2048xi32, #tpu.memory_space<vmem>>, vector<16xi32>, vector<16xi1>
      %add3A_550 = arith.constant 1792 : i32
      %add3A_551 = arith.addi %add3A_550, %min3A_545 : i32
      %swap3A_552 = arith.index_cast %add3A_551 : i32 to index
      %swap3A_553 = tpu.vector_load %arg21[%swap3A_552] masked %and3A_543 {strides = array<i32>} : memref<2048xi32, #tpu.memory_space<vmem>>, vector<16xi32>, vector<16xi1>
      tpu.vector_store %arg21[%swap3A_552], %get3A_538 masked %and3A_543 {strides = array<i32>} : memref<2048xi32, #tpu.memory_space<vmem>>, vector<16xi32>, vector<16xi1>
      %add3A_554 = arith.addi %while3A_527, %squeeze3A : i32
      scf.yield %add3A_554 : i32
    }
    %broadcast_in_dim3A_422 = arith.constant 0 : i32
    %broadcast_in_dim3A_423 = vector.broadcast %broadcast_in_dim3A_422 : i32 to vector<16xi32>
    %eq3A_424 = arith.constant 0 : i32
    %eq3A_425 = vector.broadcast %eq3A_424 : i32 to vector<16xi32>
    %eq3A_426 = arith.cmpi eq, %iota3A, %eq3A_425 : vector<16xi32>
    %jit3A_427 = arith.constant 0 : i32
    %broadcast_in_dim3A_428 = vector.broadcast %while3A_302 : i32 to vector<16xi32>
    %broadcast_in_dim3A_429 = vector.broadcast %jit3A_427 : i32 to vector<16xi32>
    %select_n3A_430 = arith.select %eq3A_426, %broadcast_in_dim3A_428, %broadcast_in_dim3A_429 : vector<16xi1>, vector<16xi32>
    %add3A_431 = arith.addi %broadcast_in_dim3A_423, %select_n3A_430 : vector<16xi32>
    %eq3A_432 = arith.constant 1 : i32
    %eq3A_433 = vector.broadcast %eq3A_432 : i32 to vector<16xi32>
    %eq3A_434 = arith.cmpi eq, %iota3A, %eq3A_433 : vector<16xi32>
    %jit3A_435 = arith.constant 0 : i32
    %broadcast_in_dim3A_436 = vector.broadcast %while3A_319 : i32 to vector<16xi32>
    %broadcast_in_dim3A_437 = vector.broadcast %jit3A_435 : i32 to vector<16xi32>
    %select_n3A_438 = arith.select %eq3A_434, %broadcast_in_dim3A_436, %broadcast_in_dim3A_437 : vector<16xi1>, vector<16xi32>
    %add3A_439 = arith.addi %add3A_431, %select_n3A_438 : vector<16xi32>
    %eq3A_440 = arith.constant 2 : i32
    %eq3A_441 = vector.broadcast %eq3A_440 : i32 to vector<16xi32>
    %eq3A_442 = arith.cmpi eq, %iota3A, %eq3A_441 : vector<16xi32>
    %jit3A_443 = arith.constant 0 : i32
    %broadcast_in_dim3A_444 = vector.broadcast %while3A_336 : i32 to vector<16xi32>
    %broadcast_in_dim3A_445 = vector.broadcast %jit3A_443 : i32 to vector<16xi32>
    %select_n3A_446 = arith.select %eq3A_442, %broadcast_in_dim3A_444, %broadcast_in_dim3A_445 : vector<16xi1>, vector<16xi32>
    %add3A_447 = arith.addi %add3A_439, %select_n3A_446 : vector<16xi32>
    %eq3A_448 = arith.constant 3 : i32
    %eq3A_449 = vector.broadcast %eq3A_448 : i32 to vector<16xi32>
    %eq3A_450 = arith.cmpi eq, %iota3A, %eq3A_449 : vector<16xi32>
    %jit3A_451 = arith.constant 0 : i32
    %broadcast_in_dim3A_452 = vector.broadcast %while3A_353 : i32 to vector<16xi32>
    %broadcast_in_dim3A_453 = vector.broadcast %jit3A_451 : i32 to vector<16xi32>
    %select_n3A_454 = arith.select %eq3A_450, %broadcast_in_dim3A_452, %broadcast_in_dim3A_453 : vector<16xi1>, vector<16xi32>
    %add3A_455 = arith.addi %add3A_447, %select_n3A_454 : vector<16xi32>
    %eq3A_456 = arith.constant 4 : i32
    %eq3A_457 = vector.broadcast %eq3A_456 : i32 to vector<16xi32>
    %eq3A_458 = arith.cmpi eq, %iota3A, %eq3A_457 : vector<16xi32>
    %jit3A_459 = arith.constant 0 : i32
    %broadcast_in_dim3A_460 = vector.broadcast %while3A_370 : i32 to vector<16xi32>
    %broadcast_in_dim3A_461 = vector.broadcast %jit3A_459 : i32 to vector<16xi32>
    %select_n3A_462 = arith.select %eq3A_458, %broadcast_in_dim3A_460, %broadcast_in_dim3A_461 : vector<16xi1>, vector<16xi32>
    %add3A_463 = arith.addi %add3A_455, %select_n3A_462 : vector<16xi32>
    %eq3A_464 = arith.constant 5 : i32
    %eq3A_465 = vector.broadcast %eq3A_464 : i32 to vector<16xi32>
    %eq3A_466 = arith.cmpi eq, %iota3A, %eq3A_465 : vector<16xi32>
    %jit3A_467 = arith.constant 0 : i32
    %broadcast_in_dim3A_468 = vector.broadcast %while3A_387 : i32 to vector<16xi32>
    %broadcast_in_dim3A_469 = vector.broadcast %jit3A_467 : i32 to vector<16xi32>
    %select_n3A_470 = arith.select %eq3A_466, %broadcast_in_dim3A_468, %broadcast_in_dim3A_469 : vector<16xi1>, vector<16xi32>
    %add3A_471 = arith.addi %add3A_463, %select_n3A_470 : vector<16xi32>
    %eq3A_472 = arith.constant 6 : i32
    %eq3A_473 = vector.broadcast %eq3A_472 : i32 to vector<16xi32>
    %eq3A_474 = arith.cmpi eq, %iota3A, %eq3A_473 : vector<16xi32>
    %jit3A_475 = arith.constant 0 : i32
    %broadcast_in_dim3A_476 = vector.broadcast %while3A_404 : i32 to vector<16xi32>
    %broadcast_in_dim3A_477 = vector.broadcast %jit3A_475 : i32 to vector<16xi32>
    %select_n3A_478 = arith.select %eq3A_474, %broadcast_in_dim3A_476, %broadcast_in_dim3A_477 : vector<16xi1>, vector<16xi32>
    %add3A_479 = arith.addi %add3A_471, %select_n3A_478 : vector<16xi32>
    %eq3A_480 = arith.constant 7 : i32
    %eq3A_481 = vector.broadcast %eq3A_480 : i32 to vector<16xi32>
    %eq3A_482 = arith.cmpi eq, %iota3A, %eq3A_481 : vector<16xi32>
    %jit3A_483 = arith.constant 0 : i32
    %broadcast_in_dim3A_484 = vector.broadcast %while3A_421 : i32 to vector<16xi32>
    %broadcast_in_dim3A_485 = vector.broadcast %jit3A_483 : i32 to vector<16xi32>
    %select_n3A_486 = arith.select %eq3A_482, %broadcast_in_dim3A_484, %broadcast_in_dim3A_485 : vector<16xi1>, vector<16xi32>
    %add3A_487 = arith.addi %add3A_479, %select_n3A_486 : vector<16xi32>
    %swap3A_488 = arith.constant 0 : index
    %swap3A_489 = tpu.vector_load %arg23[%swap3A_488] {strides = array<i32>} : memref<32xi32, #tpu.memory_space<vmem>>, vector<16xi32>,
    tpu.vector_store %arg23[%swap3A_488], %add3A_487 {strides = array<i32>} : memref<32xi32, #tpu.memory_space<vmem>>, vector<16xi32>,
    %while3A_490 = arith.constant 0 : i32
    %while3A_491 = arith.constant 0 : i32
    %while3A_492 = arith.subi %add3A_12, %while3A_490 : i32
    %while3A_493 = arith.addi %while3A_490, %while3A_492 : i32
    %while3A_494 = arith.constant 1 : i32
    %while3A_495 = arith.divsi %while3A_492, %while3A_494 : i32
    %while3A_496 = arith.muli %while3A_495, %while3A_494 : i32
    %while3A_497 = arith.addi %while3A_490, %while3A_496 : i32
    %while3A_498 = arith.constant 1 : i32
    %while3A_499 = scf.for %while3A_526 = %while3A_490 to %while3A_497 step %while3A_498 iter_args(%while3A_527 = %while3A_491) -> (i32)  : i32 {
      %rem3A = arith.constant 2 : i32
      %rem3A_528 = arith.remsi %while3A_526, %rem3A : i32
      %mul3A_529 = arith.constant 256 : i32
      %mul3A_530 = arith.muli %while3A_526, %mul3A_529 : i32
      %add3A_531 = arith.addi %mul3A_2, %mul3A_530 : i32
      %dma_wait3A = arith.constant 0 : i32
      %dma_wait3A_532 = arith.constant 0 : i32
      %dma_wait3A_533 = tpu.memref_slice %arg12[%rem3A_528, %dma_wait3A, %dma_wait3A_532] : memref<2x64x256xf32, #tpu.memory_space<vmem>> -> memref<1x64x256xf32, #tpu.memory_space<vmem>>
      %dma_wait3A_534 = tpu.memref_squeeze %dma_wait3A_533 : memref<1x64x256xf32, #tpu.memory_space<vmem>> -> memref<64x256xf32, #tpu.memory_space<vmem>>
      %dma_wait3A_535 = arith.constant 0 : i32
      %dma_wait3A_536 = arith.constant 0 : i32
      %dma_wait3A_537 = tpu.memref_slice %arg4[%dma_wait3A_535, %dma_wait3A_536] : memref<64x1000000xf32, #tpu.memory_space<hbm>> -> memref<64x256xf32, #tpu.memory_space<hbm>>
      %dma_wait3A_538 = arith.constant 0 : i32
      %dma_wait3A_539 = arith.constant 0 : i32
      %dma_wait3A_540 = tpu.memref_slice %arg12[%rem3A_528, %dma_wait3A_538, %dma_wait3A_539] : memref<2x64x256xf32, #tpu.memory_space<vmem>> -> memref<1x64x256xf32, #tpu.memory_space<vmem>>
      %dma_wait3A_541 = tpu.memref_squeeze %dma_wait3A_540 : memref<1x64x256xf32, #tpu.memory_space<vmem>> -> memref<64x256xf32, #tpu.memory_space<vmem>>
      %dma_wait3A_542 = arith.constant 0 : i32
      %dma_wait3A_543 = arith.constant 0 : i32
      %dma_wait3A_544 = tpu.memref_slice %arg4[%dma_wait3A_542, %dma_wait3A_543] : memref<64x1000000xf32, #tpu.memory_space<hbm>> -> memref<64x256xf32, #tpu.memory_space<hbm>>
      tpu.wait_dma2 semaphore(%arg29 : memref<!tpu.dma_semaphore, #tpu.memory_space<semaphore_mem>>) src(%dma_wait3A_544 : memref<64x256xf32, #tpu.memory_space<hbm>>) dst(%dma_wait3A_541 : memref<64x256xf32, #tpu.memory_space<vmem>>)
      %dma_wait3A_545 = arith.constant 0 : i32
      %dma_wait3A_546 = arith.constant 0 : i32
      %dma_wait3A_547 = tpu.memref_slice %arg13[%rem3A_528, %dma_wait3A_545, %dma_wait3A_546] : memref<2x64x256xf32, #tpu.memory_space<vmem>> -> memref<1x64x256xf32, #tpu.memory_space<vmem>>
      %dma_wait3A_548 = tpu.memref_squeeze %dma_wait3A_547 : memref<1x64x256xf32, #tpu.memory_space<vmem>> -> memref<64x256xf32, #tpu.memory_space<vmem>>
      %dma_wait3A_549 = arith.constant 0 : i32
      %dma_wait3A_550 = arith.constant 0 : i32
      %dma_wait3A_551 = tpu.memref_slice %arg5[%dma_wait3A_549, %dma_wait3A_550] : memref<64x1000000xf32, #tpu.memory_space<hbm>> -> memref<64x256xf32, #tpu.memory_space<hbm>>
      %dma_wait3A_552 = arith.constant 0 : i32
      %dma_wait3A_553 = arith.constant 0 : i32
      %dma_wait3A_554 = tpu.memref_slice %arg13[%rem3A_528, %dma_wait3A_552, %dma_wait3A_553] : memref<2x64x256xf32, #tpu.memory_space<vmem>> -> memref<1x64x256xf32, #tpu.memory_space<vmem>>
      %dma_wait3A_555 = tpu.memref_squeeze %dma_wait3A_554 : memref<1x64x256xf32, #tpu.memory_space<vmem>> -> memref<64x256xf32, #tpu.memory_space<vmem>>
      %dma_wait3A_556 = arith.constant 0 : i32
      %dma_wait3A_557 = arith.constant 0 : i32
      %dma_wait3A_558 = tpu.memref_slice %arg5[%dma_wait3A_556, %dma_wait3A_557] : memref<64x1000000xf32, #tpu.memory_space<hbm>> -> memref<64x256xf32, #tpu.memory_space<hbm>>
      tpu.wait_dma2 semaphore(%arg30 : memref<!tpu.dma_semaphore, #tpu.memory_space<semaphore_mem>>) src(%dma_wait3A_558 : memref<64x256xf32, #tpu.memory_space<hbm>>) dst(%dma_wait3A_555 : memref<64x256xf32, #tpu.memory_space<vmem>>)
      %shift_right_logical3A = arith.constant 4 : i32
      %shift_right_logical3A_559 = arith.shrui %while3A_526, %shift_right_logical3A : i32
      %mul3A_560 = arith.constant 256 : i32
      %mul3A_561 = arith.muli %shift_right_logical3A_559, %mul3A_560 : i32
      %get3A = arith.index_cast %shift_right_logical3A_559 : i32 to index
      %get3A_562 = tpu.vector_load %arg22[%get3A] {strides = array<i32>} : memref<32xi32, #tpu.memory_space<vmem>>, vector<16xi32>,
      %slice3A = vector.extract_strided_slice %get3A_562 {offsets = [0], sizes = [1], strides = [1]} : vector<16xi32> to vector<1xi32>
      %squeeze3A = vector.extract %slice3A[0] : i32 from vector<1xi32>
      %add3A_563 = arith.constant 15 : i32
      %add3A_564 = arith.addi %squeeze3A, %add3A_563 : i32
      %div3A_565 = arith.constant 16 : i32
      %div3A_566 = arith.divsi %add3A_564, %div3A_565 : i32
      %while3A_567 = arith.constant 0 : i32
      %while3A_568 = arith.subi %div3A_566, %while3A_567 : i32
      %while3A_569 = arith.addi %while3A_567, %while3A_568 : i32
      %while3A_570 = arith.constant 1 : i32
      %while3A_571 = arith.divsi %while3A_568, %while3A_570 : i32
      %while3A_572 = arith.muli %while3A_571, %while3A_570 : i32
      %while3A_573 = arith.addi %while3A_567, %while3A_572 : i32
      %while3A_574 = arith.constant 1 : i32
      %while3A_575 = scf.for %while3A_605 = %while3A_567 to %while3A_573 step %while3A_574 iter_args(%while3A_606 = %while3A_527) -> (i32)  : i32 {
        %mul3A_607 = arith.constant 16 : i32
        %mul3A_608 = arith.muli %while3A_605, %mul3A_607 : i32
        %add3A_609 = vector.broadcast %mul3A_608 : i32 to vector<16xi32>
        %add3A_610 = arith.addi %add3A_609, %iota3A : vector<16xi32>
        %mul3A_611 = arith.constant 16 : i32
        %mul3A_612 = arith.muli %while3A_605, %mul3A_611 : i32
        %add3A_613 = arith.addi %mul3A_561, %mul3A_612 : i32
        %get3A_614 = arith.index_cast %add3A_613 : i32 to index
        %get3A_615 = tpu.vector_load %arg18[%get3A_614] {strides = array<i32>} : memref<2048xi32, #tpu.memory_space<vmem>>, vector<16xi32>,
        %mul3A_616 = arith.constant 16 : i32
        %mul3A_617 = arith.muli %while3A_605, %mul3A_616 : i32
        %add3A_618 = arith.addi %mul3A_561, %mul3A_617 : i32
        %get3A_619 = arith.index_cast %add3A_618 : i32 to index
        %get3A_620 = tpu.vector_load %arg19[%get3A_619] {strides = array<i32>} : memref<2048xi32, #tpu.memory_space<vmem>>, vector<16xi32>,
        %lt3A_621 = vector.broadcast %squeeze3A : i32 to vector<16xi32>
        %lt3A_622 = arith.cmpi slt, %add3A_610, %lt3A_621 : vector<16xi32>
        %ge3A = vector.broadcast %add3A_531 : i32 to vector<16xi32>
        %ge3A_623 = arith.cmpi sge, %get3A_615, %ge3A : vector<16xi32>
        %and3A = arith.andi %lt3A_622, %ge3A_623 : vector<16xi1>
        %add3A_624 = arith.constant 256 : i32
        %add3A_625 = arith.addi %add3A_531, %add3A_624 : i32
        %lt3A_626 = vector.broadcast %add3A_625 : i32 to vector<16xi32>
        %lt3A_627 = arith.cmpi slt, %get3A_615, %lt3A_626 : vector<16xi32>
        %and3A_628 = arith.andi %and3A, %lt3A_627 : vector<16xi1>
        %all_reduce_population_count3A = tpu.all_reduce %and3A_628 {dim = 0 : i64, kind = #tpu.reduction_kind<sum>} : vector<16xi1> -> vector<16xi32>
        %slice3A_629 = vector.extract_strided_slice %all_reduce_population_count3A {offsets = [0], sizes = [1], strides = [1]} : vector<16xi32> to vector<1xi32>
        %squeeze3A_630 = vector.extract %slice3A_629[0] : i32 from vector<1xi32>
        %sub3A = vector.broadcast %add3A_531 : i32 to vector<16xi32>
        %sub3A_631 = arith.subi %get3A_615, %sub3A : vector<16xi32>
        %swap3A_632 = arith.constant 0 : index
        %swap3A_633 = tpu.vector_load %arg24[%swap3A_632] masked %and3A_628 {strides = array<i32>} : memref<32xi32, #tpu.memory_space<vmem>>, vector<16xi32>, vector<16xi1>
        tpu.vector_store %arg24[%swap3A_632], %sub3A_631 masked %and3A_628 {strides = array<i32>} : memref<32xi32, #tpu.memory_space<vmem>>, vector<16xi32>, vector<16xi1>
        %swap3A_634 = arith.constant 0 : index
        %swap3A_635 = tpu.vector_load %arg25[%swap3A_634] masked %and3A_628 {strides = array<i32>} : memref<32xi32, #tpu.memory_space<vmem>>, vector<16xi32>, vector<16xi1>
        tpu.vector_store %arg25[%swap3A_634], %get3A_620 masked %and3A_628 {strides = array<i32>} : memref<32xi32, #tpu.memory_space<vmem>>, vector<16xi32>, vector<16xi1>
        %while3A_636 = arith.constant 0 : i32
        %while3A_637 = arith.subi %squeeze3A_630, %while3A_636 : i32
        %while3A_638 = arith.addi %while3A_636, %while3A_637 : i32
        %while3A_639 = arith.constant 1 : i32
        %while3A_640 = arith.divsi %while3A_637, %while3A_639 : i32
        %while3A_641 = arith.muli %while3A_640, %while3A_639 : i32
        %while3A_642 = arith.addi %while3A_636, %while3A_641 : i32
        %while3A_643 = arith.constant 1 : i32
        %while3A_644 = scf.for %while3A_647 = %while3A_636 to %while3A_642 step %while3A_643 iter_args(%while3A_648 = %while3A_606) -> (i32)  : i32 {
          %get3A_649 = arith.index_cast %while3A_647 : i32 to index
          %get3A_650 = tpu.vector_load %arg24[%get3A_649] {strides = array<i32>} : memref<32xi32, #tpu.memory_space<vmem>>, vector<16xi32>,
          %slice3A_651 = vector.extract_strided_slice %get3A_650 {offsets = [0], sizes = [1], strides = [1]} : vector<16xi32> to vector<1xi32>
          %squeeze3A_652 = vector.extract %slice3A_651[0] : i32 from vector<1xi32>
          %get3A_653 = arith.index_cast %while3A_647 : i32 to index
          %get3A_654 = tpu.vector_load %arg25[%get3A_653] {strides = array<i32>} : memref<32xi32, #tpu.memory_space<vmem>>, vector<16xi32>,
          %slice3A_655 = vector.extract_strided_slice %get3A_654 {offsets = [0], sizes = [1], strides = [1]} : vector<16xi32> to vector<1xi32>
          %squeeze3A_656 = vector.extract %slice3A_655[0] : i32 from vector<1xi32>
          %broadcast_in_dim3A_657 = arith.constant 0 : i32
          %broadcast_in_dim3A_658 = vector.broadcast %broadcast_in_dim3A_657 : i32 to vector<16xi32>
          %add3A_659 = vector.broadcast %squeeze3A_652 : i32 to vector<16xi32>
          %add3A_660 = arith.addi %broadcast_in_dim3A_658, %add3A_659 : vector<16xi32>
          %rem3A_661 = arith.constant 64 : i32
          %rem3A_662 = arith.remsi %while3A_648, %rem3A_661 : i32
          %ge3A_663 = arith.constant 64 : i32
          %ge3A_664 = arith.cmpi sge, %while3A_648, %ge3A_663 : i32
          %convert_element_type3A_665 = arith.extui %ge3A_664 : i1 to i32
          %cond3A_666 = arith.constant 0 : i32
          %cond3A_667 = arith.cmpi ne, %convert_element_type3A_665, %cond3A_666 : i32
          scf.if %cond3A_667 {
            %dma_wait3A_723 = arith.constant 0 : i32
            %dma_wait3A_724 = arith.constant 0 : i32
            %dma_wait3A_725 = tpu.memref_slice %arg26[%dma_wait3A_723, %dma_wait3A_724] : memref<64x64xf32, #tpu.memory_space<vmem>> -> memref<1x64xf32, #tpu.memory_space<vmem>>
            %dma_wait3A_726 = tpu.memref_squeeze %dma_wait3A_725 : memref<1x64xf32, #tpu.memory_space<vmem>> -> memref<64xf32, #tpu.memory_space<vmem>>
            %dma_wait3A_727 = arith.constant 0 : i32
            %dma_wait3A_728 = tpu.memref_slice %arg8[%dma_wait3A_727] : memref<1048576xf32, #tpu.memory_space<hbm>> -> memref<64xf32, #tpu.memory_space<hbm>>
            %dma_wait3A_729 = arith.constant 0 : i32
            %dma_wait3A_730 = tpu.memref_slice %arg26[%dma_wait3A_723, %dma_wait3A_729] : memref<64x64xf32, #tpu.memory_space<vmem>> -> memref<1x64xf32, #tpu.memory_space<vmem>>
            %dma_wait3A_731 = tpu.memref_squeeze %dma_wait3A_730 : memref<1x64xf32, #tpu.memory_space<vmem>> -> memref<64xf32, #tpu.memory_space<vmem>>
            %dma_wait3A_732 = arith.constant 0 : i32
            %dma_wait3A_733 = tpu.memref_slice %arg8[%dma_wait3A_732] : memref<1048576xf32, #tpu.memory_space<hbm>> -> memref<64xf32, #tpu.memory_space<hbm>>
            tpu.wait_dma2 semaphore(%arg31 : memref<!tpu.dma_semaphore, #tpu.memory_space<semaphore_mem>>) src(%dma_wait3A_733 : memref<64xf32, #tpu.memory_space<hbm>>) dst(%dma_wait3A_731 : memref<64xf32, #tpu.memory_space<vmem>>)
          } else {
          }
          %add3A_668 = arith.constant 0 : i32
          %add3A_669 = vector.broadcast %add3A_668 : i32 to vector<16xi32>
          %add3A_670 = arith.addi %add3A_669, %iota3A : vector<16xi32>
          %gather3A = arith.constant 0 : i32
          %gather3A_671 = arith.constant 0 : i32
          %gather3A_672 = tpu.memref_slice %arg12[%rem3A_528, %gather3A, %gather3A_671] : memref<2x64x256xf32, #tpu.memory_space<vmem>> -> memref<1x64x256xf32, #tpu.memory_space<vmem>>
          %gather3A_673 = tpu.memref_squeeze %gather3A_672 : memref<1x64x256xf32, #tpu.memory_space<vmem>> -> memref<64x256xf32, #tpu.memory_space<vmem>>
          %gather3A_674 = tpu.vector_load_idx %gather3A_673[%add3A_670, %add3A_660] : memref<64x256xf32, #tpu.memory_space<vmem>>[vector<16xi32>, vector<16xi32>], vector<16xf32>,
          %swap3A_675 = arith.index_cast %rem3A_662 : i32 to index
          %swap3A_676 = arith.constant 0 : index
          %swap3A_677 = tpu.vector_load %arg26[%swap3A_675, %swap3A_676] {strides = array<i32>} : memref<64x64xf32, #tpu.memory_space<vmem>>, vector<16xf32>,
          tpu.vector_store %arg26[%swap3A_675, %swap3A_676], %gather3A_674 {strides = array<i32>} : memref<64x64xf32, #tpu.memory_space<vmem>>, vector<16xf32>,
          %add3A_678 = arith.constant 16 : i32
          %add3A_679 = vector.broadcast %add3A_678 : i32 to vector<16xi32>
          %add3A_680 = arith.addi %add3A_679, %iota3A : vector<16xi32>
          %gather3A_681 = arith.constant 0 : i32
          %gather3A_682 = arith.constant 0 : i32
          %gather3A_683 = tpu.memref_slice %arg12[%rem3A_528, %gather3A_681, %gather3A_682] : memref<2x64x256xf32, #tpu.memory_space<vmem>> -> memref<1x64x256xf32, #tpu.memory_space<vmem>>
          %gather3A_684 = tpu.memref_squeeze %gather3A_683 : memref<1x64x256xf32, #tpu.memory_space<vmem>> -> memref<64x256xf32, #tpu.memory_space<vmem>>
          %gather3A_685 = tpu.vector_load_idx %gather3A_684[%add3A_680, %add3A_660] : memref<64x256xf32, #tpu.memory_space<vmem>>[vector<16xi32>, vector<16xi32>], vector<16xf32>,
          %swap3A_686 = arith.index_cast %rem3A_662 : i32 to index
          %swap3A_687 = arith.constant 16 : index
          %swap3A_688 = tpu.vector_load %arg26[%swap3A_686, %swap3A_687] {strides = array<i32>} : memref<64x64xf32, #tpu.memory_space<vmem>>, vector<16xf32>,
          tpu.vector_store %arg26[%swap3A_686, %swap3A_687], %gather3A_685 {strides = array<i32>} : memref<64x64xf32, #tpu.memory_space<vmem>>, vector<16xf32>,
          %add3A_689 = arith.constant 32 : i32
          %add3A_690 = vector.broadcast %add3A_689 : i32 to vector<16xi32>
          %add3A_691 = arith.addi %add3A_690, %iota3A : vector<16xi32>
          %gather3A_692 = arith.constant 0 : i32
          %gather3A_693 = arith.constant 0 : i32
          %gather3A_694 = tpu.memref_slice %arg12[%rem3A_528, %gather3A_692, %gather3A_693] : memref<2x64x256xf32, #tpu.memory_space<vmem>> -> memref<1x64x256xf32, #tpu.memory_space<vmem>>
          %gather3A_695 = tpu.memref_squeeze %gather3A_694 : memref<1x64x256xf32, #tpu.memory_space<vmem>> -> memref<64x256xf32, #tpu.memory_space<vmem>>
          %gather3A_696 = tpu.vector_load_idx %gather3A_695[%add3A_691, %add3A_660] : memref<64x256xf32, #tpu.memory_space<vmem>>[vector<16xi32>, vector<16xi32>], vector<16xf32>,
          %swap3A_697 = arith.index_cast %rem3A_662 : i32 to index
          %swap3A_698 = arith.constant 32 : index
          %swap3A_699 = tpu.vector_load %arg26[%swap3A_697, %swap3A_698] {strides = array<i32>} : memref<64x64xf32, #tpu.memory_space<vmem>>, vector<16xf32>,
          tpu.vector_store %arg26[%swap3A_697, %swap3A_698], %gather3A_696 {strides = array<i32>} : memref<64x64xf32, #tpu.memory_space<vmem>>, vector<16xf32>,
          %add3A_700 = arith.constant 48 : i32
          %add3A_701 = vector.broadcast %add3A_700 : i32 to vector<16xi32>
          %add3A_702 = arith.addi %add3A_701, %iota3A : vector<16xi32>
          %gather3A_703 = arith.constant 0 : i32
          %gather3A_704 = arith.constant 0 : i32
          %gather3A_705 = tpu.memref_slice %arg12[%rem3A_528, %gather3A_703, %gather3A_704] : memref<2x64x256xf32, #tpu.memory_space<vmem>> -> memref<1x64x256xf32, #tpu.memory_space<vmem>>
          %gather3A_706 = tpu.memref_squeeze %gather3A_705 : memref<1x64x256xf32, #tpu.memory_space<vmem>> -> memref<64x256xf32, #tpu.memory_space<vmem>>
          %gather3A_707 = tpu.vector_load_idx %gather3A_706[%add3A_702, %add3A_660] : memref<64x256xf32, #tpu.memory_space<vmem>>[vector<16xi32>, vector<16xi32>], vector<16xf32>,
          %swap3A_708 = arith.index_cast %rem3A_662 : i32 to index
          %swap3A_709 = arith.constant 48 : index
          %swap3A_710 = tpu.vector_load %arg26[%swap3A_708, %swap3A_709] {strides = array<i32>} : memref<64x64xf32, #tpu.memory_space<vmem>>, vector<16xf32>,
          tpu.vector_store %arg26[%swap3A_708, %swap3A_709], %gather3A_707 {strides = array<i32>} : memref<64x64xf32, #tpu.memory_space<vmem>>, vector<16xf32>,
          %mul3A_711 = arith.constant 64 : i32
          %mul3A_712 = arith.muli %squeeze3A_656, %mul3A_711 : i32
          %dma_start3A_713 = arith.constant 0 : i32
          %dma_start3A_714 = tpu.memref_slice %arg26[%rem3A_662, %dma_start3A_713] : memref<64x64xf32, #tpu.memory_space<vmem>> -> memref<1x64xf32, #tpu.memory_space<vmem>>
          %dma_start3A_715 = tpu.memref_squeeze %dma_start3A_714 : memref<1x64xf32, #tpu.memory_space<vmem>> -> memref<64xf32, #tpu.memory_space<vmem>>
          %dma_start3A_716 = tpu.memref_slice %arg8[%mul3A_712] : memref<1048576xf32, #tpu.memory_space<hbm>> -> memref<64xf32, #tpu.memory_space<hbm>>
          %dma_start3A_717 = tpu.memref_slice %arg8[%mul3A_712] : memref<1048576xf32, #tpu.memory_space<hbm>> -> memref<64xf32, #tpu.memory_space<hbm>>
          %dma_start3A_718 = arith.constant 0 : i32
          %dma_start3A_719 = tpu.memref_slice %arg26[%rem3A_662, %dma_start3A_718] : memref<64x64xf32, #tpu.memory_space<vmem>> -> memref<1x64xf32, #tpu.memory_space<vmem>>
          %dma_start3A_720 = tpu.memref_squeeze %dma_start3A_719 : memref<1x64xf32, #tpu.memory_space<vmem>> -> memref<64xf32, #tpu.memory_space<vmem>>
          tpu.enqueue_dma source(%dma_start3A_720 : memref<64xf32, #tpu.memory_space<vmem>>) target(%dma_start3A_717 : memref<64xf32, #tpu.memory_space<hbm>>) target_semaphore(%arg31 : memref<!tpu.dma_semaphore, #tpu.memory_space<semaphore_mem>>)
          %add3A_721 = arith.constant 1 : i32
          %add3A_722 = arith.addi %while3A_648, %add3A_721 : i32
          scf.yield %add3A_722 : i32
        }
        %while3A_645 = arith.constant 1 : i32
        %while3A_646 = scf.for %while3A_647 = %while3A_642 to %while3A_638 step %while3A_645 iter_args(%while3A_648 = %while3A_644) -> (i32)  : i32 {
          %get3A_649 = arith.index_cast %while3A_647 : i32 to index
          %get3A_650 = tpu.vector_load %arg24[%get3A_649] {strides = array<i32>} : memref<32xi32, #tpu.memory_space<vmem>>, vector<16xi32>,
          %slice3A_651 = vector.extract_strided_slice %get3A_650 {offsets = [0], sizes = [1], strides = [1]} : vector<16xi32> to vector<1xi32>
          %squeeze3A_652 = vector.extract %slice3A_651[0] : i32 from vector<1xi32>
          %get3A_653 = arith.index_cast %while3A_647 : i32 to index
          %get3A_654 = tpu.vector_load %arg25[%get3A_653] {strides = array<i32>} : memref<32xi32, #tpu.memory_space<vmem>>, vector<16xi32>,
          %slice3A_655 = vector.extract_strided_slice %get3A_654 {offsets = [0], sizes = [1], strides = [1]} : vector<16xi32> to vector<1xi32>
          %squeeze3A_656 = vector.extract %slice3A_655[0] : i32 from vector<1xi32>
          %broadcast_in_dim3A_657 = arith.constant 0 : i32
          %broadcast_in_dim3A_658 = vector.broadcast %broadcast_in_dim3A_657 : i32 to vector<16xi32>
          %add3A_659 = vector.broadcast %squeeze3A_652 : i32 to vector<16xi32>
          %add3A_660 = arith.addi %broadcast_in_dim3A_658, %add3A_659 : vector<16xi32>
          %rem3A_661 = arith.constant 64 : i32
          %rem3A_662 = arith.remsi %while3A_648, %rem3A_661 : i32
          %ge3A_663 = arith.constant 64 : i32
          %ge3A_664 = arith.cmpi sge, %while3A_648, %ge3A_663 : i32
          %convert_element_type3A_665 = arith.extui %ge3A_664 : i1 to i32
          %cond3A_666 = arith.constant 0 : i32
          %cond3A_667 = arith.cmpi ne, %convert_element_type3A_665, %cond3A_666 : i32
          scf.if %cond3A_667 {
            %dma_wait3A_723 = arith.constant 0 : i32
            %dma_wait3A_724 = arith.constant 0 : i32
            %dma_wait3A_725 = tpu.memref_slice %arg26[%dma_wait3A_723, %dma_wait3A_724] : memref<64x64xf32, #tpu.memory_space<vmem>> -> memref<1x64xf32, #tpu.memory_space<vmem>>
            %dma_wait3A_726 = tpu.memref_squeeze %dma_wait3A_725 : memref<1x64xf32, #tpu.memory_space<vmem>> -> memref<64xf32, #tpu.memory_space<vmem>>
            %dma_wait3A_727 = arith.constant 0 : i32
            %dma_wait3A_728 = tpu.memref_slice %arg8[%dma_wait3A_727] : memref<1048576xf32, #tpu.memory_space<hbm>> -> memref<64xf32, #tpu.memory_space<hbm>>
            %dma_wait3A_729 = arith.constant 0 : i32
            %dma_wait3A_730 = tpu.memref_slice %arg26[%dma_wait3A_723, %dma_wait3A_729] : memref<64x64xf32, #tpu.memory_space<vmem>> -> memref<1x64xf32, #tpu.memory_space<vmem>>
            %dma_wait3A_731 = tpu.memref_squeeze %dma_wait3A_730 : memref<1x64xf32, #tpu.memory_space<vmem>> -> memref<64xf32, #tpu.memory_space<vmem>>
            %dma_wait3A_732 = arith.constant 0 : i32
            %dma_wait3A_733 = tpu.memref_slice %arg8[%dma_wait3A_732] : memref<1048576xf32, #tpu.memory_space<hbm>> -> memref<64xf32, #tpu.memory_space<hbm>>
            tpu.wait_dma2 semaphore(%arg31 : memref<!tpu.dma_semaphore, #tpu.memory_space<semaphore_mem>>) src(%dma_wait3A_733 : memref<64xf32, #tpu.memory_space<hbm>>) dst(%dma_wait3A_731 : memref<64xf32, #tpu.memory_space<vmem>>)
          } else {
          }
          %add3A_668 = arith.constant 0 : i32
          %add3A_669 = vector.broadcast %add3A_668 : i32 to vector<16xi32>
          %add3A_670 = arith.addi %add3A_669, %iota3A : vector<16xi32>
          %gather3A = arith.constant 0 : i32
          %gather3A_671 = arith.constant 0 : i32
          %gather3A_672 = tpu.memref_slice %arg12[%rem3A_528, %gather3A, %gather3A_671] : memref<2x64x256xf32, #tpu.memory_space<vmem>> -> memref<1x64x256xf32, #tpu.memory_space<vmem>>
          %gather3A_673 = tpu.memref_squeeze %gather3A_672 : memref<1x64x256xf32, #tpu.memory_space<vmem>> -> memref<64x256xf32, #tpu.memory_space<vmem>>
          %gather3A_674 = tpu.vector_load_idx %gather3A_673[%add3A_670, %add3A_660] : memref<64x256xf32, #tpu.memory_space<vmem>>[vector<16xi32>, vector<16xi32>], vector<16xf32>,
          %swap3A_675 = arith.index_cast %rem3A_662 : i32 to index
          %swap3A_676 = arith.constant 0 : index
          %swap3A_677 = tpu.vector_load %arg26[%swap3A_675, %swap3A_676] {strides = array<i32>} : memref<64x64xf32, #tpu.memory_space<vmem>>, vector<16xf32>,
          tpu.vector_store %arg26[%swap3A_675, %swap3A_676], %gather3A_674 {strides = array<i32>} : memref<64x64xf32, #tpu.memory_space<vmem>>, vector<16xf32>,
          %add3A_678 = arith.constant 16 : i32
          %add3A_679 = vector.broadcast %add3A_678 : i32 to vector<16xi32>
          %add3A_680 = arith.addi %add3A_679, %iota3A : vector<16xi32>
          %gather3A_681 = arith.constant 0 : i32
          %gather3A_682 = arith.constant 0 : i32
          %gather3A_683 = tpu.memref_slice %arg12[%rem3A_528, %gather3A_681, %gather3A_682] : memref<2x64x256xf32, #tpu.memory_space<vmem>> -> memref<1x64x256xf32, #tpu.memory_space<vmem>>
          %gather3A_684 = tpu.memref_squeeze %gather3A_683 : memref<1x64x256xf32, #tpu.memory_space<vmem>> -> memref<64x256xf32, #tpu.memory_space<vmem>>
          %gather3A_685 = tpu.vector_load_idx %gather3A_684[%add3A_680, %add3A_660] : memref<64x256xf32, #tpu.memory_space<vmem>>[vector<16xi32>, vector<16xi32>], vector<16xf32>,
          %swap3A_686 = arith.index_cast %rem3A_662 : i32 to index
          %swap3A_687 = arith.constant 16 : index
          %swap3A_688 = tpu.vector_load %arg26[%swap3A_686, %swap3A_687] {strides = array<i32>} : memref<64x64xf32, #tpu.memory_space<vmem>>, vector<16xf32>,
          tpu.vector_store %arg26[%swap3A_686, %swap3A_687], %gather3A_685 {strides = array<i32>} : memref<64x64xf32, #tpu.memory_space<vmem>>, vector<16xf32>,
          %add3A_689 = arith.constant 32 : i32
          %add3A_690 = vector.broadcast %add3A_689 : i32 to vector<16xi32>
          %add3A_691 = arith.addi %add3A_690, %iota3A : vector<16xi32>
          %gather3A_692 = arith.constant 0 : i32
          %gather3A_693 = arith.constant 0 : i32
          %gather3A_694 = tpu.memref_slice %arg12[%rem3A_528, %gather3A_692, %gather3A_693] : memref<2x64x256xf32, #tpu.memory_space<vmem>> -> memref<1x64x256xf32, #tpu.memory_space<vmem>>
          %gather3A_695 = tpu.memref_squeeze %gather3A_694 : memref<1x64x256xf32, #tpu.memory_space<vmem>> -> memref<64x256xf32, #tpu.memory_space<vmem>>
          %gather3A_696 = tpu.vector_load_idx %gather3A_695[%add3A_691, %add3A_660] : memref<64x256xf32, #tpu.memory_space<vmem>>[vector<16xi32>, vector<16xi32>], vector<16xf32>,
          %swap3A_697 = arith.index_cast %rem3A_662 : i32 to index
          %swap3A_698 = arith.constant 32 : index
          %swap3A_699 = tpu.vector_load %arg26[%swap3A_697, %swap3A_698] {strides = array<i32>} : memref<64x64xf32, #tpu.memory_space<vmem>>, vector<16xf32>,
          tpu.vector_store %arg26[%swap3A_697, %swap3A_698], %gather3A_696 {strides = array<i32>} : memref<64x64xf32, #tpu.memory_space<vmem>>, vector<16xf32>,
          %add3A_700 = arith.constant 48 : i32
          %add3A_701 = vector.broadcast %add3A_700 : i32 to vector<16xi32>
          %add3A_702 = arith.addi %add3A_701, %iota3A : vector<16xi32>
          %gather3A_703 = arith.constant 0 : i32
          %gather3A_704 = arith.constant 0 : i32
          %gather3A_705 = tpu.memref_slice %arg12[%rem3A_528, %gather3A_703, %gather3A_704] : memref<2x64x256xf32, #tpu.memory_space<vmem>> -> memref<1x64x256xf32, #tpu.memory_space<vmem>>
          %gather3A_706 = tpu.memref_squeeze %gather3A_705 : memref<1x64x256xf32, #tpu.memory_space<vmem>> -> memref<64x256xf32, #tpu.memory_space<vmem>>
          %gather3A_707 = tpu.vector_load_idx %gather3A_706[%add3A_702, %add3A_660] : memref<64x256xf32, #tpu.memory_space<vmem>>[vector<16xi32>, vector<16xi32>], vector<16xf32>,
          %swap3A_708 = arith.index_cast %rem3A_662 : i32 to index
          %swap3A_709 = arith.constant 48 : index
          %swap3A_710 = tpu.vector_load %arg26[%swap3A_708, %swap3A_709] {strides = array<i32>} : memref<64x64xf32, #tpu.memory_space<vmem>>, vector<16xf32>,
          tpu.vector_store %arg26[%swap3A_708, %swap3A_709], %gather3A_707 {strides = array<i32>} : memref<64x64xf32, #tpu.memory_space<vmem>>, vector<16xf32>,
          %mul3A_711 = arith.constant 64 : i32
          %mul3A_712 = arith.muli %squeeze3A_656, %mul3A_711 : i32
          %dma_start3A_713 = arith.constant 0 : i32
          %dma_start3A_714 = tpu.memref_slice %arg26[%rem3A_662, %dma_start3A_713] : memref<64x64xf32, #tpu.memory_space<vmem>> -> memref<1x64xf32, #tpu.memory_space<vmem>>
          %dma_start3A_715 = tpu.memref_squeeze %dma_start3A_714 : memref<1x64xf32, #tpu.memory_space<vmem>> -> memref<64xf32, #tpu.memory_space<vmem>>
          %dma_start3A_716 = tpu.memref_slice %arg8[%mul3A_712] : memref<1048576xf32, #tpu.memory_space<hbm>> -> memref<64xf32, #tpu.memory_space<hbm>>
          %dma_start3A_717 = tpu.memref_slice %arg8[%mul3A_712] : memref<1048576xf32, #tpu.memory_space<hbm>> -> memref<64xf32, #tpu.memory_space<hbm>>
          %dma_start3A_718 = arith.constant 0 : i32
          %dma_start3A_719 = tpu.memref_slice %arg26[%rem3A_662, %dma_start3A_718] : memref<64x64xf32, #tpu.memory_space<vmem>> -> memref<1x64xf32, #tpu.memory_space<vmem>>
          %dma_start3A_720 = tpu.memref_squeeze %dma_start3A_719 : memref<1x64xf32, #tpu.memory_space<vmem>> -> memref<64xf32, #tpu.memory_space<vmem>>
          tpu.enqueue_dma source(%dma_start3A_720 : memref<64xf32, #tpu.memory_space<vmem>>) target(%dma_start3A_717 : memref<64xf32, #tpu.memory_space<hbm>>) target_semaphore(%arg31 : memref<!tpu.dma_semaphore, #tpu.memory_space<semaphore_mem>>)
          %add3A_721 = arith.constant 1 : i32
          %add3A_722 = arith.addi %while3A_648, %add3A_721 : i32
          scf.yield %add3A_722 : i32
        }
        scf.yield %while3A_646 : i32
      }
      %while3A_576 = arith.constant 1 : i32
      %while3A_577 = scf.for %while3A_605 = %while3A_573 to %while3A_569 step %while3A_576 iter_args(%while3A_606 = %while3A_575) -> (i32)  : i32 {
        %mul3A_607 = arith.constant 16 : i32
        %mul3A_608 = arith.muli %while3A_605, %mul3A_607 : i32
        %add3A_609 = vector.broadcast %mul3A_608 : i32 to vector<16xi32>
        %add3A_610 = arith.addi %add3A_609, %iota3A : vector<16xi32>
        %mul3A_611 = arith.constant 16 : i32
        %mul3A_612 = arith.muli %while3A_605, %mul3A_611 : i32
        %add3A_613 = arith.addi %mul3A_561, %mul3A_612 : i32
        %get3A_614 = arith.index_cast %add3A_613 : i32 to index
        %get3A_615 = tpu.vector_load %arg18[%get3A_614] {strides = array<i32>} : memref<2048xi32, #tpu.memory_space<vmem>>, vector<16xi32>,
        %mul3A_616 = arith.constant 16 : i32
        %mul3A_617 = arith.muli %while3A_605, %mul3A_616 : i32
        %add3A_618 = arith.addi %mul3A_561, %mul3A_617 : i32
        %get3A_619 = arith.index_cast %add3A_618 : i32 to index
        %get3A_620 = tpu.vector_load %arg19[%get3A_619] {strides = array<i32>} : memref<2048xi32, #tpu.memory_space<vmem>>, vector<16xi32>,
        %lt3A_621 = vector.broadcast %squeeze3A : i32 to vector<16xi32>
        %lt3A_622 = arith.cmpi slt, %add3A_610, %lt3A_621 : vector<16xi32>
        %ge3A = vector.broadcast %add3A_531 : i32 to vector<16xi32>
        %ge3A_623 = arith.cmpi sge, %get3A_615, %ge3A : vector<16xi32>
        %and3A = arith.andi %lt3A_622, %ge3A_623 : vector<16xi1>
        %add3A_624 = arith.constant 256 : i32
        %add3A_625 = arith.addi %add3A_531, %add3A_624 : i32
        %lt3A_626 = vector.broadcast %add3A_625 : i32 to vector<16xi32>
        %lt3A_627 = arith.cmpi slt, %get3A_615, %lt3A_626 : vector<16xi32>
        %and3A_628 = arith.andi %and3A, %lt3A_627 : vector<16xi1>
        %all_reduce_population_count3A = tpu.all_reduce %and3A_628 {dim = 0 : i64, kind = #tpu.reduction_kind<sum>} : vector<16xi1> -> vector<16xi32>
        %slice3A_629 = vector.extract_strided_slice %all_reduce_population_count3A {offsets = [0], sizes = [1], strides = [1]} : vector<16xi32> to vector<1xi32>
        %squeeze3A_630 = vector.extract %slice3A_629[0] : i32 from vector<1xi32>
        %sub3A = vector.broadcast %add3A_531 : i32 to vector<16xi32>
        %sub3A_631 = arith.subi %get3A_615, %sub3A : vector<16xi32>
        %swap3A_632 = arith.constant 0 : index
        %swap3A_633 = tpu.vector_load %arg24[%swap3A_632] masked %and3A_628 {strides = array<i32>} : memref<32xi32, #tpu.memory_space<vmem>>, vector<16xi32>, vector<16xi1>
        tpu.vector_store %arg24[%swap3A_632], %sub3A_631 masked %and3A_628 {strides = array<i32>} : memref<32xi32, #tpu.memory_space<vmem>>, vector<16xi32>, vector<16xi1>
        %swap3A_634 = arith.constant 0 : index
        %swap3A_635 = tpu.vector_load %arg25[%swap3A_634] masked %and3A_628 {strides = array<i32>} : memref<32xi32, #tpu.memory_space<vmem>>, vector<16xi32>, vector<16xi1>
        tpu.vector_store %arg25[%swap3A_634], %get3A_620 masked %and3A_628 {strides = array<i32>} : memref<32xi32, #tpu.memory_space<vmem>>, vector<16xi32>, vector<16xi1>
        %while3A_636 = arith.constant 0 : i32
        %while3A_637 = arith.subi %squeeze3A_630, %while3A_636 : i32
        %while3A_638 = arith.addi %while3A_636, %while3A_637 : i32
        %while3A_639 = arith.constant 1 : i32
        %while3A_640 = arith.divsi %while3A_637, %while3A_639 : i32
        %while3A_641 = arith.muli %while3A_640, %while3A_639 : i32
        %while3A_642 = arith.addi %while3A_636, %while3A_641 : i32
        %while3A_643 = arith.constant 1 : i32
        %while3A_644 = scf.for %while3A_647 = %while3A_636 to %while3A_642 step %while3A_643 iter_args(%while3A_648 = %while3A_606) -> (i32)  : i32 {
          %get3A_649 = arith.index_cast %while3A_647 : i32 to index
          %get3A_650 = tpu.vector_load %arg24[%get3A_649] {strides = array<i32>} : memref<32xi32, #tpu.memory_space<vmem>>, vector<16xi32>,
          %slice3A_651 = vector.extract_strided_slice %get3A_650 {offsets = [0], sizes = [1], strides = [1]} : vector<16xi32> to vector<1xi32>
          %squeeze3A_652 = vector.extract %slice3A_651[0] : i32 from vector<1xi32>
          %get3A_653 = arith.index_cast %while3A_647 : i32 to index
          %get3A_654 = tpu.vector_load %arg25[%get3A_653] {strides = array<i32>} : memref<32xi32, #tpu.memory_space<vmem>>, vector<16xi32>,
          %slice3A_655 = vector.extract_strided_slice %get3A_654 {offsets = [0], sizes = [1], strides = [1]} : vector<16xi32> to vector<1xi32>
          %squeeze3A_656 = vector.extract %slice3A_655[0] : i32 from vector<1xi32>
          %broadcast_in_dim3A_657 = arith.constant 0 : i32
          %broadcast_in_dim3A_658 = vector.broadcast %broadcast_in_dim3A_657 : i32 to vector<16xi32>
          %add3A_659 = vector.broadcast %squeeze3A_652 : i32 to vector<16xi32>
          %add3A_660 = arith.addi %broadcast_in_dim3A_658, %add3A_659 : vector<16xi32>
          %rem3A_661 = arith.constant 64 : i32
          %rem3A_662 = arith.remsi %while3A_648, %rem3A_661 : i32
          %ge3A_663 = arith.constant 64 : i32
          %ge3A_664 = arith.cmpi sge, %while3A_648, %ge3A_663 : i32
          %convert_element_type3A_665 = arith.extui %ge3A_664 : i1 to i32
          %cond3A_666 = arith.constant 0 : i32
          %cond3A_667 = arith.cmpi ne, %convert_element_type3A_665, %cond3A_666 : i32
          scf.if %cond3A_667 {
            %dma_wait3A_723 = arith.constant 0 : i32
            %dma_wait3A_724 = arith.constant 0 : i32
            %dma_wait3A_725 = tpu.memref_slice %arg26[%dma_wait3A_723, %dma_wait3A_724] : memref<64x64xf32, #tpu.memory_space<vmem>> -> memref<1x64xf32, #tpu.memory_space<vmem>>
            %dma_wait3A_726 = tpu.memref_squeeze %dma_wait3A_725 : memref<1x64xf32, #tpu.memory_space<vmem>> -> memref<64xf32, #tpu.memory_space<vmem>>
            %dma_wait3A_727 = arith.constant 0 : i32
            %dma_wait3A_728 = tpu.memref_slice %arg8[%dma_wait3A_727] : memref<1048576xf32, #tpu.memory_space<hbm>> -> memref<64xf32, #tpu.memory_space<hbm>>
            %dma_wait3A_729 = arith.constant 0 : i32
            %dma_wait3A_730 = tpu.memref_slice %arg26[%dma_wait3A_723, %dma_wait3A_729] : memref<64x64xf32, #tpu.memory_space<vmem>> -> memref<1x64xf32, #tpu.memory_space<vmem>>
            %dma_wait3A_731 = tpu.memref_squeeze %dma_wait3A_730 : memref<1x64xf32, #tpu.memory_space<vmem>> -> memref<64xf32, #tpu.memory_space<vmem>>
            %dma_wait3A_732 = arith.constant 0 : i32
            %dma_wait3A_733 = tpu.memref_slice %arg8[%dma_wait3A_732] : memref<1048576xf32, #tpu.memory_space<hbm>> -> memref<64xf32, #tpu.memory_space<hbm>>
            tpu.wait_dma2 semaphore(%arg31 : memref<!tpu.dma_semaphore, #tpu.memory_space<semaphore_mem>>) src(%dma_wait3A_733 : memref<64xf32, #tpu.memory_space<hbm>>) dst(%dma_wait3A_731 : memref<64xf32, #tpu.memory_space<vmem>>)
          } else {
          }
          %add3A_668 = arith.constant 0 : i32
          %add3A_669 = vector.broadcast %add3A_668 : i32 to vector<16xi32>
          %add3A_670 = arith.addi %add3A_669, %iota3A : vector<16xi32>
          %gather3A = arith.constant 0 : i32
          %gather3A_671 = arith.constant 0 : i32
          %gather3A_672 = tpu.memref_slice %arg12[%rem3A_528, %gather3A, %gather3A_671] : memref<2x64x256xf32, #tpu.memory_space<vmem>> -> memref<1x64x256xf32, #tpu.memory_space<vmem>>
          %gather3A_673 = tpu.memref_squeeze %gather3A_672 : memref<1x64x256xf32, #tpu.memory_space<vmem>> -> memref<64x256xf32, #tpu.memory_space<vmem>>
          %gather3A_674 = tpu.vector_load_idx %gather3A_673[%add3A_670, %add3A_660] : memref<64x256xf32, #tpu.memory_space<vmem>>[vector<16xi32>, vector<16xi32>], vector<16xf32>,
          %swap3A_675 = arith.index_cast %rem3A_662 : i32 to index
          %swap3A_676 = arith.constant 0 : index
          %swap3A_677 = tpu.vector_load %arg26[%swap3A_675, %swap3A_676] {strides = array<i32>} : memref<64x64xf32, #tpu.memory_space<vmem>>, vector<16xf32>,
          tpu.vector_store %arg26[%swap3A_675, %swap3A_676], %gather3A_674 {strides = array<i32>} : memref<64x64xf32, #tpu.memory_space<vmem>>, vector<16xf32>,
          %add3A_678 = arith.constant 16 : i32
          %add3A_679 = vector.broadcast %add3A_678 : i32 to vector<16xi32>
          %add3A_680 = arith.addi %add3A_679, %iota3A : vector<16xi32>
          %gather3A_681 = arith.constant 0 : i32
          %gather3A_682 = arith.constant 0 : i32
          %gather3A_683 = tpu.memref_slice %arg12[%rem3A_528, %gather3A_681, %gather3A_682] : memref<2x64x256xf32, #tpu.memory_space<vmem>> -> memref<1x64x256xf32, #tpu.memory_space<vmem>>
          %gather3A_684 = tpu.memref_squeeze %gather3A_683 : memref<1x64x256xf32, #tpu.memory_space<vmem>> -> memref<64x256xf32, #tpu.memory_space<vmem>>
          %gather3A_685 = tpu.vector_load_idx %gather3A_684[%add3A_680, %add3A_660] : memref<64x256xf32, #tpu.memory_space<vmem>>[vector<16xi32>, vector<16xi32>], vector<16xf32>,
          %swap3A_686 = arith.index_cast %rem3A_662 : i32 to index
          %swap3A_687 = arith.constant 16 : index
          %swap3A_688 = tpu.vector_load %arg26[%swap3A_686, %swap3A_687] {strides = array<i32>} : memref<64x64xf32, #tpu.memory_space<vmem>>, vector<16xf32>,
          tpu.vector_store %arg26[%swap3A_686, %swap3A_687], %gather3A_685 {strides = array<i32>} : memref<64x64xf32, #tpu.memory_space<vmem>>, vector<16xf32>,
          %add3A_689 = arith.constant 32 : i32
          %add3A_690 = vector.broadcast %add3A_689 : i32 to vector<16xi32>
          %add3A_691 = arith.addi %add3A_690, %iota3A : vector<16xi32>
          %gather3A_692 = arith.constant 0 : i32
          %gather3A_693 = arith.constant 0 : i32
          %gather3A_694 = tpu.memref_slice %arg12[%rem3A_528, %gather3A_692, %gather3A_693] : memref<2x64x256xf32, #tpu.memory_space<vmem>> -> memref<1x64x256xf32, #tpu.memory_space<vmem>>
          %gather3A_695 = tpu.memref_squeeze %gather3A_694 : memref<1x64x256xf32, #tpu.memory_space<vmem>> -> memref<64x256xf32, #tpu.memory_space<vmem>>
          %gather3A_696 = tpu.vector_load_idx %gather3A_695[%add3A_691, %add3A_660] : memref<64x256xf32, #tpu.memory_space<vmem>>[vector<16xi32>, vector<16xi32>], vector<16xf32>,
          %swap3A_697 = arith.index_cast %rem3A_662 : i32 to index
          %swap3A_698 = arith.constant 32 : index
          %swap3A_699 = tpu.vector_load %arg26[%swap3A_697, %swap3A_698] {strides = array<i32>} : memref<64x64xf32, #tpu.memory_space<vmem>>, vector<16xf32>,
          tpu.vector_store %arg26[%swap3A_697, %swap3A_698], %gather3A_696 {strides = array<i32>} : memref<64x64xf32, #tpu.memory_space<vmem>>, vector<16xf32>,
          %add3A_700 = arith.constant 48 : i32
          %add3A_701 = vector.broadcast %add3A_700 : i32 to vector<16xi32>
          %add3A_702 = arith.addi %add3A_701, %iota3A : vector<16xi32>
          %gather3A_703 = arith.constant 0 : i32
          %gather3A_704 = arith.constant 0 : i32
          %gather3A_705 = tpu.memref_slice %arg12[%rem3A_528, %gather3A_703, %gather3A_704] : memref<2x64x256xf32, #tpu.memory_space<vmem>> -> memref<1x64x256xf32, #tpu.memory_space<vmem>>
          %gather3A_706 = tpu.memref_squeeze %gather3A_705 : memref<1x64x256xf32, #tpu.memory_space<vmem>> -> memref<64x256xf32, #tpu.memory_space<vmem>>
          %gather3A_707 = tpu.vector_load_idx %gather3A_706[%add3A_702, %add3A_660] : memref<64x256xf32, #tpu.memory_space<vmem>>[vector<16xi32>, vector<16xi32>], vector<16xf32>,
          %swap3A_708 = arith.index_cast %rem3A_662 : i32 to index
          %swap3A_709 = arith.constant 48 : index
          %swap3A_710 = tpu.vector_load %arg26[%swap3A_708, %swap3A_709] {strides = array<i32>} : memref<64x64xf32, #tpu.memory_space<vmem>>, vector<16xf32>,
          tpu.vector_store %arg26[%swap3A_708, %swap3A_709], %gather3A_707 {strides = array<i32>} : memref<64x64xf32, #tpu.memory_space<vmem>>, vector<16xf32>,
          %mul3A_711 = arith.constant 64 : i32
          %mul3A_712 = arith.muli %squeeze3A_656, %mul3A_711 : i32
          %dma_start3A_713 = arith.constant 0 : i32
          %dma_start3A_714 = tpu.memref_slice %arg26[%rem3A_662, %dma_start3A_713] : memref<64x64xf32, #tpu.memory_space<vmem>> -> memref<1x64xf32, #tpu.memory_space<vmem>>
          %dma_start3A_715 = tpu.memref_squeeze %dma_start3A_714 : memref<1x64xf32, #tpu.memory_space<vmem>> -> memref<64xf32, #tpu.memory_space<vmem>>
          %dma_start3A_716 = tpu.memref_slice %arg8[%mul3A_712] : memref<1048576xf32, #tpu.memory_space<hbm>> -> memref<64xf32, #tpu.memory_space<hbm>>
          %dma_start3A_717 = tpu.memref_slice %arg8[%mul3A_712] : memref<1048576xf32, #tpu.memory_space<hbm>> -> memref<64xf32, #tpu.memory_space<hbm>>
          %dma_start3A_718 = arith.constant 0 : i32
          %dma_start3A_719 = tpu.memref_slice %arg26[%rem3A_662, %dma_start3A_718] : memref<64x64xf32, #tpu.memory_space<vmem>> -> memref<1x64xf32, #tpu.memory_space<vmem>>
          %dma_start3A_720 = tpu.memref_squeeze %dma_start3A_719 : memref<1x64xf32, #tpu.memory_space<vmem>> -> memref<64xf32, #tpu.memory_space<vmem>>
          tpu.enqueue_dma source(%dma_start3A_720 : memref<64xf32, #tpu.memory_space<vmem>>) target(%dma_start3A_717 : memref<64xf32, #tpu.memory_space<hbm>>) target_semaphore(%arg31 : memref<!tpu.dma_semaphore, #tpu.memory_space<semaphore_mem>>)
          %add3A_721 = arith.constant 1 : i32
          %add3A_722 = arith.addi %while3A_648, %add3A_721 : i32
          scf.yield %add3A_722 : i32
        }
        %while3A_645 = arith.constant 1 : i32
        %while3A_646 = scf.for %while3A_647 = %while3A_642 to %while3A_638 step %while3A_645 iter_args(%while3A_648 = %while3A_644) -> (i32)  : i32 {
          %get3A_649 = arith.index_cast %while3A_647 : i32 to index
          %get3A_650 = tpu.vector_load %arg24[%get3A_649] {strides = array<i32>} : memref<32xi32, #tpu.memory_space<vmem>>, vector<16xi32>,
          %slice3A_651 = vector.extract_strided_slice %get3A_650 {offsets = [0], sizes = [1], strides = [1]} : vector<16xi32> to vector<1xi32>
          %squeeze3A_652 = vector.extract %slice3A_651[0] : i32 from vector<1xi32>
          %get3A_653 = arith.index_cast %while3A_647 : i32 to index
          %get3A_654 = tpu.vector_load %arg25[%get3A_653] {strides = array<i32>} : memref<32xi32, #tpu.memory_space<vmem>>, vector<16xi32>,
          %slice3A_655 = vector.extract_strided_slice %get3A_654 {offsets = [0], sizes = [1], strides = [1]} : vector<16xi32> to vector<1xi32>
          %squeeze3A_656 = vector.extract %slice3A_655[0] : i32 from vector<1xi32>
          %broadcast_in_dim3A_657 = arith.constant 0 : i32
          %broadcast_in_dim3A_658 = vector.broadcast %broadcast_in_dim3A_657 : i32 to vector<16xi32>
          %add3A_659 = vector.broadcast %squeeze3A_652 : i32 to vector<16xi32>
          %add3A_660 = arith.addi %broadcast_in_dim3A_658, %add3A_659 : vector<16xi32>
          %rem3A_661 = arith.constant 64 : i32
          %rem3A_662 = arith.remsi %while3A_648, %rem3A_661 : i32
          %ge3A_663 = arith.constant 64 : i32
          %ge3A_664 = arith.cmpi sge, %while3A_648, %ge3A_663 : i32
          %convert_element_type3A_665 = arith.extui %ge3A_664 : i1 to i32
          %cond3A_666 = arith.constant 0 : i32
          %cond3A_667 = arith.cmpi ne, %convert_element_type3A_665, %cond3A_666 : i32
          scf.if %cond3A_667 {
            %dma_wait3A_723 = arith.constant 0 : i32
            %dma_wait3A_724 = arith.constant 0 : i32
            %dma_wait3A_725 = tpu.memref_slice %arg26[%dma_wait3A_723, %dma_wait3A_724] : memref<64x64xf32, #tpu.memory_space<vmem>> -> memref<1x64xf32, #tpu.memory_space<vmem>>
            %dma_wait3A_726 = tpu.memref_squeeze %dma_wait3A_725 : memref<1x64xf32, #tpu.memory_space<vmem>> -> memref<64xf32, #tpu.memory_space<vmem>>
            %dma_wait3A_727 = arith.constant 0 : i32
            %dma_wait3A_728 = tpu.memref_slice %arg8[%dma_wait3A_727] : memref<1048576xf32, #tpu.memory_space<hbm>> -> memref<64xf32, #tpu.memory_space<hbm>>
            %dma_wait3A_729 = arith.constant 0 : i32
            %dma_wait3A_730 = tpu.memref_slice %arg26[%dma_wait3A_723, %dma_wait3A_729] : memref<64x64xf32, #tpu.memory_space<vmem>> -> memref<1x64xf32, #tpu.memory_space<vmem>>
            %dma_wait3A_731 = tpu.memref_squeeze %dma_wait3A_730 : memref<1x64xf32, #tpu.memory_space<vmem>> -> memref<64xf32, #tpu.memory_space<vmem>>
            %dma_wait3A_732 = arith.constant 0 : i32
            %dma_wait3A_733 = tpu.memref_slice %arg8[%dma_wait3A_732] : memref<1048576xf32, #tpu.memory_space<hbm>> -> memref<64xf32, #tpu.memory_space<hbm>>
            tpu.wait_dma2 semaphore(%arg31 : memref<!tpu.dma_semaphore, #tpu.memory_space<semaphore_mem>>) src(%dma_wait3A_733 : memref<64xf32, #tpu.memory_space<hbm>>) dst(%dma_wait3A_731 : memref<64xf32, #tpu.memory_space<vmem>>)
          } else {
          }
          %add3A_668 = arith.constant 0 : i32
          %add3A_669 = vector.broadcast %add3A_668 : i32 to vector<16xi32>
          %add3A_670 = arith.addi %add3A_669, %iota3A : vector<16xi32>
          %gather3A = arith.constant 0 : i32
          %gather3A_671 = arith.constant 0 : i32
          %gather3A_672 = tpu.memref_slice %arg12[%rem3A_528, %gather3A, %gather3A_671] : memref<2x64x256xf32, #tpu.memory_space<vmem>> -> memref<1x64x256xf32, #tpu.memory_space<vmem>>
          %gather3A_673 = tpu.memref_squeeze %gather3A_672 : memref<1x64x256xf32, #tpu.memory_space<vmem>> -> memref<64x256xf32, #tpu.memory_space<vmem>>
          %gather3A_674 = tpu.vector_load_idx %gather3A_673[%add3A_670, %add3A_660] : memref<64x256xf32, #tpu.memory_space<vmem>>[vector<16xi32>, vector<16xi32>], vector<16xf32>,
          %swap3A_675 = arith.index_cast %rem3A_662 : i32 to index
          %swap3A_676 = arith.constant 0 : index
          %swap3A_677 = tpu.vector_load %arg26[%swap3A_675, %swap3A_676] {strides = array<i32>} : memref<64x64xf32, #tpu.memory_space<vmem>>, vector<16xf32>,
          tpu.vector_store %arg26[%swap3A_675, %swap3A_676], %gather3A_674 {strides = array<i32>} : memref<64x64xf32, #tpu.memory_space<vmem>>, vector<16xf32>,
          %add3A_678 = arith.constant 16 : i32
          %add3A_679 = vector.broadcast %add3A_678 : i32 to vector<16xi32>
          %add3A_680 = arith.addi %add3A_679, %iota3A : vector<16xi32>
          %gather3A_681 = arith.constant 0 : i32
          %gather3A_682 = arith.constant 0 : i32
          %gather3A_683 = tpu.memref_slice %arg12[%rem3A_528, %gather3A_681, %gather3A_682] : memref<2x64x256xf32, #tpu.memory_space<vmem>> -> memref<1x64x256xf32, #tpu.memory_space<vmem>>
          %gather3A_684 = tpu.memref_squeeze %gather3A_683 : memref<1x64x256xf32, #tpu.memory_space<vmem>> -> memref<64x256xf32, #tpu.memory_space<vmem>>
          %gather3A_685 = tpu.vector_load_idx %gather3A_684[%add3A_680, %add3A_660] : memref<64x256xf32, #tpu.memory_space<vmem>>[vector<16xi32>, vector<16xi32>], vector<16xf32>,
          %swap3A_686 = arith.index_cast %rem3A_662 : i32 to index
          %swap3A_687 = arith.constant 16 : index
          %swap3A_688 = tpu.vector_load %arg26[%swap3A_686, %swap3A_687] {strides = array<i32>} : memref<64x64xf32, #tpu.memory_space<vmem>>, vector<16xf32>,
          tpu.vector_store %arg26[%swap3A_686, %swap3A_687], %gather3A_685 {strides = array<i32>} : memref<64x64xf32, #tpu.memory_space<vmem>>, vector<16xf32>,
          %add3A_689 = arith.constant 32 : i32
          %add3A_690 = vector.broadcast %add3A_689 : i32 to vector<16xi32>
          %add3A_691 = arith.addi %add3A_690, %iota3A : vector<16xi32>
          %gather3A_692 = arith.constant 0 : i32
          %gather3A_693 = arith.constant 0 : i32
          %gather3A_694 = tpu.memref_slice %arg12[%rem3A_528, %gather3A_692, %gather3A_693] : memref<2x64x256xf32, #tpu.memory_space<vmem>> -> memref<1x64x256xf32, #tpu.memory_space<vmem>>
          %gather3A_695 = tpu.memref_squeeze %gather3A_694 : memref<1x64x256xf32, #tpu.memory_space<vmem>> -> memref<64x256xf32, #tpu.memory_space<vmem>>
          %gather3A_696 = tpu.vector_load_idx %gather3A_695[%add3A_691, %add3A_660] : memref<64x256xf32, #tpu.memory_space<vmem>>[vector<16xi32>, vector<16xi32>], vector<16xf32>,
          %swap3A_697 = arith.index_cast %rem3A_662 : i32 to index
          %swap3A_698 = arith.constant 32 : index
          %swap3A_699 = tpu.vector_load %arg26[%swap3A_697, %swap3A_698] {strides = array<i32>} : memref<64x64xf32, #tpu.memory_space<vmem>>, vector<16xf32>,
          tpu.vector_store %arg26[%swap3A_697, %swap3A_698], %gather3A_696 {strides = array<i32>} : memref<64x64xf32, #tpu.memory_space<vmem>>, vector<16xf32>,
          %add3A_700 = arith.constant 48 : i32
          %add3A_701 = vector.broadcast %add3A_700 : i32 to vector<16xi32>
          %add3A_702 = arith.addi %add3A_701, %iota3A : vector<16xi32>
          %gather3A_703 = arith.constant 0 : i32
          %gather3A_704 = arith.constant 0 : i32
          %gather3A_705 = tpu.memref_slice %arg12[%rem3A_528, %gather3A_703, %gather3A_704] : memref<2x64x256xf32, #tpu.memory_space<vmem>> -> memref<1x64x256xf32, #tpu.memory_space<vmem>>
          %gather3A_706 = tpu.memref_squeeze %gather3A_705 : memref<1x64x256xf32, #tpu.memory_space<vmem>> -> memref<64x256xf32, #tpu.memory_space<vmem>>
          %gather3A_707 = tpu.vector_load_idx %gather3A_706[%add3A_702, %add3A_660] : memref<64x256xf32, #tpu.memory_space<vmem>>[vector<16xi32>, vector<16xi32>], vector<16xf32>,
          %swap3A_708 = arith.index_cast %rem3A_662 : i32 to index
          %swap3A_709 = arith.constant 48 : index
          %swap3A_710 = tpu.vector_load %arg26[%swap3A_708, %swap3A_709] {strides = array<i32>} : memref<64x64xf32, #tpu.memory_space<vmem>>, vector<16xf32>,
          tpu.vector_store %arg26[%swap3A_708, %swap3A_709], %gather3A_707 {strides = array<i32>} : memref<64x64xf32, #tpu.memory_space<vmem>>, vector<16xf32>,
          %mul3A_711 = arith.constant 64 : i32
          %mul3A_712 = arith.muli %squeeze3A_656, %mul3A_711 : i32
          %dma_start3A_713 = arith.constant 0 : i32
          %dma_start3A_714 = tpu.memref_slice %arg26[%rem3A_662, %dma_start3A_713] : memref<64x64xf32, #tpu.memory_space<vmem>> -> memref<1x64xf32, #tpu.memory_space<vmem>>
          %dma_start3A_715 = tpu.memref_squeeze %dma_start3A_714 : memref<1x64xf32, #tpu.memory_space<vmem>> -> memref<64xf32, #tpu.memory_space<vmem>>
          %dma_start3A_716 = tpu.memref_slice %arg8[%mul3A_712] : memref<1048576xf32, #tpu.memory_space<hbm>> -> memref<64xf32, #tpu.memory_space<hbm>>
          %dma_start3A_717 = tpu.memref_slice %arg8[%mul3A_712] : memref<1048576xf32, #tpu.memory_space<hbm>> -> memref<64xf32, #tpu.memory_space<hbm>>
          %dma_start3A_718 = arith.constant 0 : i32
          %dma_start3A_719 = tpu.memref_slice %arg26[%rem3A_662, %dma_start3A_718] : memref<64x64xf32, #tpu.memory_space<vmem>> -> memref<1x64xf32, #tpu.memory_space<vmem>>
          %dma_start3A_720 = tpu.memref_squeeze %dma_start3A_719 : memref<1x64xf32, #tpu.memory_space<vmem>> -> memref<64xf32, #tpu.memory_space<vmem>>
          tpu.enqueue_dma source(%dma_start3A_720 : memref<64xf32, #tpu.memory_space<vmem>>) target(%dma_start3A_717 : memref<64xf32, #tpu.memory_space<hbm>>) target_semaphore(%arg31 : memref<!tpu.dma_semaphore, #tpu.memory_space<semaphore_mem>>)
          %add3A_721 = arith.constant 1 : i32
          %add3A_722 = arith.addi %while3A_648, %add3A_721 : i32
          scf.yield %add3A_722 : i32
        }
        scf.yield %while3A_646 : i32
      }
      %shift_right_logical3A_578 = arith.constant 4 : i32
      %shift_right_logical3A_579 = arith.shrui %while3A_526, %shift_right_logical3A_578 : i32
      %mul3A_580 = arith.constant 256 : i32
      %mul3A_581 = arith.muli %shift_right_logical3A_579, %mul3A_580 : i32
      %get3A_582 = arith.index_cast %shift_right_logical3A_579 : i32 to index
      %get3A_583 = tpu.vector_load %arg23[%get3A_582] {strides = array<i32>} : memref<32xi32, #tpu.memory_space<vmem>>, vector<16xi32>,
      %slice3A_584 = vector.extract_strided_slice %get3A_583 {offsets = [0], sizes = [1], strides = [1]} : vector<16xi32> to vector<1xi32>
      %squeeze3A_585 = vector.extract %slice3A_584[0] : i32 from vector<1xi32>
      %add3A_586 = arith.constant 15 : i32
      %add3A_587 = arith.addi %squeeze3A_585, %add3A_586 : i32
      %div3A_588 = arith.constant 16 : i32
      %div3A_589 = arith.divsi %add3A_587, %div3A_588 : i32
      %while3A_590 = arith.constant 0 : i32
      %while3A_591 = arith.subi %div3A_589, %while3A_590 : i32
      %while3A_592 = arith.addi %while3A_590, %while3A_591 : i32
      %while3A_593 = arith.constant 1 : i32
      %while3A_594 = arith.divsi %while3A_591, %while3A_593 : i32
      %while3A_595 = arith.muli %while3A_594, %while3A_593 : i32
      %while3A_596 = arith.addi %while3A_590, %while3A_595 : i32
      %while3A_597 = arith.constant 1 : i32
      %while3A_598 = scf.for %while3A_605 = %while3A_590 to %while3A_596 step %while3A_597 iter_args(%while3A_606 = %while3A_577) -> (i32)  : i32 {
        %mul3A_607 = arith.constant 16 : i32
        %mul3A_608 = arith.muli %while3A_605, %mul3A_607 : i32
        %add3A_609 = vector.broadcast %mul3A_608 : i32 to vector<16xi32>
        %add3A_610 = arith.addi %add3A_609, %iota3A : vector<16xi32>
        %mul3A_611 = arith.constant 16 : i32
        %mul3A_612 = arith.muli %while3A_605, %mul3A_611 : i32
        %add3A_613 = arith.addi %mul3A_581, %mul3A_612 : i32
        %get3A_614 = arith.index_cast %add3A_613 : i32 to index
        %get3A_615 = tpu.vector_load %arg20[%get3A_614] {strides = array<i32>} : memref<2048xi32, #tpu.memory_space<vmem>>, vector<16xi32>,
        %mul3A_616 = arith.constant 16 : i32
        %mul3A_617 = arith.muli %while3A_605, %mul3A_616 : i32
        %add3A_618 = arith.addi %mul3A_581, %mul3A_617 : i32
        %get3A_619 = arith.index_cast %add3A_618 : i32 to index
        %get3A_620 = tpu.vector_load %arg21[%get3A_619] {strides = array<i32>} : memref<2048xi32, #tpu.memory_space<vmem>>, vector<16xi32>,
        %lt3A_621 = vector.broadcast %squeeze3A_585 : i32 to vector<16xi32>
        %lt3A_622 = arith.cmpi slt, %add3A_610, %lt3A_621 : vector<16xi32>
        %ge3A = vector.broadcast %add3A_531 : i32 to vector<16xi32>
        %ge3A_623 = arith.cmpi sge, %get3A_615, %ge3A : vector<16xi32>
        %and3A = arith.andi %lt3A_622, %ge3A_623 : vector<16xi1>
        %add3A_624 = arith.constant 256 : i32
        %add3A_625 = arith.addi %add3A_531, %add3A_624 : i32
        %lt3A_626 = vector.broadcast %add3A_625 : i32 to vector<16xi32>
        %lt3A_627 = arith.cmpi slt, %get3A_615, %lt3A_626 : vector<16xi32>
        %and3A_628 = arith.andi %and3A, %lt3A_627 : vector<16xi1>
        %all_reduce_population_count3A = tpu.all_reduce %and3A_628 {dim = 0 : i64, kind = #tpu.reduction_kind<sum>} : vector<16xi1> -> vector<16xi32>
        %slice3A_629 = vector.extract_strided_slice %all_reduce_population_count3A {offsets = [0], sizes = [1], strides = [1]} : vector<16xi32> to vector<1xi32>
        %squeeze3A_630 = vector.extract %slice3A_629[0] : i32 from vector<1xi32>
        %sub3A = vector.broadcast %add3A_531 : i32 to vector<16xi32>
        %sub3A_631 = arith.subi %get3A_615, %sub3A : vector<16xi32>
        %swap3A_632 = arith.constant 0 : index
        %swap3A_633 = tpu.vector_load %arg24[%swap3A_632] masked %and3A_628 {strides = array<i32>} : memref<32xi32, #tpu.memory_space<vmem>>, vector<16xi32>, vector<16xi1>
        tpu.vector_store %arg24[%swap3A_632], %sub3A_631 masked %and3A_628 {strides = array<i32>} : memref<32xi32, #tpu.memory_space<vmem>>, vector<16xi32>, vector<16xi1>
        %swap3A_634 = arith.constant 0 : index
        %swap3A_635 = tpu.vector_load %arg25[%swap3A_634] masked %and3A_628 {strides = array<i32>} : memref<32xi32, #tpu.memory_space<vmem>>, vector<16xi32>, vector<16xi1>
        tpu.vector_store %arg25[%swap3A_634], %get3A_620 masked %and3A_628 {strides = array<i32>} : memref<32xi32, #tpu.memory_space<vmem>>, vector<16xi32>, vector<16xi1>
        %while3A_636 = arith.constant 0 : i32
        %while3A_637 = arith.subi %squeeze3A_630, %while3A_636 : i32
        %while3A_638 = arith.addi %while3A_636, %while3A_637 : i32
        %while3A_639 = arith.constant 1 : i32
        %while3A_640 = arith.divsi %while3A_637, %while3A_639 : i32
        %while3A_641 = arith.muli %while3A_640, %while3A_639 : i32
        %while3A_642 = arith.addi %while3A_636, %while3A_641 : i32
        %while3A_643 = arith.constant 1 : i32
        %while3A_644 = scf.for %while3A_647 = %while3A_636 to %while3A_642 step %while3A_643 iter_args(%while3A_648 = %while3A_606) -> (i32)  : i32 {
          %get3A_649 = arith.index_cast %while3A_647 : i32 to index
          %get3A_650 = tpu.vector_load %arg24[%get3A_649] {strides = array<i32>} : memref<32xi32, #tpu.memory_space<vmem>>, vector<16xi32>,
          %slice3A_651 = vector.extract_strided_slice %get3A_650 {offsets = [0], sizes = [1], strides = [1]} : vector<16xi32> to vector<1xi32>
          %squeeze3A_652 = vector.extract %slice3A_651[0] : i32 from vector<1xi32>
          %get3A_653 = arith.index_cast %while3A_647 : i32 to index
          %get3A_654 = tpu.vector_load %arg25[%get3A_653] {strides = array<i32>} : memref<32xi32, #tpu.memory_space<vmem>>, vector<16xi32>,
          %slice3A_655 = vector.extract_strided_slice %get3A_654 {offsets = [0], sizes = [1], strides = [1]} : vector<16xi32> to vector<1xi32>
          %squeeze3A_656 = vector.extract %slice3A_655[0] : i32 from vector<1xi32>
          %broadcast_in_dim3A_657 = arith.constant 0 : i32
          %broadcast_in_dim3A_658 = vector.broadcast %broadcast_in_dim3A_657 : i32 to vector<16xi32>
          %add3A_659 = vector.broadcast %squeeze3A_652 : i32 to vector<16xi32>
          %add3A_660 = arith.addi %broadcast_in_dim3A_658, %add3A_659 : vector<16xi32>
          %rem3A_661 = arith.constant 64 : i32
          %rem3A_662 = arith.remsi %while3A_648, %rem3A_661 : i32
          %ge3A_663 = arith.constant 64 : i32
          %ge3A_664 = arith.cmpi sge, %while3A_648, %ge3A_663 : i32
          %convert_element_type3A_665 = arith.extui %ge3A_664 : i1 to i32
          %cond3A_666 = arith.constant 0 : i32
          %cond3A_667 = arith.cmpi ne, %convert_element_type3A_665, %cond3A_666 : i32
          scf.if %cond3A_667 {
            %dma_wait3A_723 = arith.constant 0 : i32
            %dma_wait3A_724 = arith.constant 0 : i32
            %dma_wait3A_725 = tpu.memref_slice %arg26[%dma_wait3A_723, %dma_wait3A_724] : memref<64x64xf32, #tpu.memory_space<vmem>> -> memref<1x64xf32, #tpu.memory_space<vmem>>
            %dma_wait3A_726 = tpu.memref_squeeze %dma_wait3A_725 : memref<1x64xf32, #tpu.memory_space<vmem>> -> memref<64xf32, #tpu.memory_space<vmem>>
            %dma_wait3A_727 = arith.constant 0 : i32
            %dma_wait3A_728 = tpu.memref_slice %arg9[%dma_wait3A_727] : memref<1048576xf32, #tpu.memory_space<hbm>> -> memref<64xf32, #tpu.memory_space<hbm>>
            %dma_wait3A_729 = arith.constant 0 : i32
            %dma_wait3A_730 = tpu.memref_slice %arg26[%dma_wait3A_723, %dma_wait3A_729] : memref<64x64xf32, #tpu.memory_space<vmem>> -> memref<1x64xf32, #tpu.memory_space<vmem>>
            %dma_wait3A_731 = tpu.memref_squeeze %dma_wait3A_730 : memref<1x64xf32, #tpu.memory_space<vmem>> -> memref<64xf32, #tpu.memory_space<vmem>>
            %dma_wait3A_732 = arith.constant 0 : i32
            %dma_wait3A_733 = tpu.memref_slice %arg9[%dma_wait3A_732] : memref<1048576xf32, #tpu.memory_space<hbm>> -> memref<64xf32, #tpu.memory_space<hbm>>
            tpu.wait_dma2 semaphore(%arg31 : memref<!tpu.dma_semaphore, #tpu.memory_space<semaphore_mem>>) src(%dma_wait3A_733 : memref<64xf32, #tpu.memory_space<hbm>>) dst(%dma_wait3A_731 : memref<64xf32, #tpu.memory_space<vmem>>)
          } else {
          }
          %add3A_668 = arith.constant 0 : i32
          %add3A_669 = vector.broadcast %add3A_668 : i32 to vector<16xi32>
          %add3A_670 = arith.addi %add3A_669, %iota3A : vector<16xi32>
          %gather3A = arith.constant 0 : i32
          %gather3A_671 = arith.constant 0 : i32
          %gather3A_672 = tpu.memref_slice %arg13[%rem3A_528, %gather3A, %gather3A_671] : memref<2x64x256xf32, #tpu.memory_space<vmem>> -> memref<1x64x256xf32, #tpu.memory_space<vmem>>
          %gather3A_673 = tpu.memref_squeeze %gather3A_672 : memref<1x64x256xf32, #tpu.memory_space<vmem>> -> memref<64x256xf32, #tpu.memory_space<vmem>>
          %gather3A_674 = tpu.vector_load_idx %gather3A_673[%add3A_670, %add3A_660] : memref<64x256xf32, #tpu.memory_space<vmem>>[vector<16xi32>, vector<16xi32>], vector<16xf32>,
          %swap3A_675 = arith.index_cast %rem3A_662 : i32 to index
          %swap3A_676 = arith.constant 0 : index
          %swap3A_677 = tpu.vector_load %arg26[%swap3A_675, %swap3A_676] {strides = array<i32>} : memref<64x64xf32, #tpu.memory_space<vmem>>, vector<16xf32>,
          tpu.vector_store %arg26[%swap3A_675, %swap3A_676], %gather3A_674 {strides = array<i32>} : memref<64x64xf32, #tpu.memory_space<vmem>>, vector<16xf32>,
          %add3A_678 = arith.constant 16 : i32
          %add3A_679 = vector.broadcast %add3A_678 : i32 to vector<16xi32>
          %add3A_680 = arith.addi %add3A_679, %iota3A : vector<16xi32>
          %gather3A_681 = arith.constant 0 : i32
          %gather3A_682 = arith.constant 0 : i32
          %gather3A_683 = tpu.memref_slice %arg13[%rem3A_528, %gather3A_681, %gather3A_682] : memref<2x64x256xf32, #tpu.memory_space<vmem>> -> memref<1x64x256xf32, #tpu.memory_space<vmem>>
          %gather3A_684 = tpu.memref_squeeze %gather3A_683 : memref<1x64x256xf32, #tpu.memory_space<vmem>> -> memref<64x256xf32, #tpu.memory_space<vmem>>
          %gather3A_685 = tpu.vector_load_idx %gather3A_684[%add3A_680, %add3A_660] : memref<64x256xf32, #tpu.memory_space<vmem>>[vector<16xi32>, vector<16xi32>], vector<16xf32>,
          %swap3A_686 = arith.index_cast %rem3A_662 : i32 to index
          %swap3A_687 = arith.constant 16 : index
          %swap3A_688 = tpu.vector_load %arg26[%swap3A_686, %swap3A_687] {strides = array<i32>} : memref<64x64xf32, #tpu.memory_space<vmem>>, vector<16xf32>,
          tpu.vector_store %arg26[%swap3A_686, %swap3A_687], %gather3A_685 {strides = array<i32>} : memref<64x64xf32, #tpu.memory_space<vmem>>, vector<16xf32>,
          %add3A_689 = arith.constant 32 : i32
          %add3A_690 = vector.broadcast %add3A_689 : i32 to vector<16xi32>
          %add3A_691 = arith.addi %add3A_690, %iota3A : vector<16xi32>
          %gather3A_692 = arith.constant 0 : i32
          %gather3A_693 = arith.constant 0 : i32
          %gather3A_694 = tpu.memref_slice %arg13[%rem3A_528, %gather3A_692, %gather3A_693] : memref<2x64x256xf32, #tpu.memory_space<vmem>> -> memref<1x64x256xf32, #tpu.memory_space<vmem>>
          %gather3A_695 = tpu.memref_squeeze %gather3A_694 : memref<1x64x256xf32, #tpu.memory_space<vmem>> -> memref<64x256xf32, #tpu.memory_space<vmem>>
          %gather3A_696 = tpu.vector_load_idx %gather3A_695[%add3A_691, %add3A_660] : memref<64x256xf32, #tpu.memory_space<vmem>>[vector<16xi32>, vector<16xi32>], vector<16xf32>,
          %swap3A_697 = arith.index_cast %rem3A_662 : i32 to index
          %swap3A_698 = arith.constant 32 : index
          %swap3A_699 = tpu.vector_load %arg26[%swap3A_697, %swap3A_698] {strides = array<i32>} : memref<64x64xf32, #tpu.memory_space<vmem>>, vector<16xf32>,
          tpu.vector_store %arg26[%swap3A_697, %swap3A_698], %gather3A_696 {strides = array<i32>} : memref<64x64xf32, #tpu.memory_space<vmem>>, vector<16xf32>,
          %add3A_700 = arith.constant 48 : i32
          %add3A_701 = vector.broadcast %add3A_700 : i32 to vector<16xi32>
          %add3A_702 = arith.addi %add3A_701, %iota3A : vector<16xi32>
          %gather3A_703 = arith.constant 0 : i32
          %gather3A_704 = arith.constant 0 : i32
          %gather3A_705 = tpu.memref_slice %arg13[%rem3A_528, %gather3A_703, %gather3A_704] : memref<2x64x256xf32, #tpu.memory_space<vmem>> -> memref<1x64x256xf32, #tpu.memory_space<vmem>>
          %gather3A_706 = tpu.memref_squeeze %gather3A_705 : memref<1x64x256xf32, #tpu.memory_space<vmem>> -> memref<64x256xf32, #tpu.memory_space<vmem>>
          %gather3A_707 = tpu.vector_load_idx %gather3A_706[%add3A_702, %add3A_660] : memref<64x256xf32, #tpu.memory_space<vmem>>[vector<16xi32>, vector<16xi32>], vector<16xf32>,
          %swap3A_708 = arith.index_cast %rem3A_662 : i32 to index
          %swap3A_709 = arith.constant 48 : index
          %swap3A_710 = tpu.vector_load %arg26[%swap3A_708, %swap3A_709] {strides = array<i32>} : memref<64x64xf32, #tpu.memory_space<vmem>>, vector<16xf32>,
          tpu.vector_store %arg26[%swap3A_708, %swap3A_709], %gather3A_707 {strides = array<i32>} : memref<64x64xf32, #tpu.memory_space<vmem>>, vector<16xf32>,
          %mul3A_711 = arith.constant 64 : i32
          %mul3A_712 = arith.muli %squeeze3A_656, %mul3A_711 : i32
          %dma_start3A_713 = arith.constant 0 : i32
          %dma_start3A_714 = tpu.memref_slice %arg26[%rem3A_662, %dma_start3A_713] : memref<64x64xf32, #tpu.memory_space<vmem>> -> memref<1x64xf32, #tpu.memory_space<vmem>>
          %dma_start3A_715 = tpu.memref_squeeze %dma_start3A_714 : memref<1x64xf32, #tpu.memory_space<vmem>> -> memref<64xf32, #tpu.memory_space<vmem>>
          %dma_start3A_716 = tpu.memref_slice %arg9[%mul3A_712] : memref<1048576xf32, #tpu.memory_space<hbm>> -> memref<64xf32, #tpu.memory_space<hbm>>
          %dma_start3A_717 = tpu.memref_slice %arg9[%mul3A_712] : memref<1048576xf32, #tpu.memory_space<hbm>> -> memref<64xf32, #tpu.memory_space<hbm>>
          %dma_start3A_718 = arith.constant 0 : i32
          %dma_start3A_719 = tpu.memref_slice %arg26[%rem3A_662, %dma_start3A_718] : memref<64x64xf32, #tpu.memory_space<vmem>> -> memref<1x64xf32, #tpu.memory_space<vmem>>
          %dma_start3A_720 = tpu.memref_squeeze %dma_start3A_719 : memref<1x64xf32, #tpu.memory_space<vmem>> -> memref<64xf32, #tpu.memory_space<vmem>>
          tpu.enqueue_dma source(%dma_start3A_720 : memref<64xf32, #tpu.memory_space<vmem>>) target(%dma_start3A_717 : memref<64xf32, #tpu.memory_space<hbm>>) target_semaphore(%arg31 : memref<!tpu.dma_semaphore, #tpu.memory_space<semaphore_mem>>)
          %add3A_721 = arith.constant 1 : i32
          %add3A_722 = arith.addi %while3A_648, %add3A_721 : i32
          scf.yield %add3A_722 : i32
        }
        %while3A_645 = arith.constant 1 : i32
        %while3A_646 = scf.for %while3A_647 = %while3A_642 to %while3A_638 step %while3A_645 iter_args(%while3A_648 = %while3A_644) -> (i32)  : i32 {
          %get3A_649 = arith.index_cast %while3A_647 : i32 to index
          %get3A_650 = tpu.vector_load %arg24[%get3A_649] {strides = array<i32>} : memref<32xi32, #tpu.memory_space<vmem>>, vector<16xi32>,
          %slice3A_651 = vector.extract_strided_slice %get3A_650 {offsets = [0], sizes = [1], strides = [1]} : vector<16xi32> to vector<1xi32>
          %squeeze3A_652 = vector.extract %slice3A_651[0] : i32 from vector<1xi32>
          %get3A_653 = arith.index_cast %while3A_647 : i32 to index
          %get3A_654 = tpu.vector_load %arg25[%get3A_653] {strides = array<i32>} : memref<32xi32, #tpu.memory_space<vmem>>, vector<16xi32>,
          %slice3A_655 = vector.extract_strided_slice %get3A_654 {offsets = [0], sizes = [1], strides = [1]} : vector<16xi32> to vector<1xi32>
          %squeeze3A_656 = vector.extract %slice3A_655[0] : i32 from vector<1xi32>
          %broadcast_in_dim3A_657 = arith.constant 0 : i32
          %broadcast_in_dim3A_658 = vector.broadcast %broadcast_in_dim3A_657 : i32 to vector<16xi32>
          %add3A_659 = vector.broadcast %squeeze3A_652 : i32 to vector<16xi32>
          %add3A_660 = arith.addi %broadcast_in_dim3A_658, %add3A_659 : vector<16xi32>
          %rem3A_661 = arith.constant 64 : i32
          %rem3A_662 = arith.remsi %while3A_648, %rem3A_661 : i32
          %ge3A_663 = arith.constant 64 : i32
          %ge3A_664 = arith.cmpi sge, %while3A_648, %ge3A_663 : i32
          %convert_element_type3A_665 = arith.extui %ge3A_664 : i1 to i32
          %cond3A_666 = arith.constant 0 : i32
          %cond3A_667 = arith.cmpi ne, %convert_element_type3A_665, %cond3A_666 : i32
          scf.if %cond3A_667 {
            %dma_wait3A_723 = arith.constant 0 : i32
            %dma_wait3A_724 = arith.constant 0 : i32
            %dma_wait3A_725 = tpu.memref_slice %arg26[%dma_wait3A_723, %dma_wait3A_724] : memref<64x64xf32, #tpu.memory_space<vmem>> -> memref<1x64xf32, #tpu.memory_space<vmem>>
            %dma_wait3A_726 = tpu.memref_squeeze %dma_wait3A_725 : memref<1x64xf32, #tpu.memory_space<vmem>> -> memref<64xf32, #tpu.memory_space<vmem>>
            %dma_wait3A_727 = arith.constant 0 : i32
            %dma_wait3A_728 = tpu.memref_slice %arg9[%dma_wait3A_727] : memref<1048576xf32, #tpu.memory_space<hbm>> -> memref<64xf32, #tpu.memory_space<hbm>>
            %dma_wait3A_729 = arith.constant 0 : i32
            %dma_wait3A_730 = tpu.memref_slice %arg26[%dma_wait3A_723, %dma_wait3A_729] : memref<64x64xf32, #tpu.memory_space<vmem>> -> memref<1x64xf32, #tpu.memory_space<vmem>>
            %dma_wait3A_731 = tpu.memref_squeeze %dma_wait3A_730 : memref<1x64xf32, #tpu.memory_space<vmem>> -> memref<64xf32, #tpu.memory_space<vmem>>
            %dma_wait3A_732 = arith.constant 0 : i32
            %dma_wait3A_733 = tpu.memref_slice %arg9[%dma_wait3A_732] : memref<1048576xf32, #tpu.memory_space<hbm>> -> memref<64xf32, #tpu.memory_space<hbm>>
            tpu.wait_dma2 semaphore(%arg31 : memref<!tpu.dma_semaphore, #tpu.memory_space<semaphore_mem>>) src(%dma_wait3A_733 : memref<64xf32, #tpu.memory_space<hbm>>) dst(%dma_wait3A_731 : memref<64xf32, #tpu.memory_space<vmem>>)
          } else {
          }
          %add3A_668 = arith.constant 0 : i32
          %add3A_669 = vector.broadcast %add3A_668 : i32 to vector<16xi32>
          %add3A_670 = arith.addi %add3A_669, %iota3A : vector<16xi32>
          %gather3A = arith.constant 0 : i32
          %gather3A_671 = arith.constant 0 : i32
          %gather3A_672 = tpu.memref_slice %arg13[%rem3A_528, %gather3A, %gather3A_671] : memref<2x64x256xf32, #tpu.memory_space<vmem>> -> memref<1x64x256xf32, #tpu.memory_space<vmem>>
          %gather3A_673 = tpu.memref_squeeze %gather3A_672 : memref<1x64x256xf32, #tpu.memory_space<vmem>> -> memref<64x256xf32, #tpu.memory_space<vmem>>
          %gather3A_674 = tpu.vector_load_idx %gather3A_673[%add3A_670, %add3A_660] : memref<64x256xf32, #tpu.memory_space<vmem>>[vector<16xi32>, vector<16xi32>], vector<16xf32>,
          %swap3A_675 = arith.index_cast %rem3A_662 : i32 to index
          %swap3A_676 = arith.constant 0 : index
          %swap3A_677 = tpu.vector_load %arg26[%swap3A_675, %swap3A_676] {strides = array<i32>} : memref<64x64xf32, #tpu.memory_space<vmem>>, vector<16xf32>,
          tpu.vector_store %arg26[%swap3A_675, %swap3A_676], %gather3A_674 {strides = array<i32>} : memref<64x64xf32, #tpu.memory_space<vmem>>, vector<16xf32>,
          %add3A_678 = arith.constant 16 : i32
          %add3A_679 = vector.broadcast %add3A_678 : i32 to vector<16xi32>
          %add3A_680 = arith.addi %add3A_679, %iota3A : vector<16xi32>
          %gather3A_681 = arith.constant 0 : i32
          %gather3A_682 = arith.constant 0 : i32
          %gather3A_683 = tpu.memref_slice %arg13[%rem3A_528, %gather3A_681, %gather3A_682] : memref<2x64x256xf32, #tpu.memory_space<vmem>> -> memref<1x64x256xf32, #tpu.memory_space<vmem>>
          %gather3A_684 = tpu.memref_squeeze %gather3A_683 : memref<1x64x256xf32, #tpu.memory_space<vmem>> -> memref<64x256xf32, #tpu.memory_space<vmem>>
          %gather3A_685 = tpu.vector_load_idx %gather3A_684[%add3A_680, %add3A_660] : memref<64x256xf32, #tpu.memory_space<vmem>>[vector<16xi32>, vector<16xi32>], vector<16xf32>,
          %swap3A_686 = arith.index_cast %rem3A_662 : i32 to index
          %swap3A_687 = arith.constant 16 : index
          %swap3A_688 = tpu.vector_load %arg26[%swap3A_686, %swap3A_687] {strides = array<i32>} : memref<64x64xf32, #tpu.memory_space<vmem>>, vector<16xf32>,
          tpu.vector_store %arg26[%swap3A_686, %swap3A_687], %gather3A_685 {strides = array<i32>} : memref<64x64xf32, #tpu.memory_space<vmem>>, vector<16xf32>,
          %add3A_689 = arith.constant 32 : i32
          %add3A_690 = vector.broadcast %add3A_689 : i32 to vector<16xi32>
          %add3A_691 = arith.addi %add3A_690, %iota3A : vector<16xi32>
          %gather3A_692 = arith.constant 0 : i32
          %gather3A_693 = arith.constant 0 : i32
          %gather3A_694 = tpu.memref_slice %arg13[%rem3A_528, %gather3A_692, %gather3A_693] : memref<2x64x256xf32, #tpu.memory_space<vmem>> -> memref<1x64x256xf32, #tpu.memory_space<vmem>>
          %gather3A_695 = tpu.memref_squeeze %gather3A_694 : memref<1x64x256xf32, #tpu.memory_space<vmem>> -> memref<64x256xf32, #tpu.memory_space<vmem>>
          %gather3A_696 = tpu.vector_load_idx %gather3A_695[%add3A_691, %add3A_660] : memref<64x256xf32, #tpu.memory_space<vmem>>[vector<16xi32>, vector<16xi32>], vector<16xf32>,
          %swap3A_697 = arith.index_cast %rem3A_662 : i32 to index
          %swap3A_698 = arith.constant 32 : index
          %swap3A_699 = tpu.vector_load %arg26[%swap3A_697, %swap3A_698] {strides = array<i32>} : memref<64x64xf32, #tpu.memory_space<vmem>>, vector<16xf32>,
          tpu.vector_store %arg26[%swap3A_697, %swap3A_698], %gather3A_696 {strides = array<i32>} : memref<64x64xf32, #tpu.memory_space<vmem>>, vector<16xf32>,
          %add3A_700 = arith.constant 48 : i32
          %add3A_701 = vector.broadcast %add3A_700 : i32 to vector<16xi32>
          %add3A_702 = arith.addi %add3A_701, %iota3A : vector<16xi32>
          %gather3A_703 = arith.constant 0 : i32
          %gather3A_704 = arith.constant 0 : i32
          %gather3A_705 = tpu.memref_slice %arg13[%rem3A_528, %gather3A_703, %gather3A_704] : memref<2x64x256xf32, #tpu.memory_space<vmem>> -> memref<1x64x256xf32, #tpu.memory_space<vmem>>
          %gather3A_706 = tpu.memref_squeeze %gather3A_705 : memref<1x64x256xf32, #tpu.memory_space<vmem>> -> memref<64x256xf32, #tpu.memory_space<vmem>>
          %gather3A_707 = tpu.vector_load_idx %gather3A_706[%add3A_702, %add3A_660] : memref<64x256xf32, #tpu.memory_space<vmem>>[vector<16xi32>, vector<16xi32>], vector<16xf32>,
          %swap3A_708 = arith.index_cast %rem3A_662 : i32 to index
          %swap3A_709 = arith.constant 48 : index
          %swap3A_710 = tpu.vector_load %arg26[%swap3A_708, %swap3A_709] {strides = array<i32>} : memref<64x64xf32, #tpu.memory_space<vmem>>, vector<16xf32>,
          tpu.vector_store %arg26[%swap3A_708, %swap3A_709], %gather3A_707 {strides = array<i32>} : memref<64x64xf32, #tpu.memory_space<vmem>>, vector<16xf32>,
          %mul3A_711 = arith.constant 64 : i32
          %mul3A_712 = arith.muli %squeeze3A_656, %mul3A_711 : i32
          %dma_start3A_713 = arith.constant 0 : i32
          %dma_start3A_714 = tpu.memref_slice %arg26[%rem3A_662, %dma_start3A_713] : memref<64x64xf32, #tpu.memory_space<vmem>> -> memref<1x64xf32, #tpu.memory_space<vmem>>
          %dma_start3A_715 = tpu.memref_squeeze %dma_start3A_714 : memref<1x64xf32, #tpu.memory_space<vmem>> -> memref<64xf32, #tpu.memory_space<vmem>>
          %dma_start3A_716 = tpu.memref_slice %arg9[%mul3A_712] : memref<1048576xf32, #tpu.memory_space<hbm>> -> memref<64xf32, #tpu.memory_space<hbm>>
          %dma_start3A_717 = tpu.memref_slice %arg9[%mul3A_712] : memref<1048576xf32, #tpu.memory_space<hbm>> -> memref<64xf32, #tpu.memory_space<hbm>>
          %dma_start3A_718 = arith.constant 0 : i32
          %dma_start3A_719 = tpu.memref_slice %arg26[%rem3A_662, %dma_start3A_718] : memref<64x64xf32, #tpu.memory_space<vmem>> -> memref<1x64xf32, #tpu.memory_space<vmem>>
          %dma_start3A_720 = tpu.memref_squeeze %dma_start3A_719 : memref<1x64xf32, #tpu.memory_space<vmem>> -> memref<64xf32, #tpu.memory_space<vmem>>
          tpu.enqueue_dma source(%dma_start3A_720 : memref<64xf32, #tpu.memory_space<vmem>>) target(%dma_start3A_717 : memref<64xf32, #tpu.memory_space<hbm>>) target_semaphore(%arg31 : memref<!tpu.dma_semaphore, #tpu.memory_space<semaphore_mem>>)
          %add3A_721 = arith.constant 1 : i32
          %add3A_722 = arith.addi %while3A_648, %add3A_721 : i32
          scf.yield %add3A_722 : i32
        }
        scf.yield %while3A_646 : i32
      }
      %while3A_599 = arith.constant 1 : i32
      %while3A_600 = scf.for %while3A_605 = %while3A_596 to %while3A_592 step %while3A_599 iter_args(%while3A_606 = %while3A_598) -> (i32)  : i32 {
        %mul3A_607 = arith.constant 16 : i32
        %mul3A_608 = arith.muli %while3A_605, %mul3A_607 : i32
        %add3A_609 = vector.broadcast %mul3A_608 : i32 to vector<16xi32>
        %add3A_610 = arith.addi %add3A_609, %iota3A : vector<16xi32>
        %mul3A_611 = arith.constant 16 : i32
        %mul3A_612 = arith.muli %while3A_605, %mul3A_611 : i32
        %add3A_613 = arith.addi %mul3A_581, %mul3A_612 : i32
        %get3A_614 = arith.index_cast %add3A_613 : i32 to index
        %get3A_615 = tpu.vector_load %arg20[%get3A_614] {strides = array<i32>} : memref<2048xi32, #tpu.memory_space<vmem>>, vector<16xi32>,
        %mul3A_616 = arith.constant 16 : i32
        %mul3A_617 = arith.muli %while3A_605, %mul3A_616 : i32
        %add3A_618 = arith.addi %mul3A_581, %mul3A_617 : i32
        %get3A_619 = arith.index_cast %add3A_618 : i32 to index
        %get3A_620 = tpu.vector_load %arg21[%get3A_619] {strides = array<i32>} : memref<2048xi32, #tpu.memory_space<vmem>>, vector<16xi32>,
        %lt3A_621 = vector.broadcast %squeeze3A_585 : i32 to vector<16xi32>
        %lt3A_622 = arith.cmpi slt, %add3A_610, %lt3A_621 : vector<16xi32>
        %ge3A = vector.broadcast %add3A_531 : i32 to vector<16xi32>
        %ge3A_623 = arith.cmpi sge, %get3A_615, %ge3A : vector<16xi32>
        %and3A = arith.andi %lt3A_622, %ge3A_623 : vector<16xi1>
        %add3A_624 = arith.constant 256 : i32
        %add3A_625 = arith.addi %add3A_531, %add3A_624 : i32
        %lt3A_626 = vector.broadcast %add3A_625 : i32 to vector<16xi32>
        %lt3A_627 = arith.cmpi slt, %get3A_615, %lt3A_626 : vector<16xi32>
        %and3A_628 = arith.andi %and3A, %lt3A_627 : vector<16xi1>
        %all_reduce_population_count3A = tpu.all_reduce %and3A_628 {dim = 0 : i64, kind = #tpu.reduction_kind<sum>} : vector<16xi1> -> vector<16xi32>
        %slice3A_629 = vector.extract_strided_slice %all_reduce_population_count3A {offsets = [0], sizes = [1], strides = [1]} : vector<16xi32> to vector<1xi32>
        %squeeze3A_630 = vector.extract %slice3A_629[0] : i32 from vector<1xi32>
        %sub3A = vector.broadcast %add3A_531 : i32 to vector<16xi32>
        %sub3A_631 = arith.subi %get3A_615, %sub3A : vector<16xi32>
        %swap3A_632 = arith.constant 0 : index
        %swap3A_633 = tpu.vector_load %arg24[%swap3A_632] masked %and3A_628 {strides = array<i32>} : memref<32xi32, #tpu.memory_space<vmem>>, vector<16xi32>, vector<16xi1>
        tpu.vector_store %arg24[%swap3A_632], %sub3A_631 masked %and3A_628 {strides = array<i32>} : memref<32xi32, #tpu.memory_space<vmem>>, vector<16xi32>, vector<16xi1>
        %swap3A_634 = arith.constant 0 : index
        %swap3A_635 = tpu.vector_load %arg25[%swap3A_634] masked %and3A_628 {strides = array<i32>} : memref<32xi32, #tpu.memory_space<vmem>>, vector<16xi32>, vector<16xi1>
        tpu.vector_store %arg25[%swap3A_634], %get3A_620 masked %and3A_628 {strides = array<i32>} : memref<32xi32, #tpu.memory_space<vmem>>, vector<16xi32>, vector<16xi1>
        %while3A_636 = arith.constant 0 : i32
        %while3A_637 = arith.subi %squeeze3A_630, %while3A_636 : i32
        %while3A_638 = arith.addi %while3A_636, %while3A_637 : i32
        %while3A_639 = arith.constant 1 : i32
        %while3A_640 = arith.divsi %while3A_637, %while3A_639 : i32
        %while3A_641 = arith.muli %while3A_640, %while3A_639 : i32
        %while3A_642 = arith.addi %while3A_636, %while3A_641 : i32
        %while3A_643 = arith.constant 1 : i32
        %while3A_644 = scf.for %while3A_647 = %while3A_636 to %while3A_642 step %while3A_643 iter_args(%while3A_648 = %while3A_606) -> (i32)  : i32 {
          %get3A_649 = arith.index_cast %while3A_647 : i32 to index
          %get3A_650 = tpu.vector_load %arg24[%get3A_649] {strides = array<i32>} : memref<32xi32, #tpu.memory_space<vmem>>, vector<16xi32>,
          %slice3A_651 = vector.extract_strided_slice %get3A_650 {offsets = [0], sizes = [1], strides = [1]} : vector<16xi32> to vector<1xi32>
          %squeeze3A_652 = vector.extract %slice3A_651[0] : i32 from vector<1xi32>
          %get3A_653 = arith.index_cast %while3A_647 : i32 to index
          %get3A_654 = tpu.vector_load %arg25[%get3A_653] {strides = array<i32>} : memref<32xi32, #tpu.memory_space<vmem>>, vector<16xi32>,
          %slice3A_655 = vector.extract_strided_slice %get3A_654 {offsets = [0], sizes = [1], strides = [1]} : vector<16xi32> to vector<1xi32>
          %squeeze3A_656 = vector.extract %slice3A_655[0] : i32 from vector<1xi32>
          %broadcast_in_dim3A_657 = arith.constant 0 : i32
          %broadcast_in_dim3A_658 = vector.broadcast %broadcast_in_dim3A_657 : i32 to vector<16xi32>
          %add3A_659 = vector.broadcast %squeeze3A_652 : i32 to vector<16xi32>
          %add3A_660 = arith.addi %broadcast_in_dim3A_658, %add3A_659 : vector<16xi32>
          %rem3A_661 = arith.constant 64 : i32
          %rem3A_662 = arith.remsi %while3A_648, %rem3A_661 : i32
          %ge3A_663 = arith.constant 64 : i32
          %ge3A_664 = arith.cmpi sge, %while3A_648, %ge3A_663 : i32
          %convert_element_type3A_665 = arith.extui %ge3A_664 : i1 to i32
          %cond3A_666 = arith.constant 0 : i32
          %cond3A_667 = arith.cmpi ne, %convert_element_type3A_665, %cond3A_666 : i32
          scf.if %cond3A_667 {
            %dma_wait3A_723 = arith.constant 0 : i32
            %dma_wait3A_724 = arith.constant 0 : i32
            %dma_wait3A_725 = tpu.memref_slice %arg26[%dma_wait3A_723, %dma_wait3A_724] : memref<64x64xf32, #tpu.memory_space<vmem>> -> memref<1x64xf32, #tpu.memory_space<vmem>>
            %dma_wait3A_726 = tpu.memref_squeeze %dma_wait3A_725 : memref<1x64xf32, #tpu.memory_space<vmem>> -> memref<64xf32, #tpu.memory_space<vmem>>
            %dma_wait3A_727 = arith.constant 0 : i32
            %dma_wait3A_728 = tpu.memref_slice %arg9[%dma_wait3A_727] : memref<1048576xf32, #tpu.memory_space<hbm>> -> memref<64xf32, #tpu.memory_space<hbm>>
            %dma_wait3A_729 = arith.constant 0 : i32
            %dma_wait3A_730 = tpu.memref_slice %arg26[%dma_wait3A_723, %dma_wait3A_729] : memref<64x64xf32, #tpu.memory_space<vmem>> -> memref<1x64xf32, #tpu.memory_space<vmem>>
            %dma_wait3A_731 = tpu.memref_squeeze %dma_wait3A_730 : memref<1x64xf32, #tpu.memory_space<vmem>> -> memref<64xf32, #tpu.memory_space<vmem>>
            %dma_wait3A_732 = arith.constant 0 : i32
            %dma_wait3A_733 = tpu.memref_slice %arg9[%dma_wait3A_732] : memref<1048576xf32, #tpu.memory_space<hbm>> -> memref<64xf32, #tpu.memory_space<hbm>>
            tpu.wait_dma2 semaphore(%arg31 : memref<!tpu.dma_semaphore, #tpu.memory_space<semaphore_mem>>) src(%dma_wait3A_733 : memref<64xf32, #tpu.memory_space<hbm>>) dst(%dma_wait3A_731 : memref<64xf32, #tpu.memory_space<vmem>>)
          } else {
          }
          %add3A_668 = arith.constant 0 : i32
          %add3A_669 = vector.broadcast %add3A_668 : i32 to vector<16xi32>
          %add3A_670 = arith.addi %add3A_669, %iota3A : vector<16xi32>
          %gather3A = arith.constant 0 : i32
          %gather3A_671 = arith.constant 0 : i32
          %gather3A_672 = tpu.memref_slice %arg13[%rem3A_528, %gather3A, %gather3A_671] : memref<2x64x256xf32, #tpu.memory_space<vmem>> -> memref<1x64x256xf32, #tpu.memory_space<vmem>>
          %gather3A_673 = tpu.memref_squeeze %gather3A_672 : memref<1x64x256xf32, #tpu.memory_space<vmem>> -> memref<64x256xf32, #tpu.memory_space<vmem>>
          %gather3A_674 = tpu.vector_load_idx %gather3A_673[%add3A_670, %add3A_660] : memref<64x256xf32, #tpu.memory_space<vmem>>[vector<16xi32>, vector<16xi32>], vector<16xf32>,
          %swap3A_675 = arith.index_cast %rem3A_662 : i32 to index
          %swap3A_676 = arith.constant 0 : index
          %swap3A_677 = tpu.vector_load %arg26[%swap3A_675, %swap3A_676] {strides = array<i32>} : memref<64x64xf32, #tpu.memory_space<vmem>>, vector<16xf32>,
          tpu.vector_store %arg26[%swap3A_675, %swap3A_676], %gather3A_674 {strides = array<i32>} : memref<64x64xf32, #tpu.memory_space<vmem>>, vector<16xf32>,
          %add3A_678 = arith.constant 16 : i32
          %add3A_679 = vector.broadcast %add3A_678 : i32 to vector<16xi32>
          %add3A_680 = arith.addi %add3A_679, %iota3A : vector<16xi32>
          %gather3A_681 = arith.constant 0 : i32
          %gather3A_682 = arith.constant 0 : i32
          %gather3A_683 = tpu.memref_slice %arg13[%rem3A_528, %gather3A_681, %gather3A_682] : memref<2x64x256xf32, #tpu.memory_space<vmem>> -> memref<1x64x256xf32, #tpu.memory_space<vmem>>
          %gather3A_684 = tpu.memref_squeeze %gather3A_683 : memref<1x64x256xf32, #tpu.memory_space<vmem>> -> memref<64x256xf32, #tpu.memory_space<vmem>>
          %gather3A_685 = tpu.vector_load_idx %gather3A_684[%add3A_680, %add3A_660] : memref<64x256xf32, #tpu.memory_space<vmem>>[vector<16xi32>, vector<16xi32>], vector<16xf32>,
          %swap3A_686 = arith.index_cast %rem3A_662 : i32 to index
          %swap3A_687 = arith.constant 16 : index
          %swap3A_688 = tpu.vector_load %arg26[%swap3A_686, %swap3A_687] {strides = array<i32>} : memref<64x64xf32, #tpu.memory_space<vmem>>, vector<16xf32>,
          tpu.vector_store %arg26[%swap3A_686, %swap3A_687], %gather3A_685 {strides = array<i32>} : memref<64x64xf32, #tpu.memory_space<vmem>>, vector<16xf32>,
          %add3A_689 = arith.constant 32 : i32
          %add3A_690 = vector.broadcast %add3A_689 : i32 to vector<16xi32>
          %add3A_691 = arith.addi %add3A_690, %iota3A : vector<16xi32>
          %gather3A_692 = arith.constant 0 : i32
          %gather3A_693 = arith.constant 0 : i32
          %gather3A_694 = tpu.memref_slice %arg13[%rem3A_528, %gather3A_692, %gather3A_693] : memref<2x64x256xf32, #tpu.memory_space<vmem>> -> memref<1x64x256xf32, #tpu.memory_space<vmem>>
          %gather3A_695 = tpu.memref_squeeze %gather3A_694 : memref<1x64x256xf32, #tpu.memory_space<vmem>> -> memref<64x256xf32, #tpu.memory_space<vmem>>
          %gather3A_696 = tpu.vector_load_idx %gather3A_695[%add3A_691, %add3A_660] : memref<64x256xf32, #tpu.memory_space<vmem>>[vector<16xi32>, vector<16xi32>], vector<16xf32>,
          %swap3A_697 = arith.index_cast %rem3A_662 : i32 to index
          %swap3A_698 = arith.constant 32 : index
          %swap3A_699 = tpu.vector_load %arg26[%swap3A_697, %swap3A_698] {strides = array<i32>} : memref<64x64xf32, #tpu.memory_space<vmem>>, vector<16xf32>,
          tpu.vector_store %arg26[%swap3A_697, %swap3A_698], %gather3A_696 {strides = array<i32>} : memref<64x64xf32, #tpu.memory_space<vmem>>, vector<16xf32>,
          %add3A_700 = arith.constant 48 : i32
          %add3A_701 = vector.broadcast %add3A_700 : i32 to vector<16xi32>
          %add3A_702 = arith.addi %add3A_701, %iota3A : vector<16xi32>
          %gather3A_703 = arith.constant 0 : i32
          %gather3A_704 = arith.constant 0 : i32
          %gather3A_705 = tpu.memref_slice %arg13[%rem3A_528, %gather3A_703, %gather3A_704] : memref<2x64x256xf32, #tpu.memory_space<vmem>> -> memref<1x64x256xf32, #tpu.memory_space<vmem>>
          %gather3A_706 = tpu.memref_squeeze %gather3A_705 : memref<1x64x256xf32, #tpu.memory_space<vmem>> -> memref<64x256xf32, #tpu.memory_space<vmem>>
          %gather3A_707 = tpu.vector_load_idx %gather3A_706[%add3A_702, %add3A_660] : memref<64x256xf32, #tpu.memory_space<vmem>>[vector<16xi32>, vector<16xi32>], vector<16xf32>,
          %swap3A_708 = arith.index_cast %rem3A_662 : i32 to index
          %swap3A_709 = arith.constant 48 : index
          %swap3A_710 = tpu.vector_load %arg26[%swap3A_708, %swap3A_709] {strides = array<i32>} : memref<64x64xf32, #tpu.memory_space<vmem>>, vector<16xf32>,
          tpu.vector_store %arg26[%swap3A_708, %swap3A_709], %gather3A_707 {strides = array<i32>} : memref<64x64xf32, #tpu.memory_space<vmem>>, vector<16xf32>,
          %mul3A_711 = arith.constant 64 : i32
          %mul3A_712 = arith.muli %squeeze3A_656, %mul3A_711 : i32
          %dma_start3A_713 = arith.constant 0 : i32
          %dma_start3A_714 = tpu.memref_slice %arg26[%rem3A_662, %dma_start3A_713] : memref<64x64xf32, #tpu.memory_space<vmem>> -> memref<1x64xf32, #tpu.memory_space<vmem>>
          %dma_start3A_715 = tpu.memref_squeeze %dma_start3A_714 : memref<1x64xf32, #tpu.memory_space<vmem>> -> memref<64xf32, #tpu.memory_space<vmem>>
          %dma_start3A_716 = tpu.memref_slice %arg9[%mul3A_712] : memref<1048576xf32, #tpu.memory_space<hbm>> -> memref<64xf32, #tpu.memory_space<hbm>>
          %dma_start3A_717 = tpu.memref_slice %arg9[%mul3A_712] : memref<1048576xf32, #tpu.memory_space<hbm>> -> memref<64xf32, #tpu.memory_space<hbm>>
          %dma_start3A_718 = arith.constant 0 : i32
          %dma_start3A_719 = tpu.memref_slice %arg26[%rem3A_662, %dma_start3A_718] : memref<64x64xf32, #tpu.memory_space<vmem>> -> memref<1x64xf32, #tpu.memory_space<vmem>>
          %dma_start3A_720 = tpu.memref_squeeze %dma_start3A_719 : memref<1x64xf32, #tpu.memory_space<vmem>> -> memref<64xf32, #tpu.memory_space<vmem>>
          tpu.enqueue_dma source(%dma_start3A_720 : memref<64xf32, #tpu.memory_space<vmem>>) target(%dma_start3A_717 : memref<64xf32, #tpu.memory_space<hbm>>) target_semaphore(%arg31 : memref<!tpu.dma_semaphore, #tpu.memory_space<semaphore_mem>>)
          %add3A_721 = arith.constant 1 : i32
          %add3A_722 = arith.addi %while3A_648, %add3A_721 : i32
          scf.yield %add3A_722 : i32
        }
        %while3A_645 = arith.constant 1 : i32
        %while3A_646 = scf.for %while3A_647 = %while3A_642 to %while3A_638 step %while3A_645 iter_args(%while3A_648 = %while3A_644) -> (i32)  : i32 {
          %get3A_649 = arith.index_cast %while3A_647 : i32 to index
          %get3A_650 = tpu.vector_load %arg24[%get3A_649] {strides = array<i32>} : memref<32xi32, #tpu.memory_space<vmem>>, vector<16xi32>,
          %slice3A_651 = vector.extract_strided_slice %get3A_650 {offsets = [0], sizes = [1], strides = [1]} : vector<16xi32> to vector<1xi32>
          %squeeze3A_652 = vector.extract %slice3A_651[0] : i32 from vector<1xi32>
          %get3A_653 = arith.index_cast %while3A_647 : i32 to index
          %get3A_654 = tpu.vector_load %arg25[%get3A_653] {strides = array<i32>} : memref<32xi32, #tpu.memory_space<vmem>>, vector<16xi32>,
          %slice3A_655 = vector.extract_strided_slice %get3A_654 {offsets = [0], sizes = [1], strides = [1]} : vector<16xi32> to vector<1xi32>
          %squeeze3A_656 = vector.extract %slice3A_655[0] : i32 from vector<1xi32>
          %broadcast_in_dim3A_657 = arith.constant 0 : i32
          %broadcast_in_dim3A_658 = vector.broadcast %broadcast_in_dim3A_657 : i32 to vector<16xi32>
          %add3A_659 = vector.broadcast %squeeze3A_652 : i32 to vector<16xi32>
          %add3A_660 = arith.addi %broadcast_in_dim3A_658, %add3A_659 : vector<16xi32>
          %rem3A_661 = arith.constant 64 : i32
          %rem3A_662 = arith.remsi %while3A_648, %rem3A_661 : i32
          %ge3A_663 = arith.constant 64 : i32
          %ge3A_664 = arith.cmpi sge, %while3A_648, %ge3A_663 : i32
          %convert_element_type3A_665 = arith.extui %ge3A_664 : i1 to i32
          %cond3A_666 = arith.constant 0 : i32
          %cond3A_667 = arith.cmpi ne, %convert_element_type3A_665, %cond3A_666 : i32
          scf.if %cond3A_667 {
            %dma_wait3A_723 = arith.constant 0 : i32
            %dma_wait3A_724 = arith.constant 0 : i32
            %dma_wait3A_725 = tpu.memref_slice %arg26[%dma_wait3A_723, %dma_wait3A_724] : memref<64x64xf32, #tpu.memory_space<vmem>> -> memref<1x64xf32, #tpu.memory_space<vmem>>
            %dma_wait3A_726 = tpu.memref_squeeze %dma_wait3A_725 : memref<1x64xf32, #tpu.memory_space<vmem>> -> memref<64xf32, #tpu.memory_space<vmem>>
            %dma_wait3A_727 = arith.constant 0 : i32
            %dma_wait3A_728 = tpu.memref_slice %arg9[%dma_wait3A_727] : memref<1048576xf32, #tpu.memory_space<hbm>> -> memref<64xf32, #tpu.memory_space<hbm>>
            %dma_wait3A_729 = arith.constant 0 : i32
            %dma_wait3A_730 = tpu.memref_slice %arg26[%dma_wait3A_723, %dma_wait3A_729] : memref<64x64xf32, #tpu.memory_space<vmem>> -> memref<1x64xf32, #tpu.memory_space<vmem>>
            %dma_wait3A_731 = tpu.memref_squeeze %dma_wait3A_730 : memref<1x64xf32, #tpu.memory_space<vmem>> -> memref<64xf32, #tpu.memory_space<vmem>>
            %dma_wait3A_732 = arith.constant 0 : i32
            %dma_wait3A_733 = tpu.memref_slice %arg9[%dma_wait3A_732] : memref<1048576xf32, #tpu.memory_space<hbm>> -> memref<64xf32, #tpu.memory_space<hbm>>
            tpu.wait_dma2 semaphore(%arg31 : memref<!tpu.dma_semaphore, #tpu.memory_space<semaphore_mem>>) src(%dma_wait3A_733 : memref<64xf32, #tpu.memory_space<hbm>>) dst(%dma_wait3A_731 : memref<64xf32, #tpu.memory_space<vmem>>)
          } else {
          }
          %add3A_668 = arith.constant 0 : i32
          %add3A_669 = vector.broadcast %add3A_668 : i32 to vector<16xi32>
          %add3A_670 = arith.addi %add3A_669, %iota3A : vector<16xi32>
          %gather3A = arith.constant 0 : i32
          %gather3A_671 = arith.constant 0 : i32
          %gather3A_672 = tpu.memref_slice %arg13[%rem3A_528, %gather3A, %gather3A_671] : memref<2x64x256xf32, #tpu.memory_space<vmem>> -> memref<1x64x256xf32, #tpu.memory_space<vmem>>
          %gather3A_673 = tpu.memref_squeeze %gather3A_672 : memref<1x64x256xf32, #tpu.memory_space<vmem>> -> memref<64x256xf32, #tpu.memory_space<vmem>>
          %gather3A_674 = tpu.vector_load_idx %gather3A_673[%add3A_670, %add3A_660] : memref<64x256xf32, #tpu.memory_space<vmem>>[vector<16xi32>, vector<16xi32>], vector<16xf32>,
          %swap3A_675 = arith.index_cast %rem3A_662 : i32 to index
          %swap3A_676 = arith.constant 0 : index
          %swap3A_677 = tpu.vector_load %arg26[%swap3A_675, %swap3A_676] {strides = array<i32>} : memref<64x64xf32, #tpu.memory_space<vmem>>, vector<16xf32>,
          tpu.vector_store %arg26[%swap3A_675, %swap3A_676], %gather3A_674 {strides = array<i32>} : memref<64x64xf32, #tpu.memory_space<vmem>>, vector<16xf32>,
          %add3A_678 = arith.constant 16 : i32
          %add3A_679 = vector.broadcast %add3A_678 : i32 to vector<16xi32>
          %add3A_680 = arith.addi %add3A_679, %iota3A : vector<16xi32>
          %gather3A_681 = arith.constant 0 : i32
          %gather3A_682 = arith.constant 0 : i32
          %gather3A_683 = tpu.memref_slice %arg13[%rem3A_528, %gather3A_681, %gather3A_682] : memref<2x64x256xf32, #tpu.memory_space<vmem>> -> memref<1x64x256xf32, #tpu.memory_space<vmem>>
          %gather3A_684 = tpu.memref_squeeze %gather3A_683 : memref<1x64x256xf32, #tpu.memory_space<vmem>> -> memref<64x256xf32, #tpu.memory_space<vmem>>
          %gather3A_685 = tpu.vector_load_idx %gather3A_684[%add3A_680, %add3A_660] : memref<64x256xf32, #tpu.memory_space<vmem>>[vector<16xi32>, vector<16xi32>], vector<16xf32>,
          %swap3A_686 = arith.index_cast %rem3A_662 : i32 to index
          %swap3A_687 = arith.constant 16 : index
          %swap3A_688 = tpu.vector_load %arg26[%swap3A_686, %swap3A_687] {strides = array<i32>} : memref<64x64xf32, #tpu.memory_space<vmem>>, vector<16xf32>,
          tpu.vector_store %arg26[%swap3A_686, %swap3A_687], %gather3A_685 {strides = array<i32>} : memref<64x64xf32, #tpu.memory_space<vmem>>, vector<16xf32>,
          %add3A_689 = arith.constant 32 : i32
          %add3A_690 = vector.broadcast %add3A_689 : i32 to vector<16xi32>
          %add3A_691 = arith.addi %add3A_690, %iota3A : vector<16xi32>
          %gather3A_692 = arith.constant 0 : i32
          %gather3A_693 = arith.constant 0 : i32
          %gather3A_694 = tpu.memref_slice %arg13[%rem3A_528, %gather3A_692, %gather3A_693] : memref<2x64x256xf32, #tpu.memory_space<vmem>> -> memref<1x64x256xf32, #tpu.memory_space<vmem>>
          %gather3A_695 = tpu.memref_squeeze %gather3A_694 : memref<1x64x256xf32, #tpu.memory_space<vmem>> -> memref<64x256xf32, #tpu.memory_space<vmem>>
          %gather3A_696 = tpu.vector_load_idx %gather3A_695[%add3A_691, %add3A_660] : memref<64x256xf32, #tpu.memory_space<vmem>>[vector<16xi32>, vector<16xi32>], vector<16xf32>,
          %swap3A_697 = arith.index_cast %rem3A_662 : i32 to index
          %swap3A_698 = arith.constant 32 : index
          %swap3A_699 = tpu.vector_load %arg26[%swap3A_697, %swap3A_698] {strides = array<i32>} : memref<64x64xf32, #tpu.memory_space<vmem>>, vector<16xf32>,
          tpu.vector_store %arg26[%swap3A_697, %swap3A_698], %gather3A_696 {strides = array<i32>} : memref<64x64xf32, #tpu.memory_space<vmem>>, vector<16xf32>,
          %add3A_700 = arith.constant 48 : i32
          %add3A_701 = vector.broadcast %add3A_700 : i32 to vector<16xi32>
          %add3A_702 = arith.addi %add3A_701, %iota3A : vector<16xi32>
          %gather3A_703 = arith.constant 0 : i32
          %gather3A_704 = arith.constant 0 : i32
          %gather3A_705 = tpu.memref_slice %arg13[%rem3A_528, %gather3A_703, %gather3A_704] : memref<2x64x256xf32, #tpu.memory_space<vmem>> -> memref<1x64x256xf32, #tpu.memory_space<vmem>>
          %gather3A_706 = tpu.memref_squeeze %gather3A_705 : memref<1x64x256xf32, #tpu.memory_space<vmem>> -> memref<64x256xf32, #tpu.memory_space<vmem>>
          %gather3A_707 = tpu.vector_load_idx %gather3A_706[%add3A_702, %add3A_660] : memref<64x256xf32, #tpu.memory_space<vmem>>[vector<16xi32>, vector<16xi32>], vector<16xf32>,
          %swap3A_708 = arith.index_cast %rem3A_662 : i32 to index
          %swap3A_709 = arith.constant 48 : index
          %swap3A_710 = tpu.vector_load %arg26[%swap3A_708, %swap3A_709] {strides = array<i32>} : memref<64x64xf32, #tpu.memory_space<vmem>>, vector<16xf32>,
          tpu.vector_store %arg26[%swap3A_708, %swap3A_709], %gather3A_707 {strides = array<i32>} : memref<64x64xf32, #tpu.memory_space<vmem>>, vector<16xf32>,
          %mul3A_711 = arith.constant 64 : i32
          %mul3A_712 = arith.muli %squeeze3A_656, %mul3A_711 : i32
          %dma_start3A_713 = arith.constant 0 : i32
          %dma_start3A_714 = tpu.memref_slice %arg26[%rem3A_662, %dma_start3A_713] : memref<64x64xf32, #tpu.memory_space<vmem>> -> memref<1x64xf32, #tpu.memory_space<vmem>>
          %dma_start3A_715 = tpu.memref_squeeze %dma_start3A_714 : memref<1x64xf32, #tpu.memory_space<vmem>> -> memref<64xf32, #tpu.memory_space<vmem>>
          %dma_start3A_716 = tpu.memref_slice %arg9[%mul3A_712] : memref<1048576xf32, #tpu.memory_space<hbm>> -> memref<64xf32, #tpu.memory_space<hbm>>
          %dma_start3A_717 = tpu.memref_slice %arg9[%mul3A_712] : memref<1048576xf32, #tpu.memory_space<hbm>> -> memref<64xf32, #tpu.memory_space<hbm>>
          %dma_start3A_718 = arith.constant 0 : i32
          %dma_start3A_719 = tpu.memref_slice %arg26[%rem3A_662, %dma_start3A_718] : memref<64x64xf32, #tpu.memory_space<vmem>> -> memref<1x64xf32, #tpu.memory_space<vmem>>
          %dma_start3A_720 = tpu.memref_squeeze %dma_start3A_719 : memref<1x64xf32, #tpu.memory_space<vmem>> -> memref<64xf32, #tpu.memory_space<vmem>>
          tpu.enqueue_dma source(%dma_start3A_720 : memref<64xf32, #tpu.memory_space<vmem>>) target(%dma_start3A_717 : memref<64xf32, #tpu.memory_space<hbm>>) target_semaphore(%arg31 : memref<!tpu.dma_semaphore, #tpu.memory_space<semaphore_mem>>)
          %add3A_721 = arith.constant 1 : i32
          %add3A_722 = arith.addi %while3A_648, %add3A_721 : i32
          scf.yield %add3A_722 : i32
        }
        scf.yield %while3A_646 : i32
      }
      %add3A_601 = arith.constant 2 : i32
      %add3A_602 = arith.addi %while3A_526, %add3A_601 : i32
      %lt3A = arith.cmpi slt, %add3A_602, %add3A_12 : i32
      %convert_element_type3A_603 = arith.extui %lt3A : i1 to i32
      %cond3A = arith.constant 0 : i32
      %cond3A_604 = arith.cmpi ne, %convert_element_type3A_603, %cond3A : i32
      scf.if %cond3A_604 {
        %add3A_605 = arith.constant 2 : i32
        %add3A_606 = arith.addi %while3A_526, %add3A_605 : i32
        %mul3A_607 = arith.constant 256 : i32
        %mul3A_608 = arith.muli %add3A_606, %mul3A_607 : i32
        %add3A_609 = arith.addi %mul3A_2, %mul3A_608 : i32
        %dma_start3A_610 = arith.constant 0 : i32
        %dma_start3A_611 = arith.constant 0 : i32
        %dma_start3A_612 = tpu.memref_slice %arg12[%rem3A_528, %dma_start3A_610, %dma_start3A_611] : memref<2x64x256xf32, #tpu.memory_space<vmem>> -> memref<1x64x256xf32, #tpu.memory_space<vmem>>
        %dma_start3A_613 = tpu.memref_squeeze %dma_start3A_612 : memref<1x64x256xf32, #tpu.memory_space<vmem>> -> memref<64x256xf32, #tpu.memory_space<vmem>>
        %dma_start3A_614 = arith.constant 0 : i32
        %dma_start3A_615 = tpu.memref_slice %arg4[%dma_start3A_614, %add3A_609] : memref<64x1000000xf32, #tpu.memory_space<hbm>> -> memref<64x256xf32, #tpu.memory_space<hbm>>
        %dma_start3A_616 = arith.constant 0 : i32
        %dma_start3A_617 = arith.constant 0 : i32
        %dma_start3A_618 = tpu.memref_slice %arg12[%rem3A_528, %dma_start3A_616, %dma_start3A_617] : memref<2x64x256xf32, #tpu.memory_space<vmem>> -> memref<1x64x256xf32, #tpu.memory_space<vmem>>
        %dma_start3A_619 = tpu.memref_squeeze %dma_start3A_618 : memref<1x64x256xf32, #tpu.memory_space<vmem>> -> memref<64x256xf32, #tpu.memory_space<vmem>>
        %dma_start3A_620 = arith.constant 0 : i32
        %dma_start3A_621 = tpu.memref_slice %arg4[%dma_start3A_620, %add3A_609] : memref<64x1000000xf32, #tpu.memory_space<hbm>> -> memref<64x256xf32, #tpu.memory_space<hbm>>
        tpu.enqueue_dma source(%dma_start3A_621 : memref<64x256xf32, #tpu.memory_space<hbm>>) target(%dma_start3A_619 : memref<64x256xf32, #tpu.memory_space<vmem>>) target_semaphore(%arg29 : memref<!tpu.dma_semaphore, #tpu.memory_space<semaphore_mem>>)
        %dma_start3A_622 = arith.constant 0 : i32
        %dma_start3A_623 = arith.constant 0 : i32
        %dma_start3A_624 = tpu.memref_slice %arg13[%rem3A_528, %dma_start3A_622, %dma_start3A_623] : memref<2x64x256xf32, #tpu.memory_space<vmem>> -> memref<1x64x256xf32, #tpu.memory_space<vmem>>
        %dma_start3A_625 = tpu.memref_squeeze %dma_start3A_624 : memref<1x64x256xf32, #tpu.memory_space<vmem>> -> memref<64x256xf32, #tpu.memory_space<vmem>>
        %dma_start3A_626 = arith.constant 0 : i32
        %dma_start3A_627 = tpu.memref_slice %arg5[%dma_start3A_626, %add3A_609] : memref<64x1000000xf32, #tpu.memory_space<hbm>> -> memref<64x256xf32, #tpu.memory_space<hbm>>
        %dma_start3A_628 = arith.constant 0 : i32
        %dma_start3A_629 = arith.constant 0 : i32
        %dma_start3A_630 = tpu.memref_slice %arg13[%rem3A_528, %dma_start3A_628, %dma_start3A_629] : memref<2x64x256xf32, #tpu.memory_space<vmem>> -> memref<1x64x256xf32, #tpu.memory_space<vmem>>
        %dma_start3A_631 = tpu.memref_squeeze %dma_start3A_630 : memref<1x64x256xf32, #tpu.memory_space<vmem>> -> memref<64x256xf32, #tpu.memory_space<vmem>>
        %dma_start3A_632 = arith.constant 0 : i32
        %dma_start3A_633 = tpu.memref_slice %arg5[%dma_start3A_632, %add3A_609] : memref<64x1000000xf32, #tpu.memory_space<hbm>> -> memref<64x256xf32, #tpu.memory_space<hbm>>
        tpu.enqueue_dma source(%dma_start3A_633 : memref<64x256xf32, #tpu.memory_space<hbm>>) target(%dma_start3A_631 : memref<64x256xf32, #tpu.memory_space<vmem>>) target_semaphore(%arg30 : memref<!tpu.dma_semaphore, #tpu.memory_space<semaphore_mem>>)
      } else {
      }
      scf.yield %while3A_600 : i32
    }
    %while3A_500 = arith.constant 1 : i32
    %while3A_501 = scf.for %while3A_526 = %while3A_497 to %while3A_493 step %while3A_500 iter_args(%while3A_527 = %while3A_499) -> (i32)  : i32 {
      %rem3A = arith.constant 2 : i32
      %rem3A_528 = arith.remsi %while3A_526, %rem3A : i32
      %mul3A_529 = arith.constant 256 : i32
      %mul3A_530 = arith.muli %while3A_526, %mul3A_529 : i32
      %add3A_531 = arith.addi %mul3A_2, %mul3A_530 : i32
      %dma_wait3A = arith.constant 0 : i32
      %dma_wait3A_532 = arith.constant 0 : i32
      %dma_wait3A_533 = tpu.memref_slice %arg12[%rem3A_528, %dma_wait3A, %dma_wait3A_532] : memref<2x64x256xf32, #tpu.memory_space<vmem>> -> memref<1x64x256xf32, #tpu.memory_space<vmem>>
      %dma_wait3A_534 = tpu.memref_squeeze %dma_wait3A_533 : memref<1x64x256xf32, #tpu.memory_space<vmem>> -> memref<64x256xf32, #tpu.memory_space<vmem>>
      %dma_wait3A_535 = arith.constant 0 : i32
      %dma_wait3A_536 = arith.constant 0 : i32
      %dma_wait3A_537 = tpu.memref_slice %arg4[%dma_wait3A_535, %dma_wait3A_536] : memref<64x1000000xf32, #tpu.memory_space<hbm>> -> memref<64x256xf32, #tpu.memory_space<hbm>>
      %dma_wait3A_538 = arith.constant 0 : i32
      %dma_wait3A_539 = arith.constant 0 : i32
      %dma_wait3A_540 = tpu.memref_slice %arg12[%rem3A_528, %dma_wait3A_538, %dma_wait3A_539] : memref<2x64x256xf32, #tpu.memory_space<vmem>> -> memref<1x64x256xf32, #tpu.memory_space<vmem>>
      %dma_wait3A_541 = tpu.memref_squeeze %dma_wait3A_540 : memref<1x64x256xf32, #tpu.memory_space<vmem>> -> memref<64x256xf32, #tpu.memory_space<vmem>>
      %dma_wait3A_542 = arith.constant 0 : i32
      %dma_wait3A_543 = arith.constant 0 : i32
      %dma_wait3A_544 = tpu.memref_slice %arg4[%dma_wait3A_542, %dma_wait3A_543] : memref<64x1000000xf32, #tpu.memory_space<hbm>> -> memref<64x256xf32, #tpu.memory_space<hbm>>
      tpu.wait_dma2 semaphore(%arg29 : memref<!tpu.dma_semaphore, #tpu.memory_space<semaphore_mem>>) src(%dma_wait3A_544 : memref<64x256xf32, #tpu.memory_space<hbm>>) dst(%dma_wait3A_541 : memref<64x256xf32, #tpu.memory_space<vmem>>)
      %dma_wait3A_545 = arith.constant 0 : i32
      %dma_wait3A_546 = arith.constant 0 : i32
      %dma_wait3A_547 = tpu.memref_slice %arg13[%rem3A_528, %dma_wait3A_545, %dma_wait3A_546] : memref<2x64x256xf32, #tpu.memory_space<vmem>> -> memref<1x64x256xf32, #tpu.memory_space<vmem>>
      %dma_wait3A_548 = tpu.memref_squeeze %dma_wait3A_547 : memref<1x64x256xf32, #tpu.memory_space<vmem>> -> memref<64x256xf32, #tpu.memory_space<vmem>>
      %dma_wait3A_549 = arith.constant 0 : i32
      %dma_wait3A_550 = arith.constant 0 : i32
      %dma_wait3A_551 = tpu.memref_slice %arg5[%dma_wait3A_549, %dma_wait3A_550] : memref<64x1000000xf32, #tpu.memory_space<hbm>> -> memref<64x256xf32, #tpu.memory_space<hbm>>
      %dma_wait3A_552 = arith.constant 0 : i32
      %dma_wait3A_553 = arith.constant 0 : i32
      %dma_wait3A_554 = tpu.memref_slice %arg13[%rem3A_528, %dma_wait3A_552, %dma_wait3A_553] : memref<2x64x256xf32, #tpu.memory_space<vmem>> -> memref<1x64x256xf32, #tpu.memory_space<vmem>>
      %dma_wait3A_555 = tpu.memref_squeeze %dma_wait3A_554 : memref<1x64x256xf32, #tpu.memory_space<vmem>> -> memref<64x256xf32, #tpu.memory_space<vmem>>
      %dma_wait3A_556 = arith.constant 0 : i32
      %dma_wait3A_557 = arith.constant 0 : i32
      %dma_wait3A_558 = tpu.memref_slice %arg5[%dma_wait3A_556, %dma_wait3A_557] : memref<64x1000000xf32, #tpu.memory_space<hbm>> -> memref<64x256xf32, #tpu.memory_space<hbm>>
      tpu.wait_dma2 semaphore(%arg30 : memref<!tpu.dma_semaphore, #tpu.memory_space<semaphore_mem>>) src(%dma_wait3A_558 : memref<64x256xf32, #tpu.memory_space<hbm>>) dst(%dma_wait3A_555 : memref<64x256xf32, #tpu.memory_space<vmem>>)
      %shift_right_logical3A = arith.constant 4 : i32
      %shift_right_logical3A_559 = arith.shrui %while3A_526, %shift_right_logical3A : i32
      %mul3A_560 = arith.constant 256 : i32
      %mul3A_561 = arith.muli %shift_right_logical3A_559, %mul3A_560 : i32
      %get3A = arith.index_cast %shift_right_logical3A_559 : i32 to index
      %get3A_562 = tpu.vector_load %arg22[%get3A] {strides = array<i32>} : memref<32xi32, #tpu.memory_space<vmem>>, vector<16xi32>,
      %slice3A = vector.extract_strided_slice %get3A_562 {offsets = [0], sizes = [1], strides = [1]} : vector<16xi32> to vector<1xi32>
      %squeeze3A = vector.extract %slice3A[0] : i32 from vector<1xi32>
      %add3A_563 = arith.constant 15 : i32
      %add3A_564 = arith.addi %squeeze3A, %add3A_563 : i32
      %div3A_565 = arith.constant 16 : i32
      %div3A_566 = arith.divsi %add3A_564, %div3A_565 : i32
      %while3A_567 = arith.constant 0 : i32
      %while3A_568 = arith.subi %div3A_566, %while3A_567 : i32
      %while3A_569 = arith.addi %while3A_567, %while3A_568 : i32
      %while3A_570 = arith.constant 1 : i32
      %while3A_571 = arith.divsi %while3A_568, %while3A_570 : i32
      %while3A_572 = arith.muli %while3A_571, %while3A_570 : i32
      %while3A_573 = arith.addi %while3A_567, %while3A_572 : i32
      %while3A_574 = arith.constant 1 : i32
      %while3A_575 = scf.for %while3A_605 = %while3A_567 to %while3A_573 step %while3A_574 iter_args(%while3A_606 = %while3A_527) -> (i32)  : i32 {
        %mul3A_607 = arith.constant 16 : i32
        %mul3A_608 = arith.muli %while3A_605, %mul3A_607 : i32
        %add3A_609 = vector.broadcast %mul3A_608 : i32 to vector<16xi32>
        %add3A_610 = arith.addi %add3A_609, %iota3A : vector<16xi32>
        %mul3A_611 = arith.constant 16 : i32
        %mul3A_612 = arith.muli %while3A_605, %mul3A_611 : i32
        %add3A_613 = arith.addi %mul3A_561, %mul3A_612 : i32
        %get3A_614 = arith.index_cast %add3A_613 : i32 to index
        %get3A_615 = tpu.vector_load %arg18[%get3A_614] {strides = array<i32>} : memref<2048xi32, #tpu.memory_space<vmem>>, vector<16xi32>,
        %mul3A_616 = arith.constant 16 : i32
        %mul3A_617 = arith.muli %while3A_605, %mul3A_616 : i32
        %add3A_618 = arith.addi %mul3A_561, %mul3A_617 : i32
        %get3A_619 = arith.index_cast %add3A_618 : i32 to index
        %get3A_620 = tpu.vector_load %arg19[%get3A_619] {strides = array<i32>} : memref<2048xi32, #tpu.memory_space<vmem>>, vector<16xi32>,
        %lt3A_621 = vector.broadcast %squeeze3A : i32 to vector<16xi32>
        %lt3A_622 = arith.cmpi slt, %add3A_610, %lt3A_621 : vector<16xi32>
        %ge3A = vector.broadcast %add3A_531 : i32 to vector<16xi32>
        %ge3A_623 = arith.cmpi sge, %get3A_615, %ge3A : vector<16xi32>
        %and3A = arith.andi %lt3A_622, %ge3A_623 : vector<16xi1>
        %add3A_624 = arith.constant 256 : i32
        %add3A_625 = arith.addi %add3A_531, %add3A_624 : i32
        %lt3A_626 = vector.broadcast %add3A_625 : i32 to vector<16xi32>
        %lt3A_627 = arith.cmpi slt, %get3A_615, %lt3A_626 : vector<16xi32>
        %and3A_628 = arith.andi %and3A, %lt3A_627 : vector<16xi1>
        %all_reduce_population_count3A = tpu.all_reduce %and3A_628 {dim = 0 : i64, kind = #tpu.reduction_kind<sum>} : vector<16xi1> -> vector<16xi32>
        %slice3A_629 = vector.extract_strided_slice %all_reduce_population_count3A {offsets = [0], sizes = [1], strides = [1]} : vector<16xi32> to vector<1xi32>
        %squeeze3A_630 = vector.extract %slice3A_629[0] : i32 from vector<1xi32>
        %sub3A = vector.broadcast %add3A_531 : i32 to vector<16xi32>
        %sub3A_631 = arith.subi %get3A_615, %sub3A : vector<16xi32>
        %swap3A_632 = arith.constant 0 : index
        %swap3A_633 = tpu.vector_load %arg24[%swap3A_632] masked %and3A_628 {strides = array<i32>} : memref<32xi32, #tpu.memory_space<vmem>>, vector<16xi32>, vector<16xi1>
        tpu.vector_store %arg24[%swap3A_632], %sub3A_631 masked %and3A_628 {strides = array<i32>} : memref<32xi32, #tpu.memory_space<vmem>>, vector<16xi32>, vector<16xi1>
        %swap3A_634 = arith.constant 0 : index
        %swap3A_635 = tpu.vector_load %arg25[%swap3A_634] masked %and3A_628 {strides = array<i32>} : memref<32xi32, #tpu.memory_space<vmem>>, vector<16xi32>, vector<16xi1>
        tpu.vector_store %arg25[%swap3A_634], %get3A_620 masked %and3A_628 {strides = array<i32>} : memref<32xi32, #tpu.memory_space<vmem>>, vector<16xi32>, vector<16xi1>
        %while3A_636 = arith.constant 0 : i32
        %while3A_637 = arith.subi %squeeze3A_630, %while3A_636 : i32
        %while3A_638 = arith.addi %while3A_636, %while3A_637 : i32
        %while3A_639 = arith.constant 1 : i32
        %while3A_640 = arith.divsi %while3A_637, %while3A_639 : i32
        %while3A_641 = arith.muli %while3A_640, %while3A_639 : i32
        %while3A_642 = arith.addi %while3A_636, %while3A_641 : i32
        %while3A_643 = arith.constant 1 : i32
        %while3A_644 = scf.for %while3A_647 = %while3A_636 to %while3A_642 step %while3A_643 iter_args(%while3A_648 = %while3A_606) -> (i32)  : i32 {
          %get3A_649 = arith.index_cast %while3A_647 : i32 to index
          %get3A_650 = tpu.vector_load %arg24[%get3A_649] {strides = array<i32>} : memref<32xi32, #tpu.memory_space<vmem>>, vector<16xi32>,
          %slice3A_651 = vector.extract_strided_slice %get3A_650 {offsets = [0], sizes = [1], strides = [1]} : vector<16xi32> to vector<1xi32>
          %squeeze3A_652 = vector.extract %slice3A_651[0] : i32 from vector<1xi32>
          %get3A_653 = arith.index_cast %while3A_647 : i32 to index
          %get3A_654 = tpu.vector_load %arg25[%get3A_653] {strides = array<i32>} : memref<32xi32, #tpu.memory_space<vmem>>, vector<16xi32>,
          %slice3A_655 = vector.extract_strided_slice %get3A_654 {offsets = [0], sizes = [1], strides = [1]} : vector<16xi32> to vector<1xi32>
          %squeeze3A_656 = vector.extract %slice3A_655[0] : i32 from vector<1xi32>
          %broadcast_in_dim3A_657 = arith.constant 0 : i32
          %broadcast_in_dim3A_658 = vector.broadcast %broadcast_in_dim3A_657 : i32 to vector<16xi32>
          %add3A_659 = vector.broadcast %squeeze3A_652 : i32 to vector<16xi32>
          %add3A_660 = arith.addi %broadcast_in_dim3A_658, %add3A_659 : vector<16xi32>
          %rem3A_661 = arith.constant 64 : i32
          %rem3A_662 = arith.remsi %while3A_648, %rem3A_661 : i32
          %ge3A_663 = arith.constant 64 : i32
          %ge3A_664 = arith.cmpi sge, %while3A_648, %ge3A_663 : i32
          %convert_element_type3A_665 = arith.extui %ge3A_664 : i1 to i32
          %cond3A_666 = arith.constant 0 : i32
          %cond3A_667 = arith.cmpi ne, %convert_element_type3A_665, %cond3A_666 : i32
          scf.if %cond3A_667 {
            %dma_wait3A_723 = arith.constant 0 : i32
            %dma_wait3A_724 = arith.constant 0 : i32
            %dma_wait3A_725 = tpu.memref_slice %arg26[%dma_wait3A_723, %dma_wait3A_724] : memref<64x64xf32, #tpu.memory_space<vmem>> -> memref<1x64xf32, #tpu.memory_space<vmem>>
            %dma_wait3A_726 = tpu.memref_squeeze %dma_wait3A_725 : memref<1x64xf32, #tpu.memory_space<vmem>> -> memref<64xf32, #tpu.memory_space<vmem>>
            %dma_wait3A_727 = arith.constant 0 : i32
            %dma_wait3A_728 = tpu.memref_slice %arg8[%dma_wait3A_727] : memref<1048576xf32, #tpu.memory_space<hbm>> -> memref<64xf32, #tpu.memory_space<hbm>>
            %dma_wait3A_729 = arith.constant 0 : i32
            %dma_wait3A_730 = tpu.memref_slice %arg26[%dma_wait3A_723, %dma_wait3A_729] : memref<64x64xf32, #tpu.memory_space<vmem>> -> memref<1x64xf32, #tpu.memory_space<vmem>>
            %dma_wait3A_731 = tpu.memref_squeeze %dma_wait3A_730 : memref<1x64xf32, #tpu.memory_space<vmem>> -> memref<64xf32, #tpu.memory_space<vmem>>
            %dma_wait3A_732 = arith.constant 0 : i32
            %dma_wait3A_733 = tpu.memref_slice %arg8[%dma_wait3A_732] : memref<1048576xf32, #tpu.memory_space<hbm>> -> memref<64xf32, #tpu.memory_space<hbm>>
            tpu.wait_dma2 semaphore(%arg31 : memref<!tpu.dma_semaphore, #tpu.memory_space<semaphore_mem>>) src(%dma_wait3A_733 : memref<64xf32, #tpu.memory_space<hbm>>) dst(%dma_wait3A_731 : memref<64xf32, #tpu.memory_space<vmem>>)
          } else {
          }
          %add3A_668 = arith.constant 0 : i32
          %add3A_669 = vector.broadcast %add3A_668 : i32 to vector<16xi32>
          %add3A_670 = arith.addi %add3A_669, %iota3A : vector<16xi32>
          %gather3A = arith.constant 0 : i32
          %gather3A_671 = arith.constant 0 : i32
          %gather3A_672 = tpu.memref_slice %arg12[%rem3A_528, %gather3A, %gather3A_671] : memref<2x64x256xf32, #tpu.memory_space<vmem>> -> memref<1x64x256xf32, #tpu.memory_space<vmem>>
          %gather3A_673 = tpu.memref_squeeze %gather3A_672 : memref<1x64x256xf32, #tpu.memory_space<vmem>> -> memref<64x256xf32, #tpu.memory_space<vmem>>
          %gather3A_674 = tpu.vector_load_idx %gather3A_673[%add3A_670, %add3A_660] : memref<64x256xf32, #tpu.memory_space<vmem>>[vector<16xi32>, vector<16xi32>], vector<16xf32>,
          %swap3A_675 = arith.index_cast %rem3A_662 : i32 to index
          %swap3A_676 = arith.constant 0 : index
          %swap3A_677 = tpu.vector_load %arg26[%swap3A_675, %swap3A_676] {strides = array<i32>} : memref<64x64xf32, #tpu.memory_space<vmem>>, vector<16xf32>,
          tpu.vector_store %arg26[%swap3A_675, %swap3A_676], %gather3A_674 {strides = array<i32>} : memref<64x64xf32, #tpu.memory_space<vmem>>, vector<16xf32>,
          %add3A_678 = arith.constant 16 : i32
          %add3A_679 = vector.broadcast %add3A_678 : i32 to vector<16xi32>
          %add3A_680 = arith.addi %add3A_679, %iota3A : vector<16xi32>
          %gather3A_681 = arith.constant 0 : i32
          %gather3A_682 = arith.constant 0 : i32
          %gather3A_683 = tpu.memref_slice %arg12[%rem3A_528, %gather3A_681, %gather3A_682] : memref<2x64x256xf32, #tpu.memory_space<vmem>> -> memref<1x64x256xf32, #tpu.memory_space<vmem>>
          %gather3A_684 = tpu.memref_squeeze %gather3A_683 : memref<1x64x256xf32, #tpu.memory_space<vmem>> -> memref<64x256xf32, #tpu.memory_space<vmem>>
          %gather3A_685 = tpu.vector_load_idx %gather3A_684[%add3A_680, %add3A_660] : memref<64x256xf32, #tpu.memory_space<vmem>>[vector<16xi32>, vector<16xi32>], vector<16xf32>,
          %swap3A_686 = arith.index_cast %rem3A_662 : i32 to index
          %swap3A_687 = arith.constant 16 : index
          %swap3A_688 = tpu.vector_load %arg26[%swap3A_686, %swap3A_687] {strides = array<i32>} : memref<64x64xf32, #tpu.memory_space<vmem>>, vector<16xf32>,
          tpu.vector_store %arg26[%swap3A_686, %swap3A_687], %gather3A_685 {strides = array<i32>} : memref<64x64xf32, #tpu.memory_space<vmem>>, vector<16xf32>,
          %add3A_689 = arith.constant 32 : i32
          %add3A_690 = vector.broadcast %add3A_689 : i32 to vector<16xi32>
          %add3A_691 = arith.addi %add3A_690, %iota3A : vector<16xi32>
          %gather3A_692 = arith.constant 0 : i32
          %gather3A_693 = arith.constant 0 : i32
          %gather3A_694 = tpu.memref_slice %arg12[%rem3A_528, %gather3A_692, %gather3A_693] : memref<2x64x256xf32, #tpu.memory_space<vmem>> -> memref<1x64x256xf32, #tpu.memory_space<vmem>>
          %gather3A_695 = tpu.memref_squeeze %gather3A_694 : memref<1x64x256xf32, #tpu.memory_space<vmem>> -> memref<64x256xf32, #tpu.memory_space<vmem>>
          %gather3A_696 = tpu.vector_load_idx %gather3A_695[%add3A_691, %add3A_660] : memref<64x256xf32, #tpu.memory_space<vmem>>[vector<16xi32>, vector<16xi32>], vector<16xf32>,
          %swap3A_697 = arith.index_cast %rem3A_662 : i32 to index
          %swap3A_698 = arith.constant 32 : index
          %swap3A_699 = tpu.vector_load %arg26[%swap3A_697, %swap3A_698] {strides = array<i32>} : memref<64x64xf32, #tpu.memory_space<vmem>>, vector<16xf32>,
          tpu.vector_store %arg26[%swap3A_697, %swap3A_698], %gather3A_696 {strides = array<i32>} : memref<64x64xf32, #tpu.memory_space<vmem>>, vector<16xf32>,
          %add3A_700 = arith.constant 48 : i32
          %add3A_701 = vector.broadcast %add3A_700 : i32 to vector<16xi32>
          %add3A_702 = arith.addi %add3A_701, %iota3A : vector<16xi32>
          %gather3A_703 = arith.constant 0 : i32
          %gather3A_704 = arith.constant 0 : i32
          %gather3A_705 = tpu.memref_slice %arg12[%rem3A_528, %gather3A_703, %gather3A_704] : memref<2x64x256xf32, #tpu.memory_space<vmem>> -> memref<1x64x256xf32, #tpu.memory_space<vmem>>
          %gather3A_706 = tpu.memref_squeeze %gather3A_705 : memref<1x64x256xf32, #tpu.memory_space<vmem>> -> memref<64x256xf32, #tpu.memory_space<vmem>>
          %gather3A_707 = tpu.vector_load_idx %gather3A_706[%add3A_702, %add3A_660] : memref<64x256xf32, #tpu.memory_space<vmem>>[vector<16xi32>, vector<16xi32>], vector<16xf32>,
          %swap3A_708 = arith.index_cast %rem3A_662 : i32 to index
          %swap3A_709 = arith.constant 48 : index
          %swap3A_710 = tpu.vector_load %arg26[%swap3A_708, %swap3A_709] {strides = array<i32>} : memref<64x64xf32, #tpu.memory_space<vmem>>, vector<16xf32>,
          tpu.vector_store %arg26[%swap3A_708, %swap3A_709], %gather3A_707 {strides = array<i32>} : memref<64x64xf32, #tpu.memory_space<vmem>>, vector<16xf32>,
          %mul3A_711 = arith.constant 64 : i32
          %mul3A_712 = arith.muli %squeeze3A_656, %mul3A_711 : i32
          %dma_start3A_713 = arith.constant 0 : i32
          %dma_start3A_714 = tpu.memref_slice %arg26[%rem3A_662, %dma_start3A_713] : memref<64x64xf32, #tpu.memory_space<vmem>> -> memref<1x64xf32, #tpu.memory_space<vmem>>
          %dma_start3A_715 = tpu.memref_squeeze %dma_start3A_714 : memref<1x64xf32, #tpu.memory_space<vmem>> -> memref<64xf32, #tpu.memory_space<vmem>>
          %dma_start3A_716 = tpu.memref_slice %arg8[%mul3A_712] : memref<1048576xf32, #tpu.memory_space<hbm>> -> memref<64xf32, #tpu.memory_space<hbm>>
          %dma_start3A_717 = tpu.memref_slice %arg8[%mul3A_712] : memref<1048576xf32, #tpu.memory_space<hbm>> -> memref<64xf32, #tpu.memory_space<hbm>>
          %dma_start3A_718 = arith.constant 0 : i32
          %dma_start3A_719 = tpu.memref_slice %arg26[%rem3A_662, %dma_start3A_718] : memref<64x64xf32, #tpu.memory_space<vmem>> -> memref<1x64xf32, #tpu.memory_space<vmem>>
          %dma_start3A_720 = tpu.memref_squeeze %dma_start3A_719 : memref<1x64xf32, #tpu.memory_space<vmem>> -> memref<64xf32, #tpu.memory_space<vmem>>
          tpu.enqueue_dma source(%dma_start3A_720 : memref<64xf32, #tpu.memory_space<vmem>>) target(%dma_start3A_717 : memref<64xf32, #tpu.memory_space<hbm>>) target_semaphore(%arg31 : memref<!tpu.dma_semaphore, #tpu.memory_space<semaphore_mem>>)
          %add3A_721 = arith.constant 1 : i32
          %add3A_722 = arith.addi %while3A_648, %add3A_721 : i32
          scf.yield %add3A_722 : i32
        }
        %while3A_645 = arith.constant 1 : i32
        %while3A_646 = scf.for %while3A_647 = %while3A_642 to %while3A_638 step %while3A_645 iter_args(%while3A_648 = %while3A_644) -> (i32)  : i32 {
          %get3A_649 = arith.index_cast %while3A_647 : i32 to index
          %get3A_650 = tpu.vector_load %arg24[%get3A_649] {strides = array<i32>} : memref<32xi32, #tpu.memory_space<vmem>>, vector<16xi32>,
          %slice3A_651 = vector.extract_strided_slice %get3A_650 {offsets = [0], sizes = [1], strides = [1]} : vector<16xi32> to vector<1xi32>
          %squeeze3A_652 = vector.extract %slice3A_651[0] : i32 from vector<1xi32>
          %get3A_653 = arith.index_cast %while3A_647 : i32 to index
          %get3A_654 = tpu.vector_load %arg25[%get3A_653] {strides = array<i32>} : memref<32xi32, #tpu.memory_space<vmem>>, vector<16xi32>,
          %slice3A_655 = vector.extract_strided_slice %get3A_654 {offsets = [0], sizes = [1], strides = [1]} : vector<16xi32> to vector<1xi32>
          %squeeze3A_656 = vector.extract %slice3A_655[0] : i32 from vector<1xi32>
          %broadcast_in_dim3A_657 = arith.constant 0 : i32
          %broadcast_in_dim3A_658 = vector.broadcast %broadcast_in_dim3A_657 : i32 to vector<16xi32>
          %add3A_659 = vector.broadcast %squeeze3A_652 : i32 to vector<16xi32>
          %add3A_660 = arith.addi %broadcast_in_dim3A_658, %add3A_659 : vector<16xi32>
          %rem3A_661 = arith.constant 64 : i32
          %rem3A_662 = arith.remsi %while3A_648, %rem3A_661 : i32
          %ge3A_663 = arith.constant 64 : i32
          %ge3A_664 = arith.cmpi sge, %while3A_648, %ge3A_663 : i32
          %convert_element_type3A_665 = arith.extui %ge3A_664 : i1 to i32
          %cond3A_666 = arith.constant 0 : i32
          %cond3A_667 = arith.cmpi ne, %convert_element_type3A_665, %cond3A_666 : i32
          scf.if %cond3A_667 {
            %dma_wait3A_723 = arith.constant 0 : i32
            %dma_wait3A_724 = arith.constant 0 : i32
            %dma_wait3A_725 = tpu.memref_slice %arg26[%dma_wait3A_723, %dma_wait3A_724] : memref<64x64xf32, #tpu.memory_space<vmem>> -> memref<1x64xf32, #tpu.memory_space<vmem>>
            %dma_wait3A_726 = tpu.memref_squeeze %dma_wait3A_725 : memref<1x64xf32, #tpu.memory_space<vmem>> -> memref<64xf32, #tpu.memory_space<vmem>>
            %dma_wait3A_727 = arith.constant 0 : i32
            %dma_wait3A_728 = tpu.memref_slice %arg8[%dma_wait3A_727] : memref<1048576xf32, #tpu.memory_space<hbm>> -> memref<64xf32, #tpu.memory_space<hbm>>
            %dma_wait3A_729 = arith.constant 0 : i32
            %dma_wait3A_730 = tpu.memref_slice %arg26[%dma_wait3A_723, %dma_wait3A_729] : memref<64x64xf32, #tpu.memory_space<vmem>> -> memref<1x64xf32, #tpu.memory_space<vmem>>
            %dma_wait3A_731 = tpu.memref_squeeze %dma_wait3A_730 : memref<1x64xf32, #tpu.memory_space<vmem>> -> memref<64xf32, #tpu.memory_space<vmem>>
            %dma_wait3A_732 = arith.constant 0 : i32
            %dma_wait3A_733 = tpu.memref_slice %arg8[%dma_wait3A_732] : memref<1048576xf32, #tpu.memory_space<hbm>> -> memref<64xf32, #tpu.memory_space<hbm>>
            tpu.wait_dma2 semaphore(%arg31 : memref<!tpu.dma_semaphore, #tpu.memory_space<semaphore_mem>>) src(%dma_wait3A_733 : memref<64xf32, #tpu.memory_space<hbm>>) dst(%dma_wait3A_731 : memref<64xf32, #tpu.memory_space<vmem>>)
          } else {
          }
          %add3A_668 = arith.constant 0 : i32
          %add3A_669 = vector.broadcast %add3A_668 : i32 to vector<16xi32>
          %add3A_670 = arith.addi %add3A_669, %iota3A : vector<16xi32>
          %gather3A = arith.constant 0 : i32
          %gather3A_671 = arith.constant 0 : i32
          %gather3A_672 = tpu.memref_slice %arg12[%rem3A_528, %gather3A, %gather3A_671] : memref<2x64x256xf32, #tpu.memory_space<vmem>> -> memref<1x64x256xf32, #tpu.memory_space<vmem>>
          %gather3A_673 = tpu.memref_squeeze %gather3A_672 : memref<1x64x256xf32, #tpu.memory_space<vmem>> -> memref<64x256xf32, #tpu.memory_space<vmem>>
          %gather3A_674 = tpu.vector_load_idx %gather3A_673[%add3A_670, %add3A_660] : memref<64x256xf32, #tpu.memory_space<vmem>>[vector<16xi32>, vector<16xi32>], vector<16xf32>,
          %swap3A_675 = arith.index_cast %rem3A_662 : i32 to index
          %swap3A_676 = arith.constant 0 : index
          %swap3A_677 = tpu.vector_load %arg26[%swap3A_675, %swap3A_676] {strides = array<i32>} : memref<64x64xf32, #tpu.memory_space<vmem>>, vector<16xf32>,
          tpu.vector_store %arg26[%swap3A_675, %swap3A_676], %gather3A_674 {strides = array<i32>} : memref<64x64xf32, #tpu.memory_space<vmem>>, vector<16xf32>,
          %add3A_678 = arith.constant 16 : i32
          %add3A_679 = vector.broadcast %add3A_678 : i32 to vector<16xi32>
          %add3A_680 = arith.addi %add3A_679, %iota3A : vector<16xi32>
          %gather3A_681 = arith.constant 0 : i32
          %gather3A_682 = arith.constant 0 : i32
          %gather3A_683 = tpu.memref_slice %arg12[%rem3A_528, %gather3A_681, %gather3A_682] : memref<2x64x256xf32, #tpu.memory_space<vmem>> -> memref<1x64x256xf32, #tpu.memory_space<vmem>>
          %gather3A_684 = tpu.memref_squeeze %gather3A_683 : memref<1x64x256xf32, #tpu.memory_space<vmem>> -> memref<64x256xf32, #tpu.memory_space<vmem>>
          %gather3A_685 = tpu.vector_load_idx %gather3A_684[%add3A_680, %add3A_660] : memref<64x256xf32, #tpu.memory_space<vmem>>[vector<16xi32>, vector<16xi32>], vector<16xf32>,
          %swap3A_686 = arith.index_cast %rem3A_662 : i32 to index
          %swap3A_687 = arith.constant 16 : index
          %swap3A_688 = tpu.vector_load %arg26[%swap3A_686, %swap3A_687] {strides = array<i32>} : memref<64x64xf32, #tpu.memory_space<vmem>>, vector<16xf32>,
          tpu.vector_store %arg26[%swap3A_686, %swap3A_687], %gather3A_685 {strides = array<i32>} : memref<64x64xf32, #tpu.memory_space<vmem>>, vector<16xf32>,
          %add3A_689 = arith.constant 32 : i32
          %add3A_690 = vector.broadcast %add3A_689 : i32 to vector<16xi32>
          %add3A_691 = arith.addi %add3A_690, %iota3A : vector<16xi32>
          %gather3A_692 = arith.constant 0 : i32
          %gather3A_693 = arith.constant 0 : i32
          %gather3A_694 = tpu.memref_slice %arg12[%rem3A_528, %gather3A_692, %gather3A_693] : memref<2x64x256xf32, #tpu.memory_space<vmem>> -> memref<1x64x256xf32, #tpu.memory_space<vmem>>
          %gather3A_695 = tpu.memref_squeeze %gather3A_694 : memref<1x64x256xf32, #tpu.memory_space<vmem>> -> memref<64x256xf32, #tpu.memory_space<vmem>>
          %gather3A_696 = tpu.vector_load_idx %gather3A_695[%add3A_691, %add3A_660] : memref<64x256xf32, #tpu.memory_space<vmem>>[vector<16xi32>, vector<16xi32>], vector<16xf32>,
          %swap3A_697 = arith.index_cast %rem3A_662 : i32 to index
          %swap3A_698 = arith.constant 32 : index
          %swap3A_699 = tpu.vector_load %arg26[%swap3A_697, %swap3A_698] {strides = array<i32>} : memref<64x64xf32, #tpu.memory_space<vmem>>, vector<16xf32>,
          tpu.vector_store %arg26[%swap3A_697, %swap3A_698], %gather3A_696 {strides = array<i32>} : memref<64x64xf32, #tpu.memory_space<vmem>>, vector<16xf32>,
          %add3A_700 = arith.constant 48 : i32
          %add3A_701 = vector.broadcast %add3A_700 : i32 to vector<16xi32>
          %add3A_702 = arith.addi %add3A_701, %iota3A : vector<16xi32>
          %gather3A_703 = arith.constant 0 : i32
          %gather3A_704 = arith.constant 0 : i32
          %gather3A_705 = tpu.memref_slice %arg12[%rem3A_528, %gather3A_703, %gather3A_704] : memref<2x64x256xf32, #tpu.memory_space<vmem>> -> memref<1x64x256xf32, #tpu.memory_space<vmem>>
          %gather3A_706 = tpu.memref_squeeze %gather3A_705 : memref<1x64x256xf32, #tpu.memory_space<vmem>> -> memref<64x256xf32, #tpu.memory_space<vmem>>
          %gather3A_707 = tpu.vector_load_idx %gather3A_706[%add3A_702, %add3A_660] : memref<64x256xf32, #tpu.memory_space<vmem>>[vector<16xi32>, vector<16xi32>], vector<16xf32>,
          %swap3A_708 = arith.index_cast %rem3A_662 : i32 to index
          %swap3A_709 = arith.constant 48 : index
          %swap3A_710 = tpu.vector_load %arg26[%swap3A_708, %swap3A_709] {strides = array<i32>} : memref<64x64xf32, #tpu.memory_space<vmem>>, vector<16xf32>,
          tpu.vector_store %arg26[%swap3A_708, %swap3A_709], %gather3A_707 {strides = array<i32>} : memref<64x64xf32, #tpu.memory_space<vmem>>, vector<16xf32>,
          %mul3A_711 = arith.constant 64 : i32
          %mul3A_712 = arith.muli %squeeze3A_656, %mul3A_711 : i32
          %dma_start3A_713 = arith.constant 0 : i32
          %dma_start3A_714 = tpu.memref_slice %arg26[%rem3A_662, %dma_start3A_713] : memref<64x64xf32, #tpu.memory_space<vmem>> -> memref<1x64xf32, #tpu.memory_space<vmem>>
          %dma_start3A_715 = tpu.memref_squeeze %dma_start3A_714 : memref<1x64xf32, #tpu.memory_space<vmem>> -> memref<64xf32, #tpu.memory_space<vmem>>
          %dma_start3A_716 = tpu.memref_slice %arg8[%mul3A_712] : memref<1048576xf32, #tpu.memory_space<hbm>> -> memref<64xf32, #tpu.memory_space<hbm>>
          %dma_start3A_717 = tpu.memref_slice %arg8[%mul3A_712] : memref<1048576xf32, #tpu.memory_space<hbm>> -> memref<64xf32, #tpu.memory_space<hbm>>
          %dma_start3A_718 = arith.constant 0 : i32
          %dma_start3A_719 = tpu.memref_slice %arg26[%rem3A_662, %dma_start3A_718] : memref<64x64xf32, #tpu.memory_space<vmem>> -> memref<1x64xf32, #tpu.memory_space<vmem>>
          %dma_start3A_720 = tpu.memref_squeeze %dma_start3A_719 : memref<1x64xf32, #tpu.memory_space<vmem>> -> memref<64xf32, #tpu.memory_space<vmem>>
          tpu.enqueue_dma source(%dma_start3A_720 : memref<64xf32, #tpu.memory_space<vmem>>) target(%dma_start3A_717 : memref<64xf32, #tpu.memory_space<hbm>>) target_semaphore(%arg31 : memref<!tpu.dma_semaphore, #tpu.memory_space<semaphore_mem>>)
          %add3A_721 = arith.constant 1 : i32
          %add3A_722 = arith.addi %while3A_648, %add3A_721 : i32
          scf.yield %add3A_722 : i32
        }
        scf.yield %while3A_646 : i32
      }
      %while3A_576 = arith.constant 1 : i32
      %while3A_577 = scf.for %while3A_605 = %while3A_573 to %while3A_569 step %while3A_576 iter_args(%while3A_606 = %while3A_575) -> (i32)  : i32 {
        %mul3A_607 = arith.constant 16 : i32
        %mul3A_608 = arith.muli %while3A_605, %mul3A_607 : i32
        %add3A_609 = vector.broadcast %mul3A_608 : i32 to vector<16xi32>
        %add3A_610 = arith.addi %add3A_609, %iota3A : vector<16xi32>
        %mul3A_611 = arith.constant 16 : i32
        %mul3A_612 = arith.muli %while3A_605, %mul3A_611 : i32
        %add3A_613 = arith.addi %mul3A_561, %mul3A_612 : i32
        %get3A_614 = arith.index_cast %add3A_613 : i32 to index
        %get3A_615 = tpu.vector_load %arg18[%get3A_614] {strides = array<i32>} : memref<2048xi32, #tpu.memory_space<vmem>>, vector<16xi32>,
        %mul3A_616 = arith.constant 16 : i32
        %mul3A_617 = arith.muli %while3A_605, %mul3A_616 : i32
        %add3A_618 = arith.addi %mul3A_561, %mul3A_617 : i32
        %get3A_619 = arith.index_cast %add3A_618 : i32 to index
        %get3A_620 = tpu.vector_load %arg19[%get3A_619] {strides = array<i32>} : memref<2048xi32, #tpu.memory_space<vmem>>, vector<16xi32>,
        %lt3A_621 = vector.broadcast %squeeze3A : i32 to vector<16xi32>
        %lt3A_622 = arith.cmpi slt, %add3A_610, %lt3A_621 : vector<16xi32>
        %ge3A = vector.broadcast %add3A_531 : i32 to vector<16xi32>
        %ge3A_623 = arith.cmpi sge, %get3A_615, %ge3A : vector<16xi32>
        %and3A = arith.andi %lt3A_622, %ge3A_623 : vector<16xi1>
        %add3A_624 = arith.constant 256 : i32
        %add3A_625 = arith.addi %add3A_531, %add3A_624 : i32
        %lt3A_626 = vector.broadcast %add3A_625 : i32 to vector<16xi32>
        %lt3A_627 = arith.cmpi slt, %get3A_615, %lt3A_626 : vector<16xi32>
        %and3A_628 = arith.andi %and3A, %lt3A_627 : vector<16xi1>
        %all_reduce_population_count3A = tpu.all_reduce %and3A_628 {dim = 0 : i64, kind = #tpu.reduction_kind<sum>} : vector<16xi1> -> vector<16xi32>
        %slice3A_629 = vector.extract_strided_slice %all_reduce_population_count3A {offsets = [0], sizes = [1], strides = [1]} : vector<16xi32> to vector<1xi32>
        %squeeze3A_630 = vector.extract %slice3A_629[0] : i32 from vector<1xi32>
        %sub3A = vector.broadcast %add3A_531 : i32 to vector<16xi32>
        %sub3A_631 = arith.subi %get3A_615, %sub3A : vector<16xi32>
        %swap3A_632 = arith.constant 0 : index
        %swap3A_633 = tpu.vector_load %arg24[%swap3A_632] masked %and3A_628 {strides = array<i32>} : memref<32xi32, #tpu.memory_space<vmem>>, vector<16xi32>, vector<16xi1>
        tpu.vector_store %arg24[%swap3A_632], %sub3A_631 masked %and3A_628 {strides = array<i32>} : memref<32xi32, #tpu.memory_space<vmem>>, vector<16xi32>, vector<16xi1>
        %swap3A_634 = arith.constant 0 : index
        %swap3A_635 = tpu.vector_load %arg25[%swap3A_634] masked %and3A_628 {strides = array<i32>} : memref<32xi32, #tpu.memory_space<vmem>>, vector<16xi32>, vector<16xi1>
        tpu.vector_store %arg25[%swap3A_634], %get3A_620 masked %and3A_628 {strides = array<i32>} : memref<32xi32, #tpu.memory_space<vmem>>, vector<16xi32>, vector<16xi1>
        %while3A_636 = arith.constant 0 : i32
        %while3A_637 = arith.subi %squeeze3A_630, %while3A_636 : i32
        %while3A_638 = arith.addi %while3A_636, %while3A_637 : i32
        %while3A_639 = arith.constant 1 : i32
        %while3A_640 = arith.divsi %while3A_637, %while3A_639 : i32
        %while3A_641 = arith.muli %while3A_640, %while3A_639 : i32
        %while3A_642 = arith.addi %while3A_636, %while3A_641 : i32
        %while3A_643 = arith.constant 1 : i32
        %while3A_644 = scf.for %while3A_647 = %while3A_636 to %while3A_642 step %while3A_643 iter_args(%while3A_648 = %while3A_606) -> (i32)  : i32 {
          %get3A_649 = arith.index_cast %while3A_647 : i32 to index
          %get3A_650 = tpu.vector_load %arg24[%get3A_649] {strides = array<i32>} : memref<32xi32, #tpu.memory_space<vmem>>, vector<16xi32>,
          %slice3A_651 = vector.extract_strided_slice %get3A_650 {offsets = [0], sizes = [1], strides = [1]} : vector<16xi32> to vector<1xi32>
          %squeeze3A_652 = vector.extract %slice3A_651[0] : i32 from vector<1xi32>
          %get3A_653 = arith.index_cast %while3A_647 : i32 to index
          %get3A_654 = tpu.vector_load %arg25[%get3A_653] {strides = array<i32>} : memref<32xi32, #tpu.memory_space<vmem>>, vector<16xi32>,
          %slice3A_655 = vector.extract_strided_slice %get3A_654 {offsets = [0], sizes = [1], strides = [1]} : vector<16xi32> to vector<1xi32>
          %squeeze3A_656 = vector.extract %slice3A_655[0] : i32 from vector<1xi32>
          %broadcast_in_dim3A_657 = arith.constant 0 : i32
          %broadcast_in_dim3A_658 = vector.broadcast %broadcast_in_dim3A_657 : i32 to vector<16xi32>
          %add3A_659 = vector.broadcast %squeeze3A_652 : i32 to vector<16xi32>
          %add3A_660 = arith.addi %broadcast_in_dim3A_658, %add3A_659 : vector<16xi32>
          %rem3A_661 = arith.constant 64 : i32
          %rem3A_662 = arith.remsi %while3A_648, %rem3A_661 : i32
          %ge3A_663 = arith.constant 64 : i32
          %ge3A_664 = arith.cmpi sge, %while3A_648, %ge3A_663 : i32
          %convert_element_type3A_665 = arith.extui %ge3A_664 : i1 to i32
          %cond3A_666 = arith.constant 0 : i32
          %cond3A_667 = arith.cmpi ne, %convert_element_type3A_665, %cond3A_666 : i32
          scf.if %cond3A_667 {
            %dma_wait3A_723 = arith.constant 0 : i32
            %dma_wait3A_724 = arith.constant 0 : i32
            %dma_wait3A_725 = tpu.memref_slice %arg26[%dma_wait3A_723, %dma_wait3A_724] : memref<64x64xf32, #tpu.memory_space<vmem>> -> memref<1x64xf32, #tpu.memory_space<vmem>>
            %dma_wait3A_726 = tpu.memref_squeeze %dma_wait3A_725 : memref<1x64xf32, #tpu.memory_space<vmem>> -> memref<64xf32, #tpu.memory_space<vmem>>
            %dma_wait3A_727 = arith.constant 0 : i32
            %dma_wait3A_728 = tpu.memref_slice %arg8[%dma_wait3A_727] : memref<1048576xf32, #tpu.memory_space<hbm>> -> memref<64xf32, #tpu.memory_space<hbm>>
            %dma_wait3A_729 = arith.constant 0 : i32
            %dma_wait3A_730 = tpu.memref_slice %arg26[%dma_wait3A_723, %dma_wait3A_729] : memref<64x64xf32, #tpu.memory_space<vmem>> -> memref<1x64xf32, #tpu.memory_space<vmem>>
            %dma_wait3A_731 = tpu.memref_squeeze %dma_wait3A_730 : memref<1x64xf32, #tpu.memory_space<vmem>> -> memref<64xf32, #tpu.memory_space<vmem>>
            %dma_wait3A_732 = arith.constant 0 : i32
            %dma_wait3A_733 = tpu.memref_slice %arg8[%dma_wait3A_732] : memref<1048576xf32, #tpu.memory_space<hbm>> -> memref<64xf32, #tpu.memory_space<hbm>>
            tpu.wait_dma2 semaphore(%arg31 : memref<!tpu.dma_semaphore, #tpu.memory_space<semaphore_mem>>) src(%dma_wait3A_733 : memref<64xf32, #tpu.memory_space<hbm>>) dst(%dma_wait3A_731 : memref<64xf32, #tpu.memory_space<vmem>>)
          } else {
          }
          %add3A_668 = arith.constant 0 : i32
          %add3A_669 = vector.broadcast %add3A_668 : i32 to vector<16xi32>
          %add3A_670 = arith.addi %add3A_669, %iota3A : vector<16xi32>
          %gather3A = arith.constant 0 : i32
          %gather3A_671 = arith.constant 0 : i32
          %gather3A_672 = tpu.memref_slice %arg12[%rem3A_528, %gather3A, %gather3A_671] : memref<2x64x256xf32, #tpu.memory_space<vmem>> -> memref<1x64x256xf32, #tpu.memory_space<vmem>>
          %gather3A_673 = tpu.memref_squeeze %gather3A_672 : memref<1x64x256xf32, #tpu.memory_space<vmem>> -> memref<64x256xf32, #tpu.memory_space<vmem>>
          %gather3A_674 = tpu.vector_load_idx %gather3A_673[%add3A_670, %add3A_660] : memref<64x256xf32, #tpu.memory_space<vmem>>[vector<16xi32>, vector<16xi32>], vector<16xf32>,
          %swap3A_675 = arith.index_cast %rem3A_662 : i32 to index
          %swap3A_676 = arith.constant 0 : index
          %swap3A_677 = tpu.vector_load %arg26[%swap3A_675, %swap3A_676] {strides = array<i32>} : memref<64x64xf32, #tpu.memory_space<vmem>>, vector<16xf32>,
          tpu.vector_store %arg26[%swap3A_675, %swap3A_676], %gather3A_674 {strides = array<i32>} : memref<64x64xf32, #tpu.memory_space<vmem>>, vector<16xf32>,
          %add3A_678 = arith.constant 16 : i32
          %add3A_679 = vector.broadcast %add3A_678 : i32 to vector<16xi32>
          %add3A_680 = arith.addi %add3A_679, %iota3A : vector<16xi32>
          %gather3A_681 = arith.constant 0 : i32
          %gather3A_682 = arith.constant 0 : i32
          %gather3A_683 = tpu.memref_slice %arg12[%rem3A_528, %gather3A_681, %gather3A_682] : memref<2x64x256xf32, #tpu.memory_space<vmem>> -> memref<1x64x256xf32, #tpu.memory_space<vmem>>
          %gather3A_684 = tpu.memref_squeeze %gather3A_683 : memref<1x64x256xf32, #tpu.memory_space<vmem>> -> memref<64x256xf32, #tpu.memory_space<vmem>>
          %gather3A_685 = tpu.vector_load_idx %gather3A_684[%add3A_680, %add3A_660] : memref<64x256xf32, #tpu.memory_space<vmem>>[vector<16xi32>, vector<16xi32>], vector<16xf32>,
          %swap3A_686 = arith.index_cast %rem3A_662 : i32 to index
          %swap3A_687 = arith.constant 16 : index
          %swap3A_688 = tpu.vector_load %arg26[%swap3A_686, %swap3A_687] {strides = array<i32>} : memref<64x64xf32, #tpu.memory_space<vmem>>, vector<16xf32>,
          tpu.vector_store %arg26[%swap3A_686, %swap3A_687], %gather3A_685 {strides = array<i32>} : memref<64x64xf32, #tpu.memory_space<vmem>>, vector<16xf32>,
          %add3A_689 = arith.constant 32 : i32
          %add3A_690 = vector.broadcast %add3A_689 : i32 to vector<16xi32>
          %add3A_691 = arith.addi %add3A_690, %iota3A : vector<16xi32>
          %gather3A_692 = arith.constant 0 : i32
          %gather3A_693 = arith.constant 0 : i32
          %gather3A_694 = tpu.memref_slice %arg12[%rem3A_528, %gather3A_692, %gather3A_693] : memref<2x64x256xf32, #tpu.memory_space<vmem>> -> memref<1x64x256xf32, #tpu.memory_space<vmem>>
          %gather3A_695 = tpu.memref_squeeze %gather3A_694 : memref<1x64x256xf32, #tpu.memory_space<vmem>> -> memref<64x256xf32, #tpu.memory_space<vmem>>
          %gather3A_696 = tpu.vector_load_idx %gather3A_695[%add3A_691, %add3A_660] : memref<64x256xf32, #tpu.memory_space<vmem>>[vector<16xi32>, vector<16xi32>], vector<16xf32>,
          %swap3A_697 = arith.index_cast %rem3A_662 : i32 to index
          %swap3A_698 = arith.constant 32 : index
          %swap3A_699 = tpu.vector_load %arg26[%swap3A_697, %swap3A_698] {strides = array<i32>} : memref<64x64xf32, #tpu.memory_space<vmem>>, vector<16xf32>,
          tpu.vector_store %arg26[%swap3A_697, %swap3A_698], %gather3A_696 {strides = array<i32>} : memref<64x64xf32, #tpu.memory_space<vmem>>, vector<16xf32>,
          %add3A_700 = arith.constant 48 : i32
          %add3A_701 = vector.broadcast %add3A_700 : i32 to vector<16xi32>
          %add3A_702 = arith.addi %add3A_701, %iota3A : vector<16xi32>
          %gather3A_703 = arith.constant 0 : i32
          %gather3A_704 = arith.constant 0 : i32
          %gather3A_705 = tpu.memref_slice %arg12[%rem3A_528, %gather3A_703, %gather3A_704] : memref<2x64x256xf32, #tpu.memory_space<vmem>> -> memref<1x64x256xf32, #tpu.memory_space<vmem>>
          %gather3A_706 = tpu.memref_squeeze %gather3A_705 : memref<1x64x256xf32, #tpu.memory_space<vmem>> -> memref<64x256xf32, #tpu.memory_space<vmem>>
          %gather3A_707 = tpu.vector_load_idx %gather3A_706[%add3A_702, %add3A_660] : memref<64x256xf32, #tpu.memory_space<vmem>>[vector<16xi32>, vector<16xi32>], vector<16xf32>,
          %swap3A_708 = arith.index_cast %rem3A_662 : i32 to index
          %swap3A_709 = arith.constant 48 : index
          %swap3A_710 = tpu.vector_load %arg26[%swap3A_708, %swap3A_709] {strides = array<i32>} : memref<64x64xf32, #tpu.memory_space<vmem>>, vector<16xf32>,
          tpu.vector_store %arg26[%swap3A_708, %swap3A_709], %gather3A_707 {strides = array<i32>} : memref<64x64xf32, #tpu.memory_space<vmem>>, vector<16xf32>,
          %mul3A_711 = arith.constant 64 : i32
          %mul3A_712 = arith.muli %squeeze3A_656, %mul3A_711 : i32
          %dma_start3A_713 = arith.constant 0 : i32
          %dma_start3A_714 = tpu.memref_slice %arg26[%rem3A_662, %dma_start3A_713] : memref<64x64xf32, #tpu.memory_space<vmem>> -> memref<1x64xf32, #tpu.memory_space<vmem>>
          %dma_start3A_715 = tpu.memref_squeeze %dma_start3A_714 : memref<1x64xf32, #tpu.memory_space<vmem>> -> memref<64xf32, #tpu.memory_space<vmem>>
          %dma_start3A_716 = tpu.memref_slice %arg8[%mul3A_712] : memref<1048576xf32, #tpu.memory_space<hbm>> -> memref<64xf32, #tpu.memory_space<hbm>>
          %dma_start3A_717 = tpu.memref_slice %arg8[%mul3A_712] : memref<1048576xf32, #tpu.memory_space<hbm>> -> memref<64xf32, #tpu.memory_space<hbm>>
          %dma_start3A_718 = arith.constant 0 : i32
          %dma_start3A_719 = tpu.memref_slice %arg26[%rem3A_662, %dma_start3A_718] : memref<64x64xf32, #tpu.memory_space<vmem>> -> memref<1x64xf32, #tpu.memory_space<vmem>>
          %dma_start3A_720 = tpu.memref_squeeze %dma_start3A_719 : memref<1x64xf32, #tpu.memory_space<vmem>> -> memref<64xf32, #tpu.memory_space<vmem>>
          tpu.enqueue_dma source(%dma_start3A_720 : memref<64xf32, #tpu.memory_space<vmem>>) target(%dma_start3A_717 : memref<64xf32, #tpu.memory_space<hbm>>) target_semaphore(%arg31 : memref<!tpu.dma_semaphore, #tpu.memory_space<semaphore_mem>>)
          %add3A_721 = arith.constant 1 : i32
          %add3A_722 = arith.addi %while3A_648, %add3A_721 : i32
          scf.yield %add3A_722 : i32
        }
        %while3A_645 = arith.constant 1 : i32
        %while3A_646 = scf.for %while3A_647 = %while3A_642 to %while3A_638 step %while3A_645 iter_args(%while3A_648 = %while3A_644) -> (i32)  : i32 {
          %get3A_649 = arith.index_cast %while3A_647 : i32 to index
          %get3A_650 = tpu.vector_load %arg24[%get3A_649] {strides = array<i32>} : memref<32xi32, #tpu.memory_space<vmem>>, vector<16xi32>,
          %slice3A_651 = vector.extract_strided_slice %get3A_650 {offsets = [0], sizes = [1], strides = [1]} : vector<16xi32> to vector<1xi32>
          %squeeze3A_652 = vector.extract %slice3A_651[0] : i32 from vector<1xi32>
          %get3A_653 = arith.index_cast %while3A_647 : i32 to index
          %get3A_654 = tpu.vector_load %arg25[%get3A_653] {strides = array<i32>} : memref<32xi32, #tpu.memory_space<vmem>>, vector<16xi32>,
          %slice3A_655 = vector.extract_strided_slice %get3A_654 {offsets = [0], sizes = [1], strides = [1]} : vector<16xi32> to vector<1xi32>
          %squeeze3A_656 = vector.extract %slice3A_655[0] : i32 from vector<1xi32>
          %broadcast_in_dim3A_657 = arith.constant 0 : i32
          %broadcast_in_dim3A_658 = vector.broadcast %broadcast_in_dim3A_657 : i32 to vector<16xi32>
          %add3A_659 = vector.broadcast %squeeze3A_652 : i32 to vector<16xi32>
          %add3A_660 = arith.addi %broadcast_in_dim3A_658, %add3A_659 : vector<16xi32>
          %rem3A_661 = arith.constant 64 : i32
          %rem3A_662 = arith.remsi %while3A_648, %rem3A_661 : i32
          %ge3A_663 = arith.constant 64 : i32
          %ge3A_664 = arith.cmpi sge, %while3A_648, %ge3A_663 : i32
          %convert_element_type3A_665 = arith.extui %ge3A_664 : i1 to i32
          %cond3A_666 = arith.constant 0 : i32
          %cond3A_667 = arith.cmpi ne, %convert_element_type3A_665, %cond3A_666 : i32
          scf.if %cond3A_667 {
            %dma_wait3A_723 = arith.constant 0 : i32
            %dma_wait3A_724 = arith.constant 0 : i32
            %dma_wait3A_725 = tpu.memref_slice %arg26[%dma_wait3A_723, %dma_wait3A_724] : memref<64x64xf32, #tpu.memory_space<vmem>> -> memref<1x64xf32, #tpu.memory_space<vmem>>
            %dma_wait3A_726 = tpu.memref_squeeze %dma_wait3A_725 : memref<1x64xf32, #tpu.memory_space<vmem>> -> memref<64xf32, #tpu.memory_space<vmem>>
            %dma_wait3A_727 = arith.constant 0 : i32
            %dma_wait3A_728 = tpu.memref_slice %arg8[%dma_wait3A_727] : memref<1048576xf32, #tpu.memory_space<hbm>> -> memref<64xf32, #tpu.memory_space<hbm>>
            %dma_wait3A_729 = arith.constant 0 : i32
            %dma_wait3A_730 = tpu.memref_slice %arg26[%dma_wait3A_723, %dma_wait3A_729] : memref<64x64xf32, #tpu.memory_space<vmem>> -> memref<1x64xf32, #tpu.memory_space<vmem>>
            %dma_wait3A_731 = tpu.memref_squeeze %dma_wait3A_730 : memref<1x64xf32, #tpu.memory_space<vmem>> -> memref<64xf32, #tpu.memory_space<vmem>>
            %dma_wait3A_732 = arith.constant 0 : i32
            %dma_wait3A_733 = tpu.memref_slice %arg8[%dma_wait3A_732] : memref<1048576xf32, #tpu.memory_space<hbm>> -> memref<64xf32, #tpu.memory_space<hbm>>
            tpu.wait_dma2 semaphore(%arg31 : memref<!tpu.dma_semaphore, #tpu.memory_space<semaphore_mem>>) src(%dma_wait3A_733 : memref<64xf32, #tpu.memory_space<hbm>>) dst(%dma_wait3A_731 : memref<64xf32, #tpu.memory_space<vmem>>)
          } else {
          }
          %add3A_668 = arith.constant 0 : i32
          %add3A_669 = vector.broadcast %add3A_668 : i32 to vector<16xi32>
          %add3A_670 = arith.addi %add3A_669, %iota3A : vector<16xi32>
          %gather3A = arith.constant 0 : i32
          %gather3A_671 = arith.constant 0 : i32
          %gather3A_672 = tpu.memref_slice %arg12[%rem3A_528, %gather3A, %gather3A_671] : memref<2x64x256xf32, #tpu.memory_space<vmem>> -> memref<1x64x256xf32, #tpu.memory_space<vmem>>
          %gather3A_673 = tpu.memref_squeeze %gather3A_672 : memref<1x64x256xf32, #tpu.memory_space<vmem>> -> memref<64x256xf32, #tpu.memory_space<vmem>>
          %gather3A_674 = tpu.vector_load_idx %gather3A_673[%add3A_670, %add3A_660] : memref<64x256xf32, #tpu.memory_space<vmem>>[vector<16xi32>, vector<16xi32>], vector<16xf32>,
          %swap3A_675 = arith.index_cast %rem3A_662 : i32 to index
          %swap3A_676 = arith.constant 0 : index
          %swap3A_677 = tpu.vector_load %arg26[%swap3A_675, %swap3A_676] {strides = array<i32>} : memref<64x64xf32, #tpu.memory_space<vmem>>, vector<16xf32>,
          tpu.vector_store %arg26[%swap3A_675, %swap3A_676], %gather3A_674 {strides = array<i32>} : memref<64x64xf32, #tpu.memory_space<vmem>>, vector<16xf32>,
          %add3A_678 = arith.constant 16 : i32
          %add3A_679 = vector.broadcast %add3A_678 : i32 to vector<16xi32>
          %add3A_680 = arith.addi %add3A_679, %iota3A : vector<16xi32>
          %gather3A_681 = arith.constant 0 : i32
          %gather3A_682 = arith.constant 0 : i32
          %gather3A_683 = tpu.memref_slice %arg12[%rem3A_528, %gather3A_681, %gather3A_682] : memref<2x64x256xf32, #tpu.memory_space<vmem>> -> memref<1x64x256xf32, #tpu.memory_space<vmem>>
          %gather3A_684 = tpu.memref_squeeze %gather3A_683 : memref<1x64x256xf32, #tpu.memory_space<vmem>> -> memref<64x256xf32, #tpu.memory_space<vmem>>
          %gather3A_685 = tpu.vector_load_idx %gather3A_684[%add3A_680, %add3A_660] : memref<64x256xf32, #tpu.memory_space<vmem>>[vector<16xi32>, vector<16xi32>], vector<16xf32>,
          %swap3A_686 = arith.index_cast %rem3A_662 : i32 to index
          %swap3A_687 = arith.constant 16 : index
          %swap3A_688 = tpu.vector_load %arg26[%swap3A_686, %swap3A_687] {strides = array<i32>} : memref<64x64xf32, #tpu.memory_space<vmem>>, vector<16xf32>,
          tpu.vector_store %arg26[%swap3A_686, %swap3A_687], %gather3A_685 {strides = array<i32>} : memref<64x64xf32, #tpu.memory_space<vmem>>, vector<16xf32>,
          %add3A_689 = arith.constant 32 : i32
          %add3A_690 = vector.broadcast %add3A_689 : i32 to vector<16xi32>
          %add3A_691 = arith.addi %add3A_690, %iota3A : vector<16xi32>
          %gather3A_692 = arith.constant 0 : i32
          %gather3A_693 = arith.constant 0 : i32
          %gather3A_694 = tpu.memref_slice %arg12[%rem3A_528, %gather3A_692, %gather3A_693] : memref<2x64x256xf32, #tpu.memory_space<vmem>> -> memref<1x64x256xf32, #tpu.memory_space<vmem>>
          %gather3A_695 = tpu.memref_squeeze %gather3A_694 : memref<1x64x256xf32, #tpu.memory_space<vmem>> -> memref<64x256xf32, #tpu.memory_space<vmem>>
          %gather3A_696 = tpu.vector_load_idx %gather3A_695[%add3A_691, %add3A_660] : memref<64x256xf32, #tpu.memory_space<vmem>>[vector<16xi32>, vector<16xi32>], vector<16xf32>,
          %swap3A_697 = arith.index_cast %rem3A_662 : i32 to index
          %swap3A_698 = arith.constant 32 : index
          %swap3A_699 = tpu.vector_load %arg26[%swap3A_697, %swap3A_698] {strides = array<i32>} : memref<64x64xf32, #tpu.memory_space<vmem>>, vector<16xf32>,
          tpu.vector_store %arg26[%swap3A_697, %swap3A_698], %gather3A_696 {strides = array<i32>} : memref<64x64xf32, #tpu.memory_space<vmem>>, vector<16xf32>,
          %add3A_700 = arith.constant 48 : i32
          %add3A_701 = vector.broadcast %add3A_700 : i32 to vector<16xi32>
          %add3A_702 = arith.addi %add3A_701, %iota3A : vector<16xi32>
          %gather3A_703 = arith.constant 0 : i32
          %gather3A_704 = arith.constant 0 : i32
          %gather3A_705 = tpu.memref_slice %arg12[%rem3A_528, %gather3A_703, %gather3A_704] : memref<2x64x256xf32, #tpu.memory_space<vmem>> -> memref<1x64x256xf32, #tpu.memory_space<vmem>>
          %gather3A_706 = tpu.memref_squeeze %gather3A_705 : memref<1x64x256xf32, #tpu.memory_space<vmem>> -> memref<64x256xf32, #tpu.memory_space<vmem>>
          %gather3A_707 = tpu.vector_load_idx %gather3A_706[%add3A_702, %add3A_660] : memref<64x256xf32, #tpu.memory_space<vmem>>[vector<16xi32>, vector<16xi32>], vector<16xf32>,
          %swap3A_708 = arith.index_cast %rem3A_662 : i32 to index
          %swap3A_709 = arith.constant 48 : index
          %swap3A_710 = tpu.vector_load %arg26[%swap3A_708, %swap3A_709] {strides = array<i32>} : memref<64x64xf32, #tpu.memory_space<vmem>>, vector<16xf32>,
          tpu.vector_store %arg26[%swap3A_708, %swap3A_709], %gather3A_707 {strides = array<i32>} : memref<64x64xf32, #tpu.memory_space<vmem>>, vector<16xf32>,
          %mul3A_711 = arith.constant 64 : i32
          %mul3A_712 = arith.muli %squeeze3A_656, %mul3A_711 : i32
          %dma_start3A_713 = arith.constant 0 : i32
          %dma_start3A_714 = tpu.memref_slice %arg26[%rem3A_662, %dma_start3A_713] : memref<64x64xf32, #tpu.memory_space<vmem>> -> memref<1x64xf32, #tpu.memory_space<vmem>>
          %dma_start3A_715 = tpu.memref_squeeze %dma_start3A_714 : memref<1x64xf32, #tpu.memory_space<vmem>> -> memref<64xf32, #tpu.memory_space<vmem>>
          %dma_start3A_716 = tpu.memref_slice %arg8[%mul3A_712] : memref<1048576xf32, #tpu.memory_space<hbm>> -> memref<64xf32, #tpu.memory_space<hbm>>
          %dma_start3A_717 = tpu.memref_slice %arg8[%mul3A_712] : memref<1048576xf32, #tpu.memory_space<hbm>> -> memref<64xf32, #tpu.memory_space<hbm>>
          %dma_start3A_718 = arith.constant 0 : i32
          %dma_start3A_719 = tpu.memref_slice %arg26[%rem3A_662, %dma_start3A_718] : memref<64x64xf32, #tpu.memory_space<vmem>> -> memref<1x64xf32, #tpu.memory_space<vmem>>
          %dma_start3A_720 = tpu.memref_squeeze %dma_start3A_719 : memref<1x64xf32, #tpu.memory_space<vmem>> -> memref<64xf32, #tpu.memory_space<vmem>>
          tpu.enqueue_dma source(%dma_start3A_720 : memref<64xf32, #tpu.memory_space<vmem>>) target(%dma_start3A_717 : memref<64xf32, #tpu.memory_space<hbm>>) target_semaphore(%arg31 : memref<!tpu.dma_semaphore, #tpu.memory_space<semaphore_mem>>)
          %add3A_721 = arith.constant 1 : i32
          %add3A_722 = arith.addi %while3A_648, %add3A_721 : i32
          scf.yield %add3A_722 : i32
        }
        scf.yield %while3A_646 : i32
      }
      %shift_right_logical3A_578 = arith.constant 4 : i32
      %shift_right_logical3A_579 = arith.shrui %while3A_526, %shift_right_logical3A_578 : i32
      %mul3A_580 = arith.constant 256 : i32
      %mul3A_581 = arith.muli %shift_right_logical3A_579, %mul3A_580 : i32
      %get3A_582 = arith.index_cast %shift_right_logical3A_579 : i32 to index
      %get3A_583 = tpu.vector_load %arg23[%get3A_582] {strides = array<i32>} : memref<32xi32, #tpu.memory_space<vmem>>, vector<16xi32>,
      %slice3A_584 = vector.extract_strided_slice %get3A_583 {offsets = [0], sizes = [1], strides = [1]} : vector<16xi32> to vector<1xi32>
      %squeeze3A_585 = vector.extract %slice3A_584[0] : i32 from vector<1xi32>
      %add3A_586 = arith.constant 15 : i32
      %add3A_587 = arith.addi %squeeze3A_585, %add3A_586 : i32
      %div3A_588 = arith.constant 16 : i32
      %div3A_589 = arith.divsi %add3A_587, %div3A_588 : i32
      %while3A_590 = arith.constant 0 : i32
      %while3A_591 = arith.subi %div3A_589, %while3A_590 : i32
      %while3A_592 = arith.addi %while3A_590, %while3A_591 : i32
      %while3A_593 = arith.constant 1 : i32
      %while3A_594 = arith.divsi %while3A_591, %while3A_593 : i32
      %while3A_595 = arith.muli %while3A_594, %while3A_593 : i32
      %while3A_596 = arith.addi %while3A_590, %while3A_595 : i32
      %while3A_597 = arith.constant 1 : i32
      %while3A_598 = scf.for %while3A_605 = %while3A_590 to %while3A_596 step %while3A_597 iter_args(%while3A_606 = %while3A_577) -> (i32)  : i32 {
        %mul3A_607 = arith.constant 16 : i32
        %mul3A_608 = arith.muli %while3A_605, %mul3A_607 : i32
        %add3A_609 = vector.broadcast %mul3A_608 : i32 to vector<16xi32>
        %add3A_610 = arith.addi %add3A_609, %iota3A : vector<16xi32>
        %mul3A_611 = arith.constant 16 : i32
        %mul3A_612 = arith.muli %while3A_605, %mul3A_611 : i32
        %add3A_613 = arith.addi %mul3A_581, %mul3A_612 : i32
        %get3A_614 = arith.index_cast %add3A_613 : i32 to index
        %get3A_615 = tpu.vector_load %arg20[%get3A_614] {strides = array<i32>} : memref<2048xi32, #tpu.memory_space<vmem>>, vector<16xi32>,
        %mul3A_616 = arith.constant 16 : i32
        %mul3A_617 = arith.muli %while3A_605, %mul3A_616 : i32
        %add3A_618 = arith.addi %mul3A_581, %mul3A_617 : i32
        %get3A_619 = arith.index_cast %add3A_618 : i32 to index
        %get3A_620 = tpu.vector_load %arg21[%get3A_619] {strides = array<i32>} : memref<2048xi32, #tpu.memory_space<vmem>>, vector<16xi32>,
        %lt3A_621 = vector.broadcast %squeeze3A_585 : i32 to vector<16xi32>
        %lt3A_622 = arith.cmpi slt, %add3A_610, %lt3A_621 : vector<16xi32>
        %ge3A = vector.broadcast %add3A_531 : i32 to vector<16xi32>
        %ge3A_623 = arith.cmpi sge, %get3A_615, %ge3A : vector<16xi32>
        %and3A = arith.andi %lt3A_622, %ge3A_623 : vector<16xi1>
        %add3A_624 = arith.constant 256 : i32
        %add3A_625 = arith.addi %add3A_531, %add3A_624 : i32
        %lt3A_626 = vector.broadcast %add3A_625 : i32 to vector<16xi32>
        %lt3A_627 = arith.cmpi slt, %get3A_615, %lt3A_626 : vector<16xi32>
        %and3A_628 = arith.andi %and3A, %lt3A_627 : vector<16xi1>
        %all_reduce_population_count3A = tpu.all_reduce %and3A_628 {dim = 0 : i64, kind = #tpu.reduction_kind<sum>} : vector<16xi1> -> vector<16xi32>
        %slice3A_629 = vector.extract_strided_slice %all_reduce_population_count3A {offsets = [0], sizes = [1], strides = [1]} : vector<16xi32> to vector<1xi32>
        %squeeze3A_630 = vector.extract %slice3A_629[0] : i32 from vector<1xi32>
        %sub3A = vector.broadcast %add3A_531 : i32 to vector<16xi32>
        %sub3A_631 = arith.subi %get3A_615, %sub3A : vector<16xi32>
        %swap3A_632 = arith.constant 0 : index
        %swap3A_633 = tpu.vector_load %arg24[%swap3A_632] masked %and3A_628 {strides = array<i32>} : memref<32xi32, #tpu.memory_space<vmem>>, vector<16xi32>, vector<16xi1>
        tpu.vector_store %arg24[%swap3A_632], %sub3A_631 masked %and3A_628 {strides = array<i32>} : memref<32xi32, #tpu.memory_space<vmem>>, vector<16xi32>, vector<16xi1>
        %swap3A_634 = arith.constant 0 : index
        %swap3A_635 = tpu.vector_load %arg25[%swap3A_634] masked %and3A_628 {strides = array<i32>} : memref<32xi32, #tpu.memory_space<vmem>>, vector<16xi32>, vector<16xi1>
        tpu.vector_store %arg25[%swap3A_634], %get3A_620 masked %and3A_628 {strides = array<i32>} : memref<32xi32, #tpu.memory_space<vmem>>, vector<16xi32>, vector<16xi1>
        %while3A_636 = arith.constant 0 : i32
        %while3A_637 = arith.subi %squeeze3A_630, %while3A_636 : i32
        %while3A_638 = arith.addi %while3A_636, %while3A_637 : i32
        %while3A_639 = arith.constant 1 : i32
        %while3A_640 = arith.divsi %while3A_637, %while3A_639 : i32
        %while3A_641 = arith.muli %while3A_640, %while3A_639 : i32
        %while3A_642 = arith.addi %while3A_636, %while3A_641 : i32
        %while3A_643 = arith.constant 1 : i32
        %while3A_644 = scf.for %while3A_647 = %while3A_636 to %while3A_642 step %while3A_643 iter_args(%while3A_648 = %while3A_606) -> (i32)  : i32 {
          %get3A_649 = arith.index_cast %while3A_647 : i32 to index
          %get3A_650 = tpu.vector_load %arg24[%get3A_649] {strides = array<i32>} : memref<32xi32, #tpu.memory_space<vmem>>, vector<16xi32>,
          %slice3A_651 = vector.extract_strided_slice %get3A_650 {offsets = [0], sizes = [1], strides = [1]} : vector<16xi32> to vector<1xi32>
          %squeeze3A_652 = vector.extract %slice3A_651[0] : i32 from vector<1xi32>
          %get3A_653 = arith.index_cast %while3A_647 : i32 to index
          %get3A_654 = tpu.vector_load %arg25[%get3A_653] {strides = array<i32>} : memref<32xi32, #tpu.memory_space<vmem>>, vector<16xi32>,
          %slice3A_655 = vector.extract_strided_slice %get3A_654 {offsets = [0], sizes = [1], strides = [1]} : vector<16xi32> to vector<1xi32>
          %squeeze3A_656 = vector.extract %slice3A_655[0] : i32 from vector<1xi32>
          %broadcast_in_dim3A_657 = arith.constant 0 : i32
          %broadcast_in_dim3A_658 = vector.broadcast %broadcast_in_dim3A_657 : i32 to vector<16xi32>
          %add3A_659 = vector.broadcast %squeeze3A_652 : i32 to vector<16xi32>
          %add3A_660 = arith.addi %broadcast_in_dim3A_658, %add3A_659 : vector<16xi32>
          %rem3A_661 = arith.constant 64 : i32
          %rem3A_662 = arith.remsi %while3A_648, %rem3A_661 : i32
          %ge3A_663 = arith.constant 64 : i32
          %ge3A_664 = arith.cmpi sge, %while3A_648, %ge3A_663 : i32
          %convert_element_type3A_665 = arith.extui %ge3A_664 : i1 to i32
          %cond3A_666 = arith.constant 0 : i32
          %cond3A_667 = arith.cmpi ne, %convert_element_type3A_665, %cond3A_666 : i32
          scf.if %cond3A_667 {
            %dma_wait3A_723 = arith.constant 0 : i32
            %dma_wait3A_724 = arith.constant 0 : i32
            %dma_wait3A_725 = tpu.memref_slice %arg26[%dma_wait3A_723, %dma_wait3A_724] : memref<64x64xf32, #tpu.memory_space<vmem>> -> memref<1x64xf32, #tpu.memory_space<vmem>>
            %dma_wait3A_726 = tpu.memref_squeeze %dma_wait3A_725 : memref<1x64xf32, #tpu.memory_space<vmem>> -> memref<64xf32, #tpu.memory_space<vmem>>
            %dma_wait3A_727 = arith.constant 0 : i32
            %dma_wait3A_728 = tpu.memref_slice %arg9[%dma_wait3A_727] : memref<1048576xf32, #tpu.memory_space<hbm>> -> memref<64xf32, #tpu.memory_space<hbm>>
            %dma_wait3A_729 = arith.constant 0 : i32
            %dma_wait3A_730 = tpu.memref_slice %arg26[%dma_wait3A_723, %dma_wait3A_729] : memref<64x64xf32, #tpu.memory_space<vmem>> -> memref<1x64xf32, #tpu.memory_space<vmem>>
            %dma_wait3A_731 = tpu.memref_squeeze %dma_wait3A_730 : memref<1x64xf32, #tpu.memory_space<vmem>> -> memref<64xf32, #tpu.memory_space<vmem>>
            %dma_wait3A_732 = arith.constant 0 : i32
            %dma_wait3A_733 = tpu.memref_slice %arg9[%dma_wait3A_732] : memref<1048576xf32, #tpu.memory_space<hbm>> -> memref<64xf32, #tpu.memory_space<hbm>>
            tpu.wait_dma2 semaphore(%arg31 : memref<!tpu.dma_semaphore, #tpu.memory_space<semaphore_mem>>) src(%dma_wait3A_733 : memref<64xf32, #tpu.memory_space<hbm>>) dst(%dma_wait3A_731 : memref<64xf32, #tpu.memory_space<vmem>>)
          } else {
          }
          %add3A_668 = arith.constant 0 : i32
          %add3A_669 = vector.broadcast %add3A_668 : i32 to vector<16xi32>
          %add3A_670 = arith.addi %add3A_669, %iota3A : vector<16xi32>
          %gather3A = arith.constant 0 : i32
          %gather3A_671 = arith.constant 0 : i32
          %gather3A_672 = tpu.memref_slice %arg13[%rem3A_528, %gather3A, %gather3A_671] : memref<2x64x256xf32, #tpu.memory_space<vmem>> -> memref<1x64x256xf32, #tpu.memory_space<vmem>>
          %gather3A_673 = tpu.memref_squeeze %gather3A_672 : memref<1x64x256xf32, #tpu.memory_space<vmem>> -> memref<64x256xf32, #tpu.memory_space<vmem>>
          %gather3A_674 = tpu.vector_load_idx %gather3A_673[%add3A_670, %add3A_660] : memref<64x256xf32, #tpu.memory_space<vmem>>[vector<16xi32>, vector<16xi32>], vector<16xf32>,
          %swap3A_675 = arith.index_cast %rem3A_662 : i32 to index
          %swap3A_676 = arith.constant 0 : index
          %swap3A_677 = tpu.vector_load %arg26[%swap3A_675, %swap3A_676] {strides = array<i32>} : memref<64x64xf32, #tpu.memory_space<vmem>>, vector<16xf32>,
          tpu.vector_store %arg26[%swap3A_675, %swap3A_676], %gather3A_674 {strides = array<i32>} : memref<64x64xf32, #tpu.memory_space<vmem>>, vector<16xf32>,
          %add3A_678 = arith.constant 16 : i32
          %add3A_679 = vector.broadcast %add3A_678 : i32 to vector<16xi32>
          %add3A_680 = arith.addi %add3A_679, %iota3A : vector<16xi32>
          %gather3A_681 = arith.constant 0 : i32
          %gather3A_682 = arith.constant 0 : i32
          %gather3A_683 = tpu.memref_slice %arg13[%rem3A_528, %gather3A_681, %gather3A_682] : memref<2x64x256xf32, #tpu.memory_space<vmem>> -> memref<1x64x256xf32, #tpu.memory_space<vmem>>
          %gather3A_684 = tpu.memref_squeeze %gather3A_683 : memref<1x64x256xf32, #tpu.memory_space<vmem>> -> memref<64x256xf32, #tpu.memory_space<vmem>>
          %gather3A_685 = tpu.vector_load_idx %gather3A_684[%add3A_680, %add3A_660] : memref<64x256xf32, #tpu.memory_space<vmem>>[vector<16xi32>, vector<16xi32>], vector<16xf32>,
          %swap3A_686 = arith.index_cast %rem3A_662 : i32 to index
          %swap3A_687 = arith.constant 16 : index
          %swap3A_688 = tpu.vector_load %arg26[%swap3A_686, %swap3A_687] {strides = array<i32>} : memref<64x64xf32, #tpu.memory_space<vmem>>, vector<16xf32>,
          tpu.vector_store %arg26[%swap3A_686, %swap3A_687], %gather3A_685 {strides = array<i32>} : memref<64x64xf32, #tpu.memory_space<vmem>>, vector<16xf32>,
          %add3A_689 = arith.constant 32 : i32
          %add3A_690 = vector.broadcast %add3A_689 : i32 to vector<16xi32>
          %add3A_691 = arith.addi %add3A_690, %iota3A : vector<16xi32>
          %gather3A_692 = arith.constant 0 : i32
          %gather3A_693 = arith.constant 0 : i32
          %gather3A_694 = tpu.memref_slice %arg13[%rem3A_528, %gather3A_692, %gather3A_693] : memref<2x64x256xf32, #tpu.memory_space<vmem>> -> memref<1x64x256xf32, #tpu.memory_space<vmem>>
          %gather3A_695 = tpu.memref_squeeze %gather3A_694 : memref<1x64x256xf32, #tpu.memory_space<vmem>> -> memref<64x256xf32, #tpu.memory_space<vmem>>
          %gather3A_696 = tpu.vector_load_idx %gather3A_695[%add3A_691, %add3A_660] : memref<64x256xf32, #tpu.memory_space<vmem>>[vector<16xi32>, vector<16xi32>], vector<16xf32>,
          %swap3A_697 = arith.index_cast %rem3A_662 : i32 to index
          %swap3A_698 = arith.constant 32 : index
          %swap3A_699 = tpu.vector_load %arg26[%swap3A_697, %swap3A_698] {strides = array<i32>} : memref<64x64xf32, #tpu.memory_space<vmem>>, vector<16xf32>,
          tpu.vector_store %arg26[%swap3A_697, %swap3A_698], %gather3A_696 {strides = array<i32>} : memref<64x64xf32, #tpu.memory_space<vmem>>, vector<16xf32>,
          %add3A_700 = arith.constant 48 : i32
          %add3A_701 = vector.broadcast %add3A_700 : i32 to vector<16xi32>
          %add3A_702 = arith.addi %add3A_701, %iota3A : vector<16xi32>
          %gather3A_703 = arith.constant 0 : i32
          %gather3A_704 = arith.constant 0 : i32
          %gather3A_705 = tpu.memref_slice %arg13[%rem3A_528, %gather3A_703, %gather3A_704] : memref<2x64x256xf32, #tpu.memory_space<vmem>> -> memref<1x64x256xf32, #tpu.memory_space<vmem>>
          %gather3A_706 = tpu.memref_squeeze %gather3A_705 : memref<1x64x256xf32, #tpu.memory_space<vmem>> -> memref<64x256xf32, #tpu.memory_space<vmem>>
          %gather3A_707 = tpu.vector_load_idx %gather3A_706[%add3A_702, %add3A_660] : memref<64x256xf32, #tpu.memory_space<vmem>>[vector<16xi32>, vector<16xi32>], vector<16xf32>,
          %swap3A_708 = arith.index_cast %rem3A_662 : i32 to index
          %swap3A_709 = arith.constant 48 : index
          %swap3A_710 = tpu.vector_load %arg26[%swap3A_708, %swap3A_709] {strides = array<i32>} : memref<64x64xf32, #tpu.memory_space<vmem>>, vector<16xf32>,
          tpu.vector_store %arg26[%swap3A_708, %swap3A_709], %gather3A_707 {strides = array<i32>} : memref<64x64xf32, #tpu.memory_space<vmem>>, vector<16xf32>,
          %mul3A_711 = arith.constant 64 : i32
          %mul3A_712 = arith.muli %squeeze3A_656, %mul3A_711 : i32
          %dma_start3A_713 = arith.constant 0 : i32
          %dma_start3A_714 = tpu.memref_slice %arg26[%rem3A_662, %dma_start3A_713] : memref<64x64xf32, #tpu.memory_space<vmem>> -> memref<1x64xf32, #tpu.memory_space<vmem>>
          %dma_start3A_715 = tpu.memref_squeeze %dma_start3A_714 : memref<1x64xf32, #tpu.memory_space<vmem>> -> memref<64xf32, #tpu.memory_space<vmem>>
          %dma_start3A_716 = tpu.memref_slice %arg9[%mul3A_712] : memref<1048576xf32, #tpu.memory_space<hbm>> -> memref<64xf32, #tpu.memory_space<hbm>>
          %dma_start3A_717 = tpu.memref_slice %arg9[%mul3A_712] : memref<1048576xf32, #tpu.memory_space<hbm>> -> memref<64xf32, #tpu.memory_space<hbm>>
          %dma_start3A_718 = arith.constant 0 : i32
          %dma_start3A_719 = tpu.memref_slice %arg26[%rem3A_662, %dma_start3A_718] : memref<64x64xf32, #tpu.memory_space<vmem>> -> memref<1x64xf32, #tpu.memory_space<vmem>>
          %dma_start3A_720 = tpu.memref_squeeze %dma_start3A_719 : memref<1x64xf32, #tpu.memory_space<vmem>> -> memref<64xf32, #tpu.memory_space<vmem>>
          tpu.enqueue_dma source(%dma_start3A_720 : memref<64xf32, #tpu.memory_space<vmem>>) target(%dma_start3A_717 : memref<64xf32, #tpu.memory_space<hbm>>) target_semaphore(%arg31 : memref<!tpu.dma_semaphore, #tpu.memory_space<semaphore_mem>>)
          %add3A_721 = arith.constant 1 : i32
          %add3A_722 = arith.addi %while3A_648, %add3A_721 : i32
          scf.yield %add3A_722 : i32
        }
        %while3A_645 = arith.constant 1 : i32
        %while3A_646 = scf.for %while3A_647 = %while3A_642 to %while3A_638 step %while3A_645 iter_args(%while3A_648 = %while3A_644) -> (i32)  : i32 {
          %get3A_649 = arith.index_cast %while3A_647 : i32 to index
          %get3A_650 = tpu.vector_load %arg24[%get3A_649] {strides = array<i32>} : memref<32xi32, #tpu.memory_space<vmem>>, vector<16xi32>,
          %slice3A_651 = vector.extract_strided_slice %get3A_650 {offsets = [0], sizes = [1], strides = [1]} : vector<16xi32> to vector<1xi32>
          %squeeze3A_652 = vector.extract %slice3A_651[0] : i32 from vector<1xi32>
          %get3A_653 = arith.index_cast %while3A_647 : i32 to index
          %get3A_654 = tpu.vector_load %arg25[%get3A_653] {strides = array<i32>} : memref<32xi32, #tpu.memory_space<vmem>>, vector<16xi32>,
          %slice3A_655 = vector.extract_strided_slice %get3A_654 {offsets = [0], sizes = [1], strides = [1]} : vector<16xi32> to vector<1xi32>
          %squeeze3A_656 = vector.extract %slice3A_655[0] : i32 from vector<1xi32>
          %broadcast_in_dim3A_657 = arith.constant 0 : i32
          %broadcast_in_dim3A_658 = vector.broadcast %broadcast_in_dim3A_657 : i32 to vector<16xi32>
          %add3A_659 = vector.broadcast %squeeze3A_652 : i32 to vector<16xi32>
          %add3A_660 = arith.addi %broadcast_in_dim3A_658, %add3A_659 : vector<16xi32>
          %rem3A_661 = arith.constant 64 : i32
          %rem3A_662 = arith.remsi %while3A_648, %rem3A_661 : i32
          %ge3A_663 = arith.constant 64 : i32
          %ge3A_664 = arith.cmpi sge, %while3A_648, %ge3A_663 : i32
          %convert_element_type3A_665 = arith.extui %ge3A_664 : i1 to i32
          %cond3A_666 = arith.constant 0 : i32
          %cond3A_667 = arith.cmpi ne, %convert_element_type3A_665, %cond3A_666 : i32
          scf.if %cond3A_667 {
            %dma_wait3A_723 = arith.constant 0 : i32
            %dma_wait3A_724 = arith.constant 0 : i32
            %dma_wait3A_725 = tpu.memref_slice %arg26[%dma_wait3A_723, %dma_wait3A_724] : memref<64x64xf32, #tpu.memory_space<vmem>> -> memref<1x64xf32, #tpu.memory_space<vmem>>
            %dma_wait3A_726 = tpu.memref_squeeze %dma_wait3A_725 : memref<1x64xf32, #tpu.memory_space<vmem>> -> memref<64xf32, #tpu.memory_space<vmem>>
            %dma_wait3A_727 = arith.constant 0 : i32
            %dma_wait3A_728 = tpu.memref_slice %arg9[%dma_wait3A_727] : memref<1048576xf32, #tpu.memory_space<hbm>> -> memref<64xf32, #tpu.memory_space<hbm>>
            %dma_wait3A_729 = arith.constant 0 : i32
            %dma_wait3A_730 = tpu.memref_slice %arg26[%dma_wait3A_723, %dma_wait3A_729] : memref<64x64xf32, #tpu.memory_space<vmem>> -> memref<1x64xf32, #tpu.memory_space<vmem>>
            %dma_wait3A_731 = tpu.memref_squeeze %dma_wait3A_730 : memref<1x64xf32, #tpu.memory_space<vmem>> -> memref<64xf32, #tpu.memory_space<vmem>>
            %dma_wait3A_732 = arith.constant 0 : i32
            %dma_wait3A_733 = tpu.memref_slice %arg9[%dma_wait3A_732] : memref<1048576xf32, #tpu.memory_space<hbm>> -> memref<64xf32, #tpu.memory_space<hbm>>
            tpu.wait_dma2 semaphore(%arg31 : memref<!tpu.dma_semaphore, #tpu.memory_space<semaphore_mem>>) src(%dma_wait3A_733 : memref<64xf32, #tpu.memory_space<hbm>>) dst(%dma_wait3A_731 : memref<64xf32, #tpu.memory_space<vmem>>)
          } else {
          }
          %add3A_668 = arith.constant 0 : i32
          %add3A_669 = vector.broadcast %add3A_668 : i32 to vector<16xi32>
          %add3A_670 = arith.addi %add3A_669, %iota3A : vector<16xi32>
          %gather3A = arith.constant 0 : i32
          %gather3A_671 = arith.constant 0 : i32
          %gather3A_672 = tpu.memref_slice %arg13[%rem3A_528, %gather3A, %gather3A_671] : memref<2x64x256xf32, #tpu.memory_space<vmem>> -> memref<1x64x256xf32, #tpu.memory_space<vmem>>
          %gather3A_673 = tpu.memref_squeeze %gather3A_672 : memref<1x64x256xf32, #tpu.memory_space<vmem>> -> memref<64x256xf32, #tpu.memory_space<vmem>>
          %gather3A_674 = tpu.vector_load_idx %gather3A_673[%add3A_670, %add3A_660] : memref<64x256xf32, #tpu.memory_space<vmem>>[vector<16xi32>, vector<16xi32>], vector<16xf32>,
          %swap3A_675 = arith.index_cast %rem3A_662 : i32 to index
          %swap3A_676 = arith.constant 0 : index
          %swap3A_677 = tpu.vector_load %arg26[%swap3A_675, %swap3A_676] {strides = array<i32>} : memref<64x64xf32, #tpu.memory_space<vmem>>, vector<16xf32>,
          tpu.vector_store %arg26[%swap3A_675, %swap3A_676], %gather3A_674 {strides = array<i32>} : memref<64x64xf32, #tpu.memory_space<vmem>>, vector<16xf32>,
          %add3A_678 = arith.constant 16 : i32
          %add3A_679 = vector.broadcast %add3A_678 : i32 to vector<16xi32>
          %add3A_680 = arith.addi %add3A_679, %iota3A : vector<16xi32>
          %gather3A_681 = arith.constant 0 : i32
          %gather3A_682 = arith.constant 0 : i32
          %gather3A_683 = tpu.memref_slice %arg13[%rem3A_528, %gather3A_681, %gather3A_682] : memref<2x64x256xf32, #tpu.memory_space<vmem>> -> memref<1x64x256xf32, #tpu.memory_space<vmem>>
          %gather3A_684 = tpu.memref_squeeze %gather3A_683 : memref<1x64x256xf32, #tpu.memory_space<vmem>> -> memref<64x256xf32, #tpu.memory_space<vmem>>
          %gather3A_685 = tpu.vector_load_idx %gather3A_684[%add3A_680, %add3A_660] : memref<64x256xf32, #tpu.memory_space<vmem>>[vector<16xi32>, vector<16xi32>], vector<16xf32>,
          %swap3A_686 = arith.index_cast %rem3A_662 : i32 to index
          %swap3A_687 = arith.constant 16 : index
          %swap3A_688 = tpu.vector_load %arg26[%swap3A_686, %swap3A_687] {strides = array<i32>} : memref<64x64xf32, #tpu.memory_space<vmem>>, vector<16xf32>,
          tpu.vector_store %arg26[%swap3A_686, %swap3A_687], %gather3A_685 {strides = array<i32>} : memref<64x64xf32, #tpu.memory_space<vmem>>, vector<16xf32>,
          %add3A_689 = arith.constant 32 : i32
          %add3A_690 = vector.broadcast %add3A_689 : i32 to vector<16xi32>
          %add3A_691 = arith.addi %add3A_690, %iota3A : vector<16xi32>
          %gather3A_692 = arith.constant 0 : i32
          %gather3A_693 = arith.constant 0 : i32
          %gather3A_694 = tpu.memref_slice %arg13[%rem3A_528, %gather3A_692, %gather3A_693] : memref<2x64x256xf32, #tpu.memory_space<vmem>> -> memref<1x64x256xf32, #tpu.memory_space<vmem>>
          %gather3A_695 = tpu.memref_squeeze %gather3A_694 : memref<1x64x256xf32, #tpu.memory_space<vmem>> -> memref<64x256xf32, #tpu.memory_space<vmem>>
          %gather3A_696 = tpu.vector_load_idx %gather3A_695[%add3A_691, %add3A_660] : memref<64x256xf32, #tpu.memory_space<vmem>>[vector<16xi32>, vector<16xi32>], vector<16xf32>,
          %swap3A_697 = arith.index_cast %rem3A_662 : i32 to index
          %swap3A_698 = arith.constant 32 : index
          %swap3A_699 = tpu.vector_load %arg26[%swap3A_697, %swap3A_698] {strides = array<i32>} : memref<64x64xf32, #tpu.memory_space<vmem>>, vector<16xf32>,
          tpu.vector_store %arg26[%swap3A_697, %swap3A_698], %gather3A_696 {strides = array<i32>} : memref<64x64xf32, #tpu.memory_space<vmem>>, vector<16xf32>,
          %add3A_700 = arith.constant 48 : i32
          %add3A_701 = vector.broadcast %add3A_700 : i32 to vector<16xi32>
          %add3A_702 = arith.addi %add3A_701, %iota3A : vector<16xi32>
          %gather3A_703 = arith.constant 0 : i32
          %gather3A_704 = arith.constant 0 : i32
          %gather3A_705 = tpu.memref_slice %arg13[%rem3A_528, %gather3A_703, %gather3A_704] : memref<2x64x256xf32, #tpu.memory_space<vmem>> -> memref<1x64x256xf32, #tpu.memory_space<vmem>>
          %gather3A_706 = tpu.memref_squeeze %gather3A_705 : memref<1x64x256xf32, #tpu.memory_space<vmem>> -> memref<64x256xf32, #tpu.memory_space<vmem>>
          %gather3A_707 = tpu.vector_load_idx %gather3A_706[%add3A_702, %add3A_660] : memref<64x256xf32, #tpu.memory_space<vmem>>[vector<16xi32>, vector<16xi32>], vector<16xf32>,
          %swap3A_708 = arith.index_cast %rem3A_662 : i32 to index
          %swap3A_709 = arith.constant 48 : index
          %swap3A_710 = tpu.vector_load %arg26[%swap3A_708, %swap3A_709] {strides = array<i32>} : memref<64x64xf32, #tpu.memory_space<vmem>>, vector<16xf32>,
          tpu.vector_store %arg26[%swap3A_708, %swap3A_709], %gather3A_707 {strides = array<i32>} : memref<64x64xf32, #tpu.memory_space<vmem>>, vector<16xf32>,
          %mul3A_711 = arith.constant 64 : i32
          %mul3A_712 = arith.muli %squeeze3A_656, %mul3A_711 : i32
          %dma_start3A_713 = arith.constant 0 : i32
          %dma_start3A_714 = tpu.memref_slice %arg26[%rem3A_662, %dma_start3A_713] : memref<64x64xf32, #tpu.memory_space<vmem>> -> memref<1x64xf32, #tpu.memory_space<vmem>>
          %dma_start3A_715 = tpu.memref_squeeze %dma_start3A_714 : memref<1x64xf32, #tpu.memory_space<vmem>> -> memref<64xf32, #tpu.memory_space<vmem>>
          %dma_start3A_716 = tpu.memref_slice %arg9[%mul3A_712] : memref<1048576xf32, #tpu.memory_space<hbm>> -> memref<64xf32, #tpu.memory_space<hbm>>
          %dma_start3A_717 = tpu.memref_slice %arg9[%mul3A_712] : memref<1048576xf32, #tpu.memory_space<hbm>> -> memref<64xf32, #tpu.memory_space<hbm>>
          %dma_start3A_718 = arith.constant 0 : i32
          %dma_start3A_719 = tpu.memref_slice %arg26[%rem3A_662, %dma_start3A_718] : memref<64x64xf32, #tpu.memory_space<vmem>> -> memref<1x64xf32, #tpu.memory_space<vmem>>
          %dma_start3A_720 = tpu.memref_squeeze %dma_start3A_719 : memref<1x64xf32, #tpu.memory_space<vmem>> -> memref<64xf32, #tpu.memory_space<vmem>>
          tpu.enqueue_dma source(%dma_start3A_720 : memref<64xf32, #tpu.memory_space<vmem>>) target(%dma_start3A_717 : memref<64xf32, #tpu.memory_space<hbm>>) target_semaphore(%arg31 : memref<!tpu.dma_semaphore, #tpu.memory_space<semaphore_mem>>)
          %add3A_721 = arith.constant 1 : i32
          %add3A_722 = arith.addi %while3A_648, %add3A_721 : i32
          scf.yield %add3A_722 : i32
        }
        scf.yield %while3A_646 : i32
      }
      %while3A_599 = arith.constant 1 : i32
      %while3A_600 = scf.for %while3A_605 = %while3A_596 to %while3A_592 step %while3A_599 iter_args(%while3A_606 = %while3A_598) -> (i32)  : i32 {
        %mul3A_607 = arith.constant 16 : i32
        %mul3A_608 = arith.muli %while3A_605, %mul3A_607 : i32
        %add3A_609 = vector.broadcast %mul3A_608 : i32 to vector<16xi32>
        %add3A_610 = arith.addi %add3A_609, %iota3A : vector<16xi32>
        %mul3A_611 = arith.constant 16 : i32
        %mul3A_612 = arith.muli %while3A_605, %mul3A_611 : i32
        %add3A_613 = arith.addi %mul3A_581, %mul3A_612 : i32
        %get3A_614 = arith.index_cast %add3A_613 : i32 to index
        %get3A_615 = tpu.vector_load %arg20[%get3A_614] {strides = array<i32>} : memref<2048xi32, #tpu.memory_space<vmem>>, vector<16xi32>,
        %mul3A_616 = arith.constant 16 : i32
        %mul3A_617 = arith.muli %while3A_605, %mul3A_616 : i32
        %add3A_618 = arith.addi %mul3A_581, %mul3A_617 : i32
        %get3A_619 = arith.index_cast %add3A_618 : i32 to index
        %get3A_620 = tpu.vector_load %arg21[%get3A_619] {strides = array<i32>} : memref<2048xi32, #tpu.memory_space<vmem>>, vector<16xi32>,
        %lt3A_621 = vector.broadcast %squeeze3A_585 : i32 to vector<16xi32>
        %lt3A_622 = arith.cmpi slt, %add3A_610, %lt3A_621 : vector<16xi32>
        %ge3A = vector.broadcast %add3A_531 : i32 to vector<16xi32>
        %ge3A_623 = arith.cmpi sge, %get3A_615, %ge3A : vector<16xi32>
        %and3A = arith.andi %lt3A_622, %ge3A_623 : vector<16xi1>
        %add3A_624 = arith.constant 256 : i32
        %add3A_625 = arith.addi %add3A_531, %add3A_624 : i32
        %lt3A_626 = vector.broadcast %add3A_625 : i32 to vector<16xi32>
        %lt3A_627 = arith.cmpi slt, %get3A_615, %lt3A_626 : vector<16xi32>
        %and3A_628 = arith.andi %and3A, %lt3A_627 : vector<16xi1>
        %all_reduce_population_count3A = tpu.all_reduce %and3A_628 {dim = 0 : i64, kind = #tpu.reduction_kind<sum>} : vector<16xi1> -> vector<16xi32>
        %slice3A_629 = vector.extract_strided_slice %all_reduce_population_count3A {offsets = [0], sizes = [1], strides = [1]} : vector<16xi32> to vector<1xi32>
        %squeeze3A_630 = vector.extract %slice3A_629[0] : i32 from vector<1xi32>
        %sub3A = vector.broadcast %add3A_531 : i32 to vector<16xi32>
        %sub3A_631 = arith.subi %get3A_615, %sub3A : vector<16xi32>
        %swap3A_632 = arith.constant 0 : index
        %swap3A_633 = tpu.vector_load %arg24[%swap3A_632] masked %and3A_628 {strides = array<i32>} : memref<32xi32, #tpu.memory_space<vmem>>, vector<16xi32>, vector<16xi1>
        tpu.vector_store %arg24[%swap3A_632], %sub3A_631 masked %and3A_628 {strides = array<i32>} : memref<32xi32, #tpu.memory_space<vmem>>, vector<16xi32>, vector<16xi1>
        %swap3A_634 = arith.constant 0 : index
        %swap3A_635 = tpu.vector_load %arg25[%swap3A_634] masked %and3A_628 {strides = array<i32>} : memref<32xi32, #tpu.memory_space<vmem>>, vector<16xi32>, vector<16xi1>
        tpu.vector_store %arg25[%swap3A_634], %get3A_620 masked %and3A_628 {strides = array<i32>} : memref<32xi32, #tpu.memory_space<vmem>>, vector<16xi32>, vector<16xi1>
        %while3A_636 = arith.constant 0 : i32
        %while3A_637 = arith.subi %squeeze3A_630, %while3A_636 : i32
        %while3A_638 = arith.addi %while3A_636, %while3A_637 : i32
        %while3A_639 = arith.constant 1 : i32
        %while3A_640 = arith.divsi %while3A_637, %while3A_639 : i32
        %while3A_641 = arith.muli %while3A_640, %while3A_639 : i32
        %while3A_642 = arith.addi %while3A_636, %while3A_641 : i32
        %while3A_643 = arith.constant 1 : i32
        %while3A_644 = scf.for %while3A_647 = %while3A_636 to %while3A_642 step %while3A_643 iter_args(%while3A_648 = %while3A_606) -> (i32)  : i32 {
          %get3A_649 = arith.index_cast %while3A_647 : i32 to index
          %get3A_650 = tpu.vector_load %arg24[%get3A_649] {strides = array<i32>} : memref<32xi32, #tpu.memory_space<vmem>>, vector<16xi32>,
          %slice3A_651 = vector.extract_strided_slice %get3A_650 {offsets = [0], sizes = [1], strides = [1]} : vector<16xi32> to vector<1xi32>
          %squeeze3A_652 = vector.extract %slice3A_651[0] : i32 from vector<1xi32>
          %get3A_653 = arith.index_cast %while3A_647 : i32 to index
          %get3A_654 = tpu.vector_load %arg25[%get3A_653] {strides = array<i32>} : memref<32xi32, #tpu.memory_space<vmem>>, vector<16xi32>,
          %slice3A_655 = vector.extract_strided_slice %get3A_654 {offsets = [0], sizes = [1], strides = [1]} : vector<16xi32> to vector<1xi32>
          %squeeze3A_656 = vector.extract %slice3A_655[0] : i32 from vector<1xi32>
          %broadcast_in_dim3A_657 = arith.constant 0 : i32
          %broadcast_in_dim3A_658 = vector.broadcast %broadcast_in_dim3A_657 : i32 to vector<16xi32>
          %add3A_659 = vector.broadcast %squeeze3A_652 : i32 to vector<16xi32>
          %add3A_660 = arith.addi %broadcast_in_dim3A_658, %add3A_659 : vector<16xi32>
          %rem3A_661 = arith.constant 64 : i32
          %rem3A_662 = arith.remsi %while3A_648, %rem3A_661 : i32
          %ge3A_663 = arith.constant 64 : i32
          %ge3A_664 = arith.cmpi sge, %while3A_648, %ge3A_663 : i32
          %convert_element_type3A_665 = arith.extui %ge3A_664 : i1 to i32
          %cond3A_666 = arith.constant 0 : i32
          %cond3A_667 = arith.cmpi ne, %convert_element_type3A_665, %cond3A_666 : i32
          scf.if %cond3A_667 {
            %dma_wait3A_723 = arith.constant 0 : i32
            %dma_wait3A_724 = arith.constant 0 : i32
            %dma_wait3A_725 = tpu.memref_slice %arg26[%dma_wait3A_723, %dma_wait3A_724] : memref<64x64xf32, #tpu.memory_space<vmem>> -> memref<1x64xf32, #tpu.memory_space<vmem>>
            %dma_wait3A_726 = tpu.memref_squeeze %dma_wait3A_725 : memref<1x64xf32, #tpu.memory_space<vmem>> -> memref<64xf32, #tpu.memory_space<vmem>>
            %dma_wait3A_727 = arith.constant 0 : i32
            %dma_wait3A_728 = tpu.memref_slice %arg9[%dma_wait3A_727] : memref<1048576xf32, #tpu.memory_space<hbm>> -> memref<64xf32, #tpu.memory_space<hbm>>
            %dma_wait3A_729 = arith.constant 0 : i32
            %dma_wait3A_730 = tpu.memref_slice %arg26[%dma_wait3A_723, %dma_wait3A_729] : memref<64x64xf32, #tpu.memory_space<vmem>> -> memref<1x64xf32, #tpu.memory_space<vmem>>
            %dma_wait3A_731 = tpu.memref_squeeze %dma_wait3A_730 : memref<1x64xf32, #tpu.memory_space<vmem>> -> memref<64xf32, #tpu.memory_space<vmem>>
            %dma_wait3A_732 = arith.constant 0 : i32
            %dma_wait3A_733 = tpu.memref_slice %arg9[%dma_wait3A_732] : memref<1048576xf32, #tpu.memory_space<hbm>> -> memref<64xf32, #tpu.memory_space<hbm>>
            tpu.wait_dma2 semaphore(%arg31 : memref<!tpu.dma_semaphore, #tpu.memory_space<semaphore_mem>>) src(%dma_wait3A_733 : memref<64xf32, #tpu.memory_space<hbm>>) dst(%dma_wait3A_731 : memref<64xf32, #tpu.memory_space<vmem>>)
          } else {
          }
          %add3A_668 = arith.constant 0 : i32
          %add3A_669 = vector.broadcast %add3A_668 : i32 to vector<16xi32>
          %add3A_670 = arith.addi %add3A_669, %iota3A : vector<16xi32>
          %gather3A = arith.constant 0 : i32
          %gather3A_671 = arith.constant 0 : i32
          %gather3A_672 = tpu.memref_slice %arg13[%rem3A_528, %gather3A, %gather3A_671] : memref<2x64x256xf32, #tpu.memory_space<vmem>> -> memref<1x64x256xf32, #tpu.memory_space<vmem>>
          %gather3A_673 = tpu.memref_squeeze %gather3A_672 : memref<1x64x256xf32, #tpu.memory_space<vmem>> -> memref<64x256xf32, #tpu.memory_space<vmem>>
          %gather3A_674 = tpu.vector_load_idx %gather3A_673[%add3A_670, %add3A_660] : memref<64x256xf32, #tpu.memory_space<vmem>>[vector<16xi32>, vector<16xi32>], vector<16xf32>,
          %swap3A_675 = arith.index_cast %rem3A_662 : i32 to index
          %swap3A_676 = arith.constant 0 : index
          %swap3A_677 = tpu.vector_load %arg26[%swap3A_675, %swap3A_676] {strides = array<i32>} : memref<64x64xf32, #tpu.memory_space<vmem>>, vector<16xf32>,
          tpu.vector_store %arg26[%swap3A_675, %swap3A_676], %gather3A_674 {strides = array<i32>} : memref<64x64xf32, #tpu.memory_space<vmem>>, vector<16xf32>,
          %add3A_678 = arith.constant 16 : i32
          %add3A_679 = vector.broadcast %add3A_678 : i32 to vector<16xi32>
          %add3A_680 = arith.addi %add3A_679, %iota3A : vector<16xi32>
          %gather3A_681 = arith.constant 0 : i32
          %gather3A_682 = arith.constant 0 : i32
          %gather3A_683 = tpu.memref_slice %arg13[%rem3A_528, %gather3A_681, %gather3A_682] : memref<2x64x256xf32, #tpu.memory_space<vmem>> -> memref<1x64x256xf32, #tpu.memory_space<vmem>>
          %gather3A_684 = tpu.memref_squeeze %gather3A_683 : memref<1x64x256xf32, #tpu.memory_space<vmem>> -> memref<64x256xf32, #tpu.memory_space<vmem>>
          %gather3A_685 = tpu.vector_load_idx %gather3A_684[%add3A_680, %add3A_660] : memref<64x256xf32, #tpu.memory_space<vmem>>[vector<16xi32>, vector<16xi32>], vector<16xf32>,
          %swap3A_686 = arith.index_cast %rem3A_662 : i32 to index
          %swap3A_687 = arith.constant 16 : index
          %swap3A_688 = tpu.vector_load %arg26[%swap3A_686, %swap3A_687] {strides = array<i32>} : memref<64x64xf32, #tpu.memory_space<vmem>>, vector<16xf32>,
          tpu.vector_store %arg26[%swap3A_686, %swap3A_687], %gather3A_685 {strides = array<i32>} : memref<64x64xf32, #tpu.memory_space<vmem>>, vector<16xf32>,
          %add3A_689 = arith.constant 32 : i32
          %add3A_690 = vector.broadcast %add3A_689 : i32 to vector<16xi32>
          %add3A_691 = arith.addi %add3A_690, %iota3A : vector<16xi32>
          %gather3A_692 = arith.constant 0 : i32
          %gather3A_693 = arith.constant 0 : i32
          %gather3A_694 = tpu.memref_slice %arg13[%rem3A_528, %gather3A_692, %gather3A_693] : memref<2x64x256xf32, #tpu.memory_space<vmem>> -> memref<1x64x256xf32, #tpu.memory_space<vmem>>
          %gather3A_695 = tpu.memref_squeeze %gather3A_694 : memref<1x64x256xf32, #tpu.memory_space<vmem>> -> memref<64x256xf32, #tpu.memory_space<vmem>>
          %gather3A_696 = tpu.vector_load_idx %gather3A_695[%add3A_691, %add3A_660] : memref<64x256xf32, #tpu.memory_space<vmem>>[vector<16xi32>, vector<16xi32>], vector<16xf32>,
          %swap3A_697 = arith.index_cast %rem3A_662 : i32 to index
          %swap3A_698 = arith.constant 32 : index
          %swap3A_699 = tpu.vector_load %arg26[%swap3A_697, %swap3A_698] {strides = array<i32>} : memref<64x64xf32, #tpu.memory_space<vmem>>, vector<16xf32>,
          tpu.vector_store %arg26[%swap3A_697, %swap3A_698], %gather3A_696 {strides = array<i32>} : memref<64x64xf32, #tpu.memory_space<vmem>>, vector<16xf32>,
          %add3A_700 = arith.constant 48 : i32
          %add3A_701 = vector.broadcast %add3A_700 : i32 to vector<16xi32>
          %add3A_702 = arith.addi %add3A_701, %iota3A : vector<16xi32>
          %gather3A_703 = arith.constant 0 : i32
          %gather3A_704 = arith.constant 0 : i32
          %gather3A_705 = tpu.memref_slice %arg13[%rem3A_528, %gather3A_703, %gather3A_704] : memref<2x64x256xf32, #tpu.memory_space<vmem>> -> memref<1x64x256xf32, #tpu.memory_space<vmem>>
          %gather3A_706 = tpu.memref_squeeze %gather3A_705 : memref<1x64x256xf32, #tpu.memory_space<vmem>> -> memref<64x256xf32, #tpu.memory_space<vmem>>
          %gather3A_707 = tpu.vector_load_idx %gather3A_706[%add3A_702, %add3A_660] : memref<64x256xf32, #tpu.memory_space<vmem>>[vector<16xi32>, vector<16xi32>], vector<16xf32>,
          %swap3A_708 = arith.index_cast %rem3A_662 : i32 to index
          %swap3A_709 = arith.constant 48 : index
          %swap3A_710 = tpu.vector_load %arg26[%swap3A_708, %swap3A_709] {strides = array<i32>} : memref<64x64xf32, #tpu.memory_space<vmem>>, vector<16xf32>,
          tpu.vector_store %arg26[%swap3A_708, %swap3A_709], %gather3A_707 {strides = array<i32>} : memref<64x64xf32, #tpu.memory_space<vmem>>, vector<16xf32>,
          %mul3A_711 = arith.constant 64 : i32
          %mul3A_712 = arith.muli %squeeze3A_656, %mul3A_711 : i32
          %dma_start3A_713 = arith.constant 0 : i32
          %dma_start3A_714 = tpu.memref_slice %arg26[%rem3A_662, %dma_start3A_713] : memref<64x64xf32, #tpu.memory_space<vmem>> -> memref<1x64xf32, #tpu.memory_space<vmem>>
          %dma_start3A_715 = tpu.memref_squeeze %dma_start3A_714 : memref<1x64xf32, #tpu.memory_space<vmem>> -> memref<64xf32, #tpu.memory_space<vmem>>
          %dma_start3A_716 = tpu.memref_slice %arg9[%mul3A_712] : memref<1048576xf32, #tpu.memory_space<hbm>> -> memref<64xf32, #tpu.memory_space<hbm>>
          %dma_start3A_717 = tpu.memref_slice %arg9[%mul3A_712] : memref<1048576xf32, #tpu.memory_space<hbm>> -> memref<64xf32, #tpu.memory_space<hbm>>
          %dma_start3A_718 = arith.constant 0 : i32
          %dma_start3A_719 = tpu.memref_slice %arg26[%rem3A_662, %dma_start3A_718] : memref<64x64xf32, #tpu.memory_space<vmem>> -> memref<1x64xf32, #tpu.memory_space<vmem>>
          %dma_start3A_720 = tpu.memref_squeeze %dma_start3A_719 : memref<1x64xf32, #tpu.memory_space<vmem>> -> memref<64xf32, #tpu.memory_space<vmem>>
          tpu.enqueue_dma source(%dma_start3A_720 : memref<64xf32, #tpu.memory_space<vmem>>) target(%dma_start3A_717 : memref<64xf32, #tpu.memory_space<hbm>>) target_semaphore(%arg31 : memref<!tpu.dma_semaphore, #tpu.memory_space<semaphore_mem>>)
          %add3A_721 = arith.constant 1 : i32
          %add3A_722 = arith.addi %while3A_648, %add3A_721 : i32
          scf.yield %add3A_722 : i32
        }
        %while3A_645 = arith.constant 1 : i32
        %while3A_646 = scf.for %while3A_647 = %while3A_642 to %while3A_638 step %while3A_645 iter_args(%while3A_648 = %while3A_644) -> (i32)  : i32 {
          %get3A_649 = arith.index_cast %while3A_647 : i32 to index
          %get3A_650 = tpu.vector_load %arg24[%get3A_649] {strides = array<i32>} : memref<32xi32, #tpu.memory_space<vmem>>, vector<16xi32>,
          %slice3A_651 = vector.extract_strided_slice %get3A_650 {offsets = [0], sizes = [1], strides = [1]} : vector<16xi32> to vector<1xi32>
          %squeeze3A_652 = vector.extract %slice3A_651[0] : i32 from vector<1xi32>
          %get3A_653 = arith.index_cast %while3A_647 : i32 to index
          %get3A_654 = tpu.vector_load %arg25[%get3A_653] {strides = array<i32>} : memref<32xi32, #tpu.memory_space<vmem>>, vector<16xi32>,
          %slice3A_655 = vector.extract_strided_slice %get3A_654 {offsets = [0], sizes = [1], strides = [1]} : vector<16xi32> to vector<1xi32>
          %squeeze3A_656 = vector.extract %slice3A_655[0] : i32 from vector<1xi32>
          %broadcast_in_dim3A_657 = arith.constant 0 : i32
          %broadcast_in_dim3A_658 = vector.broadcast %broadcast_in_dim3A_657 : i32 to vector<16xi32>
          %add3A_659 = vector.broadcast %squeeze3A_652 : i32 to vector<16xi32>
          %add3A_660 = arith.addi %broadcast_in_dim3A_658, %add3A_659 : vector<16xi32>
          %rem3A_661 = arith.constant 64 : i32
          %rem3A_662 = arith.remsi %while3A_648, %rem3A_661 : i32
          %ge3A_663 = arith.constant 64 : i32
          %ge3A_664 = arith.cmpi sge, %while3A_648, %ge3A_663 : i32
          %convert_element_type3A_665 = arith.extui %ge3A_664 : i1 to i32
          %cond3A_666 = arith.constant 0 : i32
          %cond3A_667 = arith.cmpi ne, %convert_element_type3A_665, %cond3A_666 : i32
          scf.if %cond3A_667 {
            %dma_wait3A_723 = arith.constant 0 : i32
            %dma_wait3A_724 = arith.constant 0 : i32
            %dma_wait3A_725 = tpu.memref_slice %arg26[%dma_wait3A_723, %dma_wait3A_724] : memref<64x64xf32, #tpu.memory_space<vmem>> -> memref<1x64xf32, #tpu.memory_space<vmem>>
            %dma_wait3A_726 = tpu.memref_squeeze %dma_wait3A_725 : memref<1x64xf32, #tpu.memory_space<vmem>> -> memref<64xf32, #tpu.memory_space<vmem>>
            %dma_wait3A_727 = arith.constant 0 : i32
            %dma_wait3A_728 = tpu.memref_slice %arg9[%dma_wait3A_727] : memref<1048576xf32, #tpu.memory_space<hbm>> -> memref<64xf32, #tpu.memory_space<hbm>>
            %dma_wait3A_729 = arith.constant 0 : i32
            %dma_wait3A_730 = tpu.memref_slice %arg26[%dma_wait3A_723, %dma_wait3A_729] : memref<64x64xf32, #tpu.memory_space<vmem>> -> memref<1x64xf32, #tpu.memory_space<vmem>>
            %dma_wait3A_731 = tpu.memref_squeeze %dma_wait3A_730 : memref<1x64xf32, #tpu.memory_space<vmem>> -> memref<64xf32, #tpu.memory_space<vmem>>
            %dma_wait3A_732 = arith.constant 0 : i32
            %dma_wait3A_733 = tpu.memref_slice %arg9[%dma_wait3A_732] : memref<1048576xf32, #tpu.memory_space<hbm>> -> memref<64xf32, #tpu.memory_space<hbm>>
            tpu.wait_dma2 semaphore(%arg31 : memref<!tpu.dma_semaphore, #tpu.memory_space<semaphore_mem>>) src(%dma_wait3A_733 : memref<64xf32, #tpu.memory_space<hbm>>) dst(%dma_wait3A_731 : memref<64xf32, #tpu.memory_space<vmem>>)
          } else {
          }
          %add3A_668 = arith.constant 0 : i32
          %add3A_669 = vector.broadcast %add3A_668 : i32 to vector<16xi32>
          %add3A_670 = arith.addi %add3A_669, %iota3A : vector<16xi32>
          %gather3A = arith.constant 0 : i32
          %gather3A_671 = arith.constant 0 : i32
          %gather3A_672 = tpu.memref_slice %arg13[%rem3A_528, %gather3A, %gather3A_671] : memref<2x64x256xf32, #tpu.memory_space<vmem>> -> memref<1x64x256xf32, #tpu.memory_space<vmem>>
          %gather3A_673 = tpu.memref_squeeze %gather3A_672 : memref<1x64x256xf32, #tpu.memory_space<vmem>> -> memref<64x256xf32, #tpu.memory_space<vmem>>
          %gather3A_674 = tpu.vector_load_idx %gather3A_673[%add3A_670, %add3A_660] : memref<64x256xf32, #tpu.memory_space<vmem>>[vector<16xi32>, vector<16xi32>], vector<16xf32>,
          %swap3A_675 = arith.index_cast %rem3A_662 : i32 to index
          %swap3A_676 = arith.constant 0 : index
          %swap3A_677 = tpu.vector_load %arg26[%swap3A_675, %swap3A_676] {strides = array<i32>} : memref<64x64xf32, #tpu.memory_space<vmem>>, vector<16xf32>,
          tpu.vector_store %arg26[%swap3A_675, %swap3A_676], %gather3A_674 {strides = array<i32>} : memref<64x64xf32, #tpu.memory_space<vmem>>, vector<16xf32>,
          %add3A_678 = arith.constant 16 : i32
          %add3A_679 = vector.broadcast %add3A_678 : i32 to vector<16xi32>
          %add3A_680 = arith.addi %add3A_679, %iota3A : vector<16xi32>
          %gather3A_681 = arith.constant 0 : i32
          %gather3A_682 = arith.constant 0 : i32
          %gather3A_683 = tpu.memref_slice %arg13[%rem3A_528, %gather3A_681, %gather3A_682] : memref<2x64x256xf32, #tpu.memory_space<vmem>> -> memref<1x64x256xf32, #tpu.memory_space<vmem>>
          %gather3A_684 = tpu.memref_squeeze %gather3A_683 : memref<1x64x256xf32, #tpu.memory_space<vmem>> -> memref<64x256xf32, #tpu.memory_space<vmem>>
          %gather3A_685 = tpu.vector_load_idx %gather3A_684[%add3A_680, %add3A_660] : memref<64x256xf32, #tpu.memory_space<vmem>>[vector<16xi32>, vector<16xi32>], vector<16xf32>,
          %swap3A_686 = arith.index_cast %rem3A_662 : i32 to index
          %swap3A_687 = arith.constant 16 : index
          %swap3A_688 = tpu.vector_load %arg26[%swap3A_686, %swap3A_687] {strides = array<i32>} : memref<64x64xf32, #tpu.memory_space<vmem>>, vector<16xf32>,
          tpu.vector_store %arg26[%swap3A_686, %swap3A_687], %gather3A_685 {strides = array<i32>} : memref<64x64xf32, #tpu.memory_space<vmem>>, vector<16xf32>,
          %add3A_689 = arith.constant 32 : i32
          %add3A_690 = vector.broadcast %add3A_689 : i32 to vector<16xi32>
          %add3A_691 = arith.addi %add3A_690, %iota3A : vector<16xi32>
          %gather3A_692 = arith.constant 0 : i32
          %gather3A_693 = arith.constant 0 : i32
          %gather3A_694 = tpu.memref_slice %arg13[%rem3A_528, %gather3A_692, %gather3A_693] : memref<2x64x256xf32, #tpu.memory_space<vmem>> -> memref<1x64x256xf32, #tpu.memory_space<vmem>>
          %gather3A_695 = tpu.memref_squeeze %gather3A_694 : memref<1x64x256xf32, #tpu.memory_space<vmem>> -> memref<64x256xf32, #tpu.memory_space<vmem>>
          %gather3A_696 = tpu.vector_load_idx %gather3A_695[%add3A_691, %add3A_660] : memref<64x256xf32, #tpu.memory_space<vmem>>[vector<16xi32>, vector<16xi32>], vector<16xf32>,
          %swap3A_697 = arith.index_cast %rem3A_662 : i32 to index
          %swap3A_698 = arith.constant 32 : index
          %swap3A_699 = tpu.vector_load %arg26[%swap3A_697, %swap3A_698] {strides = array<i32>} : memref<64x64xf32, #tpu.memory_space<vmem>>, vector<16xf32>,
          tpu.vector_store %arg26[%swap3A_697, %swap3A_698], %gather3A_696 {strides = array<i32>} : memref<64x64xf32, #tpu.memory_space<vmem>>, vector<16xf32>,
          %add3A_700 = arith.constant 48 : i32
          %add3A_701 = vector.broadcast %add3A_700 : i32 to vector<16xi32>
          %add3A_702 = arith.addi %add3A_701, %iota3A : vector<16xi32>
          %gather3A_703 = arith.constant 0 : i32
          %gather3A_704 = arith.constant 0 : i32
          %gather3A_705 = tpu.memref_slice %arg13[%rem3A_528, %gather3A_703, %gather3A_704] : memref<2x64x256xf32, #tpu.memory_space<vmem>> -> memref<1x64x256xf32, #tpu.memory_space<vmem>>
          %gather3A_706 = tpu.memref_squeeze %gather3A_705 : memref<1x64x256xf32, #tpu.memory_space<vmem>> -> memref<64x256xf32, #tpu.memory_space<vmem>>
          %gather3A_707 = tpu.vector_load_idx %gather3A_706[%add3A_702, %add3A_660] : memref<64x256xf32, #tpu.memory_space<vmem>>[vector<16xi32>, vector<16xi32>], vector<16xf32>,
          %swap3A_708 = arith.index_cast %rem3A_662 : i32 to index
          %swap3A_709 = arith.constant 48 : index
          %swap3A_710 = tpu.vector_load %arg26[%swap3A_708, %swap3A_709] {strides = array<i32>} : memref<64x64xf32, #tpu.memory_space<vmem>>, vector<16xf32>,
          tpu.vector_store %arg26[%swap3A_708, %swap3A_709], %gather3A_707 {strides = array<i32>} : memref<64x64xf32, #tpu.memory_space<vmem>>, vector<16xf32>,
          %mul3A_711 = arith.constant 64 : i32
          %mul3A_712 = arith.muli %squeeze3A_656, %mul3A_711 : i32
          %dma_start3A_713 = arith.constant 0 : i32
          %dma_start3A_714 = tpu.memref_slice %arg26[%rem3A_662, %dma_start3A_713] : memref<64x64xf32, #tpu.memory_space<vmem>> -> memref<1x64xf32, #tpu.memory_space<vmem>>
          %dma_start3A_715 = tpu.memref_squeeze %dma_start3A_714 : memref<1x64xf32, #tpu.memory_space<vmem>> -> memref<64xf32, #tpu.memory_space<vmem>>
          %dma_start3A_716 = tpu.memref_slice %arg9[%mul3A_712] : memref<1048576xf32, #tpu.memory_space<hbm>> -> memref<64xf32, #tpu.memory_space<hbm>>
          %dma_start3A_717 = tpu.memref_slice %arg9[%mul3A_712] : memref<1048576xf32, #tpu.memory_space<hbm>> -> memref<64xf32, #tpu.memory_space<hbm>>
          %dma_start3A_718 = arith.constant 0 : i32
          %dma_start3A_719 = tpu.memref_slice %arg26[%rem3A_662, %dma_start3A_718] : memref<64x64xf32, #tpu.memory_space<vmem>> -> memref<1x64xf32, #tpu.memory_space<vmem>>
          %dma_start3A_720 = tpu.memref_squeeze %dma_start3A_719 : memref<1x64xf32, #tpu.memory_space<vmem>> -> memref<64xf32, #tpu.memory_space<vmem>>
          tpu.enqueue_dma source(%dma_start3A_720 : memref<64xf32, #tpu.memory_space<vmem>>) target(%dma_start3A_717 : memref<64xf32, #tpu.memory_space<hbm>>) target_semaphore(%arg31 : memref<!tpu.dma_semaphore, #tpu.memory_space<semaphore_mem>>)
          %add3A_721 = arith.constant 1 : i32
          %add3A_722 = arith.addi %while3A_648, %add3A_721 : i32
          scf.yield %add3A_722 : i32
        }
        scf.yield %while3A_646 : i32
      }
      %add3A_601 = arith.constant 2 : i32
      %add3A_602 = arith.addi %while3A_526, %add3A_601 : i32
      %lt3A = arith.cmpi slt, %add3A_602, %add3A_12 : i32
      %convert_element_type3A_603 = arith.extui %lt3A : i1 to i32
      %cond3A = arith.constant 0 : i32
      %cond3A_604 = arith.cmpi ne, %convert_element_type3A_603, %cond3A : i32
      scf.if %cond3A_604 {
        %add3A_605 = arith.constant 2 : i32
        %add3A_606 = arith.addi %while3A_526, %add3A_605 : i32
        %mul3A_607 = arith.constant 256 : i32
        %mul3A_608 = arith.muli %add3A_606, %mul3A_607 : i32
        %add3A_609 = arith.addi %mul3A_2, %mul3A_608 : i32
        %dma_start3A_610 = arith.constant 0 : i32
        %dma_start3A_611 = arith.constant 0 : i32
        %dma_start3A_612 = tpu.memref_slice %arg12[%rem3A_528, %dma_start3A_610, %dma_start3A_611] : memref<2x64x256xf32, #tpu.memory_space<vmem>> -> memref<1x64x256xf32, #tpu.memory_space<vmem>>
        %dma_start3A_613 = tpu.memref_squeeze %dma_start3A_612 : memref<1x64x256xf32, #tpu.memory_space<vmem>> -> memref<64x256xf32, #tpu.memory_space<vmem>>
        %dma_start3A_614 = arith.constant 0 : i32
        %dma_start3A_615 = tpu.memref_slice %arg4[%dma_start3A_614, %add3A_609] : memref<64x1000000xf32, #tpu.memory_space<hbm>> -> memref<64x256xf32, #tpu.memory_space<hbm>>
        %dma_start3A_616 = arith.constant 0 : i32
        %dma_start3A_617 = arith.constant 0 : i32
        %dma_start3A_618 = tpu.memref_slice %arg12[%rem3A_528, %dma_start3A_616, %dma_start3A_617] : memref<2x64x256xf32, #tpu.memory_space<vmem>> -> memref<1x64x256xf32, #tpu.memory_space<vmem>>
        %dma_start3A_619 = tpu.memref_squeeze %dma_start3A_618 : memref<1x64x256xf32, #tpu.memory_space<vmem>> -> memref<64x256xf32, #tpu.memory_space<vmem>>
        %dma_start3A_620 = arith.constant 0 : i32
        %dma_start3A_621 = tpu.memref_slice %arg4[%dma_start3A_620, %add3A_609] : memref<64x1000000xf32, #tpu.memory_space<hbm>> -> memref<64x256xf32, #tpu.memory_space<hbm>>
        tpu.enqueue_dma source(%dma_start3A_621 : memref<64x256xf32, #tpu.memory_space<hbm>>) target(%dma_start3A_619 : memref<64x256xf32, #tpu.memory_space<vmem>>) target_semaphore(%arg29 : memref<!tpu.dma_semaphore, #tpu.memory_space<semaphore_mem>>)
        %dma_start3A_622 = arith.constant 0 : i32
        %dma_start3A_623 = arith.constant 0 : i32
        %dma_start3A_624 = tpu.memref_slice %arg13[%rem3A_528, %dma_start3A_622, %dma_start3A_623] : memref<2x64x256xf32, #tpu.memory_space<vmem>> -> memref<1x64x256xf32, #tpu.memory_space<vmem>>
        %dma_start3A_625 = tpu.memref_squeeze %dma_start3A_624 : memref<1x64x256xf32, #tpu.memory_space<vmem>> -> memref<64x256xf32, #tpu.memory_space<vmem>>
        %dma_start3A_626 = arith.constant 0 : i32
        %dma_start3A_627 = tpu.memref_slice %arg5[%dma_start3A_626, %add3A_609] : memref<64x1000000xf32, #tpu.memory_space<hbm>> -> memref<64x256xf32, #tpu.memory_space<hbm>>
        %dma_start3A_628 = arith.constant 0 : i32
        %dma_start3A_629 = arith.constant 0 : i32
        %dma_start3A_630 = tpu.memref_slice %arg13[%rem3A_528, %dma_start3A_628, %dma_start3A_629] : memref<2x64x256xf32, #tpu.memory_space<vmem>> -> memref<1x64x256xf32, #tpu.memory_space<vmem>>
        %dma_start3A_631 = tpu.memref_squeeze %dma_start3A_630 : memref<1x64x256xf32, #tpu.memory_space<vmem>> -> memref<64x256xf32, #tpu.memory_space<vmem>>
        %dma_start3A_632 = arith.constant 0 : i32
        %dma_start3A_633 = tpu.memref_slice %arg5[%dma_start3A_632, %add3A_609] : memref<64x1000000xf32, #tpu.memory_space<hbm>> -> memref<64x256xf32, #tpu.memory_space<hbm>>
        tpu.enqueue_dma source(%dma_start3A_633 : memref<64x256xf32, #tpu.memory_space<hbm>>) target(%dma_start3A_631 : memref<64x256xf32, #tpu.memory_space<vmem>>) target_semaphore(%arg30 : memref<!tpu.dma_semaphore, #tpu.memory_space<semaphore_mem>>)
      } else {
      }
      scf.yield %while3A_600 : i32
    }
    %scan3A_502 = arith.constant 0 : i32
    %scan3A_503 = arith.constant 32 : i32
    %scan3A_504 = arith.addi %scan3A_502, %scan3A_503 : i32
    %scan3A_505 = arith.constant 1 : i32
    %scan3A_506 = scf.for %scan3A_526 = %scan3A_502 to %scan3A_504 step %scan3A_505 iter_args(%scan3A_527 = %while3A_501) -> (i32)  : i32 {
      %mul3A_528 = arith.constant 512 : i32
      %mul3A_529 = arith.muli %add3A, %mul3A_528 : i32
      %mul3A_530 = arith.constant 16 : i32
      %mul3A_531 = arith.muli %scan3A_526, %mul3A_530 : i32
      %add3A_532 = arith.addi %mul3A_529, %mul3A_531 : i32
      %get3A = arith.index_cast %add3A_532 : i32 to index
      %get3A_533 = tpu.vector_load %arg10[%get3A] {strides = array<i32>} : memref<16384xi32, #tpu.memory_space<vmem>>, vector<16xi32>,
      %ge3A = arith.constant 999936 : i32
      %ge3A_534 = vector.broadcast %ge3A : i32 to vector<16xi32>
      %ge3A_535 = arith.cmpi sge, %get3A_533, %ge3A_534 : vector<16xi32>
      %all_reduce_population_count3A = tpu.all_reduce %ge3A_535 {dim = 0 : i64, kind = #tpu.reduction_kind<sum>} : vector<16xi1> -> vector<16xi32>
      %slice3A = vector.extract_strided_slice %all_reduce_population_count3A {offsets = [0], sizes = [1], strides = [1]} : vector<16xi32> to vector<1xi32>
      %squeeze3A = vector.extract %slice3A[0] : i32 from vector<1xi32>
      %sub3A = arith.constant 999936 : i32
      %sub3A_536 = vector.broadcast %sub3A : i32 to vector<16xi32>
      %sub3A_537 = arith.subi %get3A_533, %sub3A_536 : vector<16xi32>
      %mul3A_538 = arith.constant 64 : i32
      %mul3A_539 = vector.broadcast %mul3A_538 : i32 to vector<16xi32>
      %mul3A_540 = arith.muli %sub3A_537, %mul3A_539 : vector<16xi32>
      %swap3A_541 = arith.constant 0 : index
      %swap3A_542 = tpu.vector_load %arg24[%swap3A_541] masked %ge3A_535 {strides = array<i32>} : memref<32xi32, #tpu.memory_space<vmem>>, vector<16xi32>, vector<16xi1>
      tpu.vector_store %arg24[%swap3A_541], %mul3A_540 masked %ge3A_535 {strides = array<i32>} : memref<32xi32, #tpu.memory_space<vmem>>, vector<16xi32>, vector<16xi1>
      %add3A_543 = vector.broadcast %add3A_532 : i32 to vector<16xi32>
      %add3A_544 = arith.addi %add3A_543, %iota3A : vector<16xi32>
      %swap3A_545 = arith.constant 0 : index
      %swap3A_546 = tpu.vector_load %arg25[%swap3A_545] masked %ge3A_535 {strides = array<i32>} : memref<32xi32, #tpu.memory_space<vmem>>, vector<16xi32>, vector<16xi1>
      tpu.vector_store %arg25[%swap3A_545], %add3A_544 masked %ge3A_535 {strides = array<i32>} : memref<32xi32, #tpu.memory_space<vmem>>, vector<16xi32>, vector<16xi1>
      %while3A_547 = arith.constant 0 : i32
      %while3A_548 = arith.subi %squeeze3A, %while3A_547 : i32
      %while3A_549 = arith.addi %while3A_547, %while3A_548 : i32
      %while3A_550 = arith.constant 1 : i32
      %while3A_551 = arith.divsi %while3A_548, %while3A_550 : i32
      %while3A_552 = arith.muli %while3A_551, %while3A_550 : i32
      %while3A_553 = arith.addi %while3A_547, %while3A_552 : i32
      %while3A_554 = arith.constant 1 : i32
      %while3A_555 = scf.for %while3A_558 = %while3A_547 to %while3A_553 step %while3A_554 iter_args(%while3A_559 = %scan3A_527) -> (i32)  : i32 {
        %get3A_560 = arith.index_cast %while3A_558 : i32 to index
        %get3A_561 = tpu.vector_load %arg24[%get3A_560] {strides = array<i32>} : memref<32xi32, #tpu.memory_space<vmem>>, vector<16xi32>,
        %slice3A_562 = vector.extract_strided_slice %get3A_561 {offsets = [0], sizes = [1], strides = [1]} : vector<16xi32> to vector<1xi32>
        %squeeze3A_563 = vector.extract %slice3A_562[0] : i32 from vector<1xi32>
        %get3A_564 = arith.index_cast %while3A_558 : i32 to index
        %get3A_565 = tpu.vector_load %arg25[%get3A_564] {strides = array<i32>} : memref<32xi32, #tpu.memory_space<vmem>>, vector<16xi32>,
        %slice3A_566 = vector.extract_strided_slice %get3A_565 {offsets = [0], sizes = [1], strides = [1]} : vector<16xi32> to vector<1xi32>
        %squeeze3A_567 = vector.extract %slice3A_566[0] : i32 from vector<1xi32>
        %rem3A = arith.constant 64 : i32
        %rem3A_568 = arith.remsi %while3A_559, %rem3A : i32
        %ge3A_569 = arith.constant 64 : i32
        %ge3A_570 = arith.cmpi sge, %while3A_559, %ge3A_569 : i32
        %convert_element_type3A_571 = arith.extui %ge3A_570 : i1 to i32
        %cond3A = arith.constant 0 : i32
        %cond3A_572 = arith.cmpi ne, %convert_element_type3A_571, %cond3A : i32
        scf.if %cond3A_572 {
          %dma_wait3A = arith.constant 0 : i32
          %dma_wait3A_616 = arith.constant 0 : i32
          %dma_wait3A_617 = tpu.memref_slice %arg26[%dma_wait3A, %dma_wait3A_616] : memref<64x64xf32, #tpu.memory_space<vmem>> -> memref<1x64xf32, #tpu.memory_space<vmem>>
          %dma_wait3A_618 = tpu.memref_squeeze %dma_wait3A_617 : memref<1x64xf32, #tpu.memory_space<vmem>> -> memref<64xf32, #tpu.memory_space<vmem>>
          %dma_wait3A_619 = arith.constant 0 : i32
          %dma_wait3A_620 = tpu.memref_slice %arg8[%dma_wait3A_619] : memref<1048576xf32, #tpu.memory_space<hbm>> -> memref<64xf32, #tpu.memory_space<hbm>>
          %dma_wait3A_621 = arith.constant 0 : i32
          %dma_wait3A_622 = tpu.memref_slice %arg26[%dma_wait3A, %dma_wait3A_621] : memref<64x64xf32, #tpu.memory_space<vmem>> -> memref<1x64xf32, #tpu.memory_space<vmem>>
          %dma_wait3A_623 = tpu.memref_squeeze %dma_wait3A_622 : memref<1x64xf32, #tpu.memory_space<vmem>> -> memref<64xf32, #tpu.memory_space<vmem>>
          %dma_wait3A_624 = arith.constant 0 : i32
          %dma_wait3A_625 = tpu.memref_slice %arg8[%dma_wait3A_624] : memref<1048576xf32, #tpu.memory_space<hbm>> -> memref<64xf32, #tpu.memory_space<hbm>>
          tpu.wait_dma2 semaphore(%arg31 : memref<!tpu.dma_semaphore, #tpu.memory_space<semaphore_mem>>) src(%dma_wait3A_625 : memref<64xf32, #tpu.memory_space<hbm>>) dst(%dma_wait3A_623 : memref<64xf32, #tpu.memory_space<vmem>>)
        } else {
        }
        %add3A_573 = arith.constant 0 : i32
        %add3A_574 = arith.addi %squeeze3A_563, %add3A_573 : i32
        %add3A_575 = vector.broadcast %add3A_574 : i32 to vector<16xi32>
        %add3A_576 = arith.addi %add3A_575, %iota3A : vector<16xi32>
        %gather3A = tpu.vector_load_idx %arg27[%add3A_576] : memref<4096xf32, #tpu.memory_space<vmem>>[vector<16xi32>], vector<16xf32>,
        %swap3A_577 = arith.index_cast %rem3A_568 : i32 to index
        %swap3A_578 = arith.constant 0 : index
        %swap3A_579 = tpu.vector_load %arg26[%swap3A_577, %swap3A_578] {strides = array<i32>} : memref<64x64xf32, #tpu.memory_space<vmem>>, vector<16xf32>,
        tpu.vector_store %arg26[%swap3A_577, %swap3A_578], %gather3A {strides = array<i32>} : memref<64x64xf32, #tpu.memory_space<vmem>>, vector<16xf32>,
        %add3A_580 = arith.constant 16 : i32
        %add3A_581 = arith.addi %squeeze3A_563, %add3A_580 : i32
        %add3A_582 = vector.broadcast %add3A_581 : i32 to vector<16xi32>
        %add3A_583 = arith.addi %add3A_582, %iota3A : vector<16xi32>
        %gather3A_584 = tpu.vector_load_idx %arg27[%add3A_583] : memref<4096xf32, #tpu.memory_space<vmem>>[vector<16xi32>], vector<16xf32>,
        %swap3A_585 = arith.index_cast %rem3A_568 : i32 to index
        %swap3A_586 = arith.constant 16 : index
        %swap3A_587 = tpu.vector_load %arg26[%swap3A_585, %swap3A_586] {strides = array<i32>} : memref<64x64xf32, #tpu.memory_space<vmem>>, vector<16xf32>,
        tpu.vector_store %arg26[%swap3A_585, %swap3A_586], %gather3A_584 {strides = array<i32>} : memref<64x64xf32, #tpu.memory_space<vmem>>, vector<16xf32>,
        %add3A_588 = arith.constant 32 : i32
        %add3A_589 = arith.addi %squeeze3A_563, %add3A_588 : i32
        %add3A_590 = vector.broadcast %add3A_589 : i32 to vector<16xi32>
        %add3A_591 = arith.addi %add3A_590, %iota3A : vector<16xi32>
        %gather3A_592 = tpu.vector_load_idx %arg27[%add3A_591] : memref<4096xf32, #tpu.memory_space<vmem>>[vector<16xi32>], vector<16xf32>,
        %swap3A_593 = arith.index_cast %rem3A_568 : i32 to index
        %swap3A_594 = arith.constant 32 : index
        %swap3A_595 = tpu.vector_load %arg26[%swap3A_593, %swap3A_594] {strides = array<i32>} : memref<64x64xf32, #tpu.memory_space<vmem>>, vector<16xf32>,
        tpu.vector_store %arg26[%swap3A_593, %swap3A_594], %gather3A_592 {strides = array<i32>} : memref<64x64xf32, #tpu.memory_space<vmem>>, vector<16xf32>,
        %add3A_596 = arith.constant 48 : i32
        %add3A_597 = arith.addi %squeeze3A_563, %add3A_596 : i32
        %add3A_598 = vector.broadcast %add3A_597 : i32 to vector<16xi32>
        %add3A_599 = arith.addi %add3A_598, %iota3A : vector<16xi32>
        %gather3A_600 = tpu.vector_load_idx %arg27[%add3A_599] : memref<4096xf32, #tpu.memory_space<vmem>>[vector<16xi32>], vector<16xf32>,
        %swap3A_601 = arith.index_cast %rem3A_568 : i32 to index
        %swap3A_602 = arith.constant 48 : index
        %swap3A_603 = tpu.vector_load %arg26[%swap3A_601, %swap3A_602] {strides = array<i32>} : memref<64x64xf32, #tpu.memory_space<vmem>>, vector<16xf32>,
        tpu.vector_store %arg26[%swap3A_601, %swap3A_602], %gather3A_600 {strides = array<i32>} : memref<64x64xf32, #tpu.memory_space<vmem>>, vector<16xf32>,
        %mul3A_604 = arith.constant 64 : i32
        %mul3A_605 = arith.muli %squeeze3A_567, %mul3A_604 : i32
        %dma_start3A_606 = arith.constant 0 : i32
        %dma_start3A_607 = tpu.memref_slice %arg26[%rem3A_568, %dma_start3A_606] : memref<64x64xf32, #tpu.memory_space<vmem>> -> memref<1x64xf32, #tpu.memory_space<vmem>>
        %dma_start3A_608 = tpu.memref_squeeze %dma_start3A_607 : memref<1x64xf32, #tpu.memory_space<vmem>> -> memref<64xf32, #tpu.memory_space<vmem>>
        %dma_start3A_609 = tpu.memref_slice %arg8[%mul3A_605] : memref<1048576xf32, #tpu.memory_space<hbm>> -> memref<64xf32, #tpu.memory_space<hbm>>
        %dma_start3A_610 = tpu.memref_slice %arg8[%mul3A_605] : memref<1048576xf32, #tpu.memory_space<hbm>> -> memref<64xf32, #tpu.memory_space<hbm>>
        %dma_start3A_611 = arith.constant 0 : i32
        %dma_start3A_612 = tpu.memref_slice %arg26[%rem3A_568, %dma_start3A_611] : memref<64x64xf32, #tpu.memory_space<vmem>> -> memref<1x64xf32, #tpu.memory_space<vmem>>
        %dma_start3A_613 = tpu.memref_squeeze %dma_start3A_612 : memref<1x64xf32, #tpu.memory_space<vmem>> -> memref<64xf32, #tpu.memory_space<vmem>>
        tpu.enqueue_dma source(%dma_start3A_613 : memref<64xf32, #tpu.memory_space<vmem>>) target(%dma_start3A_610 : memref<64xf32, #tpu.memory_space<hbm>>) target_semaphore(%arg31 : memref<!tpu.dma_semaphore, #tpu.memory_space<semaphore_mem>>)
        %add3A_614 = arith.constant 1 : i32
        %add3A_615 = arith.addi %while3A_559, %add3A_614 : i32
        scf.yield %add3A_615 : i32
      }
      %while3A_556 = arith.constant 1 : i32
      %while3A_557 = scf.for %while3A_558 = %while3A_553 to %while3A_549 step %while3A_556 iter_args(%while3A_559 = %while3A_555) -> (i32)  : i32 {
        %get3A_560 = arith.index_cast %while3A_558 : i32 to index
        %get3A_561 = tpu.vector_load %arg24[%get3A_560] {strides = array<i32>} : memref<32xi32, #tpu.memory_space<vmem>>, vector<16xi32>,
        %slice3A_562 = vector.extract_strided_slice %get3A_561 {offsets = [0], sizes = [1], strides = [1]} : vector<16xi32> to vector<1xi32>
        %squeeze3A_563 = vector.extract %slice3A_562[0] : i32 from vector<1xi32>
        %get3A_564 = arith.index_cast %while3A_558 : i32 to index
        %get3A_565 = tpu.vector_load %arg25[%get3A_564] {strides = array<i32>} : memref<32xi32, #tpu.memory_space<vmem>>, vector<16xi32>,
        %slice3A_566 = vector.extract_strided_slice %get3A_565 {offsets = [0], sizes = [1], strides = [1]} : vector<16xi32> to vector<1xi32>
        %squeeze3A_567 = vector.extract %slice3A_566[0] : i32 from vector<1xi32>
        %rem3A = arith.constant 64 : i32
        %rem3A_568 = arith.remsi %while3A_559, %rem3A : i32
        %ge3A_569 = arith.constant 64 : i32
        %ge3A_570 = arith.cmpi sge, %while3A_559, %ge3A_569 : i32
        %convert_element_type3A_571 = arith.extui %ge3A_570 : i1 to i32
        %cond3A = arith.constant 0 : i32
        %cond3A_572 = arith.cmpi ne, %convert_element_type3A_571, %cond3A : i32
        scf.if %cond3A_572 {
          %dma_wait3A = arith.constant 0 : i32
          %dma_wait3A_616 = arith.constant 0 : i32
          %dma_wait3A_617 = tpu.memref_slice %arg26[%dma_wait3A, %dma_wait3A_616] : memref<64x64xf32, #tpu.memory_space<vmem>> -> memref<1x64xf32, #tpu.memory_space<vmem>>
          %dma_wait3A_618 = tpu.memref_squeeze %dma_wait3A_617 : memref<1x64xf32, #tpu.memory_space<vmem>> -> memref<64xf32, #tpu.memory_space<vmem>>
          %dma_wait3A_619 = arith.constant 0 : i32
          %dma_wait3A_620 = tpu.memref_slice %arg8[%dma_wait3A_619] : memref<1048576xf32, #tpu.memory_space<hbm>> -> memref<64xf32, #tpu.memory_space<hbm>>
          %dma_wait3A_621 = arith.constant 0 : i32
          %dma_wait3A_622 = tpu.memref_slice %arg26[%dma_wait3A, %dma_wait3A_621] : memref<64x64xf32, #tpu.memory_space<vmem>> -> memref<1x64xf32, #tpu.memory_space<vmem>>
          %dma_wait3A_623 = tpu.memref_squeeze %dma_wait3A_622 : memref<1x64xf32, #tpu.memory_space<vmem>> -> memref<64xf32, #tpu.memory_space<vmem>>
          %dma_wait3A_624 = arith.constant 0 : i32
          %dma_wait3A_625 = tpu.memref_slice %arg8[%dma_wait3A_624] : memref<1048576xf32, #tpu.memory_space<hbm>> -> memref<64xf32, #tpu.memory_space<hbm>>
          tpu.wait_dma2 semaphore(%arg31 : memref<!tpu.dma_semaphore, #tpu.memory_space<semaphore_mem>>) src(%dma_wait3A_625 : memref<64xf32, #tpu.memory_space<hbm>>) dst(%dma_wait3A_623 : memref<64xf32, #tpu.memory_space<vmem>>)
        } else {
        }
        %add3A_573 = arith.constant 0 : i32
        %add3A_574 = arith.addi %squeeze3A_563, %add3A_573 : i32
        %add3A_575 = vector.broadcast %add3A_574 : i32 to vector<16xi32>
        %add3A_576 = arith.addi %add3A_575, %iota3A : vector<16xi32>
        %gather3A = tpu.vector_load_idx %arg27[%add3A_576] : memref<4096xf32, #tpu.memory_space<vmem>>[vector<16xi32>], vector<16xf32>,
        %swap3A_577 = arith.index_cast %rem3A_568 : i32 to index
        %swap3A_578 = arith.constant 0 : index
        %swap3A_579 = tpu.vector_load %arg26[%swap3A_577, %swap3A_578] {strides = array<i32>} : memref<64x64xf32, #tpu.memory_space<vmem>>, vector<16xf32>,
        tpu.vector_store %arg26[%swap3A_577, %swap3A_578], %gather3A {strides = array<i32>} : memref<64x64xf32, #tpu.memory_space<vmem>>, vector<16xf32>,
        %add3A_580 = arith.constant 16 : i32
        %add3A_581 = arith.addi %squeeze3A_563, %add3A_580 : i32
        %add3A_582 = vector.broadcast %add3A_581 : i32 to vector<16xi32>
        %add3A_583 = arith.addi %add3A_582, %iota3A : vector<16xi32>
        %gather3A_584 = tpu.vector_load_idx %arg27[%add3A_583] : memref<4096xf32, #tpu.memory_space<vmem>>[vector<16xi32>], vector<16xf32>,
        %swap3A_585 = arith.index_cast %rem3A_568 : i32 to index
        %swap3A_586 = arith.constant 16 : index
        %swap3A_587 = tpu.vector_load %arg26[%swap3A_585, %swap3A_586] {strides = array<i32>} : memref<64x64xf32, #tpu.memory_space<vmem>>, vector<16xf32>,
        tpu.vector_store %arg26[%swap3A_585, %swap3A_586], %gather3A_584 {strides = array<i32>} : memref<64x64xf32, #tpu.memory_space<vmem>>, vector<16xf32>,
        %add3A_588 = arith.constant 32 : i32
        %add3A_589 = arith.addi %squeeze3A_563, %add3A_588 : i32
        %add3A_590 = vector.broadcast %add3A_589 : i32 to vector<16xi32>
        %add3A_591 = arith.addi %add3A_590, %iota3A : vector<16xi32>
        %gather3A_592 = tpu.vector_load_idx %arg27[%add3A_591] : memref<4096xf32, #tpu.memory_space<vmem>>[vector<16xi32>], vector<16xf32>,
        %swap3A_593 = arith.index_cast %rem3A_568 : i32 to index
        %swap3A_594 = arith.constant 32 : index
        %swap3A_595 = tpu.vector_load %arg26[%swap3A_593, %swap3A_594] {strides = array<i32>} : memref<64x64xf32, #tpu.memory_space<vmem>>, vector<16xf32>,
        tpu.vector_store %arg26[%swap3A_593, %swap3A_594], %gather3A_592 {strides = array<i32>} : memref<64x64xf32, #tpu.memory_space<vmem>>, vector<16xf32>,
        %add3A_596 = arith.constant 48 : i32
        %add3A_597 = arith.addi %squeeze3A_563, %add3A_596 : i32
        %add3A_598 = vector.broadcast %add3A_597 : i32 to vector<16xi32>
        %add3A_599 = arith.addi %add3A_598, %iota3A : vector<16xi32>
        %gather3A_600 = tpu.vector_load_idx %arg27[%add3A_599] : memref<4096xf32, #tpu.memory_space<vmem>>[vector<16xi32>], vector<16xf32>,
        %swap3A_601 = arith.index_cast %rem3A_568 : i32 to index
        %swap3A_602 = arith.constant 48 : index
        %swap3A_603 = tpu.vector_load %arg26[%swap3A_601, %swap3A_602] {strides = array<i32>} : memref<64x64xf32, #tpu.memory_space<vmem>>, vector<16xf32>,
        tpu.vector_store %arg26[%swap3A_601, %swap3A_602], %gather3A_600 {strides = array<i32>} : memref<64x64xf32, #tpu.memory_space<vmem>>, vector<16xf32>,
        %mul3A_604 = arith.constant 64 : i32
        %mul3A_605 = arith.muli %squeeze3A_567, %mul3A_604 : i32
        %dma_start3A_606 = arith.constant 0 : i32
        %dma_start3A_607 = tpu.memref_slice %arg26[%rem3A_568, %dma_start3A_606] : memref<64x64xf32, #tpu.memory_space<vmem>> -> memref<1x64xf32, #tpu.memory_space<vmem>>
        %dma_start3A_608 = tpu.memref_squeeze %dma_start3A_607 : memref<1x64xf32, #tpu.memory_space<vmem>> -> memref<64xf32, #tpu.memory_space<vmem>>
        %dma_start3A_609 = tpu.memref_slice %arg8[%mul3A_605] : memref<1048576xf32, #tpu.memory_space<hbm>> -> memref<64xf32, #tpu.memory_space<hbm>>
        %dma_start3A_610 = tpu.memref_slice %arg8[%mul3A_605] : memref<1048576xf32, #tpu.memory_space<hbm>> -> memref<64xf32, #tpu.memory_space<hbm>>
        %dma_start3A_611 = arith.constant 0 : i32
        %dma_start3A_612 = tpu.memref_slice %arg26[%rem3A_568, %dma_start3A_611] : memref<64x64xf32, #tpu.memory_space<vmem>> -> memref<1x64xf32, #tpu.memory_space<vmem>>
        %dma_start3A_613 = tpu.memref_squeeze %dma_start3A_612 : memref<1x64xf32, #tpu.memory_space<vmem>> -> memref<64xf32, #tpu.memory_space<vmem>>
        tpu.enqueue_dma source(%dma_start3A_613 : memref<64xf32, #tpu.memory_space<vmem>>) target(%dma_start3A_610 : memref<64xf32, #tpu.memory_space<hbm>>) target_semaphore(%arg31 : memref<!tpu.dma_semaphore, #tpu.memory_space<semaphore_mem>>)
        %add3A_614 = arith.constant 1 : i32
        %add3A_615 = arith.addi %while3A_559, %add3A_614 : i32
        scf.yield %add3A_615 : i32
      }
      scf.yield %while3A_557 : i32
    }
    %scan3A_507 = arith.constant 32 : i32
    %scan3A_508 = arith.constant 0 : i32
    %scan3A_509 = arith.constant 32 : i32
    %scan3A_510 = arith.addi %scan3A_508, %scan3A_509 : i32
    %scan3A_511 = arith.constant 1 : i32
    %scan3A_512 = scf.for %scan3A_526 = %scan3A_508 to %scan3A_510 step %scan3A_511 iter_args(%scan3A_527 = %scan3A_506) -> (i32)  : i32 {
      %mul3A_528 = arith.constant 512 : i32
      %mul3A_529 = arith.muli %add3A, %mul3A_528 : i32
      %mul3A_530 = arith.constant 16 : i32
      %mul3A_531 = arith.muli %scan3A_526, %mul3A_530 : i32
      %add3A_532 = arith.addi %mul3A_529, %mul3A_531 : i32
      %get3A = arith.index_cast %add3A_532 : i32 to index
      %get3A_533 = tpu.vector_load %arg11[%get3A] {strides = array<i32>} : memref<16384xi32, #tpu.memory_space<vmem>>, vector<16xi32>,
      %ge3A = arith.constant 999936 : i32
      %ge3A_534 = vector.broadcast %ge3A : i32 to vector<16xi32>
      %ge3A_535 = arith.cmpi sge, %get3A_533, %ge3A_534 : vector<16xi32>
      %all_reduce_population_count3A = tpu.all_reduce %ge3A_535 {dim = 0 : i64, kind = #tpu.reduction_kind<sum>} : vector<16xi1> -> vector<16xi32>
      %slice3A = vector.extract_strided_slice %all_reduce_population_count3A {offsets = [0], sizes = [1], strides = [1]} : vector<16xi32> to vector<1xi32>
      %squeeze3A = vector.extract %slice3A[0] : i32 from vector<1xi32>
      %sub3A = arith.constant 999936 : i32
      %sub3A_536 = vector.broadcast %sub3A : i32 to vector<16xi32>
      %sub3A_537 = arith.subi %get3A_533, %sub3A_536 : vector<16xi32>
      %mul3A_538 = arith.constant 64 : i32
      %mul3A_539 = vector.broadcast %mul3A_538 : i32 to vector<16xi32>
      %mul3A_540 = arith.muli %sub3A_537, %mul3A_539 : vector<16xi32>
      %swap3A_541 = arith.constant 0 : index
      %swap3A_542 = tpu.vector_load %arg24[%swap3A_541] masked %ge3A_535 {strides = array<i32>} : memref<32xi32, #tpu.memory_space<vmem>>, vector<16xi32>, vector<16xi1>
      tpu.vector_store %arg24[%swap3A_541], %mul3A_540 masked %ge3A_535 {strides = array<i32>} : memref<32xi32, #tpu.memory_space<vmem>>, vector<16xi32>, vector<16xi1>
      %add3A_543 = vector.broadcast %add3A_532 : i32 to vector<16xi32>
      %add3A_544 = arith.addi %add3A_543, %iota3A : vector<16xi32>
      %swap3A_545 = arith.constant 0 : index
      %swap3A_546 = tpu.vector_load %arg25[%swap3A_545] masked %ge3A_535 {strides = array<i32>} : memref<32xi32, #tpu.memory_space<vmem>>, vector<16xi32>, vector<16xi1>
      tpu.vector_store %arg25[%swap3A_545], %add3A_544 masked %ge3A_535 {strides = array<i32>} : memref<32xi32, #tpu.memory_space<vmem>>, vector<16xi32>, vector<16xi1>
      %while3A_547 = arith.constant 0 : i32
      %while3A_548 = arith.subi %squeeze3A, %while3A_547 : i32
      %while3A_549 = arith.addi %while3A_547, %while3A_548 : i32
      %while3A_550 = arith.constant 1 : i32
      %while3A_551 = arith.divsi %while3A_548, %while3A_550 : i32
      %while3A_552 = arith.muli %while3A_551, %while3A_550 : i32
      %while3A_553 = arith.addi %while3A_547, %while3A_552 : i32
      %while3A_554 = arith.constant 1 : i32
      %while3A_555 = scf.for %while3A_558 = %while3A_547 to %while3A_553 step %while3A_554 iter_args(%while3A_559 = %scan3A_527) -> (i32)  : i32 {
        %get3A_560 = arith.index_cast %while3A_558 : i32 to index
        %get3A_561 = tpu.vector_load %arg24[%get3A_560] {strides = array<i32>} : memref<32xi32, #tpu.memory_space<vmem>>, vector<16xi32>,
        %slice3A_562 = vector.extract_strided_slice %get3A_561 {offsets = [0], sizes = [1], strides = [1]} : vector<16xi32> to vector<1xi32>
        %squeeze3A_563 = vector.extract %slice3A_562[0] : i32 from vector<1xi32>
        %get3A_564 = arith.index_cast %while3A_558 : i32 to index
        %get3A_565 = tpu.vector_load %arg25[%get3A_564] {strides = array<i32>} : memref<32xi32, #tpu.memory_space<vmem>>, vector<16xi32>,
        %slice3A_566 = vector.extract_strided_slice %get3A_565 {offsets = [0], sizes = [1], strides = [1]} : vector<16xi32> to vector<1xi32>
        %squeeze3A_567 = vector.extract %slice3A_566[0] : i32 from vector<1xi32>
        %rem3A = arith.constant 64 : i32
        %rem3A_568 = arith.remsi %while3A_559, %rem3A : i32
        %ge3A_569 = arith.constant 64 : i32
        %ge3A_570 = arith.cmpi sge, %while3A_559, %ge3A_569 : i32
        %convert_element_type3A_571 = arith.extui %ge3A_570 : i1 to i32
        %cond3A = arith.constant 0 : i32
        %cond3A_572 = arith.cmpi ne, %convert_element_type3A_571, %cond3A : i32
        scf.if %cond3A_572 {
          %dma_wait3A = arith.constant 0 : i32
          %dma_wait3A_616 = arith.constant 0 : i32
          %dma_wait3A_617 = tpu.memref_slice %arg26[%dma_wait3A, %dma_wait3A_616] : memref<64x64xf32, #tpu.memory_space<vmem>> -> memref<1x64xf32, #tpu.memory_space<vmem>>
          %dma_wait3A_618 = tpu.memref_squeeze %dma_wait3A_617 : memref<1x64xf32, #tpu.memory_space<vmem>> -> memref<64xf32, #tpu.memory_space<vmem>>
          %dma_wait3A_619 = arith.constant 0 : i32
          %dma_wait3A_620 = tpu.memref_slice %arg9[%dma_wait3A_619] : memref<1048576xf32, #tpu.memory_space<hbm>> -> memref<64xf32, #tpu.memory_space<hbm>>
          %dma_wait3A_621 = arith.constant 0 : i32
          %dma_wait3A_622 = tpu.memref_slice %arg26[%dma_wait3A, %dma_wait3A_621] : memref<64x64xf32, #tpu.memory_space<vmem>> -> memref<1x64xf32, #tpu.memory_space<vmem>>
          %dma_wait3A_623 = tpu.memref_squeeze %dma_wait3A_622 : memref<1x64xf32, #tpu.memory_space<vmem>> -> memref<64xf32, #tpu.memory_space<vmem>>
          %dma_wait3A_624 = arith.constant 0 : i32
          %dma_wait3A_625 = tpu.memref_slice %arg9[%dma_wait3A_624] : memref<1048576xf32, #tpu.memory_space<hbm>> -> memref<64xf32, #tpu.memory_space<hbm>>
          tpu.wait_dma2 semaphore(%arg31 : memref<!tpu.dma_semaphore, #tpu.memory_space<semaphore_mem>>) src(%dma_wait3A_625 : memref<64xf32, #tpu.memory_space<hbm>>) dst(%dma_wait3A_623 : memref<64xf32, #tpu.memory_space<vmem>>)
        } else {
        }
        %add3A_573 = arith.constant 0 : i32
        %add3A_574 = arith.addi %squeeze3A_563, %add3A_573 : i32
        %add3A_575 = vector.broadcast %add3A_574 : i32 to vector<16xi32>
        %add3A_576 = arith.addi %add3A_575, %iota3A : vector<16xi32>
        %gather3A = tpu.vector_load_idx %arg28[%add3A_576] : memref<4096xf32, #tpu.memory_space<vmem>>[vector<16xi32>], vector<16xf32>,
        %swap3A_577 = arith.index_cast %rem3A_568 : i32 to index
        %swap3A_578 = arith.constant 0 : index
        %swap3A_579 = tpu.vector_load %arg26[%swap3A_577, %swap3A_578] {strides = array<i32>} : memref<64x64xf32, #tpu.memory_space<vmem>>, vector<16xf32>,
        tpu.vector_store %arg26[%swap3A_577, %swap3A_578], %gather3A {strides = array<i32>} : memref<64x64xf32, #tpu.memory_space<vmem>>, vector<16xf32>,
        %add3A_580 = arith.constant 16 : i32
        %add3A_581 = arith.addi %squeeze3A_563, %add3A_580 : i32
        %add3A_582 = vector.broadcast %add3A_581 : i32 to vector<16xi32>
        %add3A_583 = arith.addi %add3A_582, %iota3A : vector<16xi32>
        %gather3A_584 = tpu.vector_load_idx %arg28[%add3A_583] : memref<4096xf32, #tpu.memory_space<vmem>>[vector<16xi32>], vector<16xf32>,
        %swap3A_585 = arith.index_cast %rem3A_568 : i32 to index
        %swap3A_586 = arith.constant 16 : index
        %swap3A_587 = tpu.vector_load %arg26[%swap3A_585, %swap3A_586] {strides = array<i32>} : memref<64x64xf32, #tpu.memory_space<vmem>>, vector<16xf32>,
        tpu.vector_store %arg26[%swap3A_585, %swap3A_586], %gather3A_584 {strides = array<i32>} : memref<64x64xf32, #tpu.memory_space<vmem>>, vector<16xf32>,
        %add3A_588 = arith.constant 32 : i32
        %add3A_589 = arith.addi %squeeze3A_563, %add3A_588 : i32
        %add3A_590 = vector.broadcast %add3A_589 : i32 to vector<16xi32>
        %add3A_591 = arith.addi %add3A_590, %iota3A : vector<16xi32>
        %gather3A_592 = tpu.vector_load_idx %arg28[%add3A_591] : memref<4096xf32, #tpu.memory_space<vmem>>[vector<16xi32>], vector<16xf32>,
        %swap3A_593 = arith.index_cast %rem3A_568 : i32 to index
        %swap3A_594 = arith.constant 32 : index
        %swap3A_595 = tpu.vector_load %arg26[%swap3A_593, %swap3A_594] {strides = array<i32>} : memref<64x64xf32, #tpu.memory_space<vmem>>, vector<16xf32>,
        tpu.vector_store %arg26[%swap3A_593, %swap3A_594], %gather3A_592 {strides = array<i32>} : memref<64x64xf32, #tpu.memory_space<vmem>>, vector<16xf32>,
        %add3A_596 = arith.constant 48 : i32
        %add3A_597 = arith.addi %squeeze3A_563, %add3A_596 : i32
        %add3A_598 = vector.broadcast %add3A_597 : i32 to vector<16xi32>
        %add3A_599 = arith.addi %add3A_598, %iota3A : vector<16xi32>
        %gather3A_600 = tpu.vector_load_idx %arg28[%add3A_599] : memref<4096xf32, #tpu.memory_space<vmem>>[vector<16xi32>], vector<16xf32>,
        %swap3A_601 = arith.index_cast %rem3A_568 : i32 to index
        %swap3A_602 = arith.constant 48 : index
        %swap3A_603 = tpu.vector_load %arg26[%swap3A_601, %swap3A_602] {strides = array<i32>} : memref<64x64xf32, #tpu.memory_space<vmem>>, vector<16xf32>,
        tpu.vector_store %arg26[%swap3A_601, %swap3A_602], %gather3A_600 {strides = array<i32>} : memref<64x64xf32, #tpu.memory_space<vmem>>, vector<16xf32>,
        %mul3A_604 = arith.constant 64 : i32
        %mul3A_605 = arith.muli %squeeze3A_567, %mul3A_604 : i32
        %dma_start3A_606 = arith.constant 0 : i32
        %dma_start3A_607 = tpu.memref_slice %arg26[%rem3A_568, %dma_start3A_606] : memref<64x64xf32, #tpu.memory_space<vmem>> -> memref<1x64xf32, #tpu.memory_space<vmem>>
        %dma_start3A_608 = tpu.memref_squeeze %dma_start3A_607 : memref<1x64xf32, #tpu.memory_space<vmem>> -> memref<64xf32, #tpu.memory_space<vmem>>
        %dma_start3A_609 = tpu.memref_slice %arg9[%mul3A_605] : memref<1048576xf32, #tpu.memory_space<hbm>> -> memref<64xf32, #tpu.memory_space<hbm>>
        %dma_start3A_610 = tpu.memref_slice %arg9[%mul3A_605] : memref<1048576xf32, #tpu.memory_space<hbm>> -> memref<64xf32, #tpu.memory_space<hbm>>
        %dma_start3A_611 = arith.constant 0 : i32
        %dma_start3A_612 = tpu.memref_slice %arg26[%rem3A_568, %dma_start3A_611] : memref<64x64xf32, #tpu.memory_space<vmem>> -> memref<1x64xf32, #tpu.memory_space<vmem>>
        %dma_start3A_613 = tpu.memref_squeeze %dma_start3A_612 : memref<1x64xf32, #tpu.memory_space<vmem>> -> memref<64xf32, #tpu.memory_space<vmem>>
        tpu.enqueue_dma source(%dma_start3A_613 : memref<64xf32, #tpu.memory_space<vmem>>) target(%dma_start3A_610 : memref<64xf32, #tpu.memory_space<hbm>>) target_semaphore(%arg31 : memref<!tpu.dma_semaphore, #tpu.memory_space<semaphore_mem>>)
        %add3A_614 = arith.constant 1 : i32
        %add3A_615 = arith.addi %while3A_559, %add3A_614 : i32
        scf.yield %add3A_615 : i32
      }
      %while3A_556 = arith.constant 1 : i32
      %while3A_557 = scf.for %while3A_558 = %while3A_553 to %while3A_549 step %while3A_556 iter_args(%while3A_559 = %while3A_555) -> (i32)  : i32 {
        %get3A_560 = arith.index_cast %while3A_558 : i32 to index
        %get3A_561 = tpu.vector_load %arg24[%get3A_560] {strides = array<i32>} : memref<32xi32, #tpu.memory_space<vmem>>, vector<16xi32>,
        %slice3A_562 = vector.extract_strided_slice %get3A_561 {offsets = [0], sizes = [1], strides = [1]} : vector<16xi32> to vector<1xi32>
        %squeeze3A_563 = vector.extract %slice3A_562[0] : i32 from vector<1xi32>
        %get3A_564 = arith.index_cast %while3A_558 : i32 to index
        %get3A_565 = tpu.vector_load %arg25[%get3A_564] {strides = array<i32>} : memref<32xi32, #tpu.memory_space<vmem>>, vector<16xi32>,
        %slice3A_566 = vector.extract_strided_slice %get3A_565 {offsets = [0], sizes = [1], strides = [1]} : vector<16xi32> to vector<1xi32>
        %squeeze3A_567 = vector.extract %slice3A_566[0] : i32 from vector<1xi32>
        %rem3A = arith.constant 64 : i32
        %rem3A_568 = arith.remsi %while3A_559, %rem3A : i32
        %ge3A_569 = arith.constant 64 : i32
        %ge3A_570 = arith.cmpi sge, %while3A_559, %ge3A_569 : i32
        %convert_element_type3A_571 = arith.extui %ge3A_570 : i1 to i32
        %cond3A = arith.constant 0 : i32
        %cond3A_572 = arith.cmpi ne, %convert_element_type3A_571, %cond3A : i32
        scf.if %cond3A_572 {
          %dma_wait3A = arith.constant 0 : i32
          %dma_wait3A_616 = arith.constant 0 : i32
          %dma_wait3A_617 = tpu.memref_slice %arg26[%dma_wait3A, %dma_wait3A_616] : memref<64x64xf32, #tpu.memory_space<vmem>> -> memref<1x64xf32, #tpu.memory_space<vmem>>
          %dma_wait3A_618 = tpu.memref_squeeze %dma_wait3A_617 : memref<1x64xf32, #tpu.memory_space<vmem>> -> memref<64xf32, #tpu.memory_space<vmem>>
          %dma_wait3A_619 = arith.constant 0 : i32
          %dma_wait3A_620 = tpu.memref_slice %arg9[%dma_wait3A_619] : memref<1048576xf32, #tpu.memory_space<hbm>> -> memref<64xf32, #tpu.memory_space<hbm>>
          %dma_wait3A_621 = arith.constant 0 : i32
          %dma_wait3A_622 = tpu.memref_slice %arg26[%dma_wait3A, %dma_wait3A_621] : memref<64x64xf32, #tpu.memory_space<vmem>> -> memref<1x64xf32, #tpu.memory_space<vmem>>
          %dma_wait3A_623 = tpu.memref_squeeze %dma_wait3A_622 : memref<1x64xf32, #tpu.memory_space<vmem>> -> memref<64xf32, #tpu.memory_space<vmem>>
          %dma_wait3A_624 = arith.constant 0 : i32
          %dma_wait3A_625 = tpu.memref_slice %arg9[%dma_wait3A_624] : memref<1048576xf32, #tpu.memory_space<hbm>> -> memref<64xf32, #tpu.memory_space<hbm>>
          tpu.wait_dma2 semaphore(%arg31 : memref<!tpu.dma_semaphore, #tpu.memory_space<semaphore_mem>>) src(%dma_wait3A_625 : memref<64xf32, #tpu.memory_space<hbm>>) dst(%dma_wait3A_623 : memref<64xf32, #tpu.memory_space<vmem>>)
        } else {
        }
        %add3A_573 = arith.constant 0 : i32
        %add3A_574 = arith.addi %squeeze3A_563, %add3A_573 : i32
        %add3A_575 = vector.broadcast %add3A_574 : i32 to vector<16xi32>
        %add3A_576 = arith.addi %add3A_575, %iota3A : vector<16xi32>
        %gather3A = tpu.vector_load_idx %arg28[%add3A_576] : memref<4096xf32, #tpu.memory_space<vmem>>[vector<16xi32>], vector<16xf32>,
        %swap3A_577 = arith.index_cast %rem3A_568 : i32 to index
        %swap3A_578 = arith.constant 0 : index
        %swap3A_579 = tpu.vector_load %arg26[%swap3A_577, %swap3A_578] {strides = array<i32>} : memref<64x64xf32, #tpu.memory_space<vmem>>, vector<16xf32>,
        tpu.vector_store %arg26[%swap3A_577, %swap3A_578], %gather3A {strides = array<i32>} : memref<64x64xf32, #tpu.memory_space<vmem>>, vector<16xf32>,
        %add3A_580 = arith.constant 16 : i32
        %add3A_581 = arith.addi %squeeze3A_563, %add3A_580 : i32
        %add3A_582 = vector.broadcast %add3A_581 : i32 to vector<16xi32>
        %add3A_583 = arith.addi %add3A_582, %iota3A : vector<16xi32>
        %gather3A_584 = tpu.vector_load_idx %arg28[%add3A_583] : memref<4096xf32, #tpu.memory_space<vmem>>[vector<16xi32>], vector<16xf32>,
        %swap3A_585 = arith.index_cast %rem3A_568 : i32 to index
        %swap3A_586 = arith.constant 16 : index
        %swap3A_587 = tpu.vector_load %arg26[%swap3A_585, %swap3A_586] {strides = array<i32>} : memref<64x64xf32, #tpu.memory_space<vmem>>, vector<16xf32>,
        tpu.vector_store %arg26[%swap3A_585, %swap3A_586], %gather3A_584 {strides = array<i32>} : memref<64x64xf32, #tpu.memory_space<vmem>>, vector<16xf32>,
        %add3A_588 = arith.constant 32 : i32
        %add3A_589 = arith.addi %squeeze3A_563, %add3A_588 : i32
        %add3A_590 = vector.broadcast %add3A_589 : i32 to vector<16xi32>
        %add3A_591 = arith.addi %add3A_590, %iota3A : vector<16xi32>
        %gather3A_592 = tpu.vector_load_idx %arg28[%add3A_591] : memref<4096xf32, #tpu.memory_space<vmem>>[vector<16xi32>], vector<16xf32>,
        %swap3A_593 = arith.index_cast %rem3A_568 : i32 to index
        %swap3A_594 = arith.constant 32 : index
        %swap3A_595 = tpu.vector_load %arg26[%swap3A_593, %swap3A_594] {strides = array<i32>} : memref<64x64xf32, #tpu.memory_space<vmem>>, vector<16xf32>,
        tpu.vector_store %arg26[%swap3A_593, %swap3A_594], %gather3A_592 {strides = array<i32>} : memref<64x64xf32, #tpu.memory_space<vmem>>, vector<16xf32>,
        %add3A_596 = arith.constant 48 : i32
        %add3A_597 = arith.addi %squeeze3A_563, %add3A_596 : i32
        %add3A_598 = vector.broadcast %add3A_597 : i32 to vector<16xi32>
        %add3A_599 = arith.addi %add3A_598, %iota3A : vector<16xi32>
        %gather3A_600 = tpu.vector_load_idx %arg28[%add3A_599] : memref<4096xf32, #tpu.memory_space<vmem>>[vector<16xi32>], vector<16xf32>,
        %swap3A_601 = arith.index_cast %rem3A_568 : i32 to index
        %swap3A_602 = arith.constant 48 : index
        %swap3A_603 = tpu.vector_load %arg26[%swap3A_601, %swap3A_602] {strides = array<i32>} : memref<64x64xf32, #tpu.memory_space<vmem>>, vector<16xf32>,
        tpu.vector_store %arg26[%swap3A_601, %swap3A_602], %gather3A_600 {strides = array<i32>} : memref<64x64xf32, #tpu.memory_space<vmem>>, vector<16xf32>,
        %mul3A_604 = arith.constant 64 : i32
        %mul3A_605 = arith.muli %squeeze3A_567, %mul3A_604 : i32
        %dma_start3A_606 = arith.constant 0 : i32
        %dma_start3A_607 = tpu.memref_slice %arg26[%rem3A_568, %dma_start3A_606] : memref<64x64xf32, #tpu.memory_space<vmem>> -> memref<1x64xf32, #tpu.memory_space<vmem>>
        %dma_start3A_608 = tpu.memref_squeeze %dma_start3A_607 : memref<1x64xf32, #tpu.memory_space<vmem>> -> memref<64xf32, #tpu.memory_space<vmem>>
        %dma_start3A_609 = tpu.memref_slice %arg9[%mul3A_605] : memref<1048576xf32, #tpu.memory_space<hbm>> -> memref<64xf32, #tpu.memory_space<hbm>>
        %dma_start3A_610 = tpu.memref_slice %arg9[%mul3A_605] : memref<1048576xf32, #tpu.memory_space<hbm>> -> memref<64xf32, #tpu.memory_space<hbm>>
        %dma_start3A_611 = arith.constant 0 : i32
        %dma_start3A_612 = tpu.memref_slice %arg26[%rem3A_568, %dma_start3A_611] : memref<64x64xf32, #tpu.memory_space<vmem>> -> memref<1x64xf32, #tpu.memory_space<vmem>>
        %dma_start3A_613 = tpu.memref_squeeze %dma_start3A_612 : memref<1x64xf32, #tpu.memory_space<vmem>> -> memref<64xf32, #tpu.memory_space<vmem>>
        tpu.enqueue_dma source(%dma_start3A_613 : memref<64xf32, #tpu.memory_space<vmem>>) target(%dma_start3A_610 : memref<64xf32, #tpu.memory_space<hbm>>) target_semaphore(%arg31 : memref<!tpu.dma_semaphore, #tpu.memory_space<semaphore_mem>>)
        %add3A_614 = arith.constant 1 : i32
        %add3A_615 = arith.addi %while3A_559, %add3A_614 : i32
        scf.yield %add3A_615 : i32
      }
      scf.yield %while3A_557 : i32
    }
    %scan3A_513 = arith.constant 32 : i32
    %min3A_514 = arith.constant 64 : i32
    %min3A_515 = arith.minsi %scan3A_512, %min3A_514 : i32
    %while3A_516 = arith.constant 0 : i32
    %while3A_517 = arith.constant 0 : i32
    %while3A_518 = arith.subi %min3A_515, %while3A_517 : i32
    %while3A_519 = arith.addi %while3A_517, %while3A_518 : i32
    %while3A_520 = arith.constant 1 : i32
    %while3A_521 = arith.divsi %while3A_518, %while3A_520 : i32
    %while3A_522 = arith.muli %while3A_521, %while3A_520 : i32
    %while3A_523 = arith.addi %while3A_517, %while3A_522 : i32
    %while3A_524 = arith.constant 1 : i32
    scf.for %while3A_526 = %while3A_517 to %while3A_523 step %while3A_524  : i32 {
      %dma_wait3A = arith.constant 0 : i32
      %dma_wait3A_527 = arith.constant 0 : i32
      %dma_wait3A_528 = tpu.memref_slice %arg26[%dma_wait3A, %dma_wait3A_527] : memref<64x64xf32, #tpu.memory_space<vmem>> -> memref<1x64xf32, #tpu.memory_space<vmem>>
      %dma_wait3A_529 = tpu.memref_squeeze %dma_wait3A_528 : memref<1x64xf32, #tpu.memory_space<vmem>> -> memref<64xf32, #tpu.memory_space<vmem>>
      %dma_wait3A_530 = arith.constant 0 : i32
      %dma_wait3A_531 = tpu.memref_slice %arg8[%dma_wait3A_530] : memref<1048576xf32, #tpu.memory_space<hbm>> -> memref<64xf32, #tpu.memory_space<hbm>>
      %dma_wait3A_532 = arith.constant 0 : i32
      %dma_wait3A_533 = tpu.memref_slice %arg26[%dma_wait3A, %dma_wait3A_532] : memref<64x64xf32, #tpu.memory_space<vmem>> -> memref<1x64xf32, #tpu.memory_space<vmem>>
      %dma_wait3A_534 = tpu.memref_squeeze %dma_wait3A_533 : memref<1x64xf32, #tpu.memory_space<vmem>> -> memref<64xf32, #tpu.memory_space<vmem>>
      %dma_wait3A_535 = arith.constant 0 : i32
      %dma_wait3A_536 = tpu.memref_slice %arg8[%dma_wait3A_535] : memref<1048576xf32, #tpu.memory_space<hbm>> -> memref<64xf32, #tpu.memory_space<hbm>>
      tpu.wait_dma2 semaphore(%arg31 : memref<!tpu.dma_semaphore, #tpu.memory_space<semaphore_mem>>) src(%dma_wait3A_536 : memref<64xf32, #tpu.memory_space<hbm>>) dst(%dma_wait3A_534 : memref<64xf32, #tpu.memory_space<vmem>>)
    }
    %while3A_525 = arith.constant 1 : i32
    scf.for %while3A_526 = %while3A_523 to %while3A_519 step %while3A_525  : i32 {
      %dma_wait3A = arith.constant 0 : i32
      %dma_wait3A_527 = arith.constant 0 : i32
      %dma_wait3A_528 = tpu.memref_slice %arg26[%dma_wait3A, %dma_wait3A_527] : memref<64x64xf32, #tpu.memory_space<vmem>> -> memref<1x64xf32, #tpu.memory_space<vmem>>
      %dma_wait3A_529 = tpu.memref_squeeze %dma_wait3A_528 : memref<1x64xf32, #tpu.memory_space<vmem>> -> memref<64xf32, #tpu.memory_space<vmem>>
      %dma_wait3A_530 = arith.constant 0 : i32
      %dma_wait3A_531 = tpu.memref_slice %arg8[%dma_wait3A_530] : memref<1048576xf32, #tpu.memory_space<hbm>> -> memref<64xf32, #tpu.memory_space<hbm>>
      %dma_wait3A_532 = arith.constant 0 : i32
      %dma_wait3A_533 = tpu.memref_slice %arg26[%dma_wait3A, %dma_wait3A_532] : memref<64x64xf32, #tpu.memory_space<vmem>> -> memref<1x64xf32, #tpu.memory_space<vmem>>
      %dma_wait3A_534 = tpu.memref_squeeze %dma_wait3A_533 : memref<1x64xf32, #tpu.memory_space<vmem>> -> memref<64xf32, #tpu.memory_space<vmem>>
      %dma_wait3A_535 = arith.constant 0 : i32
      %dma_wait3A_536 = tpu.memref_slice %arg8[%dma_wait3A_535] : memref<1048576xf32, #tpu.memory_space<hbm>> -> memref<64xf32, #tpu.memory_space<hbm>>
      tpu.wait_dma2 semaphore(%arg31 : memref<!tpu.dma_semaphore, #tpu.memory_space<semaphore_mem>>) src(%dma_wait3A_536 : memref<64xf32, #tpu.memory_space<hbm>>) dst(%dma_wait3A_534 : memref<64xf32, #tpu.memory_space<vmem>>)
    }
    return
  }
}

</mosaic_0001>

<sc_bundles>
// kernel: kernel.3.cloned.1.call-start
scs
__scs_entry_jumppad:
0x0: {  	(pc) =	sbr.rel $0x88, $3  }
0x1: {  	(tag) =	ssettag $0x0;
	lr =	simm.s32 $0x1  }
0x2: {  	[smem:$0x3F9D] =	sst lr;
	_ =	strace $0xD0000000  }
0x3: {  	_ = 	snop  }
0x4: {  	_ = 	snop  }
0x5: {  	_ = 	snop  }
0x6: {  	_ = 	snop  }
0x7: {  	_ = 	snop  }
__scs_overlays_trampoline_lowered:
0x8: {  	[smem:$0x3FAC] =	sst s0  }
0x9: {  	[smem:$0x3FAD] =	sst s1  }
0xa: {  	[smem:$0x3FAE] =	sst s2  }
0xb: {  	[smem:$0x3FAF] =	sst s3  }
0xc: {  	[smem:$0x3FB0] =	sst s4  }
0xd: {  	[smem:$0x3FB1] =	sst s5  }
0xe: {  	[smem:$0x3FB2] =	sst s6  }
0xf: {  	[smem:$0x3FB3] =	sst s7  }
0x10: {  	[smem:$0x3FB4] =	sst s8  }
0x11: {  	[smem:$0x3FB5] =	sst s9;
	s0 =	simm.s32 @!p0 $0x0  }
0x12: {  	s1 =	sld [smem:$0x3F9B];
	s0 =	simm.s32 @p0 $0x1  }
0x13: {  	[smem:$0x3FB6] =	sst s0;
	s0 =	simm.s32 @!p1 $0x0  }
0x14: {  	s2 =	sld [smem:$0x3F9A];
	s0 =	simm.s32 @p1 $0x1  }
0x15: {  	[smem:$0x3FB7] =	sst s0;
	s0 =	simm.s32 @!p2 $0x0  }
0x16: {  	s3 =	sld [smem:$0x3FDB];
	s0 =	simm.s32 @p2 $0x1  }
0x17: {  	s4 =	simm.s32 $0x1BF5;
	[smem:$0x3FB9] =	sst s0  }
0x18: {  	s0 =	sld [smem:$0x3F9C];
	_ =	swait.ge [sflag:s4], $0x0  }
0x19: {  	s7 =	sld [smem:$0x3F9D]  }
0x1a: {  	s8 =	sadd.s32 $0xFFFFE003, lr  }
0x1b: {  	s9 =	sadd.s32 $0xFFFFFEF7, lr;
	s5 =	simm.s32 $0xFFFFFFFF;
	p2 =	slt.u32 s8, $0xFFFFF086  }
0x1c: {  	p1 =	slt.u32 s9, $0xF7A;
	s5 =	simm.s32 @!p2 $0x0  }
0x1d: {  	s5 =	simm.s32 @p1 $0x1;
	p0 =	seq.s32 s7, s2  }
0x1e: {  	s7 =	smul.u32 @!p0 $0xF7A, s2;
	p2 =	seq.s32 @!p0 s5, $0x0  }
0x1f: {  	s9 =	smul.u32 $0xF7A, s1;
	s8 =	simm.s32 @!p0 $0x1BF5;
	p2 =	por !p2, p0  }
0x20: {  	[sflag:s8] =	ssyncset.s32 @!p0 $0xFFFFF086;
	s6 =	sadd.s32 @!p0 s3, s7;
	s7 =	simm.s32 @!p0 $0x108  }
0x21: {  	s3 =	sadd.s32 s3, s9;
	s6 =	sadd.s32 @!p0 $0x88, s6;
	s7 =	simm.s32 @p2 $0x1082  }
0x22: {  	[simem:s7], [sflag:s8] =	dma.local @!p0 [hbm:s6], $0xF7A  }
0x23: {  	s9 =	sor.u32 $0xD0000000, s2;
	s6 =	simm.s32 $0x108;
	_ =	swait.ge @!p0 [sflag:s8], $0x0  }
0x24: {  	s3 =	sadd.s32 $0x88, s3;
	s6 =	simm.s32 @!p1 $0x1082;
	[sflag:s4] =	ssyncset.s32 $0xFFFFF086  }
0x25: {  	[simem:s6], [sflag:s4] =	dma.local [hbm:s3], $0xF7A  }
0x26: {  	[smem:$0x3F9D] =	sst s1;
	(tag) =	ssettag s2;
	_ =	strace s9  }
0x27: {  	s1 =	sld [smem:$0x3FAD]  }
0x28: {  	s2 =	sld [smem:$0x3FAE]  }
0x29: {  	s4 =	sld [smem:$0x3FB0]  }
0x2a: {  	p0 =	seq.s32 s5, $0x0;
	s5 =	sld [smem:$0x3FB1]  }
0x2b: {  	s6 =	sld [smem:$0x3FB2]  }
0x2c: {  	s7 =	sld [smem:$0x3FB3]  }
0x2d: {  	s3 =	simm.s32 $0x108;
	s8 =	sld [smem:$0x3FB4]  }
0x2e: {  	s3 =	simm.s32 @!p0 $0x1082;
	s9 =	sld [smem:$0x3FB5]  }
0x2f: {  	lr =	sadd.s32 s0, s3;
	s0 =	sld [smem:$0x3FAC]  }
0x30: {  	s3 =	sld [smem:$0x3FAF]  }
0x31: {  	[smem:$0x3FB8] =	sst s10  }
0x32: {  	s10 =	sld [smem:$0x3FB6];
	_ =	sdelay $0x3  }
0x33: {  	p0 =	seq.s32 s10, $0x1;
	s10 =	sld [smem:$0x3FB8];
	_ =	sdelay $0x3  }
0x34: {  	[smem:$0x3FB8] =	sst s10  }
0x35: {  	s10 =	sld [smem:$0x3FB7];
	_ =	sdelay $0x3  }
0x36: {  	p1 =	seq.s32 s10, $0x1;
	s10 =	sld [smem:$0x3FB8];
	_ =	sdelay $0x3  }
0x37: {  	[smem:$0x3FB8] =	sst s10  }
0x38: {  	s10 =	sld [smem:$0x3FB9]  }
0x39: {  	_ = 	snop;
	(pc) =	sbr.ind lr, $3  }
0x3a: {  	_ = 	snop  }
0x3b: {  	_ = 	snop  }
0x3c: {  	p2 =	seq.s32 s10, $0x1;
	s10 =	sld [smem:$0x3FB8]  }
0x3d: {  	_ =	shalt  }
0x3e: {  	_ =	shalt  }
0x3f: {  	_ =	shalt  }
0x40: {  	_ =	shalt  }
0x41: {  	_ =	shalt  }
0x42: {  	_ =	shalt  }
0x43: {  	_ =	shalt  }
0x44: {  	_ =	shalt  }
0x45: {  	_ =	shalt  }
0x46: {  	_ =	shalt  }
0x47: {  	_ =	shalt  }
0x48: {  	_ =	shalt  }
0x49: {  	_ =	shalt  }
0x4a: {  	_ =	shalt  }
0x4b: {  	_ =	shalt  }
0x4c: {  	_ =	shalt  }
0x4d: {  	_ =	shalt  }
0x4e: {  	_ =	shalt  }
0x4f: {  	_ =	shalt  }
0x50: {  	_ =	shalt  }
0x51: {  	_ =	shalt  }
0x52: {  	_ =	shalt  }
0x53: {  	_ =	shalt  }
0x54: {  	_ =	shalt  }
0x55: {  	_ =	shalt  }
0x56: {  	_ =	shalt  }
0x57: {  	_ =	shalt  }
0x58: {  	_ =	shalt  }
0x59: {  	_ =	shalt  }
0x5a: {  	_ =	shalt  }
0x5b: {  	_ =	shalt  }
0x5c: {  	_ =	shalt  }
0x5d: {  	_ =	shalt  }
0x5e: {  	_ =	shalt  }
0x5f: {  	_ =	shalt  }
0x60: {  	_ =	shalt  }
0x61: {  	_ =	shalt  }
0x62: {  	_ =	shalt  }
0x63: {  	_ =	shalt  }
0x64: {  	_ =	shalt  }
0x65: {  	_ =	shalt  }
0x66: {  	_ =	shalt  }
0x67: {  	_ =	shalt  }
0x68: {  	_ =	shalt  }
0x69: {  	_ =	shalt  }
0x6a: {  	_ =	shalt  }
0x6b: {  	_ =	shalt  }
0x6c: {  	_ =	shalt  }
0x6d: {  	_ =	shalt  }
0x6e: {  	_ =	shalt  }
0x6f: {  	_ =	shalt  }
0x70: {  	_ =	shalt  }
0x71: {  	_ =	shalt  }
0x72: {  	_ =	shalt  }
0x73: {  	_ =	shalt  }
0x74: {  	_ =	shalt  }
0x75: {  	_ =	shalt  }
0x76: {  	_ =	shalt  }
0x77: {  	_ =	shalt  }
0x78: {  	_ =	shalt  }
0x79: {  	_ =	shalt  }
0x7a: {  	_ =	shalt  }
0x7b: {  	_ =	shalt  }
0x7c: {  	_ =	shalt  }
0x7d: {  	_ =	shalt  }
0x7e: {  	_ =	shalt  }
0x7f: {  	_ =	shalt  }
0x80: {  	_ =	shalt  }
0x81: {  	_ =	shalt  }
0x82: {  	_ =	shalt  }
0x83: {  	_ =	shalt  }
0x84: {  	_ =	shalt  }
0x85: {  	_ =	shalt  }
0x86: {  	_ =	shalt  }
0x87: {  	_ =	shalt  }
.Lfunc_end0:
.L_simem_size_0:
called_computation_lowered:
.L_overlay_start_0:
0x88: {  	s2 =	sld [smem:$0x3FD9]  }
0x89: {  	s3 =	sld [smem:$0x3FFE];
	_ =	sdelay $0x1  }
0x8a: {  	s1 =	srdreg.scid  }
0x8b: {  	s0 =	sand.u32 $0x1, s1  }
0x8c: {  	s14 =	sshll.u32 s0, $0xA;
	s2 =	sadd.s32 s3, s2  }
0x8d: {  	s2 =	sadd.s32 s2, s14  }
0x8e: {  	[smem:$0x3FC4] =	sst s2  }
0x8f: {  	_ = 	snop  }
0x90: {  	s2 =	sld [smem:$0x3FC9]  }
0x91: {  	s15 =	sld [smem:$0x3FD0]  }
0x92: {  	s4 =	sld [smem:$0x3FC8]  }
0x93: {  	s5 =	sld [smem:$0x3FC7]  }
0x94: {  	s7 =	simm.s32 $0xA;
	s8 =	simm.s32 $0x10;
	s6 =	sld [smem:$0x3FC6]  }
0x95: {  	[smem:s8], [sflag:s7] =	dma.local [hbm:s15], $0x1  }
0x96: {  	_ =	swait.eq [sflag:s7], $0x1  }
0x97: {  	[sflag:s7] =	ssyncset.done $0x0  }
0x98: {  	s16 =	sld [smem:$0x10];
	[sflag:s7] =	ssyncadd.s32 $0xFFFFFFFF  }
0x99: {  	s17 =	sld [smem:$0x11];
	(tm) =	ssettm $0x1  }
0x9a: {  	s18 =	sld [smem:$0x3FFB];
	_ =	sdelay $0x3  }
0x9b: {  	_ =	strace s18  }
0x9c: {  	s8 =	sld [smem:$0x3FFC];
	_ =	sdelay $0x3  }
0x9d: {  	_ =	strace s8  }
0x9e: {  	s8 =	sld [smem:$0x3FFD];
	_ =	sdelay $0x3  }
0x9f: {  	_ =	strace s8  }
0xa0: {  	_ =	strace $0x8FFFFFFF  }
0xa1: {  	s19 =	sld [smem:$0x3FDB];
	_ =	sdelay $0x1  }
0xa2: {  	s9 =	simm.s32 $_scs_section_size  }
0xa3: {  	s10 =	simm.s32 $_size__tile_overlayer_lowered;
	s11 =	simm.s32 $_tile_overlayer_lowered  }
0xa4: {  	s22 =	simm.s32 $0x1BFF;
	s21 =	sshll.u32 s11, $0x1;
	s8 =	sadd.s32 s9, s19  }
0xa5: {  	s12 =	simm.s32 $0x0;
	s20 =	sshll.u32 s10, $0x1;
	s10 =	sadd.s32 s21, s8  }
0xa6: {  	[timem:s12], [sflag:s22] =	dma.local [hbm:s10], s20  }
0xa7: {  	_ =	swait.ge [sflag:s22], s20  }
0xa8: {  	s9 =	ssub.s32 $0x0, s20;
	[sflag:s22] =	ssyncset.done $0x0  }
0xa9: {  	[sflag:s22] =	ssyncadd.s32 s9;
	_ =	sdelay $0x1  }
0xaa: {  	s23 =	simm.s32 $0x1B8B  }
0xab: {  	_ =	swait.ge [sflag:s23], $0x1  }
0xac: {  	[sflag:s23] =	ssyncset.done $0x0  }
0xad: {  	s25 =	simm.s32 $0x1B8E;
	s24 =	sld [smem:$0x3FFE];
	[sflag:s23] =	ssyncadd.s32 $0xFFFFFFFF  }
0xae: {  	s26 =	simm.s32 $execute0_lowered;
	[smem:$0x3FD2] =	sst s25  }
0xaf: {  	s10 =	sshll.u32 s26, $0x1;
	_ =	strace $0x80000046;
	[dreg:$0x1] =	wrdreg $0xFFFFFFFF  }
0xb0: {  	s28 =	simm.s32 $_size_execute0_lowered;
	s8 =	sadd.s32 s8, s10;
	[dreg:$0x0] =	wrdreg $0x0  }
0xb1: {  	s10 =	sshll.u32 s28, $0x1;
	[dreg:$0x2] =	wrdreg s8  }
0xb2: {  	[dreg:$0x3] =	wrdreg s10  }
0xb3: {  	[dreg:$0x4] =	wrdreg $0xC0  }
0xb4: {  	_ =	task [dreg:s12], $0x5FFFF  }
0xb5: {  	[dreg:$0x1] =	wrdreg $0xFFFFFFFF  }
0xb6: {  	[dreg:$0x0] =	wrdreg $0x60  }
0xb7: {  	[dreg:$0x2] =	wrdreg s2  }
0xb8: {  	[dreg:$0x3] =	wrdreg s4  }
0xb9: {  	[dreg:$0x4] =	wrdreg s5  }
0xba: {  	[dreg:$0x5] =	wrdreg s6  }
0xbb: {  	[dreg:$0x6] =	wrdreg s16  }
0xbc: {  	[dreg:$0x7] =	wrdreg s24  }
0xbd: {  	[dreg:$0x8] =	wrdreg s17  }
0xbe: {  	[dreg:$0x9] =	wrdreg $0x9  }
0xbf: {  	_ =	task.clear_ibuf [dreg:s12], $0xAFFFF;
	_ =	strace $0x90000046  }
0xc0: {  	s29 =	simm.s32 $0x9;
	_ =	strace $0x80000048  }
0xc1: {  	_ =	swait.ge [sflag:s29], $0x1  }
0xc2: {  	[sflag:s29] =	ssyncadd.s32 $0xFFFFFFFF  }
0xc3: {  	_ =	strace $0x90000048  }
0xc4: {  	_ =	sfence  }
0xc5: {  	s30 =	sld [smem:$0x0];
	_ =	sdelay $0x2  }
0xc6: {  	s31 =	sshll.u32 s1, $0xD;
	s1 =	sshrl.u32 s1, $0x2  }
0xc7: {  	s3 =	sand.u32 $0x4000, s31;
	s1 =	sadd.s32 s1, s30  }
0xc8: {  	s0 =	sor.u32 s3, s0;
	s1 =	sshll.u32 s1, $0x11  }
0xc9: {  	s0 =	sor.u32 s1, s0  }
0xca: {  	s0 =	sadd.s32 $0x8F2B, s0  }
0xcb: {  	[sflag:s0] =	ssyncadd.remote.s32 $0x1  }
0xcc: {  	_ =	sfence.sel $0xFFFF  }
0xcd: {  	[dreg:$0x0] =	wrdreg $0xFFFFFFFF;
	(pc) =	sbr.abs _section_cstart, $3  }
0xce: {  	[dreg:$0x1] =	wrdreg $0xFFFFFFFF  }
0xcf: {  	_ =	task.clear_ibuf [dreg:s12], $0x2FFFF;
	_ =	strace $0x9FFFFFFF  }
0xd0: {  	(tm) =	ssettm $0x7FFFFFFF  }
0xd1: {  	_ =	shalt  }
tec
execute0_lowered:
.L_overlay_start_1:
0x0: {  	(tag) =	ssettag $0x1  }
0x1: {  	vm0 =	vcmask $0x300  }
0x2: {  	v3 =	vimm.s32 $0xB80;
	vm1 =	vcmask $0x704;
	vm2 =	vcmask $0xB08  }
0x3: {  	vm3 =	vcmask $0xF0C;
	vm4 =	vcmask $0x1310;
	vm5 =	vcmask $0x1714  }
0x4: {  	vm6 =	vcmask $0x1B18;
	vm7 =	vcmask $0x1F1C;
	vm14 =	vcmask $0x2320  }
0x5: {  	vm13 =	vcmask $0x2724;
	vm12 =	vcmask $0x2B28;
	vm9 =	vcmask $0x2F2C  }
0x6: {  	vm10 =	vcmask $0x3330;
	vm11 =	vcmask $0x3734;
	vm8 =	vcmask $0x3B38  }
0x7: {  	v17 =	vlaneseq.u32;
	v19 =	vimm.s32 $0x1B80;
	v20 =	vimm.s32 $0x2B80  }
0x8: {  	s0 =	srdreg.scid;
	s1 =	stileid.u32;
	v21 =	vimm.s32 $0x3B80;
	v4 =	vsel vm0, $0x0, v3;
	v19 =	vsel vm0, $0x1000, v19  }
0x9: {  	s2 =	sand.u32 $0x1, s0;
	s7 =	sshll.u32 s1, $0x1;
	v20 =	vsel vm0, $0x2000, v20;
	v21 =	vsel vm0, $0x3000, v21;
	v5 =	vsel vm1, $0x80, v4  }
0xa: {  	s0 =	sor.u32 s2, s7;
	v19 =	vsel vm1, $0x1080, v19;
	v20 =	vsel vm1, $0x2080, v20;
	v21 =	vsel vm1, $0x3080, v21  }
0xb: {  	s1 =	smul.u32 $0x7A00, s0;
	v6 =	vsel vm2, $0x100, v5;
	v19 =	vsel vm2, $0x1100, v19;
	v20 =	vsel vm2, $0x2100, v20  }
0xc: {  	v21 =	vsel vm2, $0x3100, v21;
	v7 =	vsel vm3, $0x180, v6;
	v19 =	vsel vm3, $0x1180, v19  }
0xd: {  	s3 =	simm.s32 $0x200;
	p0 =	seq.s32 s0, $0x1F;
	v20 =	vsel vm3, $0x2180, v20;
	v21 =	vsel vm3, $0x3180, v21;
	v0 =	vmov s1  }
0xe: {  	s3 =	simm.s32 @!p0 $0x0;
	s4 =	sadd.s32 $0x1000, s1;
	s8 =	sadd.s32 $0x2000, s1;
	v8 =	vsel vm4, $0x200, v7;
	v19 =	vsel vm4, $0x1200, v19;
	v20 =	vsel vm4, $0x2200, v20  }
0xf: {  	s3 =	sadd.s32 s3, s1;
	s9 =	sadd.s32 $0x3000, s1;
	v21 =	vsel vm4, $0x3200, v21;
	v3 =	vmov s4;
	v5 =	vmov s8  }
0x10: {  	s3 =	sadd.s32 $0x7A00, s3;
	v7 =	vmov s9;
	v9 =	vsel vm5, $0x280, v8;
	v19 =	vsel vm5, $0x1280, v19  }
0x11: {  	s11 =	sadd.s32 $0x4000, s1;
	v20 =	vsel vm5, $0x2280, v20;
	v21 =	vsel vm5, $0x3280, v21;
	v1 =	vmov s3  }
0x12: {  	s13 =	sadd.s32 $0x5000, s1;
	s5 =	smin.u32 s4, s3;
	v10 =	vsel vm6, $0x300, v9;
	v9 =	vmov s11;
	v19 =	vsel vm6, $0x1300, v19  }
0x13: {  	s6 =	smin.u32 s8, s3;
	s10 =	smin.u32 s9, s3;
	s12 =	smin.u32 s11, s3;
	v20 =	vsel vm6, $0x2300, v20;
	v21 =	vsel vm6, $0x3300, v21;
	v2 =	vmov s5  }
0x14: {  	s20 =	rddreg [dreg:$0x5];
	s29 =	simm.s32 $0x1DA00;
	s14 =	smin.u32 s13, s3;
	v4 =	vmov s6;
	v6 =	vmov s10;
	v8 =	vmov s12  }
0x15: {  	s30 =	simm.s32 $0x1EA00;
	s31 =	simm.s32 $0x1;
	s2 =	ssub.s32 $0x2, s2;
	v11 =	vsel vm7, $0x380, v10;
	v10 =	vmov s14;
	v19 =	vsel vm7, $0x1380, v19  }
0x16: {  	s21 =	sadd.s32 $0xA00, s20;
	s22 =	sshrl.u32 s2, $0x1;
	s15 =	sadd.s32 $0x6000, s1;
	v20 =	vsel vm7, $0x2380, v20;
	v21 =	vsel vm7, $0x3380, v21;
	v12 =	vsel vm14, $0x800, v11  }
0x17: {  	s7 =	simm.s32 $0x2;
	s2 =	ssub.s32 s2, s22;
	s16 =	smin.u32 s15, s3;
	v11 =	vmov s13;
	v19 =	vsel vm14, $0x1800, v19;
	v20 =	vsel vm14, $0x2800, v20  }
0x18: {  	s17 =	sadd.s32 $0x7000, s1;
	s19 =	sadd.s32 $0x8000, s1;
	s4 =	rddreg [dreg:$0x2];
	v21 =	vsel vm14, $0x3800, v21;
	v13 =	vsel vm13, $0x880, v12;
	v12 =	vmov s16  }
0x19: {  	s23 =	sor.u32 $0x100, s1;
	s28 =	smax.u32 s2, $0x1;
	s8 =	rddreg [dreg:$0x6];
	v19 =	vsel vm13, $0x1880, v19;
	v20 =	vsel vm13, $0x2880, v20;
	v21 =	vsel vm13, $0x3880, v21  }
0x1a: {  	s18 =	smin.u32 s17, s3;
	s9 =	simm.s32 $0x0;
	s5 =	rddreg [dreg:$0x3];
	v14 =	vsel vm12, $0x900, v13;
	v13 =	vmov s15;
	v19 =	vsel vm12, $0x1900, v19  }
0x1b: {  	s3 =	smin.u32 s19, s3;
	[smem:$0x7FF] =	sst s9;
	s12 =	simm.s32 $0x7C;
	v20 =	vsel vm12, $0x2900, v20;
	v21 =	vsel vm12, $0x3900, v21;
	v15 =	vsel vm9, $0x980, v14  }
0x1c: {  	s24 =	sadd.s32 s4, s1;
	_ =	strace $0x80000047;
	[dreg:$0x8] =	wrdreg s21;
	v14 =	vmov s18;
	v19 =	vsel vm9, $0x1980, v19;
	v20 =	vsel vm9, $0x2980, v20  }
.Ltmp0:
0x1d: {  	s26 =	sadd.s32 s4, s23;
	[dreg:$0x9] =	wrdreg s24;
	v21 =	vsel vm9, $0x3980, v21;
	v16 =	vsel vm10, $0xA00, v15;
	v15 =	vmov s17;
	(pc) =	sbr.rel .LBB2_1-.Ltmp0, $4  }
0x1e: {  	s11 =	sadd.s32 $0xC00, s20;
	s12 =	simm.s32 @!p0 $0x7A;
	[dreg:$0xb] =	wrdreg s26;
	v19 =	vsel vm10, $0x1A00, v19;
	v20 =	vsel vm10, $0x2A00, v20;
	v21 =	vsel vm10, $0x3A00, v21  }
0x1f: {  	s25 =	sadd.s32 s5, s1;
	[dreg:$0xd] =	wrdreg s28;
	s26 =	simm.s32 $0x0;
	v18 =	vsel vm11, $0xA80, v16;
	v16 =	vmov s3;
	v19 =	vsel vm11, $0x1A80, v19  }
0x20: {  	[dreg:$0xa] =	wrdreg s25;
	s18 =	sshll.u32 s0, $0x9;
	s3 =	sadd.s32 s5, s23;
	v20 =	vsel vm11, $0x2A80, v20;
	v21 =	vsel vm11, $0x3A80, v21;
	v18 =	vsel vm8, $0xB00, v18  }
0x21: {  	s17 =	smul.u32 $0x3D000, s0;
	s0 =	simm.s32 $0x3;
	[dreg:$0xc] =	wrdreg s3;
	v19 =	vsel vm8, $0x1B00, v19;
	v20 =	vsel vm8, $0x2B00, v20;
	v21 =	vsel vm8, $0x3B00, v21  }
.LBB2_123:
0x22: {  	[sflag:s0] =	ssyncadd.s32 $0xFFFFFFC0  }
.LBB2_124:
0x23: {  	s26 =	sadd.s32 $0x1, s26;
	s2 =	rddreg [dreg:$0xd]  }
0x24: {  	p0 =	sne.s32 s26, s2  }
.Ltmp1:
0x25: {  	_ = 	snop;
	(pc) =	sbr.rel @!p0 .LBB2_125-.Ltmp1, $1  }
0x26: {  	_ =	sdelay $0x3  }
.LBB2_1:
0x27: {  	s2 =	rddreg [dreg:$0x9]  }
0x28: {  	s3 =	simm.s32 $0x800;
	s6 =	simm.s32 $0x7A1400;
	s10 =	simm.s32 $0x8000  }
0x29: {  	[tilespmem:s10], [sflag:$0x1] =	stream.strided.gather [hbm4b:s2+s3], $0x4000, s6, s3, $0x38;
	[tilespmem:$0x1FA00] =	vst v63  }
0x2a: {  	s21 =	rddreg [dreg:$0xa];
	s22 =	simm.s32 $0x10000  }
0x2b: {  	[tilespmem:s22], [sflag:$0x2] =	stream.strided.gather [hbm4b:s21+s3], $0x4000, s6, s3, $0x38;
	[tilespmem:$0x1FA00] =	vst v63  }
0x2c: {  	s23 =	rddreg [dreg:$0xb];
	s24 =	simm.s32 $0xC000  }
0x2d: {  	[tilespmem:s24], [sflag:$0x1] =	stream.strided.gather [hbm4b:s23+s3], $0x4000, s6, s3, $0x38;
	[tilespmem:$0x1FA00] =	vst v63  }
0x2e: {  	s25 =	rddreg [dreg:$0xc];
	s28 =	simm.s32 $0x14000  }
0x2f: {  	[tilespmem:s28], [sflag:$0x2] =	stream.strided.gather [hbm4b:s25+s3], $0x4000, s6, s3, $0x38;
	[tilespmem:$0x1FA00] =	vst v63  }
0x30: {  	s13 =	simm.s32 $0x4;
	s10 =	rddreg [dreg:$0x0]  }
0x31: {  	[tilespmem:s9], [sflag:$0x4] =	stream.linear.gather [hbm4b:s10+s9], $0x4000, $0x38;
	[tilespmem:$0x1FA00] =	vst v63  }
0x32: {  	_ =	swait.ge [sflag:s13], $0x4000  }
0x33: {  	[sflag:s13] =	ssyncset.done $0x0  }
0x34: {  	[sflag:s13] =	ssyncadd.s32 $0xFFFFC000  }
0x35: {  	s15 =	simm.s32 $0x4000;
	s14 =	rddreg [dreg:$0x1]  }
0x36: {  	[tilespmem:s15], [sflag:$0x4] =	stream.linear.gather [hbm4b:s14+s9], $0x4000, $0x38;
	[tilespmem:$0x1FA00] =	vst v63  }
0x37: {  	_ =	swait.ge [sflag:s13], $0x4000  }
0x38: {  	[sflag:s13] =	ssyncset.done $0x0  }
0x39: {  	[sflag:s13] =	ssyncadd.s32 $0xFFFFC000  }
0x3a: {  	s16 =	rddreg [dreg:$0x4]  }
0x3b: {  	[tilespmem:s29], [sflag:$0x4] =	stream.linear.gather [hbm4b:s16+s9], $0x1000, $0x38;
	[tilespmem:$0x1FA00] =	vst v63  }
0x3c: {  	_ =	swait.ge [sflag:s13], $0x1000  }
0x3d: {  	[sflag:s13] =	ssyncset.done $0x0  }
0x3e: {  	s19 =	rddreg [dreg:$0x8];
	[sflag:s13] =	ssyncadd.s32 $0xFFFFF000  }
0x3f: {  	[tilespmem:s30], [sflag:$0x4] =	stream.linear.gather [hbm4b:s19+s9], $0x1000, $0x38;
	[tilespmem:$0x1FA00] =	vst v63  }
0x40: {  	_ =	swait.ge [sflag:s13], $0x1000  }
0x41: {  	[sflag:s13] =	ssyncset.done $0x0  }
0x42: {  	s20 =	simm.s32 $0x20;
	[sflag:s13] =	ssyncadd.s32 $0xFFFFF000  }
0x43: {  	v22 =	vld [tilespmem:s20+$0xFFFFFFE0];
	_ =	sdelay $0x4  }
0x44: {  	p0 =	por $0x1, $0x1;
	s3 =	simm.s32 $0x0;
	vm8 =	vge.s32 v22, v0;
	vm9 =	vlt.s32 v22, v1  }
0x45: {  	s3 =	simm.s32 @!p0 $0x5F0;
	vm8 =	vmand vm8, vm9  }
0x46: {  	v23 =	vmpcnt.ones.xlane vm8;
	[tilespmem:s3+$0x18000] =	vst.msk vm8, v22;
	v22 =	vor.u32 s9, v17  }
0x47: {  	[tilespmem:s3+$0x18600] =	vst.msk vm8, v22  }
0x48: {  	v22 =	vld [tilespmem:s20+$0xFFFFFFF0];
	(v2sf) =	vpush v23, $0x0;
	_ =	sdelay $0x4  }
0x49: {  	vm8 =	vge.s32 v22, v0;
	vm13 =	vlt.s32 v22, v1  }
0x4a: {  	vm8 =	vmand vm8, vm13  }
0x4b: {  	v23 =	vmpcnt.ones.xlane vm8;
	_ =	sdelay $0x1  }
0x4c: {  	(v2sf) =	vpush v23, $0x0;
	_ =	sdelay $0x5  }
0x4d: {  	s21 =	spop (v2sf)  }
0x4e: {  	s3 =	sadd.s32 $0x0, s21  }
0x4f: {  	p0 =	slt.s32 s3, $0x5F0;
	s6 =	smov.u32 s3  }
0x50: {  	s22 =	simm.s32 $0x10;
	s6 =	simm.s32 @!p0 $0x5F0  }
0x51: {  	[tilespmem:s6+$0x18000] =	vst.msk vm8, v22;
	v22 =	vor.u32 s22, v17  }
0x52: {  	[tilespmem:s6+$0x18600] =	vst.msk vm8, v22  }
0x53: {  	v22 =	vld [tilespmem:s20+$0x0];
	_ =	sdelay $0x2  }
0x54: {  	s23 =	spop (v2sf)  }
0x55: {  	s3 =	sadd.s32 s3, s23  }
0x56: {  	vm8 =	vge.s32 v22, v0;
	vm14 =	vlt.s32 v22, v1;
	p0 =	slt.s32 s3, $0x5F0;
	s6 =	smov.u32 s3  }
0x57: {  	s24 =	simm.s32 $0x20;
	vm8 =	vmand vm8, vm14;
	s6 =	simm.s32 @!p0 $0x5F0  }
0x58: {  	[tilespmem:s6+$0x18000] =	vst.msk vm8, v22;
	v22 =	vor.u32 s24, v17  }
0x59: {  	v23 =	vmpcnt.ones.xlane vm8;
	[tilespmem:s6+$0x18600] =	vst.msk vm8, v22  }
0x5a: {  	v22 =	vld [tilespmem:s20+$0x10]  }
0x5b: {  	(v2sf) =	vpush v23, $0x0;
	_ =	sdelay $0x3  }
0x5c: {  	vm8 =	vge.s32 v22, v0;
	vm15 =	vlt.s32 v22, v1  }
0x5d: {  	vm8 =	vmand vm8, vm15  }
0x5e: {  	v23 =	vmpcnt.ones.xlane vm8;
	_ =	sdelay $0x1  }
0x5f: {  	(v2sf) =	vpush v23, $0x0;
	_ =	sdelay $0x6  }
0x60: {  	s25 =	spop (v2sf)  }
0x61: {  	s2 =	sadd.s32 s3, s25  }
0x62: {  	p0 =	slt.s32 s2, $0x5F0;
	s3 =	smov.u32 s2  }
0x63: {  	s28 =	simm.s32 $0x30;
	s3 =	simm.s32 @!p0 $0x5F0  }
0x64: {  	[tilespmem:s3+$0x18000] =	vst.msk vm8, v22;
	v22 =	vor.u32 s28, v17  }
0x65: {  	s6 =	simm.s32 $0x60;
	[tilespmem:s3+$0x18600] =	vst.msk vm8, v22  }
0x66: {  	v22 =	vld [tilespmem:s6+$0xFFFFFFE0];
	_ =	sdelay $0x1  }
0x67: {  	s10 =	simm.s32 $0x80;
	s3 =	simm.s32 $0x40;
	s13 =	spop (v2sf)  }
.LBB2_2:
0x68: {  	p0 =	sne.s32 s10, $0x3FC0  }
0x69: {  	s2 =	sadd.s32 s2, s13;
	s13 =	smov.u32 s10;
	s10 =	sadd.s32 $0x40, s10  }
0x6a: {  	vm8 =	vge.s32 v22, v0;
	vm9 =	vlt.s32 v22, v1;
	p1 =	slt.s32 s2, $0x5F0;
	s14 =	smov.u32 s2  }
0x6b: {  	vm8 =	vmand vm8, vm9;
	s14 =	simm.s32 @!p1 $0x5F0  }
0x6c: {  	v23 =	vmpcnt.ones.xlane vm8;
	[tilespmem:s14+$0x18000] =	vst.msk vm8, v22;
	v22 =	vor.u32 s3, v17  }
0x6d: {  	[tilespmem:s14+$0x18600] =	vst.msk vm8, v22  }
0x6e: {  	v22 =	vld [tilespmem:s6+$0xFFFFFFF0];
	(v2sf) =	vpush v23, $0x0;
	_ =	sdelay $0x4  }
0x6f: {  	vm8 =	vge.s32 v22, v0;
	vm9 =	vlt.s32 v22, v1  }
0x70: {  	vm8 =	vmand vm8, vm9  }
0x71: {  	v23 =	vmpcnt.ones.xlane vm8;
	_ =	sdelay $0x1  }
0x72: {  	(v2sf) =	vpush v23, $0x0;
	_ =	sdelay $0x5  }
0x73: {  	s14 =	spop (v2sf)  }
0x74: {  	s2 =	sadd.s32 s2, s14  }
0x75: {  	p1 =	slt.s32 s2, $0x5F0;
	s15 =	smov.u32 s2  }
0x76: {  	s14 =	sadd.s32 $0x10, s3;
	s15 =	simm.s32 @!p1 $0x5F0  }
0x77: {  	[tilespmem:s15+$0x18000] =	vst.msk vm8, v22;
	v22 =	vor.u32 s14, v17  }
0x78: {  	[tilespmem:s15+$0x18600] =	vst.msk vm8, v22  }
0x79: {  	v22 =	vld [tilespmem:s6+$0x0];
	_ =	sdelay $0x2  }
0x7a: {  	s14 =	spop (v2sf)  }
0x7b: {  	s2 =	sadd.s32 s2, s14  }
0x7c: {  	vm8 =	vge.s32 v22, v0;
	vm9 =	vlt.s32 v22, v1;
	p1 =	slt.s32 s2, $0x5F0;
	s15 =	smov.u32 s2  }
0x7d: {  	s14 =	sadd.s32 $0x20, s3;
	vm8 =	vmand vm8, vm9;
	s15 =	simm.s32 @!p1 $0x5F0  }
0x7e: {  	v23 =	vmpcnt.ones.xlane vm8;
	[tilespmem:s15+$0x18000] =	vst.msk vm8, v22;
	v22 =	vor.u32 s14, v17  }
0x7f: {  	[tilespmem:s15+$0x18600] =	vst.msk vm8, v22  }
0x80: {  	v22 =	vld [tilespmem:s6+$0x10];
	(v2sf) =	vpush v23, $0x0;
	_ =	sdelay $0x4  }
0x81: {  	vm8 =	vge.s32 v22, v0;
	vm9 =	vlt.s32 v22, v1  }
0x82: {  	vm8 =	vmand vm8, vm9  }
0x83: {  	v23 =	vmpcnt.ones.xlane vm8;
	_ =	sdelay $0x1  }
0x84: {  	(v2sf) =	vpush v23, $0x0;
	_ =	sdelay $0x5  }
0x85: {  	s14 =	spop (v2sf)  }
0x86: {  	s2 =	sadd.s32 s2, s14  }
0x87: {  	p1 =	slt.s32 s2, $0x5F0;
	s15 =	smov.u32 s2  }
0x88: {  	s14 =	sadd.s32 $0x30, s3;
	s3 =	smov.u32 s13;
	s15 =	simm.s32 @!p1 $0x5F0  }
0x89: {  	[tilespmem:s15+$0x18000] =	vst.msk vm8, v22;
	v22 =	vor.u32 s14, v17  }
.Ltmp2:
0x8a: {  	s6 =	sadd.s32 $0x40, s6;
	[tilespmem:s15+$0x18600] =	vst.msk vm8, v22;
	(pc) =	sbr.rel @p0 .LBB2_2-.Ltmp2, $2  }
0x8b: {  	v22 =	vld [tilespmem:s6+$0xFFFFFFE0];
	_ =	sdelay $0x2  }
0x8c: {  	s13 =	spop (v2sf)  }
0x8d: {  	_ = 	snop  }
0x8e: {  	vm8 =	vge.s32 v22, v0;
	vm9 =	vlt.s32 v22, v1  }
0x8f: {  	vm8 =	vmand vm8, vm9  }
0x90: {  	v23 =	vmpcnt.ones.xlane vm8;
	_ =	sdelay $0x1  }
0x91: {  	(v2sf) =	vpush v23, $0x0;
	_ =	sdelay $0x6  }
0x92: {  	s2 =	sadd.s32 s2, s13  }
0x93: {  	p0 =	slt.s32 s2, $0x5F0;
	s10 =	smov.u32 s2  }
0x94: {  	s10 =	simm.s32 @!p0 $0x5F0  }
0x95: {  	[tilespmem:s10+$0x18000] =	vst.msk vm8, v22;
	v22 =	vor.u32 s3, v17  }
0x96: {  	[tilespmem:s10+$0x18600] =	vst.msk vm8, v22  }
0x97: {  	v22 =	vld [tilespmem:s6+$0xFFFFFFF0];
	_ =	sdelay $0x2  }
0x98: {  	s25 =	spop (v2sf)  }
0x99: {  	s2 =	sadd.s32 s2, s25  }
0x9a: {  	vm8 =	vge.s32 v22, v0;
	vm13 =	vlt.s32 v22, v1;
	p0 =	slt.s32 s2, $0x5F0;
	s10 =	smov.u32 s2  }
0x9b: {  	s28 =	sadd.s32 $0x10, s3;
	vm8 =	vmand vm8, vm13;
	s10 =	simm.s32 @!p0 $0x5F0  }
0x9c: {  	v23 =	vmpcnt.ones.xlane vm8;
	[tilespmem:s10+$0x18000] =	vst.msk vm8, v22;
	v22 =	vor.u32 s28, v17  }
0x9d: {  	[tilespmem:s10+$0x18600] =	vst.msk vm8, v22  }
0x9e: {  	(v2sf) =	vpush v23, $0x0;
	v22 =	vld [tilespmem:s6+$0x0];
	_ =	sdelay $0x4  }
0x9f: {  	vm8 =	vge.s32 v22, v0;
	vm14 =	vlt.s32 v22, v1  }
0xa0: {  	vm8 =	vmand vm8, vm14  }
0xa1: {  	v23 =	vmpcnt.ones.xlane vm8;
	_ =	sdelay $0x1  }
0xa2: {  	(v2sf) =	vpush v23, $0x0;
	_ =	sdelay $0x5  }
0xa3: {  	s14 =	spop (v2sf)  }
0xa4: {  	s2 =	sadd.s32 s2, s14  }
0xa5: {  	p0 =	slt.s32 s2, $0x5F0;
	s10 =	smov.u32 s2  }
0xa6: {  	s15 =	sadd.s32 $0x20, s3;
	s10 =	simm.s32 @!p0 $0x5F0  }
0xa7: {  	[tilespmem:s10+$0x18000] =	vst.msk vm8, v22;
	v22 =	vor.u32 s15, v17  }
0xa8: {  	[tilespmem:s10+$0x18600] =	vst.msk vm8, v22  }
0xa9: {  	v22 =	vld [tilespmem:s6+$0x10];
	_ =	sdelay $0x2  }
0xaa: {  	s16 =	spop (v2sf)  }
0xab: {  	s6 =	sadd.s32 s2, s16  }
0xac: {  	vm8 =	vge.s32 v22, v0;
	vm15 =	vlt.s32 v22, v1;
	p0 =	slt.s32 s6, $0x5F0;
	s2 =	smov.u32 s6  }
0xad: {  	s19 =	sadd.s32 $0x30, s3;
	vm8 =	vmand vm8, vm15;
	s2 =	simm.s32 @!p0 $0x5F0  }
0xae: {  	[tilespmem:s2+$0x18000] =	vst.msk vm8, v22;
	v22 =	vor.u32 s19, v17  }
0xaf: {  	s20 =	simm.s32 $0x4020;
	[tilespmem:s2+$0x18600] =	vst.msk vm8, v22  }
0xb0: {  	v22 =	vld [tilespmem:s20+$0xFFFFFFE0];
	_ =	sdelay $0x4  }
0xb1: {  	s3 =	simm.s32 $0x0;
	p0 =	por $0x1, $0x1;
	vm12 =	vge.s32 v22, v0;
	vm10 =	vlt.s32 v22, v1  }
0xb2: {  	v23 =	vor.u32 s3, v17;
	v24 =	vmpcnt.ones.xlane vm8;
	s3 =	simm.s32 @!p0 $0x5F0;
	vm9 =	vmand vm12, vm10  }
0xb3: {  	[tilespmem:s3+$0x18C00] =	vst.msk vm9, v22;
	v22 =	vmpcnt.ones.xlane vm9  }
0xb4: {  	(v2sf) =	vpush v24, $0x0;
	[tilespmem:s3+$0x19200] =	vst.msk vm9, v23  }
0xb5: {  	v23 =	vld [tilespmem:s20+$0xFFFFFFF0];
	(v2sf) =	vpush v22, $0x0;
	_ =	sdelay $0x4  }
0xb6: {  	vm8 =	vge.s32 v23, v0;
	vm13 =	vlt.s32 v23, v1  }
0xb7: {  	vm8 =	vmand vm8, vm13  }
0xb8: {  	v22 =	vmpcnt.ones.xlane vm8;
	_ =	sdelay $0x1  }
0xb9: {  	(v2sf) =	vpush v22, $0x0;
	_ =	sdelay $0x4  }
0xba: {  	s21 =	spop (v2sf)  }
0xbb: {  	s22 =	spop (v2sf)  }
0xbc: {  	s10 =	sadd.s32 $0x0, s22  }
0xbd: {  	p0 =	slt.s32 s10, $0x5F0;
	s13 =	smov.u32 s10  }
0xbe: {  	s14 =	simm.s32 $0x10;
	s13 =	simm.s32 @!p0 $0x5F0  }
0xbf: {  	v22 =	vor.u32 s14, v17;
	[tilespmem:s13+$0x18C00] =	vst.msk vm8, v23  }
0xc0: {  	[tilespmem:s13+$0x19200] =	vst.msk vm8, v22  }
0xc1: {  	v22 =	vld [tilespmem:s20+$0x0];
	_ =	sdelay $0x2  }
0xc2: {  	s23 =	spop (v2sf)  }
0xc3: {  	s10 =	sadd.s32 s10, s23  }
0xc4: {  	vm8 =	vge.s32 v22, v0;
	vm14 =	vlt.s32 v22, v1;
	p0 =	slt.s32 s10, $0x5F0;
	s13 =	smov.u32 s10  }
0xc5: {  	s24 =	simm.s32 $0x20;
	vm8 =	vmand vm8, vm14;
	s13 =	simm.s32 @!p0 $0x5F0  }
0xc6: {  	[tilespmem:s13+$0x18C00] =	vst.msk vm8, v22;
	v22 =	vor.u32 s24, v17  }
0xc7: {  	v23 =	vmpcnt.ones.xlane vm8;
	[tilespmem:s13+$0x19200] =	vst.msk vm8, v22  }
0xc8: {  	v22 =	vld [tilespmem:s20+$0x10]  }
0xc9: {  	(v2sf) =	vpush v23, $0x0;
	_ =	sdelay $0x3  }
0xca: {  	vm8 =	vge.s32 v22, v0;
	vm15 =	vlt.s32 v22, v1  }
0xcb: {  	vm8 =	vmand vm8, vm15  }
0xcc: {  	v23 =	vmpcnt.ones.xlane vm8;
	_ =	sdelay $0x1  }
0xcd: {  	(v2sf) =	vpush v23, $0x0;
	_ =	sdelay $0x6  }
0xce: {  	s25 =	spop (v2sf)  }
0xcf: {  	s2 =	sadd.s32 s10, s25  }
0xd0: {  	p0 =	slt.s32 s2, $0x5F0;
	s10 =	smov.u32 s2  }
0xd1: {  	s28 =	simm.s32 $0x30;
	s10 =	simm.s32 @!p0 $0x5F0  }
0xd2: {  	[tilespmem:s10+$0x18C00] =	vst.msk vm8, v22;
	v22 =	vor.u32 s28, v17  }
0xd3: {  	s22 =	sadd.s32 s6, s21;
	s6 =	simm.s32 $0x4060;
	[tilespmem:s10+$0x19200] =	vst.msk vm8, v22  }
0xd4: {  	v22 =	vld [tilespmem:s6+$0xFFFFFFE0];
	_ =	sdelay $0x1  }
0xd5: {  	s3 =	simm.s32 $0x40;
	s10 =	simm.s32 $0x80;
	s13 =	spop (v2sf)  }
.LBB2_4:
0xd6: {  	p0 =	sne.s32 s10, $0x3FC0  }
0xd7: {  	s2 =	sadd.s32 s2, s13;
	s13 =	smov.u32 s10;
	s10 =	sadd.s32 $0x40, s10  }
0xd8: {  	vm8 =	vge.s32 v22, v0;
	vm9 =	vlt.s32 v22, v1;
	p1 =	slt.s32 s2, $0x5F0;
	s14 =	smov.u32 s2  }
0xd9: {  	vm8 =	vmand vm8, vm9;
	s14 =	simm.s32 @!p1 $0x5F0  }
0xda: {  	v23 =	vmpcnt.ones.xlane vm8;
	[tilespmem:s14+$0x18C00] =	vst.msk vm8, v22;
	v22 =	vor.u32 s3, v17  }
0xdb: {  	[tilespmem:s14+$0x19200] =	vst.msk vm8, v22  }
0xdc: {  	v22 =	vld [tilespmem:s6+$0xFFFFFFF0];
	(v2sf) =	vpush v23, $0x0;
	_ =	sdelay $0x4  }
0xdd: {  	vm8 =	vge.s32 v22, v0;
	vm9 =	vlt.s32 v22, v1  }
0xde: {  	vm8 =	vmand vm8, vm9  }
0xdf: {  	v23 =	vmpcnt.ones.xlane vm8;
	_ =	sdelay $0x1  }
0xe0: {  	(v2sf) =	vpush v23, $0x0;
	_ =	sdelay $0x5  }
0xe1: {  	s14 =	spop (v2sf)  }
0xe2: {  	s2 =	sadd.s32 s2, s14  }
0xe3: {  	p1 =	slt.s32 s2, $0x5F0;
	s15 =	smov.u32 s2  }
0xe4: {  	s14 =	sadd.s32 $0x10, s3;
	s15 =	simm.s32 @!p1 $0x5F0  }
0xe5: {  	[tilespmem:s15+$0x18C00] =	vst.msk vm8, v22;
	v22 =	vor.u32 s14, v17  }
0xe6: {  	[tilespmem:s15+$0x19200] =	vst.msk vm8, v22  }
0xe7: {  	v22 =	vld [tilespmem:s6+$0x0];
	_ =	sdelay $0x2  }
0xe8: {  	s14 =	spop (v2sf)  }
0xe9: {  	s2 =	sadd.s32 s2, s14  }
0xea: {  	vm8 =	vge.s32 v22, v0;
	vm9 =	vlt.s32 v22, v1;
	p1 =	slt.s32 s2, $0x5F0;
	s15 =	smov.u32 s2  }
0xeb: {  	s14 =	sadd.s32 $0x20, s3;
	vm8 =	vmand vm8, vm9;
	s15 =	simm.s32 @!p1 $0x5F0  }
0xec: {  	v23 =	vmpcnt.ones.xlane vm8;
	[tilespmem:s15+$0x18C00] =	vst.msk vm8, v22;
	v22 =	vor.u32 s14, v17  }
0xed: {  	[tilespmem:s15+$0x19200] =	vst.msk vm8, v22  }
0xee: {  	v22 =	vld [tilespmem:s6+$0x10];
	(v2sf) =	vpush v23, $0x0;
	_ =	sdelay $0x4  }
0xef: {  	vm8 =	vge.s32 v22, v0;
	vm9 =	vlt.s32 v22, v1  }
0xf0: {  	vm8 =	vmand vm8, vm9  }
0xf1: {  	v23 =	vmpcnt.ones.xlane vm8;
	_ =	sdelay $0x1  }
0xf2: {  	(v2sf) =	vpush v23, $0x0;
	_ =	sdelay $0x5  }
0xf3: {  	s14 =	spop (v2sf)  }
0xf4: {  	s2 =	sadd.s32 s2, s14  }
0xf5: {  	p1 =	slt.s32 s2, $0x5F0;
	s15 =	smov.u32 s2  }
0xf6: {  	s14 =	sadd.s32 $0x30, s3;
	s3 =	smov.u32 s13;
	s15 =	simm.s32 @!p1 $0x5F0  }
0xf7: {  	[tilespmem:s15+$0x18C00] =	vst.msk vm8, v22;
	v22 =	vor.u32 s14, v17  }
.Ltmp3:
0xf8: {  	s6 =	sadd.s32 $0x40, s6;
	[tilespmem:s15+$0x19200] =	vst.msk vm8, v22;
	(pc) =	sbr.rel @p0 .LBB2_4-.Ltmp3, $2  }
0xf9: {  	v22 =	vld [tilespmem:s6+$0xFFFFFFE0];
	_ =	sdelay $0x2  }
0xfa: {  	s13 =	spop (v2sf)  }
0xfb: {  	s2 =	sadd.s32 s2, s13  }
0xfc: {  	vm8 =	vge.s32 v22, v0;
	vm9 =	vlt.s32 v22, v1;
	p0 =	slt.s32 s2, $0x5F0;
	s10 =	smov.u32 s2  }
0xfd: {  	vm8 =	vmand vm8, vm9;
	s10 =	simm.s32 @!p0 $0x5F0  }
0xfe: {  	v23 =	vmpcnt.ones.xlane vm8;
	[tilespmem:s10+$0x18C00] =	vst.msk vm8, v22;
	v22 =	vor.u32 s3, v17  }
0xff: {  	[tilespmem:s10+$0x19200] =	vst.msk vm8, v22  }
0x100: {  	v22 =	vld [tilespmem:s6+$0xFFFFFFF0];
	(v2sf) =	vpush v23, $0x0;
	_ =	sdelay $0x4  }
0x101: {  	vm8 =	vge.s32 v22, v0;
	vm13 =	vlt.s32 v22, v1  }
0x102: {  	vm8 =	vmand vm8, vm13  }
0x103: {  	v23 =	vmpcnt.ones.xlane vm8;
	_ =	sdelay $0x1  }
0x104: {  	(v2sf) =	vpush v23, $0x0;
	_ =	sdelay $0x5  }
0x105: {  	s16 =	spop (v2sf)  }
0x106: {  	s2 =	sadd.s32 s2, s16  }
0x107: {  	p0 =	slt.s32 s2, $0x5F0;
	s10 =	smov.u32 s2  }
0x108: {  	s19 =	sadd.s32 $0x10, s3;
	s10 =	simm.s32 @!p0 $0x5F0  }
0x109: {  	[tilespmem:s10+$0x18C00] =	vst.msk vm8, v22;
	v22 =	vor.u32 s19, v17  }
0x10a: {  	[tilespmem:s10+$0x19200] =	vst.msk vm8, v22  }
0x10b: {  	v22 =	vld [tilespmem:s6+$0x0];
	_ =	sdelay $0x2  }
0x10c: {  	s20 =	spop (v2sf)  }
0x10d: {  	s2 =	sadd.s32 s2, s20  }
0x10e: {  	vm8 =	vge.s32 v22, v0;
	vm14 =	vlt.s32 v22, v1;
	p0 =	slt.s32 s2, $0x5F0;
	s10 =	smov.u32 s2  }
0x10f: {  	s21 =	sadd.s32 $0x20, s3;
	vm8 =	vmand vm8, vm14;
	s10 =	simm.s32 @!p0 $0x5F0  }
0x110: {  	[tilespmem:s10+$0x18C00] =	vst.msk vm8, v22;
	v22 =	vor.u32 s21, v17  }
0x111: {  	[tilespmem:s10+$0x19200] =	vst.msk vm8, v22  }
0x112: {  	v23 =	vmpcnt.ones.xlane vm8;
	v22 =	vld [tilespmem:s6+$0x10];
	_ =	sdelay $0x1  }
0x113: {  	(v2sf) =	vpush v23, $0x0;
	_ =	sdelay $0x2  }
0x114: {  	vm8 =	vge.s32 v22, v0;
	vm15 =	vlt.s32 v22, v1  }
0x115: {  	vm8 =	vmand vm8, vm15  }
0x116: {  	v23 =	vmpcnt.ones.xlane vm8;
	_ =	sdelay $0x1  }
0x117: {  	(v2sf) =	vpush v23, $0x0;
	_ =	sdelay $0x7  }
0x118: {  	s23 =	spop (v2sf)  }
0x119: {  	s2 =	sadd.s32 s2, s23  }
0x11a: {  	s14 =	sadd.s32 $0xF, s22;
	p0 =	slt.s32 s2, $0x5F0;
	s15 =	smov.u32 s2  }
0x11b: {  	s15 =	simm.s32 @!p0 $0x5F0;
	p0 =	slt.s32 s14, $0x10  }
.Ltmp4:
0x11c: {  	_ = 	snop;
	(pc) =	sbr.rel @p0 .LBB2_48-.Ltmp4, $4  }
0x11d: {  	s24 =	sadd.s32 $0x30, s3;
	s28 =	simm.s32 $0x0;
	s13 =	simm.s32 $0x0  }
0x11e: {  	s3 =	simm.s32 $0x0;
	s16 =	simm.s32 $0x0;
	s20 =	simm.s32 $0x0  }
0x11f: {  	s10 =	simm.s32 $0x0;
	[tilespmem:s15+$0x18C00] =	vst.msk vm8, v22;
	v22 =	vor.u32 s24, v17;
	s24 =	simm.s32 $0x0;
	s25 =	spop (v2sf)  }
0x120: {  	[tilespmem:s15+$0x19200] =	vst.msk vm8, v22;
	s6 =	sadd.s32 s2, s25;
	s25 =	simm.s32 $0x0;
	s2 =	simm.s32 $0x0  }
0x121: {  	s2 =	sshra.s32 s14, $0x1F  }
0x122: {  	s2 =	sshrl.u32 s2, $0x1C  }
0x123: {  	s2 =	sadd.s32 s2, s14  }
0x124: {  	s2 =	sshra.s32 s2, $0x4  }
0x125: {  	p0 =	sne.s32 s2, $0x1  }
.Ltmp5:
0x126: {  	_ = 	snop;
	(pc) =	sbr.rel @!p0 .LBB2_7-.Ltmp5, $3  }
0x127: {  	_ =	sdelay $0x1  }
0x128: {  	s10 =	simm.s32 $0x0;
	s14 =	simm.s32 $0x18000  }
0x129: {  	v22 =	vmov s22;
	s13 =	simm.s32 $0x18600;
	p1 =	por $0x0, $0x0;
	v23 =	vor.u32 s10, v17;
	v24 =	vld [tilespmem:s14+$0x0];
	s22 =	sadd.s32 $0xFFFFFFFF, s2  }
0x12a: {  	_ =	sdelay $0x3  }
0x12b: {  	vm8 =	vlt.s32 v23, v22;
	vm9 =	vlt.s32 v24, v2  }
0x12c: {  	vm15 =	vge.s32 v24, v0;
	vm8 =	vmand vm8, vm9  }
0x12d: {  	vm8 =	vmand vm8, vm15  }
0x12e: {  	v26 =	vmpcnt.ones.xlane vm8;
	_ =	sdelay $0x1  }
0x12f: {  	v25 =	vld [tilespmem:s13+$0x0];
	(v2sf) =	vpush v26, $0x0  }
0x130: {  	p3 =	sne.s32 s22, $0x1  }
.Ltmp6:
0x131: {  	p2 =	por $0x1, $0x1;
	s2 =	simm.s32 $0x0;
	(pc) =	sbr.rel @!p3 .LBB2_9-.Ltmp6, $4  }
0x132: {  	s2 =	simm.s32 @!p2 $0xF0  }
0x133: {  	[tilespmem:s2+$0x19800] =	vst.msk vm8, v24  }
0x134: {  	s20 =	simm.s32 $0x18010;
	s21 =	sadd.s32 $0xFFFFFFFF, s22;
	s19 =	simm.s32 $0x0;
	[tilespmem:s2+$0x1A000] =	vst.msk vm8, v25  }
0x135: {  	s16 =	simm.s32 $0x18600;
	s15 =	simm.s32 $0x0;
	p2 =	por $0x1, $0x1;
	v24 =	vld [tilespmem:s20+$0x0]  }
.LBB2_10:
0x136: {  	p3 =	sne.s32 s21, $0x1;
	_ =	sdelay $0x1  }
0x137: {  	s19 =	sadd.s32 $0x10, s19  }
0x138: {  	v25 =	vor.u32 s19, v17  }
0x139: {  	vm8 =	vlt.s32 v25, v22;
	vm9 =	vlt.s32 v24, v2  }
0x13a: {  	vm10 =	vge.s32 v24, v0;
	vm8 =	vmand vm8, vm9  }
0x13b: {  	vm8 =	vmand vm8, vm10  }
0x13c: {  	s16 =	sadd.s32 $0x10, s16;
	v25 =	vmpcnt.ones.xlane vm8  }
0x13d: {  	v26 =	vld [tilespmem:s16+$0x0];
	s2 =	spop (v2sf)  }
0x13e: {  	(v2sf) =	vpush v25, $0x0;
	s15 =	sadd.s32 s15, s2  }
0x13f: {  	p4 =	slt.s32 s15, $0xF0;
	s2 =	smov.u32 s15  }
.Ltmp7:
0x140: {  	s2 =	simm.s32 @!p4 $0xF0;
	(pc) =	sbr.rel @p3 .LBB2_10-.Ltmp7, $4  }
0x141: {  	[tilespmem:s2+$0x19800] =	vst.msk vm8, v24  }
0x142: {  	[tilespmem:s2+$0x1A000] =	vst.msk vm8, v26  }
0x143: {  	s20 =	sadd.s32 $0x10, s20  }
0x144: {  	s21 =	sadd.s32 $0xFFFFFFFF, s21;
	v24 =	vld [tilespmem:s20+$0x0]  }
.LBB2_11:
0x145: {  	_ = 	snop  }
0x146: {  	s2 =	sadd.s32 @p2 $0x10, s19;
	s19 =	simm.s32 $0x0  }
0x147: {  	s19 =	smov.u32 @p2 s2  }
0x148: {  	v25 =	vor.u32 s19, v17  }
0x149: {  	vm8 =	vlt.s32 v25, v22;
	vm9 =	vlt.s32 v24, v2  }
0x14a: {  	vm10 =	vge.s32 v24, v0;
	vm8 =	vmand vm8, vm9  }
0x14b: {  	vm8 =	vmand vm8, vm10  }
0x14c: {  	v25 =	vmpcnt.ones.xlane vm8;
	_ =	sdelay $0x1  }
0x14d: {  	(v2sf) =	vpush v25, $0x0;
	_ =	sdelay $0x7  }
0x14e: {  	s2 =	sadd.s32 @p2 $0x10, s16;
	s16 =	simm.s32 $0x18600  }
0x14f: {  	s16 =	smov.u32 @p2 s2;
	s19 =	spop @p2 (v2sf)  }
0x150: {  	v25 =	vld [tilespmem:s16+$0x0];
	s2 =	sadd.s32 @p2 s15, s19;
	s15 =	simm.s32 $0x0  }
0x151: {  	s15 =	smov.u32 @p2 s2  }
.Ltmp8:
0x152: {  	p2 =	slt.s32 s15, $0xF0;
	s2 =	smov.u32 s15;
	(pc) =	sbr.rel @!p0 .LBB2_12-.Ltmp8, $4  }
0x153: {  	s2 =	simm.s32 @!p2 $0xF0  }
0x154: {  	[tilespmem:s2+$0x19800] =	vst.msk vm8, v24  }
0x155: {  	[tilespmem:s2+$0x1A000] =	vst.msk vm8, v25;
	s28 =	spop (v2sf)  }
0x156: {  	v24 =	vld [tilespmem:s14+$0x0];
	s3 =	sadd.s32 s15, s28  }
0x157: {  	_ =	sdelay $0x3  }
0x158: {  	vm8 =	vlt.s32 v23, v22;
	vm9 =	vlt.s32 v24, v4  }
0x159: {  	vm15 =	vge.s32 v24, v3;
	vm8 =	vmand vm8, vm9  }
0x15a: {  	vm8 =	vmand vm8, vm15  }
0x15b: {  	v23 =	vmpcnt.ones.xlane vm8;
	_ =	sdelay $0x1  }
0x15c: {  	v25 =	vld [tilespmem:s13+$0x0];
	(v2sf) =	vpush v23, $0x0  }
0x15d: {  	p2 =	sne.s32 s22, $0x1  }
.Ltmp9:
0x15e: {  	p1 =	por $0x1, $0x1;
	s2 =	simm.s32 $0x0;
	(pc) =	sbr.rel @!p2 .LBB2_14-.Ltmp9, $4  }
0x15f: {  	s2 =	simm.s32 @!p1 $0xF0  }
0x160: {  	[tilespmem:s2+$0x19900] =	vst.msk vm8, v24  }
0x161: {  	s19 =	simm.s32 $0x18010;
	s20 =	sadd.s32 $0xFFFFFFFF, s22;
	s16 =	simm.s32 $0x0;
	[tilespmem:s2+$0x1A100] =	vst.msk vm8, v25  }
0x162: {  	s14 =	simm.s32 $0x18600;
	s15 =	simm.s32 $0x0;
	p1 =	por $0x1, $0x1;
	v24 =	vld [tilespmem:s19+$0x0]  }
.LBB2_15:
0x163: {  	p2 =	sne.s32 s20, $0x1;
	_ =	sdelay $0x1  }
0x164: {  	s16 =	sadd.s32 $0x10, s16  }
0x165: {  	v23 =	vor.u32 s16, v17  }
0x166: {  	vm8 =	vlt.s32 v23, v22;
	vm9 =	vlt.s32 v24, v4  }
0x167: {  	vm10 =	vge.s32 v24, v3;
	vm8 =	vmand vm8, vm9  }
0x168: {  	vm8 =	vmand vm8, vm10  }
0x169: {  	s14 =	sadd.s32 $0x10, s14;
	v23 =	vmpcnt.ones.xlane vm8  }
0x16a: {  	v25 =	vld [tilespmem:s14+$0x0];
	s2 =	spop (v2sf)  }
0x16b: {  	(v2sf) =	vpush v23, $0x0;
	s15 =	sadd.s32 s15, s2  }
0x16c: {  	p3 =	slt.s32 s15, $0xF0;
	s2 =	smov.u32 s15  }
.Ltmp10:
0x16d: {  	s2 =	simm.s32 @!p3 $0xF0;
	(pc) =	sbr.rel @p2 .LBB2_15-.Ltmp10, $4  }
0x16e: {  	[tilespmem:s2+$0x19900] =	vst.msk vm8, v24  }
0x16f: {  	[tilespmem:s2+$0x1A100] =	vst.msk vm8, v25  }
0x170: {  	s19 =	sadd.s32 $0x10, s19  }
0x171: {  	s20 =	sadd.s32 $0xFFFFFFFF, s20;
	v24 =	vld [tilespmem:s19+$0x0]  }
.LBB2_16:
0x172: {  	_ = 	snop  }
0x173: {  	s2 =	sadd.s32 @p1 $0x10, s16;
	s16 =	simm.s32 $0x0  }
0x174: {  	s16 =	smov.u32 @p1 s2  }
0x175: {  	v23 =	vor.u32 s16, v17  }
0x176: {  	vm8 =	vlt.s32 v23, v22;
	vm9 =	vlt.s32 v24, v4  }
0x177: {  	vm10 =	vge.s32 v24, v3;
	vm8 =	vmand vm8, vm9  }
0x178: {  	vm8 =	vmand vm8, vm10  }
0x179: {  	v23 =	vmpcnt.ones.xlane vm8;
	_ =	sdelay $0x1  }
0x17a: {  	(v2sf) =	vpush v23, $0x0;
	_ =	sdelay $0x7  }
0x17b: {  	s2 =	sadd.s32 @p1 $0x10, s14  }
0x17c: {  	s13 =	smov.u32 @p1 s2;
	s14 =	spop @p1 (v2sf)  }
0x17d: {  	v23 =	vld [tilespmem:s13+$0x0];
	s2 =	sadd.s32 @p1 s15, s14  }
0x17e: {  	s10 =	smov.u32 @p1 s2  }
.Ltmp11:
0x17f: {  	p1 =	slt.s32 s10, $0xF0;
	s2 =	smov.u32 s10;
	(pc) =	sbr.rel @!p0 .LBB2_17-.Ltmp11, $4  }
0x180: {  	s2 =	simm.s32 @!p1 $0xF0  }
0x181: {  	[tilespmem:s2+$0x19900] =	vst.msk vm8, v24  }
0x182: {  	s13 =	simm.s32 $0x0;
	s14 =	simm.s32 $0x18000;
	[tilespmem:s2+$0x1A100] =	vst.msk vm8, v23;
	s28 =	spop (v2sf)  }
0x183: {  	p1 =	por $0x0, $0x0;
	v23 =	vor.u32 s13, v17;
	v24 =	vld [tilespmem:s14+$0x0];
	s24 =	sadd.s32 s10, s28;
	s10 =	simm.s32 $0x18600  }
0x184: {  	_ =	sdelay $0x3  }
0x185: {  	vm8 =	vlt.s32 v23, v22;
	vm9 =	vlt.s32 v24, v6  }
0x186: {  	vm15 =	vge.s32 v24, v5;
	vm8 =	vmand vm8, vm9  }
0x187: {  	vm8 =	vmand vm8, vm15  }
0x188: {  	v26 =	vmpcnt.ones.xlane vm8;
	_ =	sdelay $0x1  }
0x189: {  	v25 =	vld [tilespmem:s10+$0x0];
	(v2sf) =	vpush v26, $0x0  }
0x18a: {  	p3 =	sne.s32 s22, $0x1  }
.Ltmp12:
0x18b: {  	p2 =	por $0x1, $0x1;
	s2 =	simm.s32 $0x0;
	(pc) =	sbr.rel @!p3 .LBB2_19-.Ltmp12, $4  }
0x18c: {  	s2 =	simm.s32 @!p2 $0xF0  }
0x18d: {  	[tilespmem:s2+$0x19A00] =	vst.msk vm8, v24  }
0x18e: {  	s20 =	simm.s32 $0x18010;
	s21 =	sadd.s32 $0xFFFFFFFF, s22;
	s19 =	simm.s32 $0x0;
	[tilespmem:s2+$0x1A200] =	vst.msk vm8, v25  }
0x18f: {  	s16 =	simm.s32 $0x18600;
	s15 =	simm.s32 $0x0;
	p2 =	por $0x1, $0x1;
	v24 =	vld [tilespmem:s20+$0x0]  }
.LBB2_20:
0x190: {  	p3 =	sne.s32 s21, $0x1;
	_ =	sdelay $0x1  }
0x191: {  	s19 =	sadd.s32 $0x10, s19  }
0x192: {  	v25 =	vor.u32 s19, v17  }
0x193: {  	vm8 =	vlt.s32 v25, v22;
	vm9 =	vlt.s32 v24, v6  }
0x194: {  	vm10 =	vge.s32 v24, v5;
	vm8 =	vmand vm8, vm9  }
0x195: {  	vm8 =	vmand vm8, vm10  }
0x196: {  	s16 =	sadd.s32 $0x10, s16;
	v25 =	vmpcnt.ones.xlane vm8  }
0x197: {  	v26 =	vld [tilespmem:s16+$0x0];
	s2 =	spop (v2sf)  }
0x198: {  	(v2sf) =	vpush v25, $0x0;
	s15 =	sadd.s32 s15, s2  }
0x199: {  	p4 =	slt.s32 s15, $0xF0;
	s2 =	smov.u32 s15  }
.Ltmp13:
0x19a: {  	s2 =	simm.s32 @!p4 $0xF0;
	(pc) =	sbr.rel @p3 .LBB2_20-.Ltmp13, $4  }
0x19b: {  	[tilespmem:s2+$0x19A00] =	vst.msk vm8, v24  }
0x19c: {  	[tilespmem:s2+$0x1A200] =	vst.msk vm8, v26  }
0x19d: {  	s20 =	sadd.s32 $0x10, s20  }
0x19e: {  	s21 =	sadd.s32 $0xFFFFFFFF, s21;
	v24 =	vld [tilespmem:s20+$0x0]  }
.LBB2_21:
0x19f: {  	_ = 	snop  }
0x1a0: {  	s2 =	sadd.s32 @p2 $0x10, s19;
	s19 =	simm.s32 $0x0  }
0x1a1: {  	s19 =	smov.u32 @p2 s2  }
0x1a2: {  	v25 =	vor.u32 s19, v17  }
0x1a3: {  	vm8 =	vlt.s32 v25, v22;
	vm9 =	vlt.s32 v24, v6  }
0x1a4: {  	vm10 =	vge.s32 v24, v5;
	vm8 =	vmand vm8, vm9  }
0x1a5: {  	vm8 =	vmand vm8, vm10  }
0x1a6: {  	v25 =	vmpcnt.ones.xlane vm8;
	_ =	sdelay $0x1  }
0x1a7: {  	(v2sf) =	vpush v25, $0x0;
	_ =	sdelay $0x7  }
0x1a8: {  	s2 =	sadd.s32 @p2 $0x10, s16;
	s16 =	simm.s32 $0x18600  }
0x1a9: {  	s16 =	smov.u32 @p2 s2;
	s19 =	spop @p2 (v2sf)  }
0x1aa: {  	v25 =	vld [tilespmem:s16+$0x0];
	s2 =	sadd.s32 @p2 s15, s19;
	s15 =	simm.s32 $0x0  }
0x1ab: {  	s15 =	smov.u32 @p2 s2  }
.Ltmp14:
0x1ac: {  	p2 =	slt.s32 s15, $0xF0;
	s2 =	smov.u32 s15;
	(pc) =	sbr.rel @!p0 .LBB2_22-.Ltmp14, $4  }
0x1ad: {  	s2 =	simm.s32 @!p2 $0xF0  }
0x1ae: {  	[tilespmem:s2+$0x19A00] =	vst.msk vm8, v24  }
0x1af: {  	[tilespmem:s2+$0x1A200] =	vst.msk vm8, v25;
	s28 =	spop (v2sf)  }
0x1b0: {  	v24 =	vld [tilespmem:s14+$0x0];
	s25 =	sadd.s32 s15, s28  }
0x1b1: {  	_ =	sdelay $0x3  }
0x1b2: {  	vm8 =	vlt.s32 v23, v22;
	vm9 =	vlt.s32 v24, v8  }
0x1b3: {  	vm15 =	vge.s32 v24, v7;
	vm8 =	vmand vm8, vm9  }
0x1b4: {  	vm8 =	vmand vm8, vm15  }
0x1b5: {  	v23 =	vmpcnt.ones.xlane vm8;
	_ =	sdelay $0x1  }
0x1b6: {  	v25 =	vld [tilespmem:s10+$0x0];
	(v2sf) =	vpush v23, $0x0  }
0x1b7: {  	p2 =	sne.s32 s22, $0x1  }
.Ltmp15:
0x1b8: {  	p1 =	por $0x1, $0x1;
	s2 =	simm.s32 $0x0;
	(pc) =	sbr.rel @!p2 .LBB2_24-.Ltmp15, $4  }
0x1b9: {  	s2 =	simm.s32 @!p1 $0xF0  }
0x1ba: {  	[tilespmem:s2+$0x19B00] =	vst.msk vm8, v24  }
0x1bb: {  	s19 =	simm.s32 $0x18010;
	s20 =	sadd.s32 $0xFFFFFFFF, s22;
	s16 =	simm.s32 $0x0;
	[tilespmem:s2+$0x1A300] =	vst.msk vm8, v25  }
0x1bc: {  	s14 =	simm.s32 $0x18600;
	s15 =	simm.s32 $0x0;
	p1 =	por $0x1, $0x1;
	v24 =	vld [tilespmem:s19+$0x0]  }
.LBB2_25:
0x1bd: {  	p2 =	sne.s32 s20, $0x1;
	_ =	sdelay $0x1  }
0x1be: {  	s16 =	sadd.s32 $0x10, s16  }
0x1bf: {  	v23 =	vor.u32 s16, v17  }
0x1c0: {  	vm8 =	vlt.s32 v23, v22;
	vm9 =	vlt.s32 v24, v8  }
0x1c1: {  	vm10 =	vge.s32 v24, v7;
	vm8 =	vmand vm8, vm9  }
0x1c2: {  	vm8 =	vmand vm8, vm10  }
0x1c3: {  	s14 =	sadd.s32 $0x10, s14;
	v23 =	vmpcnt.ones.xlane vm8  }
0x1c4: {  	v25 =	vld [tilespmem:s14+$0x0];
	s2 =	spop (v2sf)  }
0x1c5: {  	(v2sf) =	vpush v23, $0x0;
	s15 =	sadd.s32 s15, s2  }
0x1c6: {  	p3 =	slt.s32 s15, $0xF0;
	s2 =	smov.u32 s15  }
.Ltmp16:
0x1c7: {  	s2 =	simm.s32 @!p3 $0xF0;
	(pc) =	sbr.rel @p2 .LBB2_25-.Ltmp16, $4  }
0x1c8: {  	[tilespmem:s2+$0x19B00] =	vst.msk vm8, v24  }
0x1c9: {  	[tilespmem:s2+$0x1A300] =	vst.msk vm8, v25  }
0x1ca: {  	s19 =	sadd.s32 $0x10, s19  }
0x1cb: {  	s20 =	sadd.s32 $0xFFFFFFFF, s20;
	v24 =	vld [tilespmem:s19+$0x0]  }
.LBB2_26:
0x1cc: {  	_ = 	snop  }
0x1cd: {  	s2 =	sadd.s32 @p1 $0x10, s16;
	s16 =	simm.s32 $0x0  }
0x1ce: {  	s16 =	smov.u32 @p1 s2  }
0x1cf: {  	v23 =	vor.u32 s16, v17  }
0x1d0: {  	vm8 =	vlt.s32 v23, v22;
	vm9 =	vlt.s32 v24, v8  }
0x1d1: {  	vm10 =	vge.s32 v24, v7;
	vm8 =	vmand vm8, vm9  }
0x1d2: {  	vm8 =	vmand vm8, vm10  }
0x1d3: {  	v23 =	vmpcnt.ones.xlane vm8;
	_ =	sdelay $0x1  }
0x1d4: {  	(v2sf) =	vpush v23, $0x0;
	_ =	sdelay $0x7  }
0x1d5: {  	s2 =	sadd.s32 @p1 $0x10, s14  }
0x1d6: {  	s10 =	smov.u32 @p1 s2;
	s14 =	spop @p1 (v2sf)  }
0x1d7: {  	v23 =	vld [tilespmem:s10+$0x0];
	s2 =	sadd.s32 @p1 s15, s14  }
0x1d8: {  	s13 =	smov.u32 @p1 s2  }
.Ltmp17:
0x1d9: {  	p1 =	slt.s32 s13, $0xF0;
	s2 =	smov.u32 s13;
	(pc) =	sbr.rel @!p0 .LBB2_27-.Ltmp17, $4  }
0x1da: {  	s2 =	simm.s32 @!p1 $0xF0  }
0x1db: {  	[tilespmem:s2+$0x19B00] =	vst.msk vm8, v24  }
0x1dc: {  	s14 =	simm.s32 $0x0;
	s15 =	simm.s32 $0x18000;
	[tilespmem:s2+$0x1A300] =	vst.msk vm8, v23;
	s23 =	spop (v2sf)  }
0x1dd: {  	p1 =	por $0x0, $0x0;
	v23 =	vor.u32 s14, v17;
	v24 =	vld [tilespmem:s15+$0x0];
	s28 =	sadd.s32 s13, s23;
	s13 =	simm.s32 $0x18600  }
0x1de: {  	_ =	sdelay $0x3  }
0x1df: {  	vm8 =	vlt.s32 v23, v22;
	vm9 =	vlt.s32 v24, v10  }
0x1e0: {  	vm15 =	vge.s32 v24, v9;
	vm8 =	vmand vm8, vm9  }
0x1e1: {  	vm8 =	vmand vm8, vm15  }
0x1e2: {  	v26 =	vmpcnt.ones.xlane vm8;
	_ =	sdelay $0x1  }
0x1e3: {  	v25 =	vld [tilespmem:s13+$0x0];
	(v2sf) =	vpush v26, $0x0  }
0x1e4: {  	p3 =	sne.s32 s22, $0x1  }
.Ltmp18:
0x1e5: {  	p2 =	por $0x1, $0x1;
	s2 =	simm.s32 $0x0;
	(pc) =	sbr.rel @!p3 .LBB2_29-.Ltmp18, $4  }
0x1e6: {  	s2 =	simm.s32 @!p2 $0xF0  }
0x1e7: {  	[tilespmem:s2+$0x19C00] =	vst.msk vm8, v24  }
0x1e8: {  	s20 =	simm.s32 $0x18010;
	s21 =	sadd.s32 $0xFFFFFFFF, s22;
	s19 =	simm.s32 $0x0;
	[tilespmem:s2+$0x1A400] =	vst.msk vm8, v25  }
0x1e9: {  	s16 =	simm.s32 $0x18600;
	s10 =	simm.s32 $0x0;
	p2 =	por $0x1, $0x1;
	v24 =	vld [tilespmem:s20+$0x0]  }
.LBB2_30:
0x1ea: {  	p3 =	sne.s32 s21, $0x1;
	_ =	sdelay $0x1  }
0x1eb: {  	s19 =	sadd.s32 $0x10, s19  }
0x1ec: {  	v25 =	vor.u32 s19, v17  }
0x1ed: {  	vm8 =	vlt.s32 v25, v22;
	vm9 =	vlt.s32 v24, v10  }
0x1ee: {  	vm10 =	vge.s32 v24, v9;
	vm8 =	vmand vm8, vm9  }
0x1ef: {  	vm8 =	vmand vm8, vm10  }
0x1f0: {  	s16 =	sadd.s32 $0x10, s16;
	v25 =	vmpcnt.ones.xlane vm8  }
0x1f1: {  	v26 =	vld [tilespmem:s16+$0x0];
	s2 =	spop (v2sf)  }
0x1f2: {  	(v2sf) =	vpush v25, $0x0;
	s10 =	sadd.s32 s10, s2  }
0x1f3: {  	p4 =	slt.s32 s10, $0xF0;
	s2 =	smov.u32 s10  }
.Ltmp19:
0x1f4: {  	s2 =	simm.s32 @!p4 $0xF0;
	(pc) =	sbr.rel @p3 .LBB2_30-.Ltmp19, $4  }
0x1f5: {  	[tilespmem:s2+$0x19C00] =	vst.msk vm8, v24  }
0x1f6: {  	[tilespmem:s2+$0x1A400] =	vst.msk vm8, v26  }
0x1f7: {  	s20 =	sadd.s32 $0x10, s20  }
0x1f8: {  	s21 =	sadd.s32 $0xFFFFFFFF, s21;
	v24 =	vld [tilespmem:s20+$0x0]  }
.LBB2_31:
0x1f9: {  	_ = 	snop  }
0x1fa: {  	s2 =	sadd.s32 @p2 $0x10, s19;
	s19 =	simm.s32 $0x0  }
0x1fb: {  	s19 =	smov.u32 @p2 s2  }
0x1fc: {  	v25 =	vor.u32 s19, v17  }
0x1fd: {  	vm8 =	vlt.s32 v25, v22;
	vm9 =	vlt.s32 v24, v10  }
0x1fe: {  	vm10 =	vge.s32 v24, v9;
	vm8 =	vmand vm8, vm9  }
0x1ff: {  	vm8 =	vmand vm8, vm10  }
0x200: {  	v25 =	vmpcnt.ones.xlane vm8;
	_ =	sdelay $0x1  }
0x201: {  	(v2sf) =	vpush v25, $0x0;
	_ =	sdelay $0x7  }
0x202: {  	s2 =	sadd.s32 @p2 $0x10, s16;
	s16 =	simm.s32 $0x18600  }
0x203: {  	s16 =	smov.u32 @p2 s2;
	s19 =	spop @p2 (v2sf)  }
0x204: {  	v25 =	vld [tilespmem:s16+$0x0];
	s2 =	sadd.s32 @p2 s10, s19;
	s10 =	simm.s32 $0x0  }
0x205: {  	s10 =	smov.u32 @p2 s2  }
.Ltmp20:
0x206: {  	p2 =	slt.s32 s10, $0xF0;
	s2 =	smov.u32 s10;
	(pc) =	sbr.rel @!p0 .LBB2_32-.Ltmp20, $4  }
0x207: {  	s2 =	simm.s32 @!p2 $0xF0  }
0x208: {  	[tilespmem:s2+$0x19C00] =	vst.msk vm8, v24  }
0x209: {  	[tilespmem:s2+$0x1A400] =	vst.msk vm8, v25;
	s23 =	spop (v2sf)  }
0x20a: {  	[dreg:$0xe] =	wrdreg s3;
	v24 =	vld [tilespmem:s15+$0x0];
	s10 =	sadd.s32 s10, s23  }
0x20b: {  	_ =	sdelay $0x3  }
0x20c: {  	vm8 =	vlt.s32 v23, v22;
	vm9 =	vlt.s32 v24, v12  }
0x20d: {  	vm15 =	vge.s32 v24, v11;
	vm8 =	vmand vm8, vm9  }
0x20e: {  	vm8 =	vmand vm8, vm15  }
0x20f: {  	v23 =	vmpcnt.ones.xlane vm8;
	_ =	sdelay $0x1  }
0x210: {  	v25 =	vld [tilespmem:s13+$0x0];
	(v2sf) =	vpush v23, $0x0  }
0x211: {  	p2 =	sne.s32 s22, $0x1  }
.Ltmp21:
0x212: {  	p1 =	por $0x1, $0x1;
	s2 =	simm.s32 $0x0;
	(pc) =	sbr.rel @!p2 .LBB2_34-.Ltmp21, $4  }
0x213: {  	s2 =	simm.s32 @!p1 $0xF0  }
0x214: {  	[tilespmem:s2+$0x19D00] =	vst.msk vm8, v24  }
0x215: {  	s20 =	simm.s32 $0x18010;
	s21 =	sadd.s32 $0xFFFFFFFF, s22;
	s19 =	simm.s32 $0x0;
	[tilespmem:s2+$0x1A500] =	vst.msk vm8, v25  }
0x216: {  	s15 =	simm.s32 $0x18600;
	s16 =	simm.s32 $0x0;
	p1 =	por $0x1, $0x1;
	v24 =	vld [tilespmem:s20+$0x0]  }
.LBB2_35:
0x217: {  	p2 =	sne.s32 s21, $0x1;
	_ =	sdelay $0x1  }
0x218: {  	s19 =	sadd.s32 $0x10, s19  }
0x219: {  	v23 =	vor.u32 s19, v17  }
0x21a: {  	vm8 =	vlt.s32 v23, v22;
	vm9 =	vlt.s32 v24, v12  }
0x21b: {  	vm10 =	vge.s32 v24, v11;
	vm8 =	vmand vm8, vm9  }
0x21c: {  	vm8 =	vmand vm8, vm10  }
0x21d: {  	s15 =	sadd.s32 $0x10, s15;
	v23 =	vmpcnt.ones.xlane vm8  }
0x21e: {  	v25 =	vld [tilespmem:s15+$0x0];
	s2 =	spop (v2sf)  }
0x21f: {  	(v2sf) =	vpush v23, $0x0;
	s16 =	sadd.s32 s16, s2  }
0x220: {  	p3 =	slt.s32 s16, $0xF0;
	s2 =	smov.u32 s16  }
.Ltmp22:
0x221: {  	s2 =	simm.s32 @!p3 $0xF0;
	(pc) =	sbr.rel @p2 .LBB2_35-.Ltmp22, $4  }
0x222: {  	[tilespmem:s2+$0x19D00] =	vst.msk vm8, v24  }
0x223: {  	[tilespmem:s2+$0x1A500] =	vst.msk vm8, v25  }
0x224: {  	s20 =	sadd.s32 $0x10, s20  }
0x225: {  	s21 =	sadd.s32 $0xFFFFFFFF, s21;
	v24 =	vld [tilespmem:s20+$0x0]  }
0x226: {  	s23 =	smov.u32 s6  }
.LBB2_37:
0x227: {  	s2 =	sadd.s32 @p1 $0x10, s19;
	s19 =	simm.s32 $0x0  }
0x228: {  	s19 =	smov.u32 @p1 s2  }
0x229: {  	v23 =	vor.u32 s19, v17  }
0x22a: {  	vm8 =	vlt.s32 v23, v22;
	vm9 =	vlt.s32 v24, v12  }
0x22b: {  	vm10 =	vge.s32 v24, v11;
	vm8 =	vmand vm8, vm9  }
0x22c: {  	vm8 =	vmand vm8, vm10  }
0x22d: {  	v23 =	vmpcnt.ones.xlane vm8;
	_ =	sdelay $0x1  }
0x22e: {  	(v2sf) =	vpush v23, $0x0;
	_ =	sdelay $0x7  }
0x22f: {  	s2 =	sadd.s32 @p1 $0x10, s15  }
0x230: {  	s13 =	smov.u32 @p1 s2;
	s15 =	spop @p1 (v2sf)  }
0x231: {  	v23 =	vld [tilespmem:s13+$0x0];
	s2 =	sadd.s32 @p1 s16, s15  }
0x232: {  	s14 =	smov.u32 @p1 s2  }
.Ltmp23:
0x233: {  	p1 =	slt.s32 s14, $0xF0;
	s2 =	smov.u32 s14;
	(pc) =	sbr.rel @!p0 .LBB2_38-.Ltmp23, $4  }
0x234: {  	s2 =	simm.s32 @!p1 $0xF0  }
0x235: {  	s6 =	smov.u32 s26;
	[tilespmem:s2+$0x19D00] =	vst.msk vm8, v24  }
0x236: {  	s19 =	simm.s32 $0x18000;
	s15 =	simm.s32 $0x0;
	[tilespmem:s2+$0x1A500] =	vst.msk vm8, v23;
	s26 =	spop (v2sf)  }
0x237: {  	p1 =	por $0x0, $0x0;
	v23 =	vor.u32 s15, v17;
	v24 =	vld [tilespmem:s19+$0x0];
	s13 =	sadd.s32 s14, s26;
	s14 =	simm.s32 $0x18600  }
0x238: {  	_ =	sdelay $0x3  }
0x239: {  	vm8 =	vlt.s32 v23, v22;
	vm9 =	vlt.s32 v24, v14  }
0x23a: {  	vm15 =	vge.s32 v24, v13;
	vm8 =	vmand vm8, vm9  }
0x23b: {  	vm8 =	vmand vm8, vm15  }
0x23c: {  	v26 =	vmpcnt.ones.xlane vm8;
	_ =	sdelay $0x1  }
0x23d: {  	v25 =	vld [tilespmem:s14+$0x0];
	(v2sf) =	vpush v26, $0x0  }
0x23e: {  	p3 =	sne.s32 s22, $0x1  }
.Ltmp24:
0x23f: {  	p2 =	por $0x1, $0x1;
	s2 =	simm.s32 $0x0;
	(pc) =	sbr.rel @!p3 .LBB2_40-.Ltmp24, $4  }
0x240: {  	s2 =	simm.s32 @!p2 $0xF0  }
0x241: {  	[tilespmem:s2+$0x19E00] =	vst.msk vm8, v24  }
0x242: {  	s26 =	simm.s32 $0x18010;
	s21 =	simm.s32 $0x0;
	s20 =	simm.s32 $0x18600;
	[tilespmem:s2+$0x1A600] =	vst.msk vm8, v25  }
0x243: {  	s16 =	simm.s32 $0x0;
	p2 =	por $0x1, $0x1;
	s2 =	sadd.s32 $0xFFFFFFFF, s22;
	v24 =	vld [tilespmem:s26+$0x0]  }
.LBB2_41:
0x244: {  	p3 =	sne.s32 s2, $0x1;
	_ =	sdelay $0x1  }
0x245: {  	s21 =	sadd.s32 $0x10, s21  }
0x246: {  	v25 =	vor.u32 s21, v17  }
0x247: {  	vm8 =	vlt.s32 v25, v22;
	vm9 =	vlt.s32 v24, v14  }
0x248: {  	vm10 =	vge.s32 v24, v13;
	vm8 =	vmand vm8, vm9  }
0x249: {  	vm8 =	vmand vm8, vm10  }
0x24a: {  	s20 =	sadd.s32 $0x10, s20;
	v25 =	vmpcnt.ones.xlane vm8  }
0x24b: {  	v26 =	vld [tilespmem:s20+$0x0];
	s3 =	spop (v2sf)  }
0x24c: {  	(v2sf) =	vpush v25, $0x0;
	s16 =	sadd.s32 s16, s3  }
0x24d: {  	p4 =	slt.s32 s16, $0xF0;
	s3 =	smov.u32 s16  }
.Ltmp25:
0x24e: {  	s3 =	simm.s32 @!p4 $0xF0;
	(pc) =	sbr.rel @p3 .LBB2_41-.Ltmp25, $4  }
0x24f: {  	[tilespmem:s3+$0x19E00] =	vst.msk vm8, v24  }
0x250: {  	[tilespmem:s3+$0x1A600] =	vst.msk vm8, v26  }
0x251: {  	s26 =	sadd.s32 $0x10, s26  }
0x252: {  	s2 =	sadd.s32 $0xFFFFFFFF, s2;
	v24 =	vld [tilespmem:s26+$0x0]  }
.LBB2_42:
0x253: {  	_ = 	snop  }
0x254: {  	s2 =	sadd.s32 @p2 $0x10, s21;
	s3 =	simm.s32 $0x0  }
0x255: {  	s3 =	smov.u32 @p2 s2  }
0x256: {  	v25 =	vor.u32 s3, v17  }
0x257: {  	vm8 =	vlt.s32 v25, v22;
	vm9 =	vlt.s32 v24, v14  }
0x258: {  	vm10 =	vge.s32 v24, v13;
	vm8 =	vmand vm8, vm9  }
0x259: {  	vm8 =	vmand vm8, vm10  }
0x25a: {  	v25 =	vmpcnt.ones.xlane vm8;
	_ =	sdelay $0x1  }
0x25b: {  	(v2sf) =	vpush v25, $0x0;
	_ =	sdelay $0x7  }
0x25c: {  	s2 =	sadd.s32 @p2 $0x10, s20;
	s3 =	simm.s32 $0x18600  }
0x25d: {  	s3 =	smov.u32 @p2 s2;
	s20 =	spop @p2 (v2sf)  }
0x25e: {  	v25 =	vld [tilespmem:s3+$0x0];
	s2 =	sadd.s32 @p2 s16, s20;
	s3 =	simm.s32 $0x0  }
0x25f: {  	s3 =	smov.u32 @p2 s2  }
.Ltmp26:
0x260: {  	p2 =	slt.s32 s3, $0xF0;
	s2 =	smov.u32 s3;
	(pc) =	sbr.rel @!p0 .LBB2_43-.Ltmp26, $4  }
0x261: {  	s2 =	simm.s32 @!p2 $0xF0  }
0x262: {  	[tilespmem:s2+$0x19E00] =	vst.msk vm8, v24  }
0x263: {  	[tilespmem:s2+$0x1A600] =	vst.msk vm8, v25;
	s26 =	spop (v2sf)  }
0x264: {  	v24 =	vld [tilespmem:s19+$0x0];
	s16 =	sadd.s32 s3, s26  }
0x265: {  	_ =	sdelay $0x3  }
0x266: {  	vm8 =	vlt.s32 v23, v22;
	vm9 =	vlt.s32 v24, v16  }
0x267: {  	vm15 =	vge.s32 v24, v15;
	vm8 =	vmand vm8, vm9  }
0x268: {  	vm8 =	vmand vm8, vm15  }
0x269: {  	v23 =	vmpcnt.ones.xlane vm8;
	_ =	sdelay $0x1  }
0x26a: {  	v25 =	vld [tilespmem:s14+$0x0];
	p0 =	por $0x1, $0x1;
	s2 =	simm.s32 $0x0;
	(v2sf) =	vpush v23, $0x0  }
0x26b: {  	s2 =	simm.s32 @!p0 $0xF0;
	p0 =	sne.s32 s22, $0x1  }
.Ltmp27:
0x26c: {  	_ = 	snop;
	(pc) =	sbr.rel @!p0 .LBB2_45-.Ltmp27, $4  }
0x26d: {  	_ = 	snop  }
0x26e: {  	[tilespmem:s2+$0x19F00] =	vst.msk vm8, v24  }
0x26f: {  	s26 =	simm.s32 $0x18010;
	p1 =	por $0x1, $0x1;
	s21 =	simm.s32 $0x0;
	[tilespmem:s2+$0x1A700] =	vst.msk vm8, v25  }
0x270: {  	s19 =	simm.s32 $0x18600;
	s20 =	simm.s32 $0x0;
	s2 =	sadd.s32 $0xFFFFFFFF, s22;
	v24 =	vld [tilespmem:s26+$0x0]  }
.LBB2_46:
0x271: {  	p0 =	sne.s32 s2, $0x1;
	_ =	sdelay $0x1  }
0x272: {  	s21 =	sadd.s32 $0x10, s21  }
0x273: {  	v23 =	vor.u32 s21, v17  }
0x274: {  	vm8 =	vlt.s32 v23, v22;
	vm9 =	vlt.s32 v24, v16  }
0x275: {  	vm10 =	vge.s32 v24, v15;
	vm8 =	vmand vm8, vm9  }
0x276: {  	vm8 =	vmand vm8, vm10  }
0x277: {  	s19 =	sadd.s32 $0x10, s19;
	v23 =	vmpcnt.ones.xlane vm8  }
0x278: {  	v25 =	vld [tilespmem:s19+$0x0];
	s3 =	spop (v2sf)  }
0x279: {  	(v2sf) =	vpush v23, $0x0;
	s20 =	sadd.s32 s20, s3  }
0x27a: {  	p2 =	slt.s32 s20, $0xF0;
	s3 =	smov.u32 s20  }
.Ltmp28:
0x27b: {  	s3 =	simm.s32 @!p2 $0xF0;
	(pc) =	sbr.rel @p0 .LBB2_46-.Ltmp28, $4  }
0x27c: {  	[tilespmem:s3+$0x19F00] =	vst.msk vm8, v24  }
0x27d: {  	[tilespmem:s3+$0x1A700] =	vst.msk vm8, v25  }
0x27e: {  	s26 =	sadd.s32 $0x10, s26  }
0x27f: {  	s2 =	sadd.s32 $0xFFFFFFFF, s2;
	v24 =	vld [tilespmem:s26+$0x0]  }
.LBB2_47:
0x280: {  	_ = 	snop  }
0x281: {  	s2 =	sadd.s32 @p1 $0x10, s21;
	s3 =	simm.s32 $0x0  }
0x282: {  	s3 =	smov.u32 @p1 s2  }
0x283: {  	v23 =	vor.u32 s3, v17  }
0x284: {  	vm8 =	vlt.s32 v23, v22;
	vm9 =	vlt.s32 v24, v16  }
0x285: {  	vm10 =	vge.s32 v24, v15;
	vm8 =	vmand vm8, vm9  }
0x286: {  	vm8 =	vmand vm8, vm10  }
0x287: {  	v22 =	vmpcnt.ones.xlane vm8;
	_ =	sdelay $0x1  }
0x288: {  	(v2sf) =	vpush v22, $0x0;
	_ =	sdelay $0x8  }
0x289: {  	s2 =	sadd.s32 @p1 $0x10, s19  }
0x28a: {  	s14 =	smov.u32 @p1 s2;
	s3 =	spop @p1 (v2sf)  }
0x28b: {  	v22 =	vld [tilespmem:s14+$0x0];
	s2 =	sadd.s32 @p1 s20, s3  }
0x28c: {  	s15 =	smov.u32 @p1 s2  }
0x28d: {  	p0 =	slt.s32 s15, $0xF0;
	s2 =	smov.u32 s15  }
0x28e: {  	s2 =	simm.s32 @!p0 $0xF0  }
0x28f: {  	s20 =	simm.s32 $0x0;
	s3 =	rddreg [dreg:$0xe];
	[tilespmem:s2+$0x19F00] =	vst.msk vm8, v24;
	s26 =	spop (v2sf)  }
0x290: {  	[tilespmem:s2+$0x1A700] =	vst.msk vm8, v22;
	s2 =	sadd.s32 s15, s26;
	s26 =	smov.u32 s6;
	s6 =	smov.u32 s23  }
.LBB2_48:
0x291: {  	v22 =	vmov s3;
	v23 =	vmov s24  }
0x292: {  	v24 =	vmov s25;
	v22 =	vnsel vm0, $0x0, v22;
	v23 =	vnsel vm1, $0x0, v23  }
0x293: {  	v59 =	vmov s28;
	v22 =	vadd.s32 v22, v23;
	v23 =	vnsel vm2, $0x0, v24  }
0x294: {  	v60 =	vmov s10;
	s14 =	sadd.s32 $0xF, s6;
	v22 =	vadd.s32 v23, v22;
	v23 =	vnsel vm3, $0x0, v59  }
0x295: {  	v61 =	vmov s13;
	p0 =	slt.s32 s14, $0x10;
	v22 =	vadd.s32 v23, v22;
	v23 =	vnsel vm4, $0x0, v60  }
.Ltmp29:
0x296: {  	v62 =	vmov s16;
	v22 =	vadd.s32 v23, v22;
	v23 =	vnsel vm5, $0x0, v61;
	(pc) =	sbr.rel @p0 .LBB2_92-.Ltmp29, $4  }
0x297: {  	v63 =	vmov s2;
	v22 =	vadd.s32 v23, v22;
	v23 =	vnsel vm6, $0x0, v62  }
0x298: {  	s10 =	simm.s32 $0x0;
	v22 =	vadd.s32 v23, v22;
	v23 =	vnsel vm7, $0x0, v63  }
0x299: {  	s24 =	simm.s32 $0x0;
	s22 =	simm.s32 $0x0;
	s23 =	simm.s32 $0x0;
	v22 =	vadd.s32 v23, v22  }
0x29a: {  	s25 =	simm.s32 $0x0;
	s13 =	simm.s32 $0x0;
	s2 =	simm.s32 $0x0;
	[tilespmem:$0x1B800] =	vst v22  }
0x29b: {  	s2 =	sshra.s32 s14, $0x1F  }
0x29c: {  	s2 =	sshrl.u32 s2, $0x1C  }
0x29d: {  	s2 =	sadd.s32 s2, s14  }
0x29e: {  	s2 =	sshra.s32 s2, $0x4  }
0x29f: {  	p0 =	sne.s32 s2, $0x1  }
.Ltmp30:
0x2a0: {  	_ = 	snop;
	(pc) =	sbr.rel @!p0 .LBB2_50-.Ltmp30, $3  }
0x2a1: {  	_ =	sdelay $0x1  }
0x2a2: {  	s13 =	simm.s32 $0x18C00;
	s3 =	simm.s32 $0x0  }
0x2a3: {  	v22 =	vmov s6;
	s10 =	simm.s32 $0x19200;
	p1 =	por $0x0, $0x0;
	v24 =	vld [tilespmem:s13+$0x0];
	v23 =	vor.u32 s3, v17;
	s6 =	sadd.s32 $0xFFFFFFFF, s2  }
0x2a4: {  	_ =	sdelay $0x3  }
0x2a5: {  	vm8 =	vlt.s32 v23, v22;
	vm9 =	vlt.s32 v24, v2  }
0x2a6: {  	vm15 =	vge.s32 v24, v0;
	vm8 =	vmand vm8, vm9  }
0x2a7: {  	vm8 =	vmand vm8, vm15  }
0x2a8: {  	v26 =	vmpcnt.ones.xlane vm8;
	_ =	sdelay $0x1  }
0x2a9: {  	v25 =	vld [tilespmem:s10+$0x0];
	(v2sf) =	vpush v26, $0x0  }
0x2aa: {  	p3 =	sne.s32 s6, $0x1  }
.Ltmp31:
0x2ab: {  	p2 =	por $0x1, $0x1;
	s2 =	simm.s32 $0x0;
	(pc) =	sbr.rel @!p3 .LBB2_52-.Ltmp31, $4  }
0x2ac: {  	s2 =	simm.s32 @!p2 $0xF0  }
0x2ad: {  	[tilespmem:s2+$0x1A800] =	vst.msk vm8, v24  }
0x2ae: {  	s19 =	simm.s32 $0x18C10;
	s16 =	simm.s32 $0x0;
	s15 =	simm.s32 $0x19200;
	[tilespmem:s2+$0x1B000] =	vst.msk vm8, v25  }
0x2af: {  	s14 =	simm.s32 $0x0;
	p2 =	por $0x1, $0x1;
	s2 =	sadd.s32 $0xFFFFFFFF, s6;
	v24 =	vld [tilespmem:s19+$0x0]  }
.LBB2_53:
0x2b0: {  	p3 =	sne.s32 s2, $0x1;
	_ =	sdelay $0x1  }
0x2b1: {  	s16 =	sadd.s32 $0x10, s16  }
0x2b2: {  	v25 =	vor.u32 s16, v17  }
0x2b3: {  	vm8 =	vlt.s32 v25, v22;
	vm9 =	vlt.s32 v24, v2  }
0x2b4: {  	vm10 =	vge.s32 v24, v0;
	vm8 =	vmand vm8, vm9  }
0x2b5: {  	vm8 =	vmand vm8, vm10  }
0x2b6: {  	s15 =	sadd.s32 $0x10, s15;
	v25 =	vmpcnt.ones.xlane vm8  }
0x2b7: {  	v26 =	vld [tilespmem:s15+$0x0];
	s20 =	spop (v2sf)  }
0x2b8: {  	(v2sf) =	vpush v25, $0x0;
	s14 =	sadd.s32 s14, s20  }
0x2b9: {  	p4 =	slt.s32 s14, $0xF0;
	s20 =	smov.u32 s14  }
.Ltmp32:
0x2ba: {  	s20 =	simm.s32 @!p4 $0xF0;
	(pc) =	sbr.rel @p3 .LBB2_53-.Ltmp32, $4  }
0x2bb: {  	[tilespmem:s20+$0x1A800] =	vst.msk vm8, v24  }
0x2bc: {  	[tilespmem:s20+$0x1B000] =	vst.msk vm8, v26  }
0x2bd: {  	s19 =	sadd.s32 $0x10, s19  }
0x2be: {  	s2 =	sadd.s32 $0xFFFFFFFF, s2;
	v24 =	vld [tilespmem:s19+$0x0]  }
.LBB2_54:
0x2bf: {  	_ = 	snop  }
0x2c0: {  	s2 =	sadd.s32 @p2 $0x10, s16;
	s16 =	simm.s32 $0x0  }
0x2c1: {  	s16 =	smov.u32 @p2 s2  }
0x2c2: {  	v25 =	vor.u32 s16, v17  }
0x2c3: {  	vm8 =	vlt.s32 v25, v22;
	vm9 =	vlt.s32 v24, v2  }
0x2c4: {  	vm10 =	vge.s32 v24, v0;
	vm8 =	vmand vm8, vm9  }
0x2c5: {  	vm8 =	vmand vm8, vm10  }
0x2c6: {  	v25 =	vmpcnt.ones.xlane vm8;
	_ =	sdelay $0x1  }
0x2c7: {  	(v2sf) =	vpush v25, $0x0;
	_ =	sdelay $0x7  }
0x2c8: {  	s2 =	sadd.s32 @p2 $0x10, s15;
	s15 =	simm.s32 $0x19200  }
0x2c9: {  	s15 =	smov.u32 @p2 s2;
	s16 =	spop @p2 (v2sf)  }
0x2ca: {  	v25 =	vld [tilespmem:s15+$0x0];
	s2 =	sadd.s32 @p2 s14, s16;
	s14 =	simm.s32 $0x0  }
0x2cb: {  	s14 =	smov.u32 @p2 s2  }
.Ltmp33:
0x2cc: {  	p2 =	slt.s32 s14, $0xF0;
	s2 =	smov.u32 s14;
	(pc) =	sbr.rel @!p0 .LBB2_55-.Ltmp33, $4  }
0x2cd: {  	s2 =	simm.s32 @!p2 $0xF0  }
0x2ce: {  	[tilespmem:s2+$0x1A800] =	vst.msk vm8, v24  }
0x2cf: {  	[tilespmem:s2+$0x1B000] =	vst.msk vm8, v25;
	s28 =	spop (v2sf)  }
0x2d0: {  	v24 =	vld [tilespmem:s13+$0x0];
	s22 =	sadd.s32 s14, s28  }
0x2d1: {  	_ =	sdelay $0x3  }
0x2d2: {  	vm8 =	vlt.s32 v23, v22;
	vm9 =	vlt.s32 v24, v4  }
0x2d3: {  	vm15 =	vge.s32 v24, v3;
	vm8 =	vmand vm8, vm9  }
0x2d4: {  	vm8 =	vmand vm8, vm15  }
0x2d5: {  	v23 =	vmpcnt.ones.xlane vm8;
	_ =	sdelay $0x1  }
0x2d6: {  	v25 =	vld [tilespmem:s10+$0x0];
	(v2sf) =	vpush v23, $0x0  }
0x2d7: {  	p2 =	sne.s32 s6, $0x1  }
.Ltmp34:
0x2d8: {  	p1 =	por $0x1, $0x1;
	s2 =	simm.s32 $0x0;
	(pc) =	sbr.rel @!p2 .LBB2_57-.Ltmp34, $4  }
0x2d9: {  	s2 =	simm.s32 @!p1 $0xF0  }
0x2da: {  	[tilespmem:s2+$0x1A900] =	vst.msk vm8, v24  }
0x2db: {  	s16 =	simm.s32 $0x18C10;
	s15 =	simm.s32 $0x0;
	s13 =	simm.s32 $0x19200;
	[tilespmem:s2+$0x1B100] =	vst.msk vm8, v25  }
0x2dc: {  	s14 =	simm.s32 $0x0;
	p1 =	por $0x1, $0x1;
	s2 =	sadd.s32 $0xFFFFFFFF, s6;
	v24 =	vld [tilespmem:s16+$0x0]  }
.LBB2_58:
0x2dd: {  	p2 =	sne.s32 s2, $0x1;
	_ =	sdelay $0x1  }
0x2de: {  	s15 =	sadd.s32 $0x10, s15  }
0x2df: {  	v23 =	vor.u32 s15, v17  }
0x2e0: {  	vm8 =	vlt.s32 v23, v22;
	vm9 =	vlt.s32 v24, v4  }
0x2e1: {  	vm10 =	vge.s32 v24, v3;
	vm8 =	vmand vm8, vm9  }
0x2e2: {  	vm8 =	vmand vm8, vm10  }
0x2e3: {  	s13 =	sadd.s32 $0x10, s13;
	v23 =	vmpcnt.ones.xlane vm8  }
0x2e4: {  	v25 =	vld [tilespmem:s13+$0x0];
	s19 =	spop (v2sf)  }
0x2e5: {  	(v2sf) =	vpush v23, $0x0;
	s14 =	sadd.s32 s14, s19  }
0x2e6: {  	p3 =	slt.s32 s14, $0xF0;
	s19 =	smov.u32 s14  }
.Ltmp35:
0x2e7: {  	s19 =	simm.s32 @!p3 $0xF0;
	(pc) =	sbr.rel @p2 .LBB2_58-.Ltmp35, $4  }
0x2e8: {  	[tilespmem:s19+$0x1A900] =	vst.msk vm8, v24  }
0x2e9: {  	[tilespmem:s19+$0x1B100] =	vst.msk vm8, v25  }
0x2ea: {  	s16 =	sadd.s32 $0x10, s16  }
0x2eb: {  	s2 =	sadd.s32 $0xFFFFFFFF, s2;
	v24 =	vld [tilespmem:s16+$0x0]  }
.LBB2_59:
0x2ec: {  	_ = 	snop  }
0x2ed: {  	s2 =	sadd.s32 @p1 $0x10, s15;
	s15 =	simm.s32 $0x0  }
0x2ee: {  	s15 =	smov.u32 @p1 s2  }
0x2ef: {  	v23 =	vor.u32 s15, v17  }
0x2f0: {  	vm8 =	vlt.s32 v23, v22;
	vm9 =	vlt.s32 v24, v4  }
0x2f1: {  	vm10 =	vge.s32 v24, v3;
	vm8 =	vmand vm8, vm9  }
0x2f2: {  	vm8 =	vmand vm8, vm10  }
0x2f3: {  	v23 =	vmpcnt.ones.xlane vm8;
	_ =	sdelay $0x1  }
0x2f4: {  	(v2sf) =	vpush v23, $0x0;
	_ =	sdelay $0x7  }
0x2f5: {  	s2 =	sadd.s32 @p1 $0x10, s13  }
0x2f6: {  	s10 =	smov.u32 @p1 s2;
	s13 =	spop @p1 (v2sf)  }
0x2f7: {  	v23 =	vld [tilespmem:s10+$0x0];
	s2 =	sadd.s32 @p1 s14, s13  }
0x2f8: {  	s3 =	smov.u32 @p1 s2  }
.Ltmp36:
0x2f9: {  	p1 =	slt.s32 s3, $0xF0;
	s2 =	smov.u32 s3;
	(pc) =	sbr.rel @!p0 .LBB2_60-.Ltmp36, $4  }
0x2fa: {  	s2 =	simm.s32 @!p1 $0xF0  }
0x2fb: {  	[tilespmem:s2+$0x1A900] =	vst.msk vm8, v24  }
0x2fc: {  	s10 =	simm.s32 $0x0;
	s13 =	simm.s32 $0x18C00;
	[tilespmem:s2+$0x1B100] =	vst.msk vm8, v23;
	s28 =	spop (v2sf)  }
0x2fd: {  	p1 =	por $0x0, $0x0;
	v23 =	vor.u32 s10, v17;
	v24 =	vld [tilespmem:s13+$0x0];
	s23 =	sadd.s32 s3, s28;
	s3 =	simm.s32 $0x19200  }
0x2fe: {  	_ =	sdelay $0x3  }
0x2ff: {  	vm8 =	vlt.s32 v23, v22;
	vm9 =	vlt.s32 v24, v6  }
0x300: {  	vm15 =	vge.s32 v24, v5;
	vm8 =	vmand vm8, vm9  }
0x301: {  	vm8 =	vmand vm8, vm15  }
0x302: {  	v26 =	vmpcnt.ones.xlane vm8;
	_ =	sdelay $0x1  }
0x303: {  	v25 =	vld [tilespmem:s3+$0x0];
	(v2sf) =	vpush v26, $0x0  }
0x304: {  	p3 =	sne.s32 s6, $0x1  }
.Ltmp37:
0x305: {  	p2 =	por $0x1, $0x1;
	s2 =	simm.s32 $0x0;
	(pc) =	sbr.rel @!p3 .LBB2_62-.Ltmp37, $4  }
0x306: {  	s2 =	simm.s32 @!p2 $0xF0  }
0x307: {  	[tilespmem:s2+$0x1AA00] =	vst.msk vm8, v24  }
0x308: {  	s19 =	simm.s32 $0x18C10;
	s16 =	simm.s32 $0x0;
	s15 =	simm.s32 $0x19200;
	[tilespmem:s2+$0x1B200] =	vst.msk vm8, v25  }
0x309: {  	s14 =	simm.s32 $0x0;
	p2 =	por $0x1, $0x1;
	s2 =	sadd.s32 $0xFFFFFFFF, s6;
	v24 =	vld [tilespmem:s19+$0x0]  }
.LBB2_63:
0x30a: {  	p3 =	sne.s32 s2, $0x1;
	_ =	sdelay $0x1  }
0x30b: {  	s16 =	sadd.s32 $0x10, s16  }
0x30c: {  	v25 =	vor.u32 s16, v17  }
0x30d: {  	vm8 =	vlt.s32 v25, v22;
	vm9 =	vlt.s32 v24, v6  }
0x30e: {  	vm10 =	vge.s32 v24, v5;
	vm8 =	vmand vm8, vm9  }
0x30f: {  	vm8 =	vmand vm8, vm10  }
0x310: {  	s15 =	sadd.s32 $0x10, s15;
	v25 =	vmpcnt.ones.xlane vm8  }
0x311: {  	v26 =	vld [tilespmem:s15+$0x0];
	s20 =	spop (v2sf)  }
0x312: {  	(v2sf) =	vpush v25, $0x0;
	s14 =	sadd.s32 s14, s20  }
0x313: {  	p4 =	slt.s32 s14, $0xF0;
	s20 =	smov.u32 s14  }
.Ltmp38:
0x314: {  	s20 =	simm.s32 @!p4 $0xF0;
	(pc) =	sbr.rel @p3 .LBB2_63-.Ltmp38, $4  }
0x315: {  	[tilespmem:s20+$0x1AA00] =	vst.msk vm8, v24  }
0x316: {  	[tilespmem:s20+$0x1B200] =	vst.msk vm8, v26  }
0x317: {  	s19 =	sadd.s32 $0x10, s19  }
0x318: {  	s2 =	sadd.s32 $0xFFFFFFFF, s2;
	v24 =	vld [tilespmem:s19+$0x0]  }
.LBB2_64:
0x319: {  	_ = 	snop  }
0x31a: {  	s2 =	sadd.s32 @p2 $0x10, s16;
	s16 =	simm.s32 $0x0  }
0x31b: {  	s16 =	smov.u32 @p2 s2  }
0x31c: {  	v25 =	vor.u32 s16, v17  }
0x31d: {  	vm8 =	vlt.s32 v25, v22;
	vm9 =	vlt.s32 v24, v6  }
0x31e: {  	vm10 =	vge.s32 v24, v5;
	vm8 =	vmand vm8, vm9  }
0x31f: {  	vm8 =	vmand vm8, vm10  }
0x320: {  	v25 =	vmpcnt.ones.xlane vm8;
	_ =	sdelay $0x1  }
0x321: {  	(v2sf) =	vpush v25, $0x0;
	_ =	sdelay $0x7  }
0x322: {  	s2 =	sadd.s32 @p2 $0x10, s15;
	s15 =	simm.s32 $0x19200  }
0x323: {  	s15 =	smov.u32 @p2 s2;
	s16 =	spop @p2 (v2sf)  }
0x324: {  	v25 =	vld [tilespmem:s15+$0x0];
	s2 =	sadd.s32 @p2 s14, s16;
	s14 =	simm.s32 $0x0  }
0x325: {  	s14 =	smov.u32 @p2 s2  }
.Ltmp39:
0x326: {  	p2 =	slt.s32 s14, $0xF0;
	s2 =	smov.u32 s14;
	(pc) =	sbr.rel @!p0 .LBB2_65-.Ltmp39, $4  }
0x327: {  	s2 =	simm.s32 @!p2 $0xF0  }
0x328: {  	[tilespmem:s2+$0x1AA00] =	vst.msk vm8, v24  }
0x329: {  	[tilespmem:s2+$0x1B200] =	vst.msk vm8, v25;
	s28 =	spop (v2sf)  }
0x32a: {  	v24 =	vld [tilespmem:s13+$0x0];
	s24 =	sadd.s32 s14, s28  }
0x32b: {  	_ =	sdelay $0x3  }
0x32c: {  	vm8 =	vlt.s32 v23, v22;
	vm9 =	vlt.s32 v24, v8  }
0x32d: {  	vm15 =	vge.s32 v24, v7;
	vm8 =	vmand vm8, vm9  }
0x32e: {  	vm8 =	vmand vm8, vm15  }
0x32f: {  	v23 =	vmpcnt.ones.xlane vm8;
	_ =	sdelay $0x1  }
0x330: {  	v25 =	vld [tilespmem:s3+$0x0];
	(v2sf) =	vpush v23, $0x0  }
0x331: {  	p2 =	sne.s32 s6, $0x1  }
.Ltmp40:
0x332: {  	p1 =	por $0x1, $0x1;
	s2 =	simm.s32 $0x0;
	(pc) =	sbr.rel @!p2 .LBB2_67-.Ltmp40, $4  }
0x333: {  	s2 =	simm.s32 @!p1 $0xF0  }
0x334: {  	[tilespmem:s2+$0x1AB00] =	vst.msk vm8, v24  }
0x335: {  	s16 =	simm.s32 $0x18C10;
	s15 =	simm.s32 $0x0;
	s13 =	simm.s32 $0x19200;
	[tilespmem:s2+$0x1B300] =	vst.msk vm8, v25  }
0x336: {  	s14 =	simm.s32 $0x0;
	p1 =	por $0x1, $0x1;
	s2 =	sadd.s32 $0xFFFFFFFF, s6;
	v24 =	vld [tilespmem:s16+$0x0]  }
.LBB2_68:
0x337: {  	p2 =	sne.s32 s2, $0x1;
	_ =	sdelay $0x1  }
0x338: {  	s15 =	sadd.s32 $0x10, s15  }
0x339: {  	v23 =	vor.u32 s15, v17  }
0x33a: {  	vm8 =	vlt.s32 v23, v22;
	vm9 =	vlt.s32 v24, v8  }
0x33b: {  	vm10 =	vge.s32 v24, v7;
	vm8 =	vmand vm8, vm9  }
0x33c: {  	vm8 =	vmand vm8, vm10  }
0x33d: {  	s13 =	sadd.s32 $0x10, s13;
	v23 =	vmpcnt.ones.xlane vm8  }
0x33e: {  	v25 =	vld [tilespmem:s13+$0x0];
	s19 =	spop (v2sf)  }
0x33f: {  	(v2sf) =	vpush v23, $0x0;
	s14 =	sadd.s32 s14, s19  }
0x340: {  	p3 =	slt.s32 s14, $0xF0;
	s19 =	smov.u32 s14  }
.Ltmp41:
0x341: {  	s19 =	simm.s32 @!p3 $0xF0;
	(pc) =	sbr.rel @p2 .LBB2_68-.Ltmp41, $4  }
0x342: {  	[tilespmem:s19+$0x1AB00] =	vst.msk vm8, v24  }
0x343: {  	[tilespmem:s19+$0x1B300] =	vst.msk vm8, v25  }
0x344: {  	s16 =	sadd.s32 $0x10, s16  }
0x345: {  	s2 =	sadd.s32 $0xFFFFFFFF, s2;
	v24 =	vld [tilespmem:s16+$0x0]  }
.LBB2_69:
0x346: {  	_ = 	snop  }
0x347: {  	s2 =	sadd.s32 @p1 $0x10, s15;
	s15 =	simm.s32 $0x0  }
0x348: {  	s15 =	smov.u32 @p1 s2  }
0x349: {  	v23 =	vor.u32 s15, v17  }
0x34a: {  	vm8 =	vlt.s32 v23, v22;
	vm9 =	vlt.s32 v24, v8  }
0x34b: {  	vm10 =	vge.s32 v24, v7;
	vm8 =	vmand vm8, vm9  }
0x34c: {  	vm8 =	vmand vm8, vm10  }
0x34d: {  	v23 =	vmpcnt.ones.xlane vm8;
	_ =	sdelay $0x1  }
0x34e: {  	(v2sf) =	vpush v23, $0x0;
	_ =	sdelay $0x7  }
0x34f: {  	s2 =	sadd.s32 @p1 $0x10, s13  }
0x350: {  	s3 =	smov.u32 @p1 s2;
	s13 =	spop @p1 (v2sf)  }
0x351: {  	v23 =	vld [tilespmem:s3+$0x0];
	s2 =	sadd.s32 @p1 s14, s13  }
0x352: {  	s10 =	smov.u32 @p1 s2  }
.Ltmp42:
0x353: {  	p1 =	slt.s32 s10, $0xF0;
	s2 =	smov.u32 s10;
	(pc) =	sbr.rel @!p0 .LBB2_70-.Ltmp42, $4  }
0x354: {  	s2 =	simm.s32 @!p1 $0xF0  }
0x355: {  	[tilespmem:s2+$0x1AB00] =	vst.msk vm8, v24  }
0x356: {  	s3 =	simm.s32 $0x0;
	s14 =	simm.s32 $0x18C00;
	[tilespmem:s2+$0x1B300] =	vst.msk vm8, v23;
	s28 =	spop (v2sf)  }
0x357: {  	s13 =	simm.s32 $0x19200;
	p1 =	por $0x0, $0x0;
	v23 =	vor.u32 s3, v17;
	v24 =	vld [tilespmem:s14+$0x0];
	s25 =	sadd.s32 s10, s28  }
0x358: {  	_ =	sdelay $0x3  }
0x359: {  	vm8 =	vlt.s32 v23, v22;
	vm9 =	vlt.s32 v24, v10  }
0x35a: {  	vm15 =	vge.s32 v24, v9;
	vm8 =	vmand vm8, vm9  }
0x35b: {  	vm8 =	vmand vm8, vm15  }
0x35c: {  	v26 =	vmpcnt.ones.xlane vm8;
	_ =	sdelay $0x1  }
0x35d: {  	v25 =	vld [tilespmem:s13+$0x0];
	(v2sf) =	vpush v26, $0x0  }
0x35e: {  	p3 =	sne.s32 s6, $0x1  }
.Ltmp43:
0x35f: {  	p2 =	por $0x1, $0x1;
	s2 =	simm.s32 $0x0;
	(pc) =	sbr.rel @!p3 .LBB2_72-.Ltmp43, $4  }
0x360: {  	s2 =	simm.s32 @!p2 $0xF0  }
0x361: {  	[tilespmem:s2+$0x1AC00] =	vst.msk vm8, v24  }
0x362: {  	s19 =	simm.s32 $0x18C10;
	s16 =	simm.s32 $0x0;
	s15 =	simm.s32 $0x19200;
	[tilespmem:s2+$0x1B400] =	vst.msk vm8, v25  }
0x363: {  	s10 =	simm.s32 $0x0;
	p2 =	por $0x1, $0x1;
	s2 =	sadd.s32 $0xFFFFFFFF, s6;
	v24 =	vld [tilespmem:s19+$0x0]  }
.LBB2_73:
0x364: {  	p3 =	sne.s32 s2, $0x1;
	_ =	sdelay $0x1  }
0x365: {  	s16 =	sadd.s32 $0x10, s16  }
0x366: {  	v25 =	vor.u32 s16, v17  }
0x367: {  	vm8 =	vlt.s32 v25, v22;
	vm9 =	vlt.s32 v24, v10  }
0x368: {  	vm10 =	vge.s32 v24, v9;
	vm8 =	vmand vm8, vm9  }
0x369: {  	vm8 =	vmand vm8, vm10  }
0x36a: {  	s15 =	sadd.s32 $0x10, s15;
	v25 =	vmpcnt.ones.xlane vm8  }
0x36b: {  	v26 =	vld [tilespmem:s15+$0x0];
	s20 =	spop (v2sf)  }
0x36c: {  	(v2sf) =	vpush v25, $0x0;
	s10 =	sadd.s32 s10, s20  }
0x36d: {  	p4 =	slt.s32 s10, $0xF0;
	s20 =	smov.u32 s10  }
.Ltmp44:
0x36e: {  	s20 =	simm.s32 @!p4 $0xF0;
	(pc) =	sbr.rel @p3 .LBB2_73-.Ltmp44, $4  }
0x36f: {  	[tilespmem:s20+$0x1AC00] =	vst.msk vm8, v24  }
0x370: {  	[tilespmem:s20+$0x1B400] =	vst.msk vm8, v26  }
0x371: {  	s19 =	sadd.s32 $0x10, s19  }
0x372: {  	s2 =	sadd.s32 $0xFFFFFFFF, s2;
	v24 =	vld [tilespmem:s19+$0x0]  }
.LBB2_74:
0x373: {  	_ = 	snop  }
0x374: {  	s2 =	sadd.s32 @p2 $0x10, s16;
	s16 =	simm.s32 $0x0  }
0x375: {  	s16 =	smov.u32 @p2 s2  }
0x376: {  	v25 =	vor.u32 s16, v17  }
0x377: {  	vm8 =	vlt.s32 v25, v22;
	vm9 =	vlt.s32 v24, v10  }
0x378: {  	vm10 =	vge.s32 v24, v9;
	vm8 =	vmand vm8, vm9  }
0x379: {  	vm8 =	vmand vm8, vm10  }
0x37a: {  	v25 =	vmpcnt.ones.xlane vm8;
	_ =	sdelay $0x1  }
0x37b: {  	(v2sf) =	vpush v25, $0x0;
	_ =	sdelay $0x7  }
0x37c: {  	s2 =	sadd.s32 @p2 $0x10, s15;
	s15 =	simm.s32 $0x19200  }
0x37d: {  	s15 =	smov.u32 @p2 s2;
	s16 =	spop @p2 (v2sf)  }
0x37e: {  	v25 =	vld [tilespmem:s15+$0x0];
	s2 =	sadd.s32 @p2 s10, s16;
	s10 =	simm.s32 $0x0  }
0x37f: {  	s10 =	smov.u32 @p2 s2  }
.Ltmp45:
0x380: {  	p2 =	slt.s32 s10, $0xF0;
	s2 =	smov.u32 s10;
	(pc) =	sbr.rel @!p0 .LBB2_75-.Ltmp45, $4  }
0x381: {  	s2 =	simm.s32 @!p2 $0xF0  }
0x382: {  	[tilespmem:s2+$0x1AC00] =	vst.msk vm8, v24  }
0x383: {  	[tilespmem:s2+$0x1B400] =	vst.msk vm8, v25;
	s28 =	spop (v2sf)  }
0x384: {  	v24 =	vld [tilespmem:s14+$0x0];
	s10 =	sadd.s32 s10, s28  }
0x385: {  	_ =	sdelay $0x3  }
0x386: {  	vm8 =	vlt.s32 v23, v22;
	vm9 =	vlt.s32 v24, v12  }
0x387: {  	vm15 =	vge.s32 v24, v11;
	vm8 =	vmand vm8, vm9  }
0x388: {  	vm8 =	vmand vm8, vm15  }
0x389: {  	v23 =	vmpcnt.ones.xlane vm8;
	_ =	sdelay $0x1  }
0x38a: {  	v25 =	vld [tilespmem:s13+$0x0];
	(v2sf) =	vpush v23, $0x0  }
0x38b: {  	p2 =	sne.s32 s6, $0x1  }
.Ltmp46:
0x38c: {  	p1 =	por $0x1, $0x1;
	s2 =	simm.s32 $0x0;
	(pc) =	sbr.rel @!p2 .LBB2_77-.Ltmp46, $4  }
0x38d: {  	s2 =	simm.s32 @!p1 $0xF0  }
0x38e: {  	[tilespmem:s2+$0x1AD00] =	vst.msk vm8, v24  }
0x38f: {  	s19 =	simm.s32 $0x18C10;
	s16 =	simm.s32 $0x0;
	s14 =	simm.s32 $0x19200;
	[tilespmem:s2+$0x1B500] =	vst.msk vm8, v25  }
0x390: {  	s15 =	simm.s32 $0x0;
	p1 =	por $0x1, $0x1;
	s2 =	sadd.s32 $0xFFFFFFFF, s6;
	v24 =	vld [tilespmem:s19+$0x0]  }
.LBB2_78:
0x391: {  	p2 =	sne.s32 s2, $0x1;
	_ =	sdelay $0x1  }
0x392: {  	s16 =	sadd.s32 $0x10, s16  }
0x393: {  	v23 =	vor.u32 s16, v17  }
0x394: {  	vm8 =	vlt.s32 v23, v22;
	vm9 =	vlt.s32 v24, v12  }
0x395: {  	vm10 =	vge.s32 v24, v11;
	vm8 =	vmand vm8, vm9  }
0x396: {  	vm8 =	vmand vm8, vm10  }
0x397: {  	s14 =	sadd.s32 $0x10, s14;
	v23 =	vmpcnt.ones.xlane vm8  }
0x398: {  	v25 =	vld [tilespmem:s14+$0x0];
	s20 =	spop (v2sf)  }
0x399: {  	(v2sf) =	vpush v23, $0x0;
	s15 =	sadd.s32 s15, s20  }
0x39a: {  	p3 =	slt.s32 s15, $0xF0;
	s20 =	smov.u32 s15  }
.Ltmp47:
0x39b: {  	s20 =	simm.s32 @!p3 $0xF0;
	(pc) =	sbr.rel @p2 .LBB2_78-.Ltmp47, $4  }
0x39c: {  	[tilespmem:s20+$0x1AD00] =	vst.msk vm8, v24  }
0x39d: {  	[tilespmem:s20+$0x1B500] =	vst.msk vm8, v25  }
0x39e: {  	s19 =	sadd.s32 $0x10, s19  }
0x39f: {  	s2 =	sadd.s32 $0xFFFFFFFF, s2;
	v24 =	vld [tilespmem:s19+$0x0]  }
.LBB2_79:
0x3a0: {  	_ = 	snop  }
0x3a1: {  	s2 =	sadd.s32 @p1 $0x10, s16;
	s16 =	simm.s32 $0x0  }
0x3a2: {  	s16 =	smov.u32 @p1 s2  }
0x3a3: {  	v23 =	vor.u32 s16, v17  }
0x3a4: {  	vm8 =	vlt.s32 v23, v22;
	vm9 =	vlt.s32 v24, v12  }
0x3a5: {  	vm10 =	vge.s32 v24, v11;
	vm8 =	vmand vm8, vm9  }
0x3a6: {  	vm8 =	vmand vm8, vm10  }
0x3a7: {  	v23 =	vmpcnt.ones.xlane vm8;
	_ =	sdelay $0x1  }
0x3a8: {  	(v2sf) =	vpush v23, $0x0;
	_ =	sdelay $0x7  }
0x3a9: {  	s2 =	sadd.s32 @p1 $0x10, s14  }
0x3aa: {  	s13 =	smov.u32 @p1 s2;
	s14 =	spop @p1 (v2sf)  }
0x3ab: {  	v23 =	vld [tilespmem:s13+$0x0];
	s2 =	sadd.s32 @p1 s15, s14  }
0x3ac: {  	s3 =	smov.u32 @p1 s2  }
.Ltmp48:
0x3ad: {  	p1 =	slt.s32 s3, $0xF0;
	s2 =	smov.u32 s3;
	(pc) =	sbr.rel @!p0 .LBB2_80-.Ltmp48, $4  }
0x3ae: {  	s2 =	simm.s32 @!p1 $0xF0  }
0x3af: {  	[tilespmem:s2+$0x1AD00] =	vst.msk vm8, v24  }
0x3b0: {  	s16 =	simm.s32 $0x18C00;
	s14 =	simm.s32 $0x0;
	[tilespmem:s2+$0x1B500] =	vst.msk vm8, v23;
	s28 =	spop (v2sf)  }
0x3b1: {  	s15 =	simm.s32 $0x19200;
	p1 =	por $0x0, $0x0;
	v23 =	vor.u32 s14, v17;
	v24 =	vld [tilespmem:s16+$0x0];
	s13 =	sadd.s32 s3, s28  }
0x3b2: {  	_ =	sdelay $0x3  }
0x3b3: {  	vm8 =	vlt.s32 v23, v22;
	vm9 =	vlt.s32 v24, v14  }
0x3b4: {  	vm15 =	vge.s32 v24, v13;
	vm8 =	vmand vm8, vm9  }
0x3b5: {  	vm8 =	vmand vm8, vm15  }
0x3b6: {  	v26 =	vmpcnt.ones.xlane vm8;
	_ =	sdelay $0x1  }
0x3b7: {  	v25 =	vld [tilespmem:s15+$0x0];
	(v2sf) =	vpush v26, $0x0  }
0x3b8: {  	p3 =	sne.s32 s6, $0x1  }
.Ltmp49:
0x3b9: {  	p2 =	por $0x1, $0x1;
	s2 =	simm.s32 $0x0;
	(pc) =	sbr.rel @!p3 .LBB2_82-.Ltmp49, $4  }
0x3ba: {  	s2 =	simm.s32 @!p2 $0xF0  }
0x3bb: {  	s28 =	smov.u32 s26;
	[tilespmem:s2+$0x1AE00] =	vst.msk vm8, v24  }
0x3bc: {  	s21 =	simm.s32 $0x18C10;
	s20 =	simm.s32 $0x0;
	s19 =	simm.s32 $0x19200;
	[tilespmem:s2+$0x1B600] =	vst.msk vm8, v25  }
0x3bd: {  	s3 =	simm.s32 $0x0;
	p2 =	por $0x1, $0x1;
	s2 =	sadd.s32 $0xFFFFFFFF, s6;
	v24 =	vld [tilespmem:s21+$0x0]  }
.LBB2_83:
0x3be: {  	p3 =	sne.s32 s2, $0x1;
	_ =	sdelay $0x1  }
0x3bf: {  	s20 =	sadd.s32 $0x10, s20  }
0x3c0: {  	v25 =	vor.u32 s20, v17  }
0x3c1: {  	vm8 =	vlt.s32 v25, v22;
	vm9 =	vlt.s32 v24, v14  }
0x3c2: {  	vm10 =	vge.s32 v24, v13;
	vm8 =	vmand vm8, vm9  }
0x3c3: {  	vm8 =	vmand vm8, vm10  }
0x3c4: {  	s19 =	sadd.s32 $0x10, s19;
	v25 =	vmpcnt.ones.xlane vm8  }
0x3c5: {  	v26 =	vld [tilespmem:s19+$0x0];
	s26 =	spop (v2sf)  }
0x3c6: {  	(v2sf) =	vpush v25, $0x0;
	s3 =	sadd.s32 s3, s26  }
0x3c7: {  	p4 =	slt.s32 s3, $0xF0;
	s26 =	smov.u32 s3  }
.Ltmp50:
0x3c8: {  	s26 =	simm.s32 @!p4 $0xF0;
	(pc) =	sbr.rel @p3 .LBB2_83-.Ltmp50, $4  }
0x3c9: {  	[tilespmem:s26+$0x1AE00] =	vst.msk vm8, v24  }
0x3ca: {  	[tilespmem:s26+$0x1B600] =	vst.msk vm8, v26  }
0x3cb: {  	s21 =	sadd.s32 $0x10, s21  }
0x3cc: {  	s2 =	sadd.s32 $0xFFFFFFFF, s2;
	v24 =	vld [tilespmem:s21+$0x0]  }
0x3cd: {  	s26 =	smov.u32 s28  }
.LBB2_85:
0x3ce: {  	s2 =	sadd.s32 @p2 $0x10, s20;
	s20 =	simm.s32 $0x0  }
0x3cf: {  	s20 =	smov.u32 @p2 s2  }
0x3d0: {  	v25 =	vor.u32 s20, v17  }
0x3d1: {  	vm8 =	vlt.s32 v25, v22;
	vm9 =	vlt.s32 v24, v14  }
0x3d2: {  	vm10 =	vge.s32 v24, v13;
	vm8 =	vmand vm8, vm9  }
0x3d3: {  	vm8 =	vmand vm8, vm10  }
0x3d4: {  	v25 =	vmpcnt.ones.xlane vm8;
	_ =	sdelay $0x1  }
0x3d5: {  	(v2sf) =	vpush v25, $0x0;
	_ =	sdelay $0x7  }
0x3d6: {  	s2 =	sadd.s32 @p2 $0x10, s19;
	s19 =	simm.s32 $0x19200  }
0x3d7: {  	s19 =	smov.u32 @p2 s2;
	s20 =	spop @p2 (v2sf)  }
0x3d8: {  	v25 =	vld [tilespmem:s19+$0x0];
	s2 =	sadd.s32 @p2 s3, s20;
	s3 =	simm.s32 $0x0  }
0x3d9: {  	s3 =	smov.u32 @p2 s2  }
.Ltmp51:
0x3da: {  	p2 =	slt.s32 s3, $0xF0;
	s2 =	smov.u32 s3;
	(pc) =	sbr.rel @!p0 .LBB2_86-.Ltmp51, $4  }
0x3db: {  	s2 =	simm.s32 @!p2 $0xF0  }
0x3dc: {  	[tilespmem:s2+$0x1AE00] =	vst.msk vm8, v24  }
0x3dd: {  	[tilespmem:s2+$0x1B600] =	vst.msk vm8, v25;
	s28 =	spop (v2sf)  }
0x3de: {  	v24 =	vld [tilespmem:s16+$0x0];
	s20 =	sadd.s32 s3, s28  }
0x3df: {  	_ =	sdelay $0x3  }
0x3e0: {  	vm8 =	vlt.s32 v23, v22;
	vm9 =	vlt.s32 v24, v16  }
0x3e1: {  	vm15 =	vge.s32 v24, v15;
	vm8 =	vmand vm8, vm9  }
0x3e2: {  	vm8 =	vmand vm8, vm15  }
0x3e3: {  	v23 =	vmpcnt.ones.xlane vm8;
	_ =	sdelay $0x1  }
0x3e4: {  	v25 =	vld [tilespmem:s15+$0x0];
	p0 =	por $0x1, $0x1;
	s2 =	simm.s32 $0x0;
	(v2sf) =	vpush v23, $0x0  }
0x3e5: {  	s2 =	simm.s32 @!p0 $0xF0;
	p0 =	sne.s32 s6, $0x1  }
.Ltmp52:
0x3e6: {  	_ = 	snop;
	(pc) =	sbr.rel @!p0 .LBB2_88-.Ltmp52, $4  }
0x3e7: {  	_ = 	snop  }
0x3e8: {  	s21 =	smov.u32 s20;
	[tilespmem:s2+$0x1AF00] =	vst.msk vm8, v24  }
0x3e9: {  	s20 =	simm.s32 $0x18C10;
	p1 =	por $0x1, $0x1;
	s19 =	simm.s32 $0x0;
	[tilespmem:s2+$0x1B700] =	vst.msk vm8, v25  }
0x3ea: {  	s16 =	simm.s32 $0x0;
	s2 =	sadd.s32 $0xFFFFFFFF, s6;
	s6 =	simm.s32 $0x19200;
	v24 =	vld [tilespmem:s20+$0x0]  }
.LBB2_89:
0x3eb: {  	p0 =	sne.s32 s2, $0x1;
	_ =	sdelay $0x1  }
0x3ec: {  	s19 =	sadd.s32 $0x10, s19  }
0x3ed: {  	v23 =	vor.u32 s19, v17  }
0x3ee: {  	vm8 =	vlt.s32 v23, v22;
	vm9 =	vlt.s32 v24, v16  }
0x3ef: {  	vm10 =	vge.s32 v24, v15;
	vm8 =	vmand vm8, vm9  }
0x3f0: {  	vm8 =	vmand vm8, vm10  }
0x3f1: {  	s6 =	sadd.s32 $0x10, s6;
	v23 =	vmpcnt.ones.xlane vm8  }
0x3f2: {  	v25 =	vld [tilespmem:s6+$0x0];
	s3 =	spop (v2sf)  }
0x3f3: {  	(v2sf) =	vpush v23, $0x0;
	s16 =	sadd.s32 s16, s3  }
0x3f4: {  	p2 =	slt.s32 s16, $0xF0;
	s3 =	smov.u32 s16  }
.Ltmp53:
0x3f5: {  	s3 =	simm.s32 @!p2 $0xF0;
	(pc) =	sbr.rel @p0 .LBB2_89-.Ltmp53, $4  }
0x3f6: {  	[tilespmem:s3+$0x1AF00] =	vst.msk vm8, v24  }
0x3f7: {  	[tilespmem:s3+$0x1B700] =	vst.msk vm8, v25  }
0x3f8: {  	s20 =	sadd.s32 $0x10, s20  }
0x3f9: {  	s2 =	sadd.s32 $0xFFFFFFFF, s2;
	v24 =	vld [tilespmem:s20+$0x0]  }
0x3fa: {  	s20 =	smov.u32 s21  }
.LBB2_91:
0x3fb: {  	s2 =	sadd.s32 @p1 $0x10, s19;
	s3 =	simm.s32 $0x0  }
0x3fc: {  	s3 =	smov.u32 @p1 s2  }
0x3fd: {  	v23 =	vor.u32 s3, v17  }
0x3fe: {  	vm8 =	vlt.s32 v23, v22;
	vm9 =	vlt.s32 v24, v16  }
0x3ff: {  	vm10 =	vge.s32 v24, v15;
	vm8 =	vmand vm8, vm9  }
0x400: {  	vm8 =	vmand vm8, vm10  }
0x401: {  	v22 =	vmpcnt.ones.xlane vm8;
	_ =	sdelay $0x1  }
0x402: {  	(v2sf) =	vpush v22, $0x0;
	_ =	sdelay $0x8  }
0x403: {  	s2 =	sadd.s32 @p1 $0x10, s6  }
0x404: {  	s15 =	smov.u32 @p1 s2;
	s3 =	spop @p1 (v2sf)  }
0x405: {  	v22 =	vld [tilespmem:s15+$0x0];
	s2 =	sadd.s32 @p1 s16, s3  }
0x406: {  	s14 =	smov.u32 @p1 s2  }
0x407: {  	p0 =	slt.s32 s14, $0xF0;
	s2 =	smov.u32 s14  }
0x408: {  	s2 =	simm.s32 @!p0 $0xF0  }
0x409: {  	[tilespmem:s2+$0x1AF00] =	vst.msk vm8, v24;
	s28 =	spop (v2sf)  }
0x40a: {  	[tilespmem:s2+$0x1B700] =	vst.msk vm8, v22;
	s2 =	sadd.s32 s14, s28  }
.LBB2_92:
0x40b: {  	v22 =	vmov s22;
	v23 =	vmov s23  }
0x40c: {  	v24 =	vmov s24;
	v22 =	vnsel vm0, $0x0, v22;
	v23 =	vnsel vm1, $0x0, v23  }
0x40d: {  	v59 =	vmov s25;
	v22 =	vadd.s32 v22, v23;
	v23 =	vnsel vm2, $0x0, v24  }
0x40e: {  	v60 =	vmov s10;
	v22 =	vadd.s32 v23, v22;
	v23 =	vnsel vm3, $0x0, v59  }
0x40f: {  	v61 =	vmov s13;
	v22 =	vadd.s32 v23, v22;
	v23 =	vnsel vm4, $0x0, v60  }
.Ltmp54:
0x410: {  	v62 =	vmov s20;
	v22 =	vadd.s32 v23, v22;
	v23 =	vnsel vm5, $0x0, v61;
	(pc) =	sbr.rel .LBB2_93-.Ltmp54, $4  }
0x411: {  	v63 =	vmov s2;
	v22 =	vadd.s32 v23, v22;
	v23 =	vnsel vm6, $0x0, v62  }
0x412: {  	v22 =	vadd.s32 v23, v22;
	v23 =	vnsel vm7, $0x0, v63  }
0x413: {  	v22 =	vadd.s32 v23, v22  }
0x414: {  	s3 =	simm.s32 $0x0;
	s6 =	simm.s32 $0x0;
	[tilespmem:$0x1B880] =	vst v22  }
.LBB2_107:
0x415: {  	s2 =	sadd.s32 $0x2, s6  }
0x416: {  	p0 =	sge.u32 s2, s12  }
0x417: {  	s2 =	sshll.u32 @!p0 s2, $0xB  }
0x418: {  	s2 =	sadd.s32 @!p0 s17, s2  }
0x419: {  	s2 =	sshrl.u32 @!p0 s2, $0x3  }
0x41a: {  	s14 =	simm.s32 @!p0 $0x800;
	s15 =	simm.s32 @!p0 $0x7A1400;
	s10 =	sadd.s32 @!p0 s4, s2  }
0x41b: {  	[tilespmem:s22], [sflag:$0x1] =	stream.strided.gather @!p0 [hbm4b:s10+s14], $0x4000, s15, s14, $0x38;
	[tilespmem:$0x1FA00] =	vst v63  }
0x41c: {  	s6 =	sadd.s32 $0x1, s6;
	s2 =	sadd.s32 @!p0 s5, s2  }
0x41d: {  	[tilespmem:s13], [sflag:$0x2] =	stream.strided.gather @!p0 [hbm4b:s2+s14], $0x4000, s15, s14, $0x38;
	[tilespmem:$0x1FA00] =	vst v63  }
0x41e: {  	p0 =	sne.s32 s6, s12  }
.Ltmp55:
0x41f: {  	_ = 	snop;
	(pc) =	sbr.rel @!p0 .LBB2_108-.Ltmp55, $1  }
0x420: {  	_ =	sdelay $0x3  }
.LBB2_93:
0x421: {  	_ =	swait.ge [sflag:s31], $0x4000  }
0x422: {  	[sflag:s31] =	ssyncset.done $0x0  }
0x423: {  	[sflag:s31] =	ssyncadd.s32 $0xFFFFC000  }
0x424: {  	_ =	swait.ge [sflag:s7], $0x4000  }
0x425: {  	[sflag:s7] =	ssyncset.done $0x0  }
0x426: {  	s13 =	sshrl.u32 s6, $0x4;
	[sflag:s7] =	ssyncadd.s32 $0xFFFFC000  }
0x427: {  	v22 =	vld [tilespmem:s13+$0x1B800];
	_ =	sdelay $0x4  }
0x428: {  	(v2sf) =	vpush v22, $0x0;
	_ =	sdelay $0xe  }
0x429: {  	s2 =	spop (v2sf)  }
0x42a: {  	s2 =	sadd.s32 $0xF, s2  }
0x42b: {  	p0 =	slt.s32 s2, $0x10  }
.Ltmp56:
0x42c: {  	_ = 	snop;
	(pc) =	sbr.rel @p0 .LBB2_100-.Ltmp56, $4  }
0x42d: {  	_ = 	snop  }
0x42e: {  	s10 =	sshll.u32 s6, $0xE  }
0x42f: {  	s15 =	sshll.u32 s6, $0x8;
	s14 =	sand.u32 $0x4000, s10  }
0x430: {  	s10 =	sadd.s32 s1, s15;
	s23 =	sshll.u32 s13, $0x8;
	s22 =	sor.u32 $0x8000, s14  }
.Ltmp57:
0x431: {  	(pc) =	sbr.rel .LBB2_95-.Ltmp57, $4  }
0x432: {  	s15 =	sshra.s32 s2, $0x1F  }
0x433: {  	s15 =	sshrl.u32 s15, $0x1C  }
0x434: {  	s16 =	sadd.s32 $0x100, s10;
	s28 =	sadd.s32 s15, s2  }
0x435: {  	v22 =	vbroadcast v22, $0x0;
	v23 =	vmov s10;
	s24 =	simm.s32 $0x0;
	v24 =	vmov s16;
	s15 =	sshra.s32 s28, $0x4  }
.LBB2_98:
0x436: {  	[hbm4b:s20+s9] =	stream.linear.scatter [tilespmem:s2], [sflag:$0x3], $0x40, $0x38;
	[tilespmem:$0x1FA00] =	vst v63  }
.LBB2_99:
0x437: {  	s24 =	sadd.s32 $0x1, s24  }
0x438: {  	p0 =	sne.s32 s24, s15  }
.Ltmp58:
0x439: {  	_ = 	snop;
	(pc) =	sbr.rel @!p0 .LBB2_100-.Ltmp58, $1  }
0x43a: {  	_ =	sdelay $0x3  }
.LBB2_95:
0x43b: {  	s2 =	sshll.u32 s24, $0x4  }
0x43c: {  	s16 =	sadd.s32 s23, s2  }
0x43d: {  	s19 =	sand.u32 $0x70, s2;
	s16 =	sand.u32 $0xFFFFFF80, s16  }
0x43e: {  	s16 =	sor.u32 s19, s16  }
0x43f: {  	v25 =	vld [tilespmem:s16+$0x19800];
	_ =	sdelay $0x3  }
0x440: {  	v26 =	vor.u32 s2, v17  }
0x441: {  	vm8 =	vlt.s32 v26, v22;
	vm9 =	vlt.s32 v25, v24  }
0x442: {  	vm10 =	vge.s32 v25, v23;
	vm8 =	vmand vm8, vm9  }
0x443: {  	vm8 =	vmand vm8, vm10  }
0x444: {  	v26 =	vmpcnt.ones.xlane vm8;
	_ =	sdelay $0x1  }
0x445: {  	(v2sf) =	vpush v26, $0x0;
	_ =	sdelay $0xe  }
0x446: {  	v26 =	vld [tilespmem:s16+$0x1A000];
	s16 =	spop (v2sf)  }
0x447: {  	p0 =	slt.s32 s16, $0x1  }
.Ltmp59:
0x448: {  	_ = 	snop;
	(pc) =	sbr.rel @p0 .LBB2_99-.Ltmp59, $4  }
0x449: {  	_ = 	snop  }
0x44a: {  	s2 =	simm.s32 $0x1B900;
	v25 =	vsub.s32 v25, v23  }
0x44b: {  	s19 =	simm.s32 $0x1B980;
	[tilespmem:s2+$0x0] =	vst.msk vm8, v25  }
0x44c: {  	[tilespmem:s19+$0x0] =	vst.msk vm8, v26  }
0x44d: {  	v25 =	vld.msk [tilespmem:s2+$0x0 ss:$0x0], $0xffff;
	_ =	sdelay $0x4  }
0x44e: {  	v26 =	vshll.u32 v25, $0x3  }
0x44f: {  	v25 =	vand.u32 $0x7F, v25;
	v26 =	vand.u32 $0xFFFFFC00, v26  }
0x450: {  	v25 =	vor.u32 v25, v26  }
0x451: {  	p0 =	slt.s32 s3, $0x40;
	v26 =	vadd.s32 v18, v25  }
0x452: {  	s20 =	simm.s32 @!p0 $0x3  }
0x453: {  	v27 =	vld [tilespmem:s19+$0x0];
	_ =	swait.ge @!p0 [sflag:s20], $0x40  }
0x454: {  	s21 =	sshra.s32 s3, $0x1F;
	[sflag:s20] =	ssyncset.done @!p0 $0x0  }
0x455: {  	s25 =	sshrl.u32 s21, $0x1A;
	[sflag:s20] =	ssyncadd.s32 @!p0 $0xFFFFFFC0  }
0x456: {  	s20 =	sadd.s32 s25, s3;
	v26 =	vld.idx.msk [tilespmem:v26+s22+$0x0], $0xffff  }
0x457: {  	s20 =	sand.u32 $0xFFFFFFC0, s20;
	v28 =	vadd.s32 v19, v25  }
0x458: {  	s20 =	ssub.s32 s3, s20  }
0x459: {  	s20 =	sshll.u32 s20, $0x9  }
0x45a: {  	s20 =	sshra.s32 s20, $0x2  }
0x45b: {  	(v2sf) =	vpush v27, $0x0;
	[tilespmem:s20+$0x1BA00] =	vst v26  }
0x45c: {  	v26 =	vld.idx.msk [tilespmem:v28+s22+$0x0], $0xffff  }
0x45d: {  	v27 =	vadd.s32 v20, v25;
	_ =	sdelay $0x3  }
0x45e: {  	[tilespmem:s20+$0x1BA10] =	vst v26  }
0x45f: {  	v26 =	vld.idx.msk [tilespmem:v27+s22+$0x0], $0xffff  }
0x460: {  	v25 =	vadd.s32 v21, v25;
	_ =	sdelay $0x3  }
0x461: {  	s16 =	sadd.s32 $0xFFFFFFFF, s16;
	[tilespmem:s20+$0x1BA20] =	vst v26  }
0x462: {  	p0 =	sne.s32 s16, $0x0;
	v25 =	vld.idx.msk [tilespmem:v25+s22+$0x0], $0xffff  }
.Ltmp60:
0x463: {  	_ = 	snop;
	(pc) =	sbr.rel @!p0 .LBB2_98-.Ltmp60, $4  }
0x464: {  	s28 =	spop (v2sf)  }
0x465: {  	s21 =	sshll.u32 s28, $0x3  }
0x466: {  	s19 =	sadd.s32 $0x1, s19;
	s25 =	sadd.s32 $0x1, s2;
	s21 =	sand.u32 $0x1FFFFFF8, s21  }
0x467: {  	s3 =	sadd.s32 $0x1, s3;
	s2 =	sadd.s32 $0x1BA00, s20;
	[tilespmem:s20+$0x1BA30] =	vst v25;
	s20 =	sadd.s32 s8, s21  }
.LBB2_97:
0x468: {  	[hbm4b:s20+s9] =	stream.linear.scatter [tilespmem:s2], [sflag:$0x3], $0x40, $0x38;
	[tilespmem:$0x1FA00] =	vst v63  }
0x469: {  	s16 =	sadd.s32 $0xFFFFFFFF, s16;
	v25 =	vld.msk [tilespmem:s25+$0x0 ss:$0x0], $0xffff  }
0x46a: {  	p0 =	sne.s32 s16, $0x0;
	_ =	sdelay $0x4  }
0x46b: {  	v26 =	vshll.u32 v25, $0x3  }
0x46c: {  	v25 =	vand.u32 $0x7F, v25;
	v26 =	vand.u32 $0xFFFFFC00, v26  }
0x46d: {  	v25 =	vor.u32 v25, v26  }
0x46e: {  	p1 =	slt.s32 s3, $0x40;
	v26 =	vadd.s32 v18, v25  }
0x46f: {  	s2 =	simm.s32 @!p1 $0x3;
	v27 =	vld [tilespmem:s19+$0x0]  }
0x470: {  	_ =	swait.ge @!p1 [sflag:s2], $0x40  }
0x471: {  	[sflag:s2] =	ssyncset.done @!p1 $0x0  }
0x472: {  	s20 =	sshra.s32 s3, $0x1F;
	[sflag:s2] =	ssyncadd.s32 @!p1 $0xFFFFFFC0  }
0x473: {  	s2 =	sshrl.u32 s20, $0x1A;
	v26 =	vld.idx.msk [tilespmem:v26+s22+$0x0], $0xffff  }
0x474: {  	s2 =	sadd.s32 s2, s3;
	(v2sf) =	vpush v27, $0x0  }
0x475: {  	s2 =	sand.u32 $0xFFFFFFC0, s2;
	v27 =	vadd.s32 v19, v25  }
0x476: {  	s2 =	ssub.s32 s3, s2  }
0x477: {  	s2 =	sshll.u32 s2, $0x9  }
0x478: {  	s20 =	sshra.s32 s2, $0x2  }
0x479: {  	[tilespmem:s20+$0x1BA00] =	vst v26  }
0x47a: {  	v26 =	vld.idx.msk [tilespmem:v27+s22+$0x0], $0xffff;
	_ =	sdelay $0x1  }
0x47b: {  	v27 =	vadd.s32 v20, v25;
	_ =	sdelay $0x3  }
0x47c: {  	[tilespmem:s20+$0x1BA10] =	vst v26  }
0x47d: {  	v26 =	vld.idx.msk [tilespmem:v27+s22+$0x0], $0xffff;
	_ =	sdelay $0x1  }
0x47e: {  	v25 =	vadd.s32 v21, v25;
	s2 =	spop (v2sf)  }
0x47f: {  	s2 =	sshll.u32 s2, $0x3  }
0x480: {  	s21 =	sand.u32 $0x1FFFFFF8, s2;
	_ =	sdelay $0x1  }
0x481: {  	[tilespmem:s20+$0x1BA20] =	vst v26  }
0x482: {  	v25 =	vld.idx.msk [tilespmem:v25+s22+$0x0], $0xffff;
	_ =	sdelay $0x1  }
.Ltmp61:
0x483: {  	(pc) =	sbr.rel @p0 .LBB2_97-.Ltmp61, $3  }
0x484: {  	_ =	sdelay $0x1  }
0x485: {  	s25 =	sadd.s32 $0x1, s25;
	s19 =	sadd.s32 $0x1, s19  }
0x486: {  	s3 =	sadd.s32 $0x1, s3;
	s2 =	sadd.s32 $0x1BA00, s20;
	[tilespmem:s20+$0x1BA30] =	vst v25;
	s20 =	sadd.s32 s8, s21  }
.Ltmp62:
0x487: {  	_ = 	snop;
	(pc) =	sbr.rel .LBB2_98-.Ltmp62, $1  }
0x488: {  	_ =	sdelay $0x3  }
.LBB2_100:
0x489: {  	v22 =	vld [tilespmem:s13+$0x1B880];
	_ =	sdelay $0x4  }
0x48a: {  	(v2sf) =	vpush v22, $0x0;
	_ =	sdelay $0xe  }
0x48b: {  	s2 =	spop (v2sf)  }
0x48c: {  	s2 =	sadd.s32 $0xF, s2  }
0x48d: {  	p0 =	slt.s32 s2, $0x10  }
.Ltmp63:
0x48e: {  	_ = 	snop;
	(pc) =	sbr.rel @p0 .LBB2_107-.Ltmp63, $2  }
0x48f: {  	_ =	sdelay $0x2  }
0x490: {  	s13 =	sor.u32 $0x10000, s14  }
.Ltmp64:
0x491: {  	(pc) =	sbr.rel .LBB2_102-.Ltmp64, $4  }
0x492: {  	s14 =	sshra.s32 s2, $0x1F  }
0x493: {  	s14 =	sshrl.u32 s14, $0x1C  }
0x494: {  	s15 =	sadd.s32 $0x100, s10;
	s28 =	sadd.s32 s14, s2  }
0x495: {  	v22 =	vbroadcast v22, $0x0;
	v23 =	vmov s10;
	s10 =	simm.s32 $0x0;
	v24 =	vmov s15;
	s14 =	sshra.s32 s28, $0x4  }
.LBB2_105:
0x496: {  	[hbm4b:s20+s9] =	stream.linear.scatter [tilespmem:s2], [sflag:$0x3], $0x40, $0x38;
	[tilespmem:$0x1FA00] =	vst v63  }
.LBB2_106:
0x497: {  	s10 =	sadd.s32 $0x1, s10  }
0x498: {  	p0 =	sne.s32 s10, s14  }
.Ltmp65:
0x499: {  	_ = 	snop;
	(pc) =	sbr.rel @!p0 .LBB2_107-.Ltmp65, $1  }
0x49a: {  	_ =	sdelay $0x3  }
.LBB2_102:
0x49b: {  	s2 =	sshll.u32 s10, $0x4  }
0x49c: {  	s15 =	sadd.s32 s23, s2  }
0x49d: {  	s16 =	sand.u32 $0x70, s2;
	s15 =	sand.u32 $0xFFFFFF80, s15  }
0x49e: {  	s15 =	sor.u32 s16, s15  }
0x49f: {  	v25 =	vld [tilespmem:s15+$0x1A800];
	_ =	sdelay $0x3  }
0x4a0: {  	v26 =	vor.u32 s2, v17  }
0x4a1: {  	vm8 =	vlt.s32 v26, v22;
	vm9 =	vlt.s32 v25, v24  }
0x4a2: {  	vm10 =	vge.s32 v25, v23;
	vm8 =	vmand vm8, vm9  }
0x4a3: {  	vm8 =	vmand vm8, vm10  }
0x4a4: {  	v26 =	vmpcnt.ones.xlane vm8;
	_ =	sdelay $0x1  }
0x4a5: {  	(v2sf) =	vpush v26, $0x0;
	_ =	sdelay $0xe  }
0x4a6: {  	v26 =	vld [tilespmem:s15+$0x1B000];
	s15 =	spop (v2sf)  }
0x4a7: {  	p0 =	slt.s32 s15, $0x1  }
.Ltmp66:
0x4a8: {  	_ = 	snop;
	(pc) =	sbr.rel @p0 .LBB2_106-.Ltmp66, $4  }
0x4a9: {  	_ = 	snop  }
0x4aa: {  	s2 =	simm.s32 $0x1B900;
	v25 =	vsub.s32 v25, v23  }
0x4ab: {  	s16 =	simm.s32 $0x1B980;
	[tilespmem:s2+$0x0] =	vst.msk vm8, v25  }
0x4ac: {  	[tilespmem:s16+$0x0] =	vst.msk vm8, v26  }
0x4ad: {  	v25 =	vld.msk [tilespmem:s2+$0x0 ss:$0x0], $0xffff;
	_ =	sdelay $0x4  }
0x4ae: {  	v26 =	vshll.u32 v25, $0x3  }
0x4af: {  	v25 =	vand.u32 $0x7F, v25;
	v26 =	vand.u32 $0xFFFFFC00, v26  }
0x4b0: {  	v25 =	vor.u32 v25, v26  }
0x4b1: {  	p0 =	slt.s32 s3, $0x40;
	v26 =	vadd.s32 v18, v25  }
0x4b2: {  	s19 =	simm.s32 @!p0 $0x3  }
0x4b3: {  	v27 =	vld [tilespmem:s16+$0x0];
	_ =	swait.ge @!p0 [sflag:s19], $0x40  }
0x4b4: {  	s20 =	sshra.s32 s3, $0x1F;
	[sflag:s19] =	ssyncset.done @!p0 $0x0  }
0x4b5: {  	s24 =	sshrl.u32 s20, $0x1A;
	[sflag:s19] =	ssyncadd.s32 @!p0 $0xFFFFFFC0  }
0x4b6: {  	s19 =	sadd.s32 s24, s3;
	v26 =	vld.idx.msk [tilespmem:v26+s13+$0x0], $0xffff  }
0x4b7: {  	s19 =	sand.u32 $0xFFFFFFC0, s19;
	v28 =	vadd.s32 v19, v25  }
0x4b8: {  	s19 =	ssub.s32 s3, s19  }
0x4b9: {  	s19 =	sshll.u32 s19, $0x9  }
0x4ba: {  	s25 =	sshra.s32 s19, $0x2  }
0x4bb: {  	(v2sf) =	vpush v27, $0x0;
	[tilespmem:s25+$0x1BA00] =	vst v26  }
0x4bc: {  	v26 =	vld.idx.msk [tilespmem:v28+s13+$0x0], $0xffff  }
0x4bd: {  	v27 =	vadd.s32 v20, v25;
	_ =	sdelay $0x3  }
0x4be: {  	[tilespmem:s25+$0x1BA10] =	vst v26  }
0x4bf: {  	v26 =	vld.idx.msk [tilespmem:v27+s13+$0x0], $0xffff  }
0x4c0: {  	v25 =	vadd.s32 v21, v25;
	_ =	sdelay $0x3  }
0x4c1: {  	s15 =	sadd.s32 $0xFFFFFFFF, s15;
	[tilespmem:s25+$0x1BA20] =	vst v26  }
0x4c2: {  	p0 =	sne.s32 s15, $0x0;
	v25 =	vld.idx.msk [tilespmem:v25+s13+$0x0], $0xffff  }
.Ltmp67:
0x4c3: {  	_ = 	snop;
	(pc) =	sbr.rel @!p0 .LBB2_105-.Ltmp67, $4  }
0x4c4: {  	s28 =	spop (v2sf)  }
0x4c5: {  	s19 =	sshll.u32 s28, $0x3  }
0x4c6: {  	s16 =	sadd.s32 $0x1, s16;
	s3 =	sadd.s32 $0x1, s3;
	s21 =	sand.u32 $0x1FFFFFF8, s19  }
0x4c7: {  	s19 =	sadd.s32 $0x1, s2;
	s2 =	sadd.s32 $0x1BA00, s25;
	s20 =	sadd.s32 s11, s21;
	[tilespmem:s25+$0x1BA30] =	vst v25  }
.LBB2_104:
0x4c8: {  	[hbm4b:s20+s9] =	stream.linear.scatter [tilespmem:s2], [sflag:$0x3], $0x40, $0x38;
	[tilespmem:$0x1FA00] =	vst v63  }
0x4c9: {  	s15 =	sadd.s32 $0xFFFFFFFF, s15;
	v25 =	vld.msk [tilespmem:s19+$0x0 ss:$0x0], $0xffff  }
0x4ca: {  	p0 =	sne.s32 s15, $0x0;
	_ =	sdelay $0x4  }
0x4cb: {  	v26 =	vshll.u32 v25, $0x3  }
0x4cc: {  	v25 =	vand.u32 $0x7F, v25;
	v26 =	vand.u32 $0xFFFFFC00, v26  }
0x4cd: {  	v25 =	vor.u32 v25, v26  }
0x4ce: {  	p1 =	slt.s32 s3, $0x40;
	v26 =	vadd.s32 v18, v25  }
0x4cf: {  	s2 =	simm.s32 @!p1 $0x3;
	v27 =	vld [tilespmem:s16+$0x0]  }
0x4d0: {  	_ =	swait.ge @!p1 [sflag:s2], $0x40  }
0x4d1: {  	[sflag:s2] =	ssyncset.done @!p1 $0x0  }
0x4d2: {  	s20 =	sshra.s32 s3, $0x1F;
	[sflag:s2] =	ssyncadd.s32 @!p1 $0xFFFFFFC0  }
0x4d3: {  	s2 =	sshrl.u32 s20, $0x1A;
	v26 =	vld.idx.msk [tilespmem:v26+s13+$0x0], $0xffff  }
0x4d4: {  	s2 =	sadd.s32 s2, s3;
	(v2sf) =	vpush v27, $0x0  }
0x4d5: {  	s2 =	sand.u32 $0xFFFFFFC0, s2;
	v27 =	vadd.s32 v19, v25  }
0x4d6: {  	s2 =	ssub.s32 s3, s2  }
0x4d7: {  	s2 =	sshll.u32 s2, $0x9  }
0x4d8: {  	s20 =	sshra.s32 s2, $0x2  }
0x4d9: {  	[tilespmem:s20+$0x1BA00] =	vst v26  }
0x4da: {  	v26 =	vld.idx.msk [tilespmem:v27+s13+$0x0], $0xffff;
	_ =	sdelay $0x1  }
0x4db: {  	v27 =	vadd.s32 v20, v25;
	_ =	sdelay $0x3  }
0x4dc: {  	[tilespmem:s20+$0x1BA10] =	vst v26  }
0x4dd: {  	v26 =	vld.idx.msk [tilespmem:v27+s13+$0x0], $0xffff;
	_ =	sdelay $0x1  }
0x4de: {  	v25 =	vadd.s32 v21, v25;
	s2 =	spop (v2sf)  }
0x4df: {  	s2 =	sshll.u32 s2, $0x3  }
0x4e0: {  	s21 =	sand.u32 $0x1FFFFFF8, s2;
	_ =	sdelay $0x1  }
0x4e1: {  	[tilespmem:s20+$0x1BA20] =	vst v26  }
0x4e2: {  	v25 =	vld.idx.msk [tilespmem:v25+s13+$0x0], $0xffff;
	_ =	sdelay $0x1  }
.Ltmp68:
0x4e3: {  	(pc) =	sbr.rel @p0 .LBB2_104-.Ltmp68, $3  }
0x4e4: {  	_ =	sdelay $0x1  }
0x4e5: {  	s19 =	sadd.s32 $0x1, s19;
	s16 =	sadd.s32 $0x1, s16  }
0x4e6: {  	s3 =	sadd.s32 $0x1, s3;
	s2 =	sadd.s32 $0x1BA00, s20;
	[tilespmem:s20+$0x1BA30] =	vst v25;
	s20 =	sadd.s32 s11, s21  }
.Ltmp69:
0x4e7: {  	_ = 	snop;
	(pc) =	sbr.rel .LBB2_105-.Ltmp69, $1  }
0x4e8: {  	_ =	sdelay $0x3  }
.LBB2_108:
.Ltmp70:
0x4e9: {  	(pc) =	sbr.rel .LBB2_109-.Ltmp70, $2  }
0x4ea: {  	_ =	sdelay $0x2  }
0x4eb: {  	s6 =	simm.s32 $0x0  }
.LBB2_112:
0x4ec: {  	[hbm4b:s15+s9] =	stream.linear.scatter [tilespmem:s2], [sflag:$0x3], $0x40, $0x38;
	[tilespmem:$0x1FA00] =	vst v63  }
.LBB2_113:
0x4ed: {  	s6 =	sadd.s32 $0x1, s6  }
0x4ee: {  	p0 =	sne.s32 s6, $0x20  }
.Ltmp71:
0x4ef: {  	_ = 	snop;
	(pc) =	sbr.rel @!p0 .LBB2_114-.Ltmp71, $1  }
0x4f0: {  	_ =	sdelay $0x3  }
.LBB2_109:
0x4f1: {  	s2 =	sshll.u32 s6, $0x4  }
0x4f2: {  	s13 =	sadd.s32 s18, s2  }
0x4f3: {  	s2 =	sand.u32 $0x70, s2;
	s10 =	sand.u32 $0x3F80, s13  }
0x4f4: {  	s2 =	sor.u32 s2, s10  }
0x4f5: {  	v22 =	vld [tilespmem:s2+$0x0];
	_ =	sdelay $0x4  }
0x4f6: {  	vm8 =	vgt.s32 v22, $0xF41FF  }
0x4f7: {  	v23 =	vmpcnt.ones.xlane vm8;
	_ =	sdelay $0x1  }
0x4f8: {  	(v2sf) =	vpush v23, $0x0;
	_ =	sdelay $0xe  }
0x4f9: {  	s10 =	spop (v2sf)  }
0x4fa: {  	p0 =	slt.s32 s10, $0x1  }
.Ltmp72:
0x4fb: {  	_ = 	snop;
	(pc) =	sbr.rel @p0 .LBB2_113-.Ltmp72, $4  }
0x4fc: {  	v22 =	vshll.u32 v22, $0x6  }
0x4fd: {  	s2 =	simm.s32 $0x1B900;
	v22 =	vadd.s32 $0xFC2F8000, v22  }
0x4fe: {  	[tilespmem:s2+$0x0] =	vst.msk vm8, v22;
	v22 =	vor.u32 s13, v17;
	s13 =	simm.s32 $0x1B980  }
0x4ff: {  	[tilespmem:s13+$0x0] =	vst.msk vm8, v22  }
0x500: {  	v22 =	vld [tilespmem:s2+$0x0];
	_ =	sdelay $0x4  }
0x501: {  	(v2sf) =	vpush v22, $0x0;
	_ =	sdelay $0x6  }
0x502: {  	v23 =	vld [tilespmem:s13+$0x0];
	_ =	sdelay $0x1  }
0x503: {  	v22 =	vbroadcast v22, $0x0;
	_ =	sdelay $0x1  }
0x504: {  	p0 =	slt.s32 s3, $0x40;
	v22 =	vadd.s32 v17, v22  }
0x505: {  	s14 =	simm.s32 @!p0 $0x3;
	(v2sf) =	vpush v23, $0x0  }
0x506: {  	_ =	swait.ge @!p0 [sflag:s14], $0x40  }
0x507: {  	s15 =	sshra.s32 s3, $0x1F;
	[sflag:s14] =	ssyncset.done @!p0 $0x0  }
0x508: {  	s20 =	sshrl.u32 s15, $0x1A;
	[sflag:s14] =	ssyncadd.s32 @!p0 $0xFFFFFFC0;
	s21 =	spop (v2sf)  }
0x509: {  	s14 =	sadd.s32 s20, s3;
	v22 =	vld.idx.msk [tilespmem:v22+s29+$0x0], $0xffff;
	s16 =	sadd.s32 $0x10, s21  }
0x50a: {  	s14 =	sand.u32 $0xFFFFFFC0, s14;
	v23 =	vadd.s32 s16, v17  }
0x50b: {  	s14 =	ssub.s32 s3, s14  }
0x50c: {  	s14 =	sshll.u32 s14, $0x9  }
0x50d: {  	s22 =	sshra.s32 s14, $0x2  }
0x50e: {  	[tilespmem:s22+$0x1BA00] =	vst v22  }
0x50f: {  	s23 =	sadd.s32 $0x20, s21;
	v22 =	vld.idx.msk [tilespmem:v23+s29+$0x0], $0xffff  }
0x510: {  	v23 =	vadd.s32 s23, v17;
	_ =	sdelay $0x3  }
0x511: {  	[tilespmem:s22+$0x1BA10] =	vst v22  }
0x512: {  	s24 =	sadd.s32 $0x30, s21;
	v22 =	vld.idx.msk [tilespmem:v23+s29+$0x0], $0xffff  }
0x513: {  	v23 =	vadd.s32 s24, v17;
	_ =	sdelay $0x3  }
0x514: {  	s10 =	sadd.s32 $0xFFFFFFFF, s10;
	[tilespmem:s22+$0x1BA20] =	vst v22  }
0x515: {  	p0 =	sne.s32 s10, $0x0;
	v22 =	vld.idx.msk [tilespmem:v23+s29+$0x0], $0xffff  }
.Ltmp73:
0x516: {  	_ = 	snop;
	(pc) =	sbr.rel @!p0 .LBB2_112-.Ltmp73, $4  }
0x517: {  	s25 =	spop (v2sf)  }
0x518: {  	s14 =	sshll.u32 s25, $0x3  }
0x519: {  	s13 =	sadd.s32 $0x1, s13;
	s3 =	sadd.s32 $0x1, s3;
	s28 =	sand.u32 $0x1FFFFFF8, s14  }
0x51a: {  	s14 =	sadd.s32 $0x1, s2;
	s2 =	sadd.s32 $0x1BA00, s22;
	s15 =	sadd.s32 s8, s28;
	[tilespmem:s22+$0x1BA30] =	vst v22  }
.LBB2_111:
0x51b: {  	[hbm4b:s15+s9] =	stream.linear.scatter [tilespmem:s2], [sflag:$0x3], $0x40, $0x38;
	[tilespmem:$0x1FA00] =	vst v63  }
0x51c: {  	s10 =	sadd.s32 $0xFFFFFFFF, s10;
	v22 =	vld [tilespmem:s14+$0x0]  }
0x51d: {  	p0 =	sne.s32 s10, $0x0;
	v23 =	vld [tilespmem:s13+$0x0];
	_ =	sdelay $0x3  }
0x51e: {  	v24 =	vbroadcast v22, $0x0;
	(v2sf) =	vpush v22, $0x0;
	_ =	sdelay $0x1  }
0x51f: {  	v22 =	vadd.s32 v17, v24;
	(v2sf) =	vpush v23, $0x0;
	_ =	sdelay $0x7  }
0x520: {  	p1 =	slt.s32 s3, $0x40  }
0x521: {  	s2 =	simm.s32 @!p1 $0x3  }
0x522: {  	_ =	swait.ge @!p1 [sflag:s2], $0x40  }
0x523: {  	[sflag:s2] =	ssyncset.done @!p1 $0x0  }
0x524: {  	s15 =	sshra.s32 s3, $0x1F;
	[sflag:s2] =	ssyncadd.s32 @!p1 $0xFFFFFFC0  }
0x525: {  	s2 =	sshrl.u32 s15, $0x1A;
	v22 =	vld.idx.msk [tilespmem:v22+s29+$0x0], $0xffff;
	s15 =	spop (v2sf)  }
0x526: {  	s2 =	sadd.s32 s2, s3;
	s16 =	sadd.s32 $0x10, s15;
	s19 =	sadd.s32 $0x20, s15  }
0x527: {  	s2 =	sand.u32 $0xFFFFFFC0, s2;
	v23 =	vadd.s32 s16, v17;
	s16 =	spop (v2sf)  }
0x528: {  	s2 =	ssub.s32 s3, s2;
	s16 =	sshll.u32 s16, $0x3  }
0x529: {  	s2 =	sshll.u32 s2, $0x9;
	s16 =	sand.u32 $0x1FFFFFF8, s16  }
0x52a: {  	s20 =	sshra.s32 s2, $0x2  }
0x52b: {  	[tilespmem:s20+$0x1BA00] =	vst v22  }
0x52c: {  	v22 =	vld.idx.msk [tilespmem:v23+s29+$0x0], $0xffff;
	_ =	sdelay $0x1  }
0x52d: {  	v23 =	vadd.s32 s19, v17;
	_ =	sdelay $0x3  }
0x52e: {  	[tilespmem:s20+$0x1BA10] =	vst v22  }
0x52f: {  	v22 =	vld.idx.msk [tilespmem:v23+s29+$0x0], $0xffff  }
0x530: {  	s2 =	sadd.s32 $0x30, s15  }
0x531: {  	v23 =	vadd.s32 s2, v17;
	_ =	sdelay $0x3  }
0x532: {  	[tilespmem:s20+$0x1BA20] =	vst v22  }
0x533: {  	v22 =	vld.idx.msk [tilespmem:v23+s29+$0x0], $0xffff;
	_ =	sdelay $0x1  }
.Ltmp74:
0x534: {  	(pc) =	sbr.rel @p0 .LBB2_111-.Ltmp74, $3  }
0x535: {  	_ =	sdelay $0x1  }
0x536: {  	s14 =	sadd.s32 $0x1, s14;
	s13 =	sadd.s32 $0x1, s13  }
0x537: {  	s3 =	sadd.s32 $0x1, s3;
	s15 =	sadd.s32 s8, s16;
	s2 =	sadd.s32 $0x1BA00, s20;
	[tilespmem:s20+$0x1BA30] =	vst v22  }
.Ltmp75:
0x538: {  	_ = 	snop;
	(pc) =	sbr.rel .LBB2_112-.Ltmp75, $1  }
0x539: {  	_ =	sdelay $0x3  }
.LBB2_114:
.Ltmp76:
0x53a: {  	(pc) =	sbr.rel .LBB2_115-.Ltmp76, $2  }
0x53b: {  	_ =	sdelay $0x2  }
0x53c: {  	s6 =	simm.s32 $0x0  }
.LBB2_118:
0x53d: {  	[hbm4b:s15+s9] =	stream.linear.scatter [tilespmem:s2], [sflag:$0x3], $0x40, $0x38;
	[tilespmem:$0x1FA00] =	vst v63  }
.LBB2_119:
0x53e: {  	s6 =	sadd.s32 $0x1, s6  }
0x53f: {  	p0 =	sne.s32 s6, $0x20  }
.Ltmp77:
0x540: {  	_ = 	snop;
	(pc) =	sbr.rel @!p0 .LBB2_120-.Ltmp77, $1  }
0x541: {  	_ =	sdelay $0x3  }
.LBB2_115:
0x542: {  	s2 =	sshll.u32 s6, $0x4  }
0x543: {  	s13 =	sadd.s32 s18, s2  }
0x544: {  	s2 =	sand.u32 $0x70, s2;
	s10 =	sand.u32 $0x3F80, s13  }
0x545: {  	s2 =	sor.u32 s2, s10  }
0x546: {  	v22 =	vld [tilespmem:s2+$0x4000];
	_ =	sdelay $0x4  }
0x547: {  	vm8 =	vgt.s32 v22, $0xF41FF  }
0x548: {  	v23 =	vmpcnt.ones.xlane vm8;
	_ =	sdelay $0x1  }
0x549: {  	(v2sf) =	vpush v23, $0x0;
	_ =	sdelay $0xe  }
0x54a: {  	s10 =	spop (v2sf)  }
0x54b: {  	p0 =	slt.s32 s10, $0x1  }
.Ltmp78:
0x54c: {  	_ = 	snop;
	(pc) =	sbr.rel @p0 .LBB2_119-.Ltmp78, $4  }
0x54d: {  	v22 =	vshll.u32 v22, $0x6  }
0x54e: {  	s2 =	simm.s32 $0x1B900;
	v22 =	vadd.s32 $0xFC2F8000, v22  }
0x54f: {  	[tilespmem:s2+$0x0] =	vst.msk vm8, v22;
	v22 =	vor.u32 s13, v17;
	s13 =	simm.s32 $0x1B980  }
0x550: {  	[tilespmem:s13+$0x0] =	vst.msk vm8, v22  }
0x551: {  	v22 =	vld [tilespmem:s2+$0x0];
	_ =	sdelay $0x4  }
0x552: {  	(v2sf) =	vpush v22, $0x0;
	_ =	sdelay $0x6  }
0x553: {  	v23 =	vld [tilespmem:s13+$0x0];
	_ =	sdelay $0x1  }
0x554: {  	v22 =	vbroadcast v22, $0x0;
	_ =	sdelay $0x1  }
0x555: {  	p0 =	slt.s32 s3, $0x40;
	v22 =	vadd.s32 v17, v22  }
0x556: {  	s14 =	simm.s32 @!p0 $0x3;
	(v2sf) =	vpush v23, $0x0  }
0x557: {  	_ =	swait.ge @!p0 [sflag:s14], $0x40  }
0x558: {  	s15 =	sshra.s32 s3, $0x1F;
	[sflag:s14] =	ssyncset.done @!p0 $0x0  }
0x559: {  	s20 =	sshrl.u32 s15, $0x1A;
	[sflag:s14] =	ssyncadd.s32 @!p0 $0xFFFFFFC0;
	s21 =	spop (v2sf)  }
0x55a: {  	s14 =	sadd.s32 s20, s3;
	v22 =	vld.idx.msk [tilespmem:v22+s30+$0x0], $0xffff;
	s16 =	sadd.s32 $0x10, s21  }
0x55b: {  	s14 =	sand.u32 $0xFFFFFFC0, s14;
	v23 =	vadd.s32 s16, v17  }
0x55c: {  	s14 =	ssub.s32 s3, s14  }
0x55d: {  	s14 =	sshll.u32 s14, $0x9  }
0x55e: {  	s22 =	sshra.s32 s14, $0x2  }
0x55f: {  	[tilespmem:s22+$0x1BA00] =	vst v22  }
0x560: {  	s23 =	sadd.s32 $0x20, s21;
	v22 =	vld.idx.msk [tilespmem:v23+s30+$0x0], $0xffff  }
0x561: {  	v23 =	vadd.s32 s23, v17;
	_ =	sdelay $0x3  }
0x562: {  	[tilespmem:s22+$0x1BA10] =	vst v22  }
0x563: {  	s24 =	sadd.s32 $0x30, s21;
	v22 =	vld.idx.msk [tilespmem:v23+s30+$0x0], $0xffff  }
0x564: {  	v23 =	vadd.s32 s24, v17;
	_ =	sdelay $0x3  }
0x565: {  	s10 =	sadd.s32 $0xFFFFFFFF, s10;
	[tilespmem:s22+$0x1BA20] =	vst v22  }
0x566: {  	p0 =	sne.s32 s10, $0x0;
	v22 =	vld.idx.msk [tilespmem:v23+s30+$0x0], $0xffff  }
.Ltmp79:
0x567: {  	_ = 	snop;
	(pc) =	sbr.rel @!p0 .LBB2_118-.Ltmp79, $4  }
0x568: {  	s25 =	spop (v2sf)  }
0x569: {  	s14 =	sshll.u32 s25, $0x3  }
0x56a: {  	s13 =	sadd.s32 $0x1, s13;
	s3 =	sadd.s32 $0x1, s3;
	s28 =	sand.u32 $0x1FFFFFF8, s14  }
0x56b: {  	s14 =	sadd.s32 $0x1, s2;
	s2 =	sadd.s32 $0x1BA00, s22;
	s15 =	sadd.s32 s11, s28;
	[tilespmem:s22+$0x1BA30] =	vst v22  }
.LBB2_117:
0x56c: {  	[hbm4b:s15+s9] =	stream.linear.scatter [tilespmem:s2], [sflag:$0x3], $0x40, $0x38;
	[tilespmem:$0x1FA00] =	vst v63  }
0x56d: {  	s10 =	sadd.s32 $0xFFFFFFFF, s10;
	v22 =	vld [tilespmem:s14+$0x0]  }
0x56e: {  	p0 =	sne.s32 s10, $0x0;
	v23 =	vld [tilespmem:s13+$0x0];
	_ =	sdelay $0x3  }
0x56f: {  	v24 =	vbroadcast v22, $0x0;
	(v2sf) =	vpush v22, $0x0;
	_ =	sdelay $0x1  }
0x570: {  	v22 =	vadd.s32 v17, v24;
	(v2sf) =	vpush v23, $0x0;
	_ =	sdelay $0x7  }
0x571: {  	p1 =	slt.s32 s3, $0x40  }
0x572: {  	s2 =	simm.s32 @!p1 $0x3  }
0x573: {  	_ =	swait.ge @!p1 [sflag:s2], $0x40  }
0x574: {  	[sflag:s2] =	ssyncset.done @!p1 $0x0  }
0x575: {  	s15 =	sshra.s32 s3, $0x1F;
	[sflag:s2] =	ssyncadd.s32 @!p1 $0xFFFFFFC0  }
0x576: {  	s2 =	sshrl.u32 s15, $0x1A;
	v22 =	vld.idx.msk [tilespmem:v22+s30+$0x0], $0xffff;
	s15 =	spop (v2sf)  }
0x577: {  	s2 =	sadd.s32 s2, s3;
	s16 =	sadd.s32 $0x10, s15;
	s19 =	sadd.s32 $0x20, s15  }
0x578: {  	s2 =	sand.u32 $0xFFFFFFC0, s2;
	v23 =	vadd.s32 s16, v17;
	s16 =	spop (v2sf)  }
0x579: {  	s2 =	ssub.s32 s3, s2;
	s16 =	sshll.u32 s16, $0x3  }
0x57a: {  	s2 =	sshll.u32 s2, $0x9;
	s16 =	sand.u32 $0x1FFFFFF8, s16  }
0x57b: {  	s20 =	sshra.s32 s2, $0x2  }
0x57c: {  	[tilespmem:s20+$0x1BA00] =	vst v22  }
0x57d: {  	v22 =	vld.idx.msk [tilespmem:v23+s30+$0x0], $0xffff;
	_ =	sdelay $0x1  }
0x57e: {  	v23 =	vadd.s32 s19, v17;
	_ =	sdelay $0x3  }
0x57f: {  	[tilespmem:s20+$0x1BA10] =	vst v22  }
0x580: {  	v22 =	vld.idx.msk [tilespmem:v23+s30+$0x0], $0xffff  }
0x581: {  	s2 =	sadd.s32 $0x30, s15  }
0x582: {  	v23 =	vadd.s32 s2, v17;
	_ =	sdelay $0x3  }
0x583: {  	[tilespmem:s20+$0x1BA20] =	vst v22  }
0x584: {  	v22 =	vld.idx.msk [tilespmem:v23+s30+$0x0], $0xffff;
	_ =	sdelay $0x1  }
.Ltmp80:
0x585: {  	(pc) =	sbr.rel @p0 .LBB2_117-.Ltmp80, $3  }
0x586: {  	_ =	sdelay $0x1  }
0x587: {  	s14 =	sadd.s32 $0x1, s14;
	s13 =	sadd.s32 $0x1, s13  }
0x588: {  	s3 =	sadd.s32 $0x1, s3;
	s15 =	sadd.s32 s11, s16;
	s2 =	sadd.s32 $0x1BA00, s20;
	[tilespmem:s20+$0x1BA30] =	vst v22  }
.Ltmp81:
0x589: {  	_ = 	snop;
	(pc) =	sbr.rel .LBB2_118-.Ltmp81, $1  }
0x58a: {  	_ =	sdelay $0x3  }
.LBB2_120:
0x58b: {  	p0 =	slt.s32 s3, $0x1  }
.Ltmp82:
0x58c: {  	_ = 	snop;
	(pc) =	sbr.rel @p0 .LBB2_124-.Ltmp82, $1  }
0x58d: {  	_ =	sdelay $0x3  }
0x58e: {  	p0 =	slt.s32 s3, $0x40  }
0x58f: {  	s3 =	simm.s32 @!p0 $0x40  }
0x590: {  	p0 =	sne.s32 s3, $0x1  }
.Ltmp83:
0x591: {  	_ = 	snop;
	(pc) =	sbr.rel @!p0 .LBB2_123-.Ltmp83, $3  }
0x592: {  	_ =	sdelay $0x1  }
0x593: {  	_ =	swait.ge [sflag:s0], $0x40  }
0x594: {  	[sflag:s0] =	ssyncset.done $0x0;
	s2 =	sadd.s32 $0xFFFFFFFF, s3  }
.LBB2_122:
0x595: {  	p0 =	sne.s32 s2, $0x1;
	s2 =	sadd.s32 $0xFFFFFFFF, s2;
	[sflag:s0] =	ssyncadd.s32 $0xFFFFFFC0  }
.Ltmp84:
0x596: {  	(pc) =	sbr.rel @p0 .LBB2_122-.Ltmp84, $3  }
0x597: {  	_ =	sdelay $0x1  }
0x598: {  	_ =	swait.ge [sflag:s0], $0x40  }
0x599: {  	[sflag:s0] =	ssyncset.done $0x0  }
.Ltmp85:
0x59a: {  	_ = 	snop;
	(pc) =	sbr.rel .LBB2_123-.Ltmp85, $1  }
0x59b: {  	_ =	sdelay $0x3  }
.LBB2_7:
.Ltmp86:
0x59c: {  	(pc) =	sbr.rel .LBB2_11-.Ltmp86, $3  }
0x59d: {  	_ =	sdelay $0x1  }
0x59e: {  	s19 =	simm.s32 $0x0  }
0x59f: {  	s16 =	simm.s32 $0x18600;
	s15 =	simm.s32 $0x0;
	p2 =	por $0x0, $0x0  }
.LBB2_12:
.Ltmp87:
0x5a0: {  	(pc) =	sbr.rel .LBB2_16-.Ltmp87, $2  }
0x5a1: {  	_ =	sdelay $0x2  }
0x5a2: {  	s16 =	simm.s32 $0x0;
	s14 =	simm.s32 $0x18600;
	s15 =	simm.s32 $0x0  }
.LBB2_17:
.Ltmp88:
0x5a3: {  	(pc) =	sbr.rel .LBB2_21-.Ltmp88, $3  }
0x5a4: {  	_ =	sdelay $0x1  }
0x5a5: {  	s19 =	simm.s32 $0x0  }
0x5a6: {  	s16 =	simm.s32 $0x18600;
	s15 =	simm.s32 $0x0;
	p2 =	por $0x0, $0x0  }
.LBB2_22:
.Ltmp89:
0x5a7: {  	(pc) =	sbr.rel .LBB2_26-.Ltmp89, $2  }
0x5a8: {  	_ =	sdelay $0x2  }
0x5a9: {  	s16 =	simm.s32 $0x0;
	s14 =	simm.s32 $0x18600;
	s15 =	simm.s32 $0x0  }
.LBB2_27:
.Ltmp90:
0x5aa: {  	(pc) =	sbr.rel .LBB2_31-.Ltmp90, $3  }
0x5ab: {  	_ =	sdelay $0x1  }
0x5ac: {  	s19 =	simm.s32 $0x0  }
0x5ad: {  	s16 =	simm.s32 $0x18600;
	s10 =	simm.s32 $0x0;
	p2 =	por $0x0, $0x0  }
.LBB2_32:
.Ltmp91:
0x5ae: {  	(pc) =	sbr.rel .LBB2_37-.Ltmp91, $3  }
0x5af: {  	_ =	sdelay $0x1  }
0x5b0: {  	s23 =	smov.u32 s6  }
0x5b1: {  	s19 =	simm.s32 $0x0;
	s15 =	simm.s32 $0x18600;
	s16 =	simm.s32 $0x0  }
.LBB2_38:
.Ltmp92:
0x5b2: {  	(pc) =	sbr.rel .LBB2_42-.Ltmp92, $3  }
0x5b3: {  	_ =	sdelay $0x1  }
0x5b4: {  	s21 =	simm.s32 $0x0  }
0x5b5: {  	s20 =	simm.s32 $0x18600;
	s16 =	simm.s32 $0x0;
	p2 =	por $0x0, $0x0  }
.LBB2_43:
.Ltmp93:
0x5b6: {  	(pc) =	sbr.rel .LBB2_47-.Ltmp93, $2  }
0x5b7: {  	_ =	sdelay $0x2  }
0x5b8: {  	s21 =	simm.s32 $0x0;
	s19 =	simm.s32 $0x18600;
	s20 =	simm.s32 $0x0  }
.LBB2_50:
.Ltmp94:
0x5b9: {  	(pc) =	sbr.rel .LBB2_54-.Ltmp94, $3  }
0x5ba: {  	_ =	sdelay $0x1  }
0x5bb: {  	s16 =	simm.s32 $0x0  }
0x5bc: {  	s15 =	simm.s32 $0x19200;
	s14 =	simm.s32 $0x0;
	p2 =	por $0x0, $0x0  }
.LBB2_55:
.Ltmp95:
0x5bd: {  	(pc) =	sbr.rel .LBB2_59-.Ltmp95, $2  }
0x5be: {  	_ =	sdelay $0x2  }
0x5bf: {  	s15 =	simm.s32 $0x0;
	s13 =	simm.s32 $0x19200;
	s14 =	simm.s32 $0x0  }
.LBB2_60:
.Ltmp96:
0x5c0: {  	(pc) =	sbr.rel .LBB2_64-.Ltmp96, $3  }
0x5c1: {  	_ =	sdelay $0x1  }
0x5c2: {  	s16 =	simm.s32 $0x0  }
0x5c3: {  	s15 =	simm.s32 $0x19200;
	s14 =	simm.s32 $0x0;
	p2 =	por $0x0, $0x0  }
.LBB2_65:
.Ltmp97:
0x5c4: {  	(pc) =	sbr.rel .LBB2_69-.Ltmp97, $2  }
0x5c5: {  	_ =	sdelay $0x2  }
0x5c6: {  	s15 =	simm.s32 $0x0;
	s13 =	simm.s32 $0x19200;
	s14 =	simm.s32 $0x0  }
.LBB2_70:
.Ltmp98:
0x5c7: {  	(pc) =	sbr.rel .LBB2_74-.Ltmp98, $3  }
0x5c8: {  	_ =	sdelay $0x1  }
0x5c9: {  	s16 =	simm.s32 $0x0  }
0x5ca: {  	s15 =	simm.s32 $0x19200;
	s10 =	simm.s32 $0x0;
	p2 =	por $0x0, $0x0  }
.LBB2_75:
.Ltmp99:
0x5cb: {  	(pc) =	sbr.rel .LBB2_79-.Ltmp99, $2  }
0x5cc: {  	_ =	sdelay $0x2  }
0x5cd: {  	s16 =	simm.s32 $0x0;
	s14 =	simm.s32 $0x19200;
	s15 =	simm.s32 $0x0  }
.LBB2_80:
.Ltmp100:
0x5ce: {  	(pc) =	sbr.rel .LBB2_85-.Ltmp100, $3  }
0x5cf: {  	_ =	sdelay $0x1  }
0x5d0: {  	s20 =	simm.s32 $0x0  }
0x5d1: {  	s19 =	simm.s32 $0x19200;
	s3 =	simm.s32 $0x0;
	p2 =	por $0x0, $0x0  }
.LBB2_86:
.Ltmp101:
0x5d2: {  	(pc) =	sbr.rel .LBB2_91-.Ltmp101, $2  }
0x5d3: {  	_ =	sdelay $0x2  }
0x5d4: {  	s19 =	simm.s32 $0x0;
	s6 =	simm.s32 $0x19200;
	s16 =	simm.s32 $0x0  }
.LBB2_9:
.Ltmp102:
0x5d5: {  	(pc) =	sbr.rel .LBB2_11-.Ltmp102, $2  }
0x5d6: {  	_ =	sdelay $0x2  }
0x5d7: {  	s19 =	simm.s32 $0x0;
	s16 =	simm.s32 $0x18600;
	s15 =	simm.s32 $0x0  }
.LBB2_14:
.Ltmp103:
0x5d8: {  	(pc) =	sbr.rel .LBB2_16-.Ltmp103, $2  }
0x5d9: {  	_ =	sdelay $0x2  }
0x5da: {  	s16 =	simm.s32 $0x0;
	s14 =	simm.s32 $0x18600;
	s15 =	simm.s32 $0x0  }
.LBB2_19:
.Ltmp104:
0x5db: {  	(pc) =	sbr.rel .LBB2_21-.Ltmp104, $2  }
0x5dc: {  	_ =	sdelay $0x2  }
0x5dd: {  	s19 =	simm.s32 $0x0;
	s16 =	simm.s32 $0x18600;
	s15 =	simm.s32 $0x0  }
.LBB2_24:
.Ltmp105:
0x5de: {  	(pc) =	sbr.rel .LBB2_26-.Ltmp105, $2  }
0x5df: {  	_ =	sdelay $0x2  }
0x5e0: {  	s16 =	simm.s32 $0x0;
	s14 =	simm.s32 $0x18600;
	s15 =	simm.s32 $0x0  }
.LBB2_29:
.Ltmp106:
0x5e1: {  	(pc) =	sbr.rel .LBB2_31-.Ltmp106, $2  }
0x5e2: {  	_ =	sdelay $0x2  }
0x5e3: {  	s19 =	simm.s32 $0x0;
	s16 =	simm.s32 $0x18600;
	s10 =	simm.s32 $0x0  }
.LBB2_34:
.Ltmp107:
0x5e4: {  	(pc) =	sbr.rel .LBB2_37-.Ltmp107, $3  }
0x5e5: {  	_ =	sdelay $0x1  }
0x5e6: {  	s23 =	smov.u32 s6  }
0x5e7: {  	s19 =	simm.s32 $0x0;
	s15 =	simm.s32 $0x18600;
	s16 =	simm.s32 $0x0  }
.LBB2_40:
.Ltmp108:
0x5e8: {  	(pc) =	sbr.rel .LBB2_42-.Ltmp108, $2  }
0x5e9: {  	_ =	sdelay $0x2  }
0x5ea: {  	s21 =	simm.s32 $0x0;
	s20 =	simm.s32 $0x18600;
	s16 =	simm.s32 $0x0  }
.LBB2_45:
.Ltmp109:
0x5eb: {  	(pc) =	sbr.rel .LBB2_47-.Ltmp109, $2  }
0x5ec: {  	_ =	sdelay $0x2  }
0x5ed: {  	s21 =	simm.s32 $0x0;
	s19 =	simm.s32 $0x18600;
	s20 =	simm.s32 $0x0  }
.LBB2_52:
.Ltmp110:
0x5ee: {  	(pc) =	sbr.rel .LBB2_54-.Ltmp110, $2  }
0x5ef: {  	_ =	sdelay $0x2  }
0x5f0: {  	s16 =	simm.s32 $0x0;
	s15 =	simm.s32 $0x19200;
	s14 =	simm.s32 $0x0  }
.LBB2_57:
.Ltmp111:
0x5f1: {  	(pc) =	sbr.rel .LBB2_59-.Ltmp111, $2  }
0x5f2: {  	_ =	sdelay $0x2  }
0x5f3: {  	s15 =	simm.s32 $0x0;
	s13 =	simm.s32 $0x19200;
	s14 =	simm.s32 $0x0  }
.LBB2_62:
.Ltmp112:
0x5f4: {  	(pc) =	sbr.rel .LBB2_64-.Ltmp112, $2  }
0x5f5: {  	_ =	sdelay $0x2  }
0x5f6: {  	s16 =	simm.s32 $0x0;
	s15 =	simm.s32 $0x19200;
	s14 =	simm.s32 $0x0  }
.LBB2_67:
.Ltmp113:
0x5f7: {  	(pc) =	sbr.rel .LBB2_69-.Ltmp113, $2  }
0x5f8: {  	_ =	sdelay $0x2  }
0x5f9: {  	s15 =	simm.s32 $0x0;
	s13 =	simm.s32 $0x19200;
	s14 =	simm.s32 $0x0  }
.LBB2_72:
.Ltmp114:
0x5fa: {  	(pc) =	sbr.rel .LBB2_74-.Ltmp114, $2  }
0x5fb: {  	_ =	sdelay $0x2  }
0x5fc: {  	s16 =	simm.s32 $0x0;
	s15 =	simm.s32 $0x19200;
	s10 =	simm.s32 $0x0  }
.LBB2_77:
.Ltmp115:
0x5fd: {  	(pc) =	sbr.rel .LBB2_79-.Ltmp115, $2  }
0x5fe: {  	_ =	sdelay $0x2  }
0x5ff: {  	s16 =	simm.s32 $0x0;
	s14 =	simm.s32 $0x19200;
	s15 =	simm.s32 $0x0  }
.LBB2_82:
.Ltmp116:
0x600: {  	(pc) =	sbr.rel .LBB2_85-.Ltmp116, $3  }
0x601: {  	_ =	sdelay $0x1  }
0x602: {  	s20 =	simm.s32 $0x0  }
0x603: {  	s19 =	simm.s32 $0x19200;
	s3 =	simm.s32 $0x0;
	s26 =	smov.u32 s28  }
.LBB2_88:
.Ltmp117:
0x604: {  	(pc) =	sbr.rel .LBB2_91-.Ltmp117, $3  }
0x605: {  	_ =	sdelay $0x1  }
0x606: {  	s19 =	simm.s32 $0x0  }
0x607: {  	s6 =	simm.s32 $0x19200;
	s16 =	simm.s32 $0x0;
	s20 =	smov.u32 s21  }
.LBB2_125:
0x608: {  	_ =	sfence.sel $0x180000  }
0x609: {  	[bflag:$0x0] =	sbarrier.arrive $0xFFFF  }
0x60a: {  	_ =	strace $0x90000047  }
0x60b: {  	s0 =	stileid.u32;
	[bflag:$0x2] =	sbarrier.arrive $0xFFFF  }
0x60c: {  	p0 =	sne.s32 s0, $0x0;
	s0 =	rddreg [dreg:$0x7]  }
0x60d: {  	s0 =	sadd.s32 @!p0 $0x100000, s0  }
0x60e: {  	[sflag:s0] =	ssyncadd.tile.s32 @!p0 $0x1;
	_ =	shalt  }
.Lfunc_end2:
_tile_overlayer_lowered:
.L_overlay_start_2:
0x60f: {  	(tag) =	ssettag $0x2  }
0x610: {  	s0 =	rddreg [dreg:$0x0];
	s2 =	stileid.u32  }
0x611: {  	s1 =	rddreg [dreg:$0x1];
	p0 =	sne.s32 s2, $0x0  }
0x612: {  	s3 =	rddreg [dreg:$0x2];
	[bflag:$0x3] =	sbarrier.arrive $0xFFFF;
	s2 =	simm.s32 @!p0 $0x1C04  }
0x613: {  	[timem:s3], [sflag:s2] =	dma.local @!p0 [hbm:s0], s1  }
0x614: {  	s0 =	simm.s32 @!p0 $0x4  }
0x615: {  	_ =	swait.ge @!p0 [sflag:s0], s1  }
0x616: {  	s1 =	ssub.s32 @!p0 $0x0, s1;
	[sflag:s0] =	ssyncset.done @!p0 $0x0  }
0x617: {  	[sflag:s0] =	ssyncadd.s32 @!p0 s1  }
0x618: {  	[bflag:$0x3] =	sbarrier.arrive $0xFFFF  }
0x619: {  	_ =	shalt  }

</sc_bundles>
